<compile_context>
chip_gen: v7x
topology: tpu7x:2x2x1
jax: 0.10.2.dev20260603
libtpu: 0.0.44.dev20260713+nightly
codegen_flags: <defaults>
</compile_context>

<pallas_src>
import functools

import jax
import jax.numpy as jnp
from jax import lax
from jax.experimental import pallas as pl
from jax.experimental.pallas import tpu as pltpu
from jax.experimental.pallas import tpu_sc as plsc

N = 10000
E = 320000
D = 128

NC = 2
NS = 16
NW = NC * NS
L = 16

NP = 10240
EP = 327680
EPW = EP // NW
B = 128
NB = EPW // B
RPT = NP // NS

_mesh = plsc.VectorSubcoreMesh(core_axis_name="c", subcore_axis_name="s")


BP = 80
NBP = EPW // BP
NQ = 4
NBQ = NBP // NQ
NR = 4


@functools.partial(
    pl.kernel,
    out_type=jax.ShapeDtypeStruct((NC, NP, D), jnp.float32),
    mesh=_mesh,
    scratch_types=[
        pltpu.VMEM((NBQ, BP), jnp.int32),
        pltpu.VMEM((NBQ, BP), jnp.int32),
        pltpu.VMEM((BP, D), jnp.float32),
        pltpu.VMEM((BP, D), jnp.float32),
        pltpu.VMEM((BP, D), jnp.float32),
        pltpu.VMEM((BP, D), jnp.float32),
        pltpu.VMEM_SHARED((NP, D), jnp.float32),
        pltpu.SemaphoreType.DMA,
        pltpu.SemaphoreType.DMA,
        pltpu.SemaphoreType.DMA,
        pltpu.SemaphoreType.DMA,
    ],
    compiler_params=pltpu.CompilerParams(needs_layout_passes=False),
)
def _segment_sum(src_hbm, tgt_hbm, x_hbm, zeros_hbm, out_hbm,
                 idx_s, idx_t, rows0, rows1, rows2, rows3, agg_sh,
                 sem0, sem1, sem2, sem3):
    c = lax.axis_index("c")
    s = lax.axis_index("s")
    wid = c * NS + s
    rows = (rows0, rows1, rows2, rows3)
    sems = (sem0, sem1, sem2, sem3)

    pltpu.sync_copy(zeros_hbm, agg_sh.at[pl.ds(s * RPT, RPT)])
    plsc.subcore_barrier()

    for q in range(NQ):
        pltpu.sync_copy(src_hbm.at[wid, pl.ds(q * NBQ, NBQ)], idx_s)
        pltpu.sync_copy(tgt_hbm.at[wid, pl.ds(q * NBQ, NBQ)], idx_t)

        for r in range(NR):
            pltpu.async_copy(x_hbm.at[idx_s.at[r]], rows[r], sems[r])

        def it_body(it, carry):
            for r in range(NR):
                i = it * NR + r
                pltpu.make_async_copy(x_hbm.at[pl.ds(0, BP)], rows[r], sems[r]).wait()
                pltpu.sync_copy(rows[r], agg_sh.at[idx_t.at[i]], add=True)
                inext = jnp.minimum(i + NR, NBQ - 1)
                pltpu.async_copy(x_hbm.at[idx_s.at[inext]], rows[r], sems[r])
            return carry

        lax.fori_loop(0, NBQ // NR, it_body, 0)
        for r in range(NR):
            pltpu.make_async_copy(x_hbm.at[pl.ds(0, BP)], rows[r], sems[r]).wait()
    plsc.subcore_barrier()

    pltpu.sync_copy(agg_sh.at[pl.ds(s * RPT, RPT)],
                    out_hbm.at[c, pl.ds(s * RPT, RPT)])


_RB = 1024


def _encoder_body(agg_ref, x_ref, wn_ref, ws_ref, b_ref, o_ref):
    agg = agg_ref[0] + agg_ref[1]
    acc = jnp.dot(agg, wn_ref[...], preferred_element_type=jnp.float32)
    acc += jnp.dot(x_ref[...], ws_ref[...], preferred_element_type=jnp.float32)
    acc += b_ref[...]
    o_ref[...] = jnp.maximum(acc, 0.0).astype(jnp.bfloat16)


_encoder = pl.pallas_call(
    _encoder_body,
    grid=(NP // _RB,),
    in_specs=[
        pl.BlockSpec((NC, _RB, D), lambda i: (0, i, 0)),
        pl.BlockSpec((_RB, D), lambda i: (i, 0)),
        pl.BlockSpec((D, D), lambda i: (0, 0)),
        pl.BlockSpec((D, D), lambda i: (0, 0)),
        pl.BlockSpec((1, D), lambda i: (0, 0)),
    ],
    out_specs=pl.BlockSpec((_RB, D), lambda i: (i, 0)),
    out_shape=jax.ShapeDtypeStruct((NP, D), jnp.bfloat16),
)


@functools.partial(
    pl.kernel,
    out_type=jax.ShapeDtypeStruct((EP,), jnp.float32),
    mesh=_mesh,
    scratch_types=[
        pltpu.VMEM((NB, B), jnp.int32),
        pltpu.VMEM((NB, B), jnp.int32),
        pltpu.VMEM((B, D // 2), jnp.int32),
        pltpu.VMEM((B, D // 2), jnp.int32),
        pltpu.VMEM((B, D // 2), jnp.int32),
        pltpu.VMEM((B, D // 2), jnp.int32),
        pltpu.VMEM((B,), jnp.float32),
        pltpu.SemaphoreType.DMA,
        pltpu.SemaphoreType.DMA,
    ],
    compiler_params=pltpu.CompilerParams(
        needs_layout_passes=False, use_tc_tiling_on_sc=False),
)
def _edge_dots(src_hbm, tgt_hbm, h_hbm, out_hbm,
               idx_s, idx_t, rs0, rs1, rt0, rt1, out_v, sem0, sem1):
    c = lax.axis_index("c")
    s = lax.axis_index("s")
    wid = c * NS + s
    rows_s = (rs0, rs1)
    rows_t = (rt0, rt1)
    sems = (sem0, sem1)

    pltpu.sync_copy(src_hbm.at[wid], idx_s)
    pltpu.sync_copy(tgt_hbm.at[wid], idx_t)

    ebase = wid * EPW

    for b in range(2):
        pltpu.async_copy(h_hbm.at[idx_s.at[b]], rows_s[b], sems[b])
        pltpu.async_copy(h_hbm.at[idx_t.at[b]], rows_t[b], sems[b])

    def it_body(it, carry):
        for b in range(2):
            i = it * 2 + b
            pltpu.make_async_copy(h_hbm.at[pl.ds(0, B)], rows_s[b], sems[b]).wait()
            pltpu.make_async_copy(h_hbm.at[pl.ds(0, B)], rows_t[b], sems[b]).wait()
            rs, rt = rows_s[b], rows_t[b]

            @plsc.parallel_loop(0, B // L, step=1, unroll=2)
            def g_body(g):
                res = jnp.zeros((L,), jnp.float32)
                for j in range(L):
                    e = g * L + j
                    acc = None
                    for k in range(D // 32):
                        vs = plsc.bitcast(rs[e, pl.ds(k * L, L)], jnp.bfloat16)
                        vt = plsc.bitcast(rt[e, pl.ds(k * L, L)], jnp.bfloat16)
                        pa, pb = plsc.unpack(vs * vt,
                                             format=plsc.PackFormat.INTERLEAVED)
                        p = pa + pb
                        acc = p if acc is None else acc + p
                    tot = jnp.sum(acc)
                    onehot = (lax.iota(jnp.int32, L) == j).astype(jnp.float32)
                    res = res + tot * onehot
                out_v[pl.ds(g * L, L)] = res

            pltpu.sync_copy(out_v, out_hbm.at[pl.ds(ebase + i * B, B)])
            inext = jnp.minimum(i + 2, NB - 1)
            pltpu.async_copy(h_hbm.at[idx_s.at[inext]], rows_s[b], sems[b])
            pltpu.async_copy(h_hbm.at[idx_t.at[inext]], rows_t[b], sems[b])
        return carry

    lax.fori_loop(0, NB // 2, it_body, 0)
    for b in range(2):
        pltpu.make_async_copy(h_hbm.at[pl.ds(0, B)], rows_s[b], sems[b]).wait()
        pltpu.make_async_copy(h_hbm.at[pl.ds(0, B)], rows_t[b], sems[b]).wait()


def kernel(x, edge_index, W_neigh, W_self, b):
    src = edge_index[0]
    tgt = edge_index[1]
    npad = EP - E
    pad_ids = jnp.arange(npad, dtype=jnp.int32)
    src_f = jnp.concatenate([src, pad_ids % N])
    tgt_f = jnp.concatenate([tgt, N + (pad_ids % (NP - N))])
    src_p = src_f.reshape(NW, NB, B)
    tgt_p = tgt_f.reshape(NW, NB, B)
    xp = jnp.pad(x, ((0, NP - N), (0, 0)))
    zeros = jnp.zeros((RPT, D), jnp.float32)

    agg2 = _segment_sum(src_f.reshape(NW, NBP, BP), tgt_f.reshape(NW, NBP, BP),
                        xp, zeros)
    h = _encoder(agg2, xp, W_neigh, W_self, b.reshape(1, D))
    h32 = lax.bitcast_convert_type(h.reshape(NP, D // 2, 2), jnp.int32)
    scores = _edge_dots(src_p, tgt_p, h32)
    return scores.reshape(EP)[:E]

# --- scband reference (transcript-rebuilt; emitter-appended) ---
"""Pipeline reference for scband-dot-product-predictor-10256381903093 (READ-ONLY COPY).

The authoritative reference and input builder live on the scoring server;
editing this copy changes nothing except your own understanding.
"""

import jax, jax.numpy as jnp
import numpy as np

N = 10000
E = 320000
D = 128


def setup_inputs(seed: int = 0) -> dict:
    key = jax.random.key(seed)
    k1, k2, k3, k4, k5 = jax.random.split(key, 5)
    x = jax.random.normal(k1, (N, D), dtype=jnp.float32)
    edge_index = jax.random.randint(k2, (2, E), 0, N, dtype=jnp.int32)
    # Encoder parameters: single GCN-style message-passing layer (in=128, out=128)
    W_neigh = jax.random.normal(k3, (D, D), dtype=jnp.float32) * (1.0 / np.sqrt(D))
    W_self = jax.random.normal(k4, (D, D), dtype=jnp.float32) * (1.0 / np.sqrt(D))
    b = jax.random.normal(k5, (D,), dtype=jnp.float32) * 0.01
    return {"x": x, "edge_index": edge_index, "W_neigh": W_neigh, "W_self": W_self, "b": b}


def reference(x, edge_index, W_neigh, W_self, b):
    src = edge_index[0, :]
    tgt = edge_index[1, :]
    # Encoder: GCN-style conv -- gather source features, scatter-add to targets, linear + relu
    msgs = jnp.take(x, src, axis=0)
    agg = jax.ops.segment_sum(msgs, tgt, num_segments=N)
    h = jax.nn.relu(agg @ W_neigh + x @ W_self + b)
    # Dot-product link predictor: bmm(h_src.unsqueeze(1), h_tgt.unsqueeze(2)).squeeze()
    h_src = jnp.take(h, src, axis=0)
    h_tgt = jnp.take(h, tgt, axis=0)
    return jnp.sum(h_src * h_tgt, axis=1)

if __name__ == "__main__":
    import jax
    _d = setup_inputs()
    print(jax.jit(kernel)(*tuple(_d.values())))

</pallas_src>

<mosaic_0001>
#map = affine_map<(d0, d1) -> (0, 0, 0)>
#map1 = affine_map<(d0, d1) -> (0, 0)>
#map2 = affine_map<(d0, d1) -> (0)>
module attributes {stable_mosaic.version = 14 : i64} {
  func.func @_edge_dots(%arg0: i32, %arg1: i32, %arg2: memref<32x80x128xi32, #tpu.memory_space<hbm>>, %arg3: memref<32x80x128xi32, #tpu.memory_space<hbm>>, %arg4: memref<10240x64xi32, #tpu.memory_space<hbm>>, %arg5: memref<327680xf32, #tpu.memory_space<hbm>>, %arg6: memref<80x128xi32, #tpu.memory_space<vmem>>, %arg7: memref<80x128xi32, #tpu.memory_space<vmem>>, %arg8: memref<128x64xi32, #tpu.memory_space<vmem>>, %arg9: memref<128x64xi32, #tpu.memory_space<vmem>>, %arg10: memref<128x64xi32, #tpu.memory_space<vmem>>, %arg11: memref<128x64xi32, #tpu.memory_space<vmem>>, %arg12: memref<128xf32, #tpu.memory_space<vmem>>, %arg13: memref<!tpu.dma_semaphore, #tpu.memory_space<semaphore_mem>>, %arg14: memref<!tpu.dma_semaphore, #tpu.memory_space<semaphore_mem>>) attributes {dimension_semantics = [#tpu.dimension_semantics<core_parallel>, #tpu.dimension_semantics<subcore_parallel>], iteration_bounds = array<i64: 2, 16>, scalar_prefetch = 0 : i64, scratch_operands = 9 : i64, tpu.core_type = #tpu.core_type<sc_vector_subcore>, window_params = [{transform_indices = #map}, {transform_indices = #map}, {transform_indices = #map1}, {transform_indices = #map2}]} {
    %mul3A = arith.constant 16 : i32
    %mul3A_0 = arith.muli %arg0, %mul3A : i32
    %add3A = arith.addi %mul3A_0, %arg1 : i32
    "tpu.region"() ({
      %run_scoped3A = tpu.sem_alloc : memref<!tpu.dma_semaphore, #tpu.memory_space<semaphore_mem>>
      %dma_start3A_58 = arith.constant 0 : i32
      %dma_start3A_59 = arith.constant 0 : i32
      %dma_start3A_60 = tpu.memref_slice %arg2[%add3A, %dma_start3A_58, %dma_start3A_59] : memref<32x80x128xi32, #tpu.memory_space<hbm>> -> memref<1x80x128xi32, #tpu.memory_space<hbm>>
      %dma_start3A_61 = tpu.memref_squeeze %dma_start3A_60 : memref<1x80x128xi32, #tpu.memory_space<hbm>> -> memref<80x128xi32, #tpu.memory_space<hbm>>
      %dma_start3A_62 = arith.constant 0 : i32
      %dma_start3A_63 = arith.constant 0 : i32
      %dma_start3A_64 = tpu.memref_slice %arg2[%add3A, %dma_start3A_62, %dma_start3A_63] : memref<32x80x128xi32, #tpu.memory_space<hbm>> -> memref<1x80x128xi32, #tpu.memory_space<hbm>>
      %dma_start3A_65 = tpu.memref_squeeze %dma_start3A_64 : memref<1x80x128xi32, #tpu.memory_space<hbm>> -> memref<80x128xi32, #tpu.memory_space<hbm>>
      tpu.enqueue_dma source(%dma_start3A_65 : memref<80x128xi32, #tpu.memory_space<hbm>>) target(%arg6 : memref<80x128xi32, #tpu.memory_space<vmem>>) target_semaphore(%run_scoped3A : memref<!tpu.dma_semaphore, #tpu.memory_space<semaphore_mem>>)
      %dma_wait3A_66 = arith.constant 0 : i32
      %dma_wait3A_67 = arith.constant 0 : i32
      %dma_wait3A_68 = tpu.memref_slice %arg2[%add3A, %dma_wait3A_66, %dma_wait3A_67] : memref<32x80x128xi32, #tpu.memory_space<hbm>> -> memref<1x80x128xi32, #tpu.memory_space<hbm>>
      %dma_wait3A_69 = tpu.memref_squeeze %dma_wait3A_68 : memref<1x80x128xi32, #tpu.memory_space<hbm>> -> memref<80x128xi32, #tpu.memory_space<hbm>>
      %dma_wait3A_70 = arith.constant 0 : i32
      %dma_wait3A_71 = arith.constant 0 : i32
      %dma_wait3A_72 = tpu.memref_slice %arg2[%add3A, %dma_wait3A_70, %dma_wait3A_71] : memref<32x80x128xi32, #tpu.memory_space<hbm>> -> memref<1x80x128xi32, #tpu.memory_space<hbm>>
      %dma_wait3A_73 = tpu.memref_squeeze %dma_wait3A_72 : memref<1x80x128xi32, #tpu.memory_space<hbm>> -> memref<80x128xi32, #tpu.memory_space<hbm>>
      tpu.wait_dma2 semaphore(%run_scoped3A : memref<!tpu.dma_semaphore, #tpu.memory_space<semaphore_mem>>) src(%dma_wait3A_73 : memref<80x128xi32, #tpu.memory_space<hbm>>) dst(%arg6 : memref<80x128xi32, #tpu.memory_space<vmem>>)
      tpu.yield
    }) : () -> ()
    "tpu.region"() ({
      %run_scoped3A = tpu.sem_alloc : memref<!tpu.dma_semaphore, #tpu.memory_space<semaphore_mem>>
      %dma_start3A_58 = arith.constant 0 : i32
      %dma_start3A_59 = arith.constant 0 : i32
      %dma_start3A_60 = tpu.memref_slice %arg3[%add3A, %dma_start3A_58, %dma_start3A_59] : memref<32x80x128xi32, #tpu.memory_space<hbm>> -> memref<1x80x128xi32, #tpu.memory_space<hbm>>
      %dma_start3A_61 = tpu.memref_squeeze %dma_start3A_60 : memref<1x80x128xi32, #tpu.memory_space<hbm>> -> memref<80x128xi32, #tpu.memory_space<hbm>>
      %dma_start3A_62 = arith.constant 0 : i32
      %dma_start3A_63 = arith.constant 0 : i32
      %dma_start3A_64 = tpu.memref_slice %arg3[%add3A, %dma_start3A_62, %dma_start3A_63] : memref<32x80x128xi32, #tpu.memory_space<hbm>> -> memref<1x80x128xi32, #tpu.memory_space<hbm>>
      %dma_start3A_65 = tpu.memref_squeeze %dma_start3A_64 : memref<1x80x128xi32, #tpu.memory_space<hbm>> -> memref<80x128xi32, #tpu.memory_space<hbm>>
      tpu.enqueue_dma source(%dma_start3A_65 : memref<80x128xi32, #tpu.memory_space<hbm>>) target(%arg7 : memref<80x128xi32, #tpu.memory_space<vmem>>) target_semaphore(%run_scoped3A : memref<!tpu.dma_semaphore, #tpu.memory_space<semaphore_mem>>)
      %dma_wait3A_66 = arith.constant 0 : i32
      %dma_wait3A_67 = arith.constant 0 : i32
      %dma_wait3A_68 = tpu.memref_slice %arg3[%add3A, %dma_wait3A_66, %dma_wait3A_67] : memref<32x80x128xi32, #tpu.memory_space<hbm>> -> memref<1x80x128xi32, #tpu.memory_space<hbm>>
      %dma_wait3A_69 = tpu.memref_squeeze %dma_wait3A_68 : memref<1x80x128xi32, #tpu.memory_space<hbm>> -> memref<80x128xi32, #tpu.memory_space<hbm>>
      %dma_wait3A_70 = arith.constant 0 : i32
      %dma_wait3A_71 = arith.constant 0 : i32
      %dma_wait3A_72 = tpu.memref_slice %arg3[%add3A, %dma_wait3A_70, %dma_wait3A_71] : memref<32x80x128xi32, #tpu.memory_space<hbm>> -> memref<1x80x128xi32, #tpu.memory_space<hbm>>
      %dma_wait3A_73 = tpu.memref_squeeze %dma_wait3A_72 : memref<1x80x128xi32, #tpu.memory_space<hbm>> -> memref<80x128xi32, #tpu.memory_space<hbm>>
      tpu.wait_dma2 semaphore(%run_scoped3A : memref<!tpu.dma_semaphore, #tpu.memory_space<semaphore_mem>>) src(%dma_wait3A_73 : memref<80x128xi32, #tpu.memory_space<hbm>>) dst(%arg7 : memref<80x128xi32, #tpu.memory_space<vmem>>)
      tpu.yield
    }) : () -> ()
    %mul3A_1 = arith.constant 10240 : i32
    %mul3A_2 = arith.muli %add3A, %mul3A_1 : i32
    %dma_start3A = arith.constant 0 : i32
    %dma_start3A_3 = arith.constant 0 : i32
    %dma_start3A_4 = tpu.memref_slice %arg6[%dma_start3A, %dma_start3A_3] : memref<80x128xi32, #tpu.memory_space<vmem>> -> memref<1x128xi32, #tpu.memory_space<vmem>>
    %dma_start3A_5 = tpu.memref_squeeze %dma_start3A_4 : memref<1x128xi32, #tpu.memory_space<vmem>> -> memref<128xi32, #tpu.memory_space<vmem>>
    %dma_start3A_6 = arith.constant 0 : i32
    %dma_start3A_7 = arith.constant 0 : i32
    %dma_start3A_8 = tpu.memref_slice %arg4[%dma_start3A_6, %dma_start3A_7] : memref<10240x64xi32, #tpu.memory_space<hbm>> -> memref<10240x64xi32, #tpu.memory_space<hbm>>
    tpu.enqueue_indirect_dma source(%dma_start3A_8 : memref<10240x64xi32, #tpu.memory_space<hbm>>) target(%arg8 : memref<128x64xi32, #tpu.memory_space<vmem>>) offsets(%dma_start3A_5 : memref<128xi32, #tpu.memory_space<vmem>>) semaphore(%arg13 : memref<!tpu.dma_semaphore, #tpu.memory_space<semaphore_mem>>)
    %dma_start3A_9 = arith.constant 0 : i32
    %dma_start3A_10 = arith.constant 0 : i32
    %dma_start3A_11 = tpu.memref_slice %arg7[%dma_start3A_9, %dma_start3A_10] : memref<80x128xi32, #tpu.memory_space<vmem>> -> memref<1x128xi32, #tpu.memory_space<vmem>>
    %dma_start3A_12 = tpu.memref_squeeze %dma_start3A_11 : memref<1x128xi32, #tpu.memory_space<vmem>> -> memref<128xi32, #tpu.memory_space<vmem>>
    %dma_start3A_13 = arith.constant 0 : i32
    %dma_start3A_14 = arith.constant 0 : i32
    %dma_start3A_15 = tpu.memref_slice %arg4[%dma_start3A_13, %dma_start3A_14] : memref<10240x64xi32, #tpu.memory_space<hbm>> -> memref<10240x64xi32, #tpu.memory_space<hbm>>
    tpu.enqueue_indirect_dma source(%dma_start3A_15 : memref<10240x64xi32, #tpu.memory_space<hbm>>) target(%arg10 : memref<128x64xi32, #tpu.memory_space<vmem>>) offsets(%dma_start3A_12 : memref<128xi32, #tpu.memory_space<vmem>>) semaphore(%arg13 : memref<!tpu.dma_semaphore, #tpu.memory_space<semaphore_mem>>)
    %dma_start3A_16 = arith.constant 1 : i32
    %dma_start3A_17 = arith.constant 0 : i32
    %dma_start3A_18 = tpu.memref_slice %arg6[%dma_start3A_16, %dma_start3A_17] : memref<80x128xi32, #tpu.memory_space<vmem>> -> memref<1x128xi32, #tpu.memory_space<vmem>>
    %dma_start3A_19 = tpu.memref_squeeze %dma_start3A_18 : memref<1x128xi32, #tpu.memory_space<vmem>> -> memref<128xi32, #tpu.memory_space<vmem>>
    %dma_start3A_20 = arith.constant 0 : i32
    %dma_start3A_21 = arith.constant 0 : i32
    %dma_start3A_22 = tpu.memref_slice %arg4[%dma_start3A_20, %dma_start3A_21] : memref<10240x64xi32, #tpu.memory_space<hbm>> -> memref<10240x64xi32, #tpu.memory_space<hbm>>
    tpu.enqueue_indirect_dma source(%dma_start3A_22 : memref<10240x64xi32, #tpu.memory_space<hbm>>) target(%arg9 : memref<128x64xi32, #tpu.memory_space<vmem>>) offsets(%dma_start3A_19 : memref<128xi32, #tpu.memory_space<vmem>>) semaphore(%arg14 : memref<!tpu.dma_semaphore, #tpu.memory_space<semaphore_mem>>)
    %dma_start3A_23 = arith.constant 1 : i32
    %dma_start3A_24 = arith.constant 0 : i32
    %dma_start3A_25 = tpu.memref_slice %arg7[%dma_start3A_23, %dma_start3A_24] : memref<80x128xi32, #tpu.memory_space<vmem>> -> memref<1x128xi32, #tpu.memory_space<vmem>>
    %dma_start3A_26 = tpu.memref_squeeze %dma_start3A_25 : memref<1x128xi32, #tpu.memory_space<vmem>> -> memref<128xi32, #tpu.memory_space<vmem>>
    %dma_start3A_27 = arith.constant 0 : i32
    %dma_start3A_28 = arith.constant 0 : i32
    %dma_start3A_29 = tpu.memref_slice %arg4[%dma_start3A_27, %dma_start3A_28] : memref<10240x64xi32, #tpu.memory_space<hbm>> -> memref<10240x64xi32, #tpu.memory_space<hbm>>
    tpu.enqueue_indirect_dma source(%dma_start3A_29 : memref<10240x64xi32, #tpu.memory_space<hbm>>) target(%arg11 : memref<128x64xi32, #tpu.memory_space<vmem>>) offsets(%dma_start3A_26 : memref<128xi32, #tpu.memory_space<vmem>>) semaphore(%arg14 : memref<!tpu.dma_semaphore, #tpu.memory_space<semaphore_mem>>)
    %scan3A = arith.constant 0 : i32
    %scan3A_30 = arith.constant 0 : i32
    %scan3A_31 = arith.constant 40 : i32
    %scan3A_32 = arith.addi %scan3A_30, %scan3A_31 : i32
    %scan3A_33 = arith.constant 1 : i32
    scf.for %scan3A_58 = %scan3A_30 to %scan3A_32 step %scan3A_33  : i32 {
      %mul3A_59 = arith.constant 2 : i32
      %mul3A_60 = arith.muli %scan3A_58, %mul3A_59 : i32
      %add3A_61 = arith.constant 0 : i32
      %add3A_62 = arith.addi %mul3A_60, %add3A_61 : i32
      %dma_wait3A_63 = arith.constant 0 : i32
      %dma_wait3A_64 = arith.constant 0 : i32
      %dma_wait3A_65 = tpu.memref_slice %arg4[%dma_wait3A_63, %dma_wait3A_64] : memref<10240x64xi32, #tpu.memory_space<hbm>> -> memref<128x64xi32, #tpu.memory_space<hbm>>
      %dma_wait3A_66 = arith.constant 0 : i32
      %dma_wait3A_67 = arith.constant 0 : i32
      %dma_wait3A_68 = tpu.memref_slice %arg4[%dma_wait3A_66, %dma_wait3A_67] : memref<10240x64xi32, #tpu.memory_space<hbm>> -> memref<128x64xi32, #tpu.memory_space<hbm>>
      tpu.wait_dma2 semaphore(%arg13 : memref<!tpu.dma_semaphore, #tpu.memory_space<semaphore_mem>>) src(%dma_wait3A_68 : memref<128x64xi32, #tpu.memory_space<hbm>>) dst(%arg8 : memref<128x64xi32, #tpu.memory_space<vmem>>)
      %dma_wait3A_69 = arith.constant 0 : i32
      %dma_wait3A_70 = arith.constant 0 : i32
      %dma_wait3A_71 = tpu.memref_slice %arg4[%dma_wait3A_69, %dma_wait3A_70] : memref<10240x64xi32, #tpu.memory_space<hbm>> -> memref<128x64xi32, #tpu.memory_space<hbm>>
      %dma_wait3A_72 = arith.constant 0 : i32
      %dma_wait3A_73 = arith.constant 0 : i32
      %dma_wait3A_74 = tpu.memref_slice %arg4[%dma_wait3A_72, %dma_wait3A_73] : memref<10240x64xi32, #tpu.memory_space<hbm>> -> memref<128x64xi32, #tpu.memory_space<hbm>>
      tpu.wait_dma2 semaphore(%arg13 : memref<!tpu.dma_semaphore, #tpu.memory_space<semaphore_mem>>) src(%dma_wait3A_74 : memref<128x64xi32, #tpu.memory_space<hbm>>) dst(%arg10 : memref<128x64xi32, #tpu.memory_space<vmem>>)
      %parallel_loop3A = arith.constant 0 : i32
      %parallel_loop3A_75 = arith.constant 8 : i32
      %parallel_loop3A_76 = arith.constant 1 : i32
      scf.for %parallel_loop3A_133 = %parallel_loop3A to %parallel_loop3A_75 step %parallel_loop3A_76  : i32 {
        %parallel_loop3A_134 = arith.constant 0.000000e+00 : f32
        %parallel_loop3A_135 = vector.broadcast %parallel_loop3A_134 : f32 to vector<16xf32>
        %parallel_loop3A_136 = arith.constant 16 : i32
        %parallel_loop3A_137 = arith.muli %parallel_loop3A_133, %parallel_loop3A_136 : i32
        %parallel_loop3A_138 = arith.constant 0 : i32
        %parallel_loop3A_139 = arith.addi %parallel_loop3A_137, %parallel_loop3A_138 : i32
        %parallel_loop3A_140 = arith.index_cast %parallel_loop3A_139 : i32 to index
        %parallel_loop3A_141 = arith.constant 0 : index
        %parallel_loop3A_142 = tpu.vector_load %arg8[%parallel_loop3A_140, %parallel_loop3A_141] {strides = array<i32>} : memref<128x64xi32, #tpu.memory_space<vmem>>, vector<16xi32>,
        %parallel_loop3A_143 = vector.bitcast %parallel_loop3A_142 : vector<16xi32> to vector<32xbf16>
        %parallel_loop3A_144 = arith.index_cast %parallel_loop3A_139 : i32 to index
        %parallel_loop3A_145 = arith.constant 0 : index
        %parallel_loop3A_146 = tpu.vector_load %arg10[%parallel_loop3A_144, %parallel_loop3A_145] {strides = array<i32>} : memref<128x64xi32, #tpu.memory_space<vmem>>, vector<16xi32>,
        %parallel_loop3A_147 = vector.bitcast %parallel_loop3A_146 : vector<16xi32> to vector<32xbf16>
        %parallel_loop3A_148 = arith.mulf %parallel_loop3A_143, %parallel_loop3A_147 : vector<32xbf16>
        %parallel_loop3A_149 = tpu.unpack_subelements %parallel_loop3A_148, 0 {pack_format = #tpu.pack_format<interleaved>} : vector<32xbf16> -> vector<16xf32>
        %parallel_loop3A_150 = tpu.unpack_subelements %parallel_loop3A_148, 1 {pack_format = #tpu.pack_format<interleaved>} : vector<32xbf16> -> vector<16xf32>
        %parallel_loop3A_151 = arith.addf %parallel_loop3A_149, %parallel_loop3A_150 : vector<16xf32>
        %parallel_loop3A_152 = arith.index_cast %parallel_loop3A_139 : i32 to index
        %parallel_loop3A_153 = arith.constant 16 : index
        %parallel_loop3A_154 = tpu.vector_load %arg8[%parallel_loop3A_152, %parallel_loop3A_153] {strides = array<i32>} : memref<128x64xi32, #tpu.memory_space<vmem>>, vector<16xi32>,
        %parallel_loop3A_155 = vector.bitcast %parallel_loop3A_154 : vector<16xi32> to vector<32xbf16>
        %parallel_loop3A_156 = arith.index_cast %parallel_loop3A_139 : i32 to index
        %parallel_loop3A_157 = arith.constant 16 : index
        %parallel_loop3A_158 = tpu.vector_load %arg10[%parallel_loop3A_156, %parallel_loop3A_157] {strides = array<i32>} : memref<128x64xi32, #tpu.memory_space<vmem>>, vector<16xi32>,
        %parallel_loop3A_159 = vector.bitcast %parallel_loop3A_158 : vector<16xi32> to vector<32xbf16>
        %parallel_loop3A_160 = arith.mulf %parallel_loop3A_155, %parallel_loop3A_159 : vector<32xbf16>
        %parallel_loop3A_161 = tpu.unpack_subelements %parallel_loop3A_160, 0 {pack_format = #tpu.pack_format<interleaved>} : vector<32xbf16> -> vector<16xf32>
        %parallel_loop3A_162 = tpu.unpack_subelements %parallel_loop3A_160, 1 {pack_format = #tpu.pack_format<interleaved>} : vector<32xbf16> -> vector<16xf32>
        %parallel_loop3A_163 = arith.addf %parallel_loop3A_161, %parallel_loop3A_162 : vector<16xf32>
        %parallel_loop3A_164 = arith.addf %parallel_loop3A_151, %parallel_loop3A_163 : vector<16xf32>
        %parallel_loop3A_165 = arith.index_cast %parallel_loop3A_139 : i32 to index
        %parallel_loop3A_166 = arith.constant 32 : index
        %parallel_loop3A_167 = tpu.vector_load %arg8[%parallel_loop3A_165, %parallel_loop3A_166] {strides = array<i32>} : memref<128x64xi32, #tpu.memory_space<vmem>>, vector<16xi32>,
        %parallel_loop3A_168 = vector.bitcast %parallel_loop3A_167 : vector<16xi32> to vector<32xbf16>
        %parallel_loop3A_169 = arith.index_cast %parallel_loop3A_139 : i32 to index
        %parallel_loop3A_170 = arith.constant 32 : index
        %parallel_loop3A_171 = tpu.vector_load %arg10[%parallel_loop3A_169, %parallel_loop3A_170] {strides = array<i32>} : memref<128x64xi32, #tpu.memory_space<vmem>>, vector<16xi32>,
        %parallel_loop3A_172 = vector.bitcast %parallel_loop3A_171 : vector<16xi32> to vector<32xbf16>
        %parallel_loop3A_173 = arith.mulf %parallel_loop3A_168, %parallel_loop3A_172 : vector<32xbf16>
        %parallel_loop3A_174 = tpu.unpack_subelements %parallel_loop3A_173, 0 {pack_format = #tpu.pack_format<interleaved>} : vector<32xbf16> -> vector<16xf32>
        %parallel_loop3A_175 = tpu.unpack_subelements %parallel_loop3A_173, 1 {pack_format = #tpu.pack_format<interleaved>} : vector<32xbf16> -> vector<16xf32>
        %parallel_loop3A_176 = arith.addf %parallel_loop3A_174, %parallel_loop3A_175 : vector<16xf32>
        %parallel_loop3A_177 = arith.addf %parallel_loop3A_164, %parallel_loop3A_176 : vector<16xf32>
        %parallel_loop3A_178 = arith.index_cast %parallel_loop3A_139 : i32 to index
        %parallel_loop3A_179 = arith.constant 48 : index
        %parallel_loop3A_180 = tpu.vector_load %arg8[%parallel_loop3A_178, %parallel_loop3A_179] {strides = array<i32>} : memref<128x64xi32, #tpu.memory_space<vmem>>, vector<16xi32>,
        %parallel_loop3A_181 = vector.bitcast %parallel_loop3A_180 : vector<16xi32> to vector<32xbf16>
        %parallel_loop3A_182 = arith.index_cast %parallel_loop3A_139 : i32 to index
        %parallel_loop3A_183 = arith.constant 48 : index
        %parallel_loop3A_184 = tpu.vector_load %arg10[%parallel_loop3A_182, %parallel_loop3A_183] {strides = array<i32>} : memref<128x64xi32, #tpu.memory_space<vmem>>, vector<16xi32>,
        %parallel_loop3A_185 = vector.bitcast %parallel_loop3A_184 : vector<16xi32> to vector<32xbf16>
        %parallel_loop3A_186 = arith.mulf %parallel_loop3A_181, %parallel_loop3A_185 : vector<32xbf16>
        %parallel_loop3A_187 = tpu.unpack_subelements %parallel_loop3A_186, 0 {pack_format = #tpu.pack_format<interleaved>} : vector<32xbf16> -> vector<16xf32>
        %parallel_loop3A_188 = tpu.unpack_subelements %parallel_loop3A_186, 1 {pack_format = #tpu.pack_format<interleaved>} : vector<32xbf16> -> vector<16xf32>
        %parallel_loop3A_189 = arith.addf %parallel_loop3A_187, %parallel_loop3A_188 : vector<16xf32>
        %parallel_loop3A_190 = arith.addf %parallel_loop3A_177, %parallel_loop3A_189 : vector<16xf32>
        %parallel_loop3A_191 = arith.constant true
        %parallel_loop3A_192 = vector.broadcast %parallel_loop3A_191 : i1 to vector<16xi1>
        %parallel_loop3A_193 = tpu.scan <sum>, %parallel_loop3A_190 masked %parallel_loop3A_192 : vector<16xf32>, vector<16xi1> -> vector<16xf32>
        %parallel_loop3A_194 = vector.extract %parallel_loop3A_193[15] : f32 from vector<16xf32>
        %parallel_loop3A_195 = tpu.iota {dimensions = array<i32: 0>} : vector<16xi32>
        %parallel_loop3A_196 = arith.constant 0 : i32
        %parallel_loop3A_197 = vector.broadcast %parallel_loop3A_196 : i32 to vector<16xi32>
        %parallel_loop3A_198 = arith.cmpi eq, %parallel_loop3A_195, %parallel_loop3A_197 : vector<16xi32>
        %parallel_loop3A_199 = arith.extui %parallel_loop3A_198 : vector<16xi1> to vector<16xi32>
        %parallel_loop3A_200 = arith.sitofp %parallel_loop3A_199 : vector<16xi32> to vector<16xf32>
        %parallel_loop3A_201 = vector.broadcast %parallel_loop3A_194 : f32 to vector<16xf32>
        %parallel_loop3A_202 = arith.mulf %parallel_loop3A_201, %parallel_loop3A_200 : vector<16xf32>
        %parallel_loop3A_203 = arith.addf %parallel_loop3A_135, %parallel_loop3A_202 : vector<16xf32>
        %parallel_loop3A_204 = arith.constant 16 : i32
        %parallel_loop3A_205 = arith.muli %parallel_loop3A_133, %parallel_loop3A_204 : i32
        %parallel_loop3A_206 = arith.constant 1 : i32
        %parallel_loop3A_207 = arith.addi %parallel_loop3A_205, %parallel_loop3A_206 : i32
        %parallel_loop3A_208 = arith.index_cast %parallel_loop3A_207 : i32 to index
        %parallel_loop3A_209 = arith.constant 0 : index
        %parallel_loop3A_210 = tpu.vector_load %arg8[%parallel_loop3A_208, %parallel_loop3A_209] {strides = array<i32>} : memref<128x64xi32, #tpu.memory_space<vmem>>, vector<16xi32>,
        %parallel_loop3A_211 = vector.bitcast %parallel_loop3A_210 : vector<16xi32> to vector<32xbf16>
        %parallel_loop3A_212 = arith.index_cast %parallel_loop3A_207 : i32 to index
        %parallel_loop3A_213 = arith.constant 0 : index
        %parallel_loop3A_214 = tpu.vector_load %arg10[%parallel_loop3A_212, %parallel_loop3A_213] {strides = array<i32>} : memref<128x64xi32, #tpu.memory_space<vmem>>, vector<16xi32>,
        %parallel_loop3A_215 = vector.bitcast %parallel_loop3A_214 : vector<16xi32> to vector<32xbf16>
        %parallel_loop3A_216 = arith.mulf %parallel_loop3A_211, %parallel_loop3A_215 : vector<32xbf16>
        %parallel_loop3A_217 = tpu.unpack_subelements %parallel_loop3A_216, 0 {pack_format = #tpu.pack_format<interleaved>} : vector<32xbf16> -> vector<16xf32>
        %parallel_loop3A_218 = tpu.unpack_subelements %parallel_loop3A_216, 1 {pack_format = #tpu.pack_format<interleaved>} : vector<32xbf16> -> vector<16xf32>
        %parallel_loop3A_219 = arith.addf %parallel_loop3A_217, %parallel_loop3A_218 : vector<16xf32>
        %parallel_loop3A_220 = arith.index_cast %parallel_loop3A_207 : i32 to index
        %parallel_loop3A_221 = arith.constant 16 : index
        %parallel_loop3A_222 = tpu.vector_load %arg8[%parallel_loop3A_220, %parallel_loop3A_221] {strides = array<i32>} : memref<128x64xi32, #tpu.memory_space<vmem>>, vector<16xi32>,
        %parallel_loop3A_223 = vector.bitcast %parallel_loop3A_222 : vector<16xi32> to vector<32xbf16>
        %parallel_loop3A_224 = arith.index_cast %parallel_loop3A_207 : i32 to index
        %parallel_loop3A_225 = arith.constant 16 : index
        %parallel_loop3A_226 = tpu.vector_load %arg10[%parallel_loop3A_224, %parallel_loop3A_225] {strides = array<i32>} : memref<128x64xi32, #tpu.memory_space<vmem>>, vector<16xi32>,
        %parallel_loop3A_227 = vector.bitcast %parallel_loop3A_226 : vector<16xi32> to vector<32xbf16>
        %parallel_loop3A_228 = arith.mulf %parallel_loop3A_223, %parallel_loop3A_227 : vector<32xbf16>
        %parallel_loop3A_229 = tpu.unpack_subelements %parallel_loop3A_228, 0 {pack_format = #tpu.pack_format<interleaved>} : vector<32xbf16> -> vector<16xf32>
        %parallel_loop3A_230 = tpu.unpack_subelements %parallel_loop3A_228, 1 {pack_format = #tpu.pack_format<interleaved>} : vector<32xbf16> -> vector<16xf32>
        %parallel_loop3A_231 = arith.addf %parallel_loop3A_229, %parallel_loop3A_230 : vector<16xf32>
        %parallel_loop3A_232 = arith.addf %parallel_loop3A_219, %parallel_loop3A_231 : vector<16xf32>
        %parallel_loop3A_233 = arith.index_cast %parallel_loop3A_207 : i32 to index
        %parallel_loop3A_234 = arith.constant 32 : index
        %parallel_loop3A_235 = tpu.vector_load %arg8[%parallel_loop3A_233, %parallel_loop3A_234] {strides = array<i32>} : memref<128x64xi32, #tpu.memory_space<vmem>>, vector<16xi32>,
        %parallel_loop3A_236 = vector.bitcast %parallel_loop3A_235 : vector<16xi32> to vector<32xbf16>
        %parallel_loop3A_237 = arith.index_cast %parallel_loop3A_207 : i32 to index
        %parallel_loop3A_238 = arith.constant 32 : index
        %parallel_loop3A_239 = tpu.vector_load %arg10[%parallel_loop3A_237, %parallel_loop3A_238] {strides = array<i32>} : memref<128x64xi32, #tpu.memory_space<vmem>>, vector<16xi32>,
        %parallel_loop3A_240 = vector.bitcast %parallel_loop3A_239 : vector<16xi32> to vector<32xbf16>
        %parallel_loop3A_241 = arith.mulf %parallel_loop3A_236, %parallel_loop3A_240 : vector<32xbf16>
        %parallel_loop3A_242 = tpu.unpack_subelements %parallel_loop3A_241, 0 {pack_format = #tpu.pack_format<interleaved>} : vector<32xbf16> -> vector<16xf32>
        %parallel_loop3A_243 = tpu.unpack_subelements %parallel_loop3A_241, 1 {pack_format = #tpu.pack_format<interleaved>} : vector<32xbf16> -> vector<16xf32>
        %parallel_loop3A_244 = arith.addf %parallel_loop3A_242, %parallel_loop3A_243 : vector<16xf32>
        %parallel_loop3A_245 = arith.addf %parallel_loop3A_232, %parallel_loop3A_244 : vector<16xf32>
        %parallel_loop3A_246 = arith.index_cast %parallel_loop3A_207 : i32 to index
        %parallel_loop3A_247 = arith.constant 48 : index
        %parallel_loop3A_248 = tpu.vector_load %arg8[%parallel_loop3A_246, %parallel_loop3A_247] {strides = array<i32>} : memref<128x64xi32, #tpu.memory_space<vmem>>, vector<16xi32>,
        %parallel_loop3A_249 = vector.bitcast %parallel_loop3A_248 : vector<16xi32> to vector<32xbf16>
        %parallel_loop3A_250 = arith.index_cast %parallel_loop3A_207 : i32 to index
        %parallel_loop3A_251 = arith.constant 48 : index
        %parallel_loop3A_252 = tpu.vector_load %arg10[%parallel_loop3A_250, %parallel_loop3A_251] {strides = array<i32>} : memref<128x64xi32, #tpu.memory_space<vmem>>, vector<16xi32>,
        %parallel_loop3A_253 = vector.bitcast %parallel_loop3A_252 : vector<16xi32> to vector<32xbf16>
        %parallel_loop3A_254 = arith.mulf %parallel_loop3A_249, %parallel_loop3A_253 : vector<32xbf16>
        %parallel_loop3A_255 = tpu.unpack_subelements %parallel_loop3A_254, 0 {pack_format = #tpu.pack_format<interleaved>} : vector<32xbf16> -> vector<16xf32>
        %parallel_loop3A_256 = tpu.unpack_subelements %parallel_loop3A_254, 1 {pack_format = #tpu.pack_format<interleaved>} : vector<32xbf16> -> vector<16xf32>
        %parallel_loop3A_257 = arith.addf %parallel_loop3A_255, %parallel_loop3A_256 : vector<16xf32>
        %parallel_loop3A_258 = arith.addf %parallel_loop3A_245, %parallel_loop3A_257 : vector<16xf32>
        %parallel_loop3A_259 = arith.constant true
        %parallel_loop3A_260 = vector.broadcast %parallel_loop3A_259 : i1 to vector<16xi1>
        %parallel_loop3A_261 = tpu.scan <sum>, %parallel_loop3A_258 masked %parallel_loop3A_260 : vector<16xf32>, vector<16xi1> -> vector<16xf32>
        %parallel_loop3A_262 = vector.extract %parallel_loop3A_261[15] : f32 from vector<16xf32>
        %parallel_loop3A_263 = tpu.iota {dimensions = array<i32: 0>} : vector<16xi32>
        %parallel_loop3A_264 = arith.constant 1 : i32
        %parallel_loop3A_265 = vector.broadcast %parallel_loop3A_264 : i32 to vector<16xi32>
        %parallel_loop3A_266 = arith.cmpi eq, %parallel_loop3A_263, %parallel_loop3A_265 : vector<16xi32>
        %parallel_loop3A_267 = arith.extui %parallel_loop3A_266 : vector<16xi1> to vector<16xi32>
        %parallel_loop3A_268 = arith.sitofp %parallel_loop3A_267 : vector<16xi32> to vector<16xf32>
        %parallel_loop3A_269 = vector.broadcast %parallel_loop3A_262 : f32 to vector<16xf32>
        %parallel_loop3A_270 = arith.mulf %parallel_loop3A_269, %parallel_loop3A_268 : vector<16xf32>
        %parallel_loop3A_271 = arith.addf %parallel_loop3A_203, %parallel_loop3A_270 : vector<16xf32>
        %parallel_loop3A_272 = arith.constant 16 : i32
        %parallel_loop3A_273 = arith.muli %parallel_loop3A_133, %parallel_loop3A_272 : i32
        %parallel_loop3A_274 = arith.constant 2 : i32
        %parallel_loop3A_275 = arith.addi %parallel_loop3A_273, %parallel_loop3A_274 : i32
        %parallel_loop3A_276 = arith.index_cast %parallel_loop3A_275 : i32 to index
        %parallel_loop3A_277 = arith.constant 0 : index
        %parallel_loop3A_278 = tpu.vector_load %arg8[%parallel_loop3A_276, %parallel_loop3A_277] {strides = array<i32>} : memref<128x64xi32, #tpu.memory_space<vmem>>, vector<16xi32>,
        %parallel_loop3A_279 = vector.bitcast %parallel_loop3A_278 : vector<16xi32> to vector<32xbf16>
        %parallel_loop3A_280 = arith.index_cast %parallel_loop3A_275 : i32 to index
        %parallel_loop3A_281 = arith.constant 0 : index
        %parallel_loop3A_282 = tpu.vector_load %arg10[%parallel_loop3A_280, %parallel_loop3A_281] {strides = array<i32>} : memref<128x64xi32, #tpu.memory_space<vmem>>, vector<16xi32>,
        %parallel_loop3A_283 = vector.bitcast %parallel_loop3A_282 : vector<16xi32> to vector<32xbf16>
        %parallel_loop3A_284 = arith.mulf %parallel_loop3A_279, %parallel_loop3A_283 : vector<32xbf16>
        %parallel_loop3A_285 = tpu.unpack_subelements %parallel_loop3A_284, 0 {pack_format = #tpu.pack_format<interleaved>} : vector<32xbf16> -> vector<16xf32>
        %parallel_loop3A_286 = tpu.unpack_subelements %parallel_loop3A_284, 1 {pack_format = #tpu.pack_format<interleaved>} : vector<32xbf16> -> vector<16xf32>
        %parallel_loop3A_287 = arith.addf %parallel_loop3A_285, %parallel_loop3A_286 : vector<16xf32>
        %parallel_loop3A_288 = arith.index_cast %parallel_loop3A_275 : i32 to index
        %parallel_loop3A_289 = arith.constant 16 : index
        %parallel_loop3A_290 = tpu.vector_load %arg8[%parallel_loop3A_288, %parallel_loop3A_289] {strides = array<i32>} : memref<128x64xi32, #tpu.memory_space<vmem>>, vector<16xi32>,
        %parallel_loop3A_291 = vector.bitcast %parallel_loop3A_290 : vector<16xi32> to vector<32xbf16>
        %parallel_loop3A_292 = arith.index_cast %parallel_loop3A_275 : i32 to index
        %parallel_loop3A_293 = arith.constant 16 : index
        %parallel_loop3A_294 = tpu.vector_load %arg10[%parallel_loop3A_292, %parallel_loop3A_293] {strides = array<i32>} : memref<128x64xi32, #tpu.memory_space<vmem>>, vector<16xi32>,
        %parallel_loop3A_295 = vector.bitcast %parallel_loop3A_294 : vector<16xi32> to vector<32xbf16>
        %parallel_loop3A_296 = arith.mulf %parallel_loop3A_291, %parallel_loop3A_295 : vector<32xbf16>
        %parallel_loop3A_297 = tpu.unpack_subelements %parallel_loop3A_296, 0 {pack_format = #tpu.pack_format<interleaved>} : vector<32xbf16> -> vector<16xf32>
        %parallel_loop3A_298 = tpu.unpack_subelements %parallel_loop3A_296, 1 {pack_format = #tpu.pack_format<interleaved>} : vector<32xbf16> -> vector<16xf32>
        %parallel_loop3A_299 = arith.addf %parallel_loop3A_297, %parallel_loop3A_298 : vector<16xf32>
        %parallel_loop3A_300 = arith.addf %parallel_loop3A_287, %parallel_loop3A_299 : vector<16xf32>
        %parallel_loop3A_301 = arith.index_cast %parallel_loop3A_275 : i32 to index
        %parallel_loop3A_302 = arith.constant 32 : index
        %parallel_loop3A_303 = tpu.vector_load %arg8[%parallel_loop3A_301, %parallel_loop3A_302] {strides = array<i32>} : memref<128x64xi32, #tpu.memory_space<vmem>>, vector<16xi32>,
        %parallel_loop3A_304 = vector.bitcast %parallel_loop3A_303 : vector<16xi32> to vector<32xbf16>
        %parallel_loop3A_305 = arith.index_cast %parallel_loop3A_275 : i32 to index
        %parallel_loop3A_306 = arith.constant 32 : index
        %parallel_loop3A_307 = tpu.vector_load %arg10[%parallel_loop3A_305, %parallel_loop3A_306] {strides = array<i32>} : memref<128x64xi32, #tpu.memory_space<vmem>>, vector<16xi32>,
        %parallel_loop3A_308 = vector.bitcast %parallel_loop3A_307 : vector<16xi32> to vector<32xbf16>
        %parallel_loop3A_309 = arith.mulf %parallel_loop3A_304, %parallel_loop3A_308 : vector<32xbf16>
        %parallel_loop3A_310 = tpu.unpack_subelements %parallel_loop3A_309, 0 {pack_format = #tpu.pack_format<interleaved>} : vector<32xbf16> -> vector<16xf32>
        %parallel_loop3A_311 = tpu.unpack_subelements %parallel_loop3A_309, 1 {pack_format = #tpu.pack_format<interleaved>} : vector<32xbf16> -> vector<16xf32>
        %parallel_loop3A_312 = arith.addf %parallel_loop3A_310, %parallel_loop3A_311 : vector<16xf32>
        %parallel_loop3A_313 = arith.addf %parallel_loop3A_300, %parallel_loop3A_312 : vector<16xf32>
        %parallel_loop3A_314 = arith.index_cast %parallel_loop3A_275 : i32 to index
        %parallel_loop3A_315 = arith.constant 48 : index
        %parallel_loop3A_316 = tpu.vector_load %arg8[%parallel_loop3A_314, %parallel_loop3A_315] {strides = array<i32>} : memref<128x64xi32, #tpu.memory_space<vmem>>, vector<16xi32>,
        %parallel_loop3A_317 = vector.bitcast %parallel_loop3A_316 : vector<16xi32> to vector<32xbf16>
        %parallel_loop3A_318 = arith.index_cast %parallel_loop3A_275 : i32 to index
        %parallel_loop3A_319 = arith.constant 48 : index
        %parallel_loop3A_320 = tpu.vector_load %arg10[%parallel_loop3A_318, %parallel_loop3A_319] {strides = array<i32>} : memref<128x64xi32, #tpu.memory_space<vmem>>, vector<16xi32>,
        %parallel_loop3A_321 = vector.bitcast %parallel_loop3A_320 : vector<16xi32> to vector<32xbf16>
        %parallel_loop3A_322 = arith.mulf %parallel_loop3A_317, %parallel_loop3A_321 : vector<32xbf16>
        %parallel_loop3A_323 = tpu.unpack_subelements %parallel_loop3A_322, 0 {pack_format = #tpu.pack_format<interleaved>} : vector<32xbf16> -> vector<16xf32>
        %parallel_loop3A_324 = tpu.unpack_subelements %parallel_loop3A_322, 1 {pack_format = #tpu.pack_format<interleaved>} : vector<32xbf16> -> vector<16xf32>
        %parallel_loop3A_325 = arith.addf %parallel_loop3A_323, %parallel_loop3A_324 : vector<16xf32>
        %parallel_loop3A_326 = arith.addf %parallel_loop3A_313, %parallel_loop3A_325 : vector<16xf32>
        %parallel_loop3A_327 = arith.constant true
        %parallel_loop3A_328 = vector.broadcast %parallel_loop3A_327 : i1 to vector<16xi1>
        %parallel_loop3A_329 = tpu.scan <sum>, %parallel_loop3A_326 masked %parallel_loop3A_328 : vector<16xf32>, vector<16xi1> -> vector<16xf32>
        %parallel_loop3A_330 = vector.extract %parallel_loop3A_329[15] : f32 from vector<16xf32>
        %parallel_loop3A_331 = tpu.iota {dimensions = array<i32: 0>} : vector<16xi32>
        %parallel_loop3A_332 = arith.constant 2 : i32
        %parallel_loop3A_333 = vector.broadcast %parallel_loop3A_332 : i32 to vector<16xi32>
        %parallel_loop3A_334 = arith.cmpi eq, %parallel_loop3A_331, %parallel_loop3A_333 : vector<16xi32>
        %parallel_loop3A_335 = arith.extui %parallel_loop3A_334 : vector<16xi1> to vector<16xi32>
        %parallel_loop3A_336 = arith.sitofp %parallel_loop3A_335 : vector<16xi32> to vector<16xf32>
        %parallel_loop3A_337 = vector.broadcast %parallel_loop3A_330 : f32 to vector<16xf32>
        %parallel_loop3A_338 = arith.mulf %parallel_loop3A_337, %parallel_loop3A_336 : vector<16xf32>
        %parallel_loop3A_339 = arith.addf %parallel_loop3A_271, %parallel_loop3A_338 : vector<16xf32>
        %parallel_loop3A_340 = arith.constant 16 : i32
        %parallel_loop3A_341 = arith.muli %parallel_loop3A_133, %parallel_loop3A_340 : i32
        %parallel_loop3A_342 = arith.constant 3 : i32
        %parallel_loop3A_343 = arith.addi %parallel_loop3A_341, %parallel_loop3A_342 : i32
        %parallel_loop3A_344 = arith.index_cast %parallel_loop3A_343 : i32 to index
        %parallel_loop3A_345 = arith.constant 0 : index
        %parallel_loop3A_346 = tpu.vector_load %arg8[%parallel_loop3A_344, %parallel_loop3A_345] {strides = array<i32>} : memref<128x64xi32, #tpu.memory_space<vmem>>, vector<16xi32>,
        %parallel_loop3A_347 = vector.bitcast %parallel_loop3A_346 : vector<16xi32> to vector<32xbf16>
        %parallel_loop3A_348 = arith.index_cast %parallel_loop3A_343 : i32 to index
        %parallel_loop3A_349 = arith.constant 0 : index
        %parallel_loop3A_350 = tpu.vector_load %arg10[%parallel_loop3A_348, %parallel_loop3A_349] {strides = array<i32>} : memref<128x64xi32, #tpu.memory_space<vmem>>, vector<16xi32>,
        %parallel_loop3A_351 = vector.bitcast %parallel_loop3A_350 : vector<16xi32> to vector<32xbf16>
        %parallel_loop3A_352 = arith.mulf %parallel_loop3A_347, %parallel_loop3A_351 : vector<32xbf16>
        %parallel_loop3A_353 = tpu.unpack_subelements %parallel_loop3A_352, 0 {pack_format = #tpu.pack_format<interleaved>} : vector<32xbf16> -> vector<16xf32>
        %parallel_loop3A_354 = tpu.unpack_subelements %parallel_loop3A_352, 1 {pack_format = #tpu.pack_format<interleaved>} : vector<32xbf16> -> vector<16xf32>
        %parallel_loop3A_355 = arith.addf %parallel_loop3A_353, %parallel_loop3A_354 : vector<16xf32>
        %parallel_loop3A_356 = arith.index_cast %parallel_loop3A_343 : i32 to index
        %parallel_loop3A_357 = arith.constant 16 : index
        %parallel_loop3A_358 = tpu.vector_load %arg8[%parallel_loop3A_356, %parallel_loop3A_357] {strides = array<i32>} : memref<128x64xi32, #tpu.memory_space<vmem>>, vector<16xi32>,
        %parallel_loop3A_359 = vector.bitcast %parallel_loop3A_358 : vector<16xi32> to vector<32xbf16>
        %parallel_loop3A_360 = arith.index_cast %parallel_loop3A_343 : i32 to index
        %parallel_loop3A_361 = arith.constant 16 : index
        %parallel_loop3A_362 = tpu.vector_load %arg10[%parallel_loop3A_360, %parallel_loop3A_361] {strides = array<i32>} : memref<128x64xi32, #tpu.memory_space<vmem>>, vector<16xi32>,
        %parallel_loop3A_363 = vector.bitcast %parallel_loop3A_362 : vector<16xi32> to vector<32xbf16>
        %parallel_loop3A_364 = arith.mulf %parallel_loop3A_359, %parallel_loop3A_363 : vector<32xbf16>
        %parallel_loop3A_365 = tpu.unpack_subelements %parallel_loop3A_364, 0 {pack_format = #tpu.pack_format<interleaved>} : vector<32xbf16> -> vector<16xf32>
        %parallel_loop3A_366 = tpu.unpack_subelements %parallel_loop3A_364, 1 {pack_format = #tpu.pack_format<interleaved>} : vector<32xbf16> -> vector<16xf32>
        %parallel_loop3A_367 = arith.addf %parallel_loop3A_365, %parallel_loop3A_366 : vector<16xf32>
        %parallel_loop3A_368 = arith.addf %parallel_loop3A_355, %parallel_loop3A_367 : vector<16xf32>
        %parallel_loop3A_369 = arith.index_cast %parallel_loop3A_343 : i32 to index
        %parallel_loop3A_370 = arith.constant 32 : index
        %parallel_loop3A_371 = tpu.vector_load %arg8[%parallel_loop3A_369, %parallel_loop3A_370] {strides = array<i32>} : memref<128x64xi32, #tpu.memory_space<vmem>>, vector<16xi32>,
        %parallel_loop3A_372 = vector.bitcast %parallel_loop3A_371 : vector<16xi32> to vector<32xbf16>
        %parallel_loop3A_373 = arith.index_cast %parallel_loop3A_343 : i32 to index
        %parallel_loop3A_374 = arith.constant 32 : index
        %parallel_loop3A_375 = tpu.vector_load %arg10[%parallel_loop3A_373, %parallel_loop3A_374] {strides = array<i32>} : memref<128x64xi32, #tpu.memory_space<vmem>>, vector<16xi32>,
        %parallel_loop3A_376 = vector.bitcast %parallel_loop3A_375 : vector<16xi32> to vector<32xbf16>
        %parallel_loop3A_377 = arith.mulf %parallel_loop3A_372, %parallel_loop3A_376 : vector<32xbf16>
        %parallel_loop3A_378 = tpu.unpack_subelements %parallel_loop3A_377, 0 {pack_format = #tpu.pack_format<interleaved>} : vector<32xbf16> -> vector<16xf32>
        %parallel_loop3A_379 = tpu.unpack_subelements %parallel_loop3A_377, 1 {pack_format = #tpu.pack_format<interleaved>} : vector<32xbf16> -> vector<16xf32>
        %parallel_loop3A_380 = arith.addf %parallel_loop3A_378, %parallel_loop3A_379 : vector<16xf32>
        %parallel_loop3A_381 = arith.addf %parallel_loop3A_368, %parallel_loop3A_380 : vector<16xf32>
        %parallel_loop3A_382 = arith.index_cast %parallel_loop3A_343 : i32 to index
        %parallel_loop3A_383 = arith.constant 48 : index
        %parallel_loop3A_384 = tpu.vector_load %arg8[%parallel_loop3A_382, %parallel_loop3A_383] {strides = array<i32>} : memref<128x64xi32, #tpu.memory_space<vmem>>, vector<16xi32>,
        %parallel_loop3A_385 = vector.bitcast %parallel_loop3A_384 : vector<16xi32> to vector<32xbf16>
        %parallel_loop3A_386 = arith.index_cast %parallel_loop3A_343 : i32 to index
        %parallel_loop3A_387 = arith.constant 48 : index
        %parallel_loop3A_388 = tpu.vector_load %arg10[%parallel_loop3A_386, %parallel_loop3A_387] {strides = array<i32>} : memref<128x64xi32, #tpu.memory_space<vmem>>, vector<16xi32>,
        %parallel_loop3A_389 = vector.bitcast %parallel_loop3A_388 : vector<16xi32> to vector<32xbf16>
        %parallel_loop3A_390 = arith.mulf %parallel_loop3A_385, %parallel_loop3A_389 : vector<32xbf16>
        %parallel_loop3A_391 = tpu.unpack_subelements %parallel_loop3A_390, 0 {pack_format = #tpu.pack_format<interleaved>} : vector<32xbf16> -> vector<16xf32>
        %parallel_loop3A_392 = tpu.unpack_subelements %parallel_loop3A_390, 1 {pack_format = #tpu.pack_format<interleaved>} : vector<32xbf16> -> vector<16xf32>
        %parallel_loop3A_393 = arith.addf %parallel_loop3A_391, %parallel_loop3A_392 : vector<16xf32>
        %parallel_loop3A_394 = arith.addf %parallel_loop3A_381, %parallel_loop3A_393 : vector<16xf32>
        %parallel_loop3A_395 = arith.constant true
        %parallel_loop3A_396 = vector.broadcast %parallel_loop3A_395 : i1 to vector<16xi1>
        %parallel_loop3A_397 = tpu.scan <sum>, %parallel_loop3A_394 masked %parallel_loop3A_396 : vector<16xf32>, vector<16xi1> -> vector<16xf32>
        %parallel_loop3A_398 = vector.extract %parallel_loop3A_397[15] : f32 from vector<16xf32>
        %parallel_loop3A_399 = tpu.iota {dimensions = array<i32: 0>} : vector<16xi32>
        %parallel_loop3A_400 = arith.constant 3 : i32
        %parallel_loop3A_401 = vector.broadcast %parallel_loop3A_400 : i32 to vector<16xi32>
        %parallel_loop3A_402 = arith.cmpi eq, %parallel_loop3A_399, %parallel_loop3A_401 : vector<16xi32>
        %parallel_loop3A_403 = arith.extui %parallel_loop3A_402 : vector<16xi1> to vector<16xi32>
        %parallel_loop3A_404 = arith.sitofp %parallel_loop3A_403 : vector<16xi32> to vector<16xf32>
        %parallel_loop3A_405 = vector.broadcast %parallel_loop3A_398 : f32 to vector<16xf32>
        %parallel_loop3A_406 = arith.mulf %parallel_loop3A_405, %parallel_loop3A_404 : vector<16xf32>
        %parallel_loop3A_407 = arith.addf %parallel_loop3A_339, %parallel_loop3A_406 : vector<16xf32>
        %parallel_loop3A_408 = arith.constant 16 : i32
        %parallel_loop3A_409 = arith.muli %parallel_loop3A_133, %parallel_loop3A_408 : i32
        %parallel_loop3A_410 = arith.constant 4 : i32
        %parallel_loop3A_411 = arith.addi %parallel_loop3A_409, %parallel_loop3A_410 : i32
        %parallel_loop3A_412 = arith.index_cast %parallel_loop3A_411 : i32 to index
        %parallel_loop3A_413 = arith.constant 0 : index
        %parallel_loop3A_414 = tpu.vector_load %arg8[%parallel_loop3A_412, %parallel_loop3A_413] {strides = array<i32>} : memref<128x64xi32, #tpu.memory_space<vmem>>, vector<16xi32>,
        %parallel_loop3A_415 = vector.bitcast %parallel_loop3A_414 : vector<16xi32> to vector<32xbf16>
        %parallel_loop3A_416 = arith.index_cast %parallel_loop3A_411 : i32 to index
        %parallel_loop3A_417 = arith.constant 0 : index
        %parallel_loop3A_418 = tpu.vector_load %arg10[%parallel_loop3A_416, %parallel_loop3A_417] {strides = array<i32>} : memref<128x64xi32, #tpu.memory_space<vmem>>, vector<16xi32>,
        %parallel_loop3A_419 = vector.bitcast %parallel_loop3A_418 : vector<16xi32> to vector<32xbf16>
        %parallel_loop3A_420 = arith.mulf %parallel_loop3A_415, %parallel_loop3A_419 : vector<32xbf16>
        %parallel_loop3A_421 = tpu.unpack_subelements %parallel_loop3A_420, 0 {pack_format = #tpu.pack_format<interleaved>} : vector<32xbf16> -> vector<16xf32>
        %parallel_loop3A_422 = tpu.unpack_subelements %parallel_loop3A_420, 1 {pack_format = #tpu.pack_format<interleaved>} : vector<32xbf16> -> vector<16xf32>
        %parallel_loop3A_423 = arith.addf %parallel_loop3A_421, %parallel_loop3A_422 : vector<16xf32>
        %parallel_loop3A_424 = arith.index_cast %parallel_loop3A_411 : i32 to index
        %parallel_loop3A_425 = arith.constant 16 : index
        %parallel_loop3A_426 = tpu.vector_load %arg8[%parallel_loop3A_424, %parallel_loop3A_425] {strides = array<i32>} : memref<128x64xi32, #tpu.memory_space<vmem>>, vector<16xi32>,
        %parallel_loop3A_427 = vector.bitcast %parallel_loop3A_426 : vector<16xi32> to vector<32xbf16>
        %parallel_loop3A_428 = arith.index_cast %parallel_loop3A_411 : i32 to index
        %parallel_loop3A_429 = arith.constant 16 : index
        %parallel_loop3A_430 = tpu.vector_load %arg10[%parallel_loop3A_428, %parallel_loop3A_429] {strides = array<i32>} : memref<128x64xi32, #tpu.memory_space<vmem>>, vector<16xi32>,
        %parallel_loop3A_431 = vector.bitcast %parallel_loop3A_430 : vector<16xi32> to vector<32xbf16>
        %parallel_loop3A_432 = arith.mulf %parallel_loop3A_427, %parallel_loop3A_431 : vector<32xbf16>
        %parallel_loop3A_433 = tpu.unpack_subelements %parallel_loop3A_432, 0 {pack_format = #tpu.pack_format<interleaved>} : vector<32xbf16> -> vector<16xf32>
        %parallel_loop3A_434 = tpu.unpack_subelements %parallel_loop3A_432, 1 {pack_format = #tpu.pack_format<interleaved>} : vector<32xbf16> -> vector<16xf32>
        %parallel_loop3A_435 = arith.addf %parallel_loop3A_433, %parallel_loop3A_434 : vector<16xf32>
        %parallel_loop3A_436 = arith.addf %parallel_loop3A_423, %parallel_loop3A_435 : vector<16xf32>
        %parallel_loop3A_437 = arith.index_cast %parallel_loop3A_411 : i32 to index
        %parallel_loop3A_438 = arith.constant 32 : index
        %parallel_loop3A_439 = tpu.vector_load %arg8[%parallel_loop3A_437, %parallel_loop3A_438] {strides = array<i32>} : memref<128x64xi32, #tpu.memory_space<vmem>>, vector<16xi32>,
        %parallel_loop3A_440 = vector.bitcast %parallel_loop3A_439 : vector<16xi32> to vector<32xbf16>
        %parallel_loop3A_441 = arith.index_cast %parallel_loop3A_411 : i32 to index
        %parallel_loop3A_442 = arith.constant 32 : index
        %parallel_loop3A_443 = tpu.vector_load %arg10[%parallel_loop3A_441, %parallel_loop3A_442] {strides = array<i32>} : memref<128x64xi32, #tpu.memory_space<vmem>>, vector<16xi32>,
        %parallel_loop3A_444 = vector.bitcast %parallel_loop3A_443 : vector<16xi32> to vector<32xbf16>
        %parallel_loop3A_445 = arith.mulf %parallel_loop3A_440, %parallel_loop3A_444 : vector<32xbf16>
        %parallel_loop3A_446 = tpu.unpack_subelements %parallel_loop3A_445, 0 {pack_format = #tpu.pack_format<interleaved>} : vector<32xbf16> -> vector<16xf32>
        %parallel_loop3A_447 = tpu.unpack_subelements %parallel_loop3A_445, 1 {pack_format = #tpu.pack_format<interleaved>} : vector<32xbf16> -> vector<16xf32>
        %parallel_loop3A_448 = arith.addf %parallel_loop3A_446, %parallel_loop3A_447 : vector<16xf32>
        %parallel_loop3A_449 = arith.addf %parallel_loop3A_436, %parallel_loop3A_448 : vector<16xf32>
        %parallel_loop3A_450 = arith.index_cast %parallel_loop3A_411 : i32 to index
        %parallel_loop3A_451 = arith.constant 48 : index
        %parallel_loop3A_452 = tpu.vector_load %arg8[%parallel_loop3A_450, %parallel_loop3A_451] {strides = array<i32>} : memref<128x64xi32, #tpu.memory_space<vmem>>, vector<16xi32>,
        %parallel_loop3A_453 = vector.bitcast %parallel_loop3A_452 : vector<16xi32> to vector<32xbf16>
        %parallel_loop3A_454 = arith.index_cast %parallel_loop3A_411 : i32 to index
        %parallel_loop3A_455 = arith.constant 48 : index
        %parallel_loop3A_456 = tpu.vector_load %arg10[%parallel_loop3A_454, %parallel_loop3A_455] {strides = array<i32>} : memref<128x64xi32, #tpu.memory_space<vmem>>, vector<16xi32>,
        %parallel_loop3A_457 = vector.bitcast %parallel_loop3A_456 : vector<16xi32> to vector<32xbf16>
        %parallel_loop3A_458 = arith.mulf %parallel_loop3A_453, %parallel_loop3A_457 : vector<32xbf16>
        %parallel_loop3A_459 = tpu.unpack_subelements %parallel_loop3A_458, 0 {pack_format = #tpu.pack_format<interleaved>} : vector<32xbf16> -> vector<16xf32>
        %parallel_loop3A_460 = tpu.unpack_subelements %parallel_loop3A_458, 1 {pack_format = #tpu.pack_format<interleaved>} : vector<32xbf16> -> vector<16xf32>
        %parallel_loop3A_461 = arith.addf %parallel_loop3A_459, %parallel_loop3A_460 : vector<16xf32>
        %parallel_loop3A_462 = arith.addf %parallel_loop3A_449, %parallel_loop3A_461 : vector<16xf32>
        %parallel_loop3A_463 = arith.constant true
        %parallel_loop3A_464 = vector.broadcast %parallel_loop3A_463 : i1 to vector<16xi1>
        %parallel_loop3A_465 = tpu.scan <sum>, %parallel_loop3A_462 masked %parallel_loop3A_464 : vector<16xf32>, vector<16xi1> -> vector<16xf32>
        %parallel_loop3A_466 = vector.extract %parallel_loop3A_465[15] : f32 from vector<16xf32>
        %parallel_loop3A_467 = tpu.iota {dimensions = array<i32: 0>} : vector<16xi32>
        %parallel_loop3A_468 = arith.constant 4 : i32
        %parallel_loop3A_469 = vector.broadcast %parallel_loop3A_468 : i32 to vector<16xi32>
        %parallel_loop3A_470 = arith.cmpi eq, %parallel_loop3A_467, %parallel_loop3A_469 : vector<16xi32>
        %parallel_loop3A_471 = arith.extui %parallel_loop3A_470 : vector<16xi1> to vector<16xi32>
        %parallel_loop3A_472 = arith.sitofp %parallel_loop3A_471 : vector<16xi32> to vector<16xf32>
        %parallel_loop3A_473 = vector.broadcast %parallel_loop3A_466 : f32 to vector<16xf32>
        %parallel_loop3A_474 = arith.mulf %parallel_loop3A_473, %parallel_loop3A_472 : vector<16xf32>
        %parallel_loop3A_475 = arith.addf %parallel_loop3A_407, %parallel_loop3A_474 : vector<16xf32>
        %parallel_loop3A_476 = arith.constant 16 : i32
        %parallel_loop3A_477 = arith.muli %parallel_loop3A_133, %parallel_loop3A_476 : i32
        %parallel_loop3A_478 = arith.constant 5 : i32
        %parallel_loop3A_479 = arith.addi %parallel_loop3A_477, %parallel_loop3A_478 : i32
        %parallel_loop3A_480 = arith.index_cast %parallel_loop3A_479 : i32 to index
        %parallel_loop3A_481 = arith.constant 0 : index
        %parallel_loop3A_482 = tpu.vector_load %arg8[%parallel_loop3A_480, %parallel_loop3A_481] {strides = array<i32>} : memref<128x64xi32, #tpu.memory_space<vmem>>, vector<16xi32>,
        %parallel_loop3A_483 = vector.bitcast %parallel_loop3A_482 : vector<16xi32> to vector<32xbf16>
        %parallel_loop3A_484 = arith.index_cast %parallel_loop3A_479 : i32 to index
        %parallel_loop3A_485 = arith.constant 0 : index
        %parallel_loop3A_486 = tpu.vector_load %arg10[%parallel_loop3A_484, %parallel_loop3A_485] {strides = array<i32>} : memref<128x64xi32, #tpu.memory_space<vmem>>, vector<16xi32>,
        %parallel_loop3A_487 = vector.bitcast %parallel_loop3A_486 : vector<16xi32> to vector<32xbf16>
        %parallel_loop3A_488 = arith.mulf %parallel_loop3A_483, %parallel_loop3A_487 : vector<32xbf16>
        %parallel_loop3A_489 = tpu.unpack_subelements %parallel_loop3A_488, 0 {pack_format = #tpu.pack_format<interleaved>} : vector<32xbf16> -> vector<16xf32>
        %parallel_loop3A_490 = tpu.unpack_subelements %parallel_loop3A_488, 1 {pack_format = #tpu.pack_format<interleaved>} : vector<32xbf16> -> vector<16xf32>
        %parallel_loop3A_491 = arith.addf %parallel_loop3A_489, %parallel_loop3A_490 : vector<16xf32>
        %parallel_loop3A_492 = arith.index_cast %parallel_loop3A_479 : i32 to index
        %parallel_loop3A_493 = arith.constant 16 : index
        %parallel_loop3A_494 = tpu.vector_load %arg8[%parallel_loop3A_492, %parallel_loop3A_493] {strides = array<i32>} : memref<128x64xi32, #tpu.memory_space<vmem>>, vector<16xi32>,
        %parallel_loop3A_495 = vector.bitcast %parallel_loop3A_494 : vector<16xi32> to vector<32xbf16>
        %parallel_loop3A_496 = arith.index_cast %parallel_loop3A_479 : i32 to index
        %parallel_loop3A_497 = arith.constant 16 : index
        %parallel_loop3A_498 = tpu.vector_load %arg10[%parallel_loop3A_496, %parallel_loop3A_497] {strides = array<i32>} : memref<128x64xi32, #tpu.memory_space<vmem>>, vector<16xi32>,
        %parallel_loop3A_499 = vector.bitcast %parallel_loop3A_498 : vector<16xi32> to vector<32xbf16>
        %parallel_loop3A_500 = arith.mulf %parallel_loop3A_495, %parallel_loop3A_499 : vector<32xbf16>
        %parallel_loop3A_501 = tpu.unpack_subelements %parallel_loop3A_500, 0 {pack_format = #tpu.pack_format<interleaved>} : vector<32xbf16> -> vector<16xf32>
        %parallel_loop3A_502 = tpu.unpack_subelements %parallel_loop3A_500, 1 {pack_format = #tpu.pack_format<interleaved>} : vector<32xbf16> -> vector<16xf32>
        %parallel_loop3A_503 = arith.addf %parallel_loop3A_501, %parallel_loop3A_502 : vector<16xf32>
        %parallel_loop3A_504 = arith.addf %parallel_loop3A_491, %parallel_loop3A_503 : vector<16xf32>
        %parallel_loop3A_505 = arith.index_cast %parallel_loop3A_479 : i32 to index
        %parallel_loop3A_506 = arith.constant 32 : index
        %parallel_loop3A_507 = tpu.vector_load %arg8[%parallel_loop3A_505, %parallel_loop3A_506] {strides = array<i32>} : memref<128x64xi32, #tpu.memory_space<vmem>>, vector<16xi32>,
        %parallel_loop3A_508 = vector.bitcast %parallel_loop3A_507 : vector<16xi32> to vector<32xbf16>
        %parallel_loop3A_509 = arith.index_cast %parallel_loop3A_479 : i32 to index
        %parallel_loop3A_510 = arith.constant 32 : index
        %parallel_loop3A_511 = tpu.vector_load %arg10[%parallel_loop3A_509, %parallel_loop3A_510] {strides = array<i32>} : memref<128x64xi32, #tpu.memory_space<vmem>>, vector<16xi32>,
        %parallel_loop3A_512 = vector.bitcast %parallel_loop3A_511 : vector<16xi32> to vector<32xbf16>
        %parallel_loop3A_513 = arith.mulf %parallel_loop3A_508, %parallel_loop3A_512 : vector<32xbf16>
        %parallel_loop3A_514 = tpu.unpack_subelements %parallel_loop3A_513, 0 {pack_format = #tpu.pack_format<interleaved>} : vector<32xbf16> -> vector<16xf32>
        %parallel_loop3A_515 = tpu.unpack_subelements %parallel_loop3A_513, 1 {pack_format = #tpu.pack_format<interleaved>} : vector<32xbf16> -> vector<16xf32>
        %parallel_loop3A_516 = arith.addf %parallel_loop3A_514, %parallel_loop3A_515 : vector<16xf32>
        %parallel_loop3A_517 = arith.addf %parallel_loop3A_504, %parallel_loop3A_516 : vector<16xf32>
        %parallel_loop3A_518 = arith.index_cast %parallel_loop3A_479 : i32 to index
        %parallel_loop3A_519 = arith.constant 48 : index
        %parallel_loop3A_520 = tpu.vector_load %arg8[%parallel_loop3A_518, %parallel_loop3A_519] {strides = array<i32>} : memref<128x64xi32, #tpu.memory_space<vmem>>, vector<16xi32>,
        %parallel_loop3A_521 = vector.bitcast %parallel_loop3A_520 : vector<16xi32> to vector<32xbf16>
        %parallel_loop3A_522 = arith.index_cast %parallel_loop3A_479 : i32 to index
        %parallel_loop3A_523 = arith.constant 48 : index
        %parallel_loop3A_524 = tpu.vector_load %arg10[%parallel_loop3A_522, %parallel_loop3A_523] {strides = array<i32>} : memref<128x64xi32, #tpu.memory_space<vmem>>, vector<16xi32>,
        %parallel_loop3A_525 = vector.bitcast %parallel_loop3A_524 : vector<16xi32> to vector<32xbf16>
        %parallel_loop3A_526 = arith.mulf %parallel_loop3A_521, %parallel_loop3A_525 : vector<32xbf16>
        %parallel_loop3A_527 = tpu.unpack_subelements %parallel_loop3A_526, 0 {pack_format = #tpu.pack_format<interleaved>} : vector<32xbf16> -> vector<16xf32>
        %parallel_loop3A_528 = tpu.unpack_subelements %parallel_loop3A_526, 1 {pack_format = #tpu.pack_format<interleaved>} : vector<32xbf16> -> vector<16xf32>
        %parallel_loop3A_529 = arith.addf %parallel_loop3A_527, %parallel_loop3A_528 : vector<16xf32>
        %parallel_loop3A_530 = arith.addf %parallel_loop3A_517, %parallel_loop3A_529 : vector<16xf32>
        %parallel_loop3A_531 = arith.constant true
        %parallel_loop3A_532 = vector.broadcast %parallel_loop3A_531 : i1 to vector<16xi1>
        %parallel_loop3A_533 = tpu.scan <sum>, %parallel_loop3A_530 masked %parallel_loop3A_532 : vector<16xf32>, vector<16xi1> -> vector<16xf32>
        %parallel_loop3A_534 = vector.extract %parallel_loop3A_533[15] : f32 from vector<16xf32>
        %parallel_loop3A_535 = tpu.iota {dimensions = array<i32: 0>} : vector<16xi32>
        %parallel_loop3A_536 = arith.constant 5 : i32
        %parallel_loop3A_537 = vector.broadcast %parallel_loop3A_536 : i32 to vector<16xi32>
        %parallel_loop3A_538 = arith.cmpi eq, %parallel_loop3A_535, %parallel_loop3A_537 : vector<16xi32>
        %parallel_loop3A_539 = arith.extui %parallel_loop3A_538 : vector<16xi1> to vector<16xi32>
        %parallel_loop3A_540 = arith.sitofp %parallel_loop3A_539 : vector<16xi32> to vector<16xf32>
        %parallel_loop3A_541 = vector.broadcast %parallel_loop3A_534 : f32 to vector<16xf32>
        %parallel_loop3A_542 = arith.mulf %parallel_loop3A_541, %parallel_loop3A_540 : vector<16xf32>
        %parallel_loop3A_543 = arith.addf %parallel_loop3A_475, %parallel_loop3A_542 : vector<16xf32>
        %parallel_loop3A_544 = arith.constant 16 : i32
        %parallel_loop3A_545 = arith.muli %parallel_loop3A_133, %parallel_loop3A_544 : i32
        %parallel_loop3A_546 = arith.constant 6 : i32
        %parallel_loop3A_547 = arith.addi %parallel_loop3A_545, %parallel_loop3A_546 : i32
        %parallel_loop3A_548 = arith.index_cast %parallel_loop3A_547 : i32 to index
        %parallel_loop3A_549 = arith.constant 0 : index
        %parallel_loop3A_550 = tpu.vector_load %arg8[%parallel_loop3A_548, %parallel_loop3A_549] {strides = array<i32>} : memref<128x64xi32, #tpu.memory_space<vmem>>, vector<16xi32>,
        %parallel_loop3A_551 = vector.bitcast %parallel_loop3A_550 : vector<16xi32> to vector<32xbf16>
        %parallel_loop3A_552 = arith.index_cast %parallel_loop3A_547 : i32 to index
        %parallel_loop3A_553 = arith.constant 0 : index
        %parallel_loop3A_554 = tpu.vector_load %arg10[%parallel_loop3A_552, %parallel_loop3A_553] {strides = array<i32>} : memref<128x64xi32, #tpu.memory_space<vmem>>, vector<16xi32>,
        %parallel_loop3A_555 = vector.bitcast %parallel_loop3A_554 : vector<16xi32> to vector<32xbf16>
        %parallel_loop3A_556 = arith.mulf %parallel_loop3A_551, %parallel_loop3A_555 : vector<32xbf16>
        %parallel_loop3A_557 = tpu.unpack_subelements %parallel_loop3A_556, 0 {pack_format = #tpu.pack_format<interleaved>} : vector<32xbf16> -> vector<16xf32>
        %parallel_loop3A_558 = tpu.unpack_subelements %parallel_loop3A_556, 1 {pack_format = #tpu.pack_format<interleaved>} : vector<32xbf16> -> vector<16xf32>
        %parallel_loop3A_559 = arith.addf %parallel_loop3A_557, %parallel_loop3A_558 : vector<16xf32>
        %parallel_loop3A_560 = arith.index_cast %parallel_loop3A_547 : i32 to index
        %parallel_loop3A_561 = arith.constant 16 : index
        %parallel_loop3A_562 = tpu.vector_load %arg8[%parallel_loop3A_560, %parallel_loop3A_561] {strides = array<i32>} : memref<128x64xi32, #tpu.memory_space<vmem>>, vector<16xi32>,
        %parallel_loop3A_563 = vector.bitcast %parallel_loop3A_562 : vector<16xi32> to vector<32xbf16>
        %parallel_loop3A_564 = arith.index_cast %parallel_loop3A_547 : i32 to index
        %parallel_loop3A_565 = arith.constant 16 : index
        %parallel_loop3A_566 = tpu.vector_load %arg10[%parallel_loop3A_564, %parallel_loop3A_565] {strides = array<i32>} : memref<128x64xi32, #tpu.memory_space<vmem>>, vector<16xi32>,
        %parallel_loop3A_567 = vector.bitcast %parallel_loop3A_566 : vector<16xi32> to vector<32xbf16>
        %parallel_loop3A_568 = arith.mulf %parallel_loop3A_563, %parallel_loop3A_567 : vector<32xbf16>
        %parallel_loop3A_569 = tpu.unpack_subelements %parallel_loop3A_568, 0 {pack_format = #tpu.pack_format<interleaved>} : vector<32xbf16> -> vector<16xf32>
        %parallel_loop3A_570 = tpu.unpack_subelements %parallel_loop3A_568, 1 {pack_format = #tpu.pack_format<interleaved>} : vector<32xbf16> -> vector<16xf32>
        %parallel_loop3A_571 = arith.addf %parallel_loop3A_569, %parallel_loop3A_570 : vector<16xf32>
        %parallel_loop3A_572 = arith.addf %parallel_loop3A_559, %parallel_loop3A_571 : vector<16xf32>
        %parallel_loop3A_573 = arith.index_cast %parallel_loop3A_547 : i32 to index
        %parallel_loop3A_574 = arith.constant 32 : index
        %parallel_loop3A_575 = tpu.vector_load %arg8[%parallel_loop3A_573, %parallel_loop3A_574] {strides = array<i32>} : memref<128x64xi32, #tpu.memory_space<vmem>>, vector<16xi32>,
        %parallel_loop3A_576 = vector.bitcast %parallel_loop3A_575 : vector<16xi32> to vector<32xbf16>
        %parallel_loop3A_577 = arith.index_cast %parallel_loop3A_547 : i32 to index
        %parallel_loop3A_578 = arith.constant 32 : index
        %parallel_loop3A_579 = tpu.vector_load %arg10[%parallel_loop3A_577, %parallel_loop3A_578] {strides = array<i32>} : memref<128x64xi32, #tpu.memory_space<vmem>>, vector<16xi32>,
        %parallel_loop3A_580 = vector.bitcast %parallel_loop3A_579 : vector<16xi32> to vector<32xbf16>
        %parallel_loop3A_581 = arith.mulf %parallel_loop3A_576, %parallel_loop3A_580 : vector<32xbf16>
        %parallel_loop3A_582 = tpu.unpack_subelements %parallel_loop3A_581, 0 {pack_format = #tpu.pack_format<interleaved>} : vector<32xbf16> -> vector<16xf32>
        %parallel_loop3A_583 = tpu.unpack_subelements %parallel_loop3A_581, 1 {pack_format = #tpu.pack_format<interleaved>} : vector<32xbf16> -> vector<16xf32>
        %parallel_loop3A_584 = arith.addf %parallel_loop3A_582, %parallel_loop3A_583 : vector<16xf32>
        %parallel_loop3A_585 = arith.addf %parallel_loop3A_572, %parallel_loop3A_584 : vector<16xf32>
        %parallel_loop3A_586 = arith.index_cast %parallel_loop3A_547 : i32 to index
        %parallel_loop3A_587 = arith.constant 48 : index
        %parallel_loop3A_588 = tpu.vector_load %arg8[%parallel_loop3A_586, %parallel_loop3A_587] {strides = array<i32>} : memref<128x64xi32, #tpu.memory_space<vmem>>, vector<16xi32>,
        %parallel_loop3A_589 = vector.bitcast %parallel_loop3A_588 : vector<16xi32> to vector<32xbf16>
        %parallel_loop3A_590 = arith.index_cast %parallel_loop3A_547 : i32 to index
        %parallel_loop3A_591 = arith.constant 48 : index
        %parallel_loop3A_592 = tpu.vector_load %arg10[%parallel_loop3A_590, %parallel_loop3A_591] {strides = array<i32>} : memref<128x64xi32, #tpu.memory_space<vmem>>, vector<16xi32>,
        %parallel_loop3A_593 = vector.bitcast %parallel_loop3A_592 : vector<16xi32> to vector<32xbf16>
        %parallel_loop3A_594 = arith.mulf %parallel_loop3A_589, %parallel_loop3A_593 : vector<32xbf16>
        %parallel_loop3A_595 = tpu.unpack_subelements %parallel_loop3A_594, 0 {pack_format = #tpu.pack_format<interleaved>} : vector<32xbf16> -> vector<16xf32>
        %parallel_loop3A_596 = tpu.unpack_subelements %parallel_loop3A_594, 1 {pack_format = #tpu.pack_format<interleaved>} : vector<32xbf16> -> vector<16xf32>
        %parallel_loop3A_597 = arith.addf %parallel_loop3A_595, %parallel_loop3A_596 : vector<16xf32>
        %parallel_loop3A_598 = arith.addf %parallel_loop3A_585, %parallel_loop3A_597 : vector<16xf32>
        %parallel_loop3A_599 = arith.constant true
        %parallel_loop3A_600 = vector.broadcast %parallel_loop3A_599 : i1 to vector<16xi1>
        %parallel_loop3A_601 = tpu.scan <sum>, %parallel_loop3A_598 masked %parallel_loop3A_600 : vector<16xf32>, vector<16xi1> -> vector<16xf32>
        %parallel_loop3A_602 = vector.extract %parallel_loop3A_601[15] : f32 from vector<16xf32>
        %parallel_loop3A_603 = tpu.iota {dimensions = array<i32: 0>} : vector<16xi32>
        %parallel_loop3A_604 = arith.constant 6 : i32
        %parallel_loop3A_605 = vector.broadcast %parallel_loop3A_604 : i32 to vector<16xi32>
        %parallel_loop3A_606 = arith.cmpi eq, %parallel_loop3A_603, %parallel_loop3A_605 : vector<16xi32>
        %parallel_loop3A_607 = arith.extui %parallel_loop3A_606 : vector<16xi1> to vector<16xi32>
        %parallel_loop3A_608 = arith.sitofp %parallel_loop3A_607 : vector<16xi32> to vector<16xf32>
        %parallel_loop3A_609 = vector.broadcast %parallel_loop3A_602 : f32 to vector<16xf32>
        %parallel_loop3A_610 = arith.mulf %parallel_loop3A_609, %parallel_loop3A_608 : vector<16xf32>
        %parallel_loop3A_611 = arith.addf %parallel_loop3A_543, %parallel_loop3A_610 : vector<16xf32>
        %parallel_loop3A_612 = arith.constant 16 : i32
        %parallel_loop3A_613 = arith.muli %parallel_loop3A_133, %parallel_loop3A_612 : i32
        %parallel_loop3A_614 = arith.constant 7 : i32
        %parallel_loop3A_615 = arith.addi %parallel_loop3A_613, %parallel_loop3A_614 : i32
        %parallel_loop3A_616 = arith.index_cast %parallel_loop3A_615 : i32 to index
        %parallel_loop3A_617 = arith.constant 0 : index
        %parallel_loop3A_618 = tpu.vector_load %arg8[%parallel_loop3A_616, %parallel_loop3A_617] {strides = array<i32>} : memref<128x64xi32, #tpu.memory_space<vmem>>, vector<16xi32>,
        %parallel_loop3A_619 = vector.bitcast %parallel_loop3A_618 : vector<16xi32> to vector<32xbf16>
        %parallel_loop3A_620 = arith.index_cast %parallel_loop3A_615 : i32 to index
        %parallel_loop3A_621 = arith.constant 0 : index
        %parallel_loop3A_622 = tpu.vector_load %arg10[%parallel_loop3A_620, %parallel_loop3A_621] {strides = array<i32>} : memref<128x64xi32, #tpu.memory_space<vmem>>, vector<16xi32>,
        %parallel_loop3A_623 = vector.bitcast %parallel_loop3A_622 : vector<16xi32> to vector<32xbf16>
        %parallel_loop3A_624 = arith.mulf %parallel_loop3A_619, %parallel_loop3A_623 : vector<32xbf16>
        %parallel_loop3A_625 = tpu.unpack_subelements %parallel_loop3A_624, 0 {pack_format = #tpu.pack_format<interleaved>} : vector<32xbf16> -> vector<16xf32>
        %parallel_loop3A_626 = tpu.unpack_subelements %parallel_loop3A_624, 1 {pack_format = #tpu.pack_format<interleaved>} : vector<32xbf16> -> vector<16xf32>
        %parallel_loop3A_627 = arith.addf %parallel_loop3A_625, %parallel_loop3A_626 : vector<16xf32>
        %parallel_loop3A_628 = arith.index_cast %parallel_loop3A_615 : i32 to index
        %parallel_loop3A_629 = arith.constant 16 : index
        %parallel_loop3A_630 = tpu.vector_load %arg8[%parallel_loop3A_628, %parallel_loop3A_629] {strides = array<i32>} : memref<128x64xi32, #tpu.memory_space<vmem>>, vector<16xi32>,
        %parallel_loop3A_631 = vector.bitcast %parallel_loop3A_630 : vector<16xi32> to vector<32xbf16>
        %parallel_loop3A_632 = arith.index_cast %parallel_loop3A_615 : i32 to index
        %parallel_loop3A_633 = arith.constant 16 : index
        %parallel_loop3A_634 = tpu.vector_load %arg10[%parallel_loop3A_632, %parallel_loop3A_633] {strides = array<i32>} : memref<128x64xi32, #tpu.memory_space<vmem>>, vector<16xi32>,
        %parallel_loop3A_635 = vector.bitcast %parallel_loop3A_634 : vector<16xi32> to vector<32xbf16>
        %parallel_loop3A_636 = arith.mulf %parallel_loop3A_631, %parallel_loop3A_635 : vector<32xbf16>
        %parallel_loop3A_637 = tpu.unpack_subelements %parallel_loop3A_636, 0 {pack_format = #tpu.pack_format<interleaved>} : vector<32xbf16> -> vector<16xf32>
        %parallel_loop3A_638 = tpu.unpack_subelements %parallel_loop3A_636, 1 {pack_format = #tpu.pack_format<interleaved>} : vector<32xbf16> -> vector<16xf32>
        %parallel_loop3A_639 = arith.addf %parallel_loop3A_637, %parallel_loop3A_638 : vector<16xf32>
        %parallel_loop3A_640 = arith.addf %parallel_loop3A_627, %parallel_loop3A_639 : vector<16xf32>
        %parallel_loop3A_641 = arith.index_cast %parallel_loop3A_615 : i32 to index
        %parallel_loop3A_642 = arith.constant 32 : index
        %parallel_loop3A_643 = tpu.vector_load %arg8[%parallel_loop3A_641, %parallel_loop3A_642] {strides = array<i32>} : memref<128x64xi32, #tpu.memory_space<vmem>>, vector<16xi32>,
        %parallel_loop3A_644 = vector.bitcast %parallel_loop3A_643 : vector<16xi32> to vector<32xbf16>
        %parallel_loop3A_645 = arith.index_cast %parallel_loop3A_615 : i32 to index
        %parallel_loop3A_646 = arith.constant 32 : index
        %parallel_loop3A_647 = tpu.vector_load %arg10[%parallel_loop3A_645, %parallel_loop3A_646] {strides = array<i32>} : memref<128x64xi32, #tpu.memory_space<vmem>>, vector<16xi32>,
        %parallel_loop3A_648 = vector.bitcast %parallel_loop3A_647 : vector<16xi32> to vector<32xbf16>
        %parallel_loop3A_649 = arith.mulf %parallel_loop3A_644, %parallel_loop3A_648 : vector<32xbf16>
        %parallel_loop3A_650 = tpu.unpack_subelements %parallel_loop3A_649, 0 {pack_format = #tpu.pack_format<interleaved>} : vector<32xbf16> -> vector<16xf32>
        %parallel_loop3A_651 = tpu.unpack_subelements %parallel_loop3A_649, 1 {pack_format = #tpu.pack_format<interleaved>} : vector<32xbf16> -> vector<16xf32>
        %parallel_loop3A_652 = arith.addf %parallel_loop3A_650, %parallel_loop3A_651 : vector<16xf32>
        %parallel_loop3A_653 = arith.addf %parallel_loop3A_640, %parallel_loop3A_652 : vector<16xf32>
        %parallel_loop3A_654 = arith.index_cast %parallel_loop3A_615 : i32 to index
        %parallel_loop3A_655 = arith.constant 48 : index
        %parallel_loop3A_656 = tpu.vector_load %arg8[%parallel_loop3A_654, %parallel_loop3A_655] {strides = array<i32>} : memref<128x64xi32, #tpu.memory_space<vmem>>, vector<16xi32>,
        %parallel_loop3A_657 = vector.bitcast %parallel_loop3A_656 : vector<16xi32> to vector<32xbf16>
        %parallel_loop3A_658 = arith.index_cast %parallel_loop3A_615 : i32 to index
        %parallel_loop3A_659 = arith.constant 48 : index
        %parallel_loop3A_660 = tpu.vector_load %arg10[%parallel_loop3A_658, %parallel_loop3A_659] {strides = array<i32>} : memref<128x64xi32, #tpu.memory_space<vmem>>, vector<16xi32>,
        %parallel_loop3A_661 = vector.bitcast %parallel_loop3A_660 : vector<16xi32> to vector<32xbf16>
        %parallel_loop3A_662 = arith.mulf %parallel_loop3A_657, %parallel_loop3A_661 : vector<32xbf16>
        %parallel_loop3A_663 = tpu.unpack_subelements %parallel_loop3A_662, 0 {pack_format = #tpu.pack_format<interleaved>} : vector<32xbf16> -> vector<16xf32>
        %parallel_loop3A_664 = tpu.unpack_subelements %parallel_loop3A_662, 1 {pack_format = #tpu.pack_format<interleaved>} : vector<32xbf16> -> vector<16xf32>
        %parallel_loop3A_665 = arith.addf %parallel_loop3A_663, %parallel_loop3A_664 : vector<16xf32>
        %parallel_loop3A_666 = arith.addf %parallel_loop3A_653, %parallel_loop3A_665 : vector<16xf32>
        %parallel_loop3A_667 = arith.constant true
        %parallel_loop3A_668 = vector.broadcast %parallel_loop3A_667 : i1 to vector<16xi1>
        %parallel_loop3A_669 = tpu.scan <sum>, %parallel_loop3A_666 masked %parallel_loop3A_668 : vector<16xf32>, vector<16xi1> -> vector<16xf32>
        %parallel_loop3A_670 = vector.extract %parallel_loop3A_669[15] : f32 from vector<16xf32>
        %parallel_loop3A_671 = tpu.iota {dimensions = array<i32: 0>} : vector<16xi32>
        %parallel_loop3A_672 = arith.constant 7 : i32
        %parallel_loop3A_673 = vector.broadcast %parallel_loop3A_672 : i32 to vector<16xi32>
        %parallel_loop3A_674 = arith.cmpi eq, %parallel_loop3A_671, %parallel_loop3A_673 : vector<16xi32>
        %parallel_loop3A_675 = arith.extui %parallel_loop3A_674 : vector<16xi1> to vector<16xi32>
        %parallel_loop3A_676 = arith.sitofp %parallel_loop3A_675 : vector<16xi32> to vector<16xf32>
        %parallel_loop3A_677 = vector.broadcast %parallel_loop3A_670 : f32 to vector<16xf32>
        %parallel_loop3A_678 = arith.mulf %parallel_loop3A_677, %parallel_loop3A_676 : vector<16xf32>
        %parallel_loop3A_679 = arith.addf %parallel_loop3A_611, %parallel_loop3A_678 : vector<16xf32>
        %parallel_loop3A_680 = arith.constant 16 : i32
        %parallel_loop3A_681 = arith.muli %parallel_loop3A_133, %parallel_loop3A_680 : i32
        %parallel_loop3A_682 = arith.constant 8 : i32
        %parallel_loop3A_683 = arith.addi %parallel_loop3A_681, %parallel_loop3A_682 : i32
        %parallel_loop3A_684 = arith.index_cast %parallel_loop3A_683 : i32 to index
        %parallel_loop3A_685 = arith.constant 0 : index
        %parallel_loop3A_686 = tpu.vector_load %arg8[%parallel_loop3A_684, %parallel_loop3A_685] {strides = array<i32>} : memref<128x64xi32, #tpu.memory_space<vmem>>, vector<16xi32>,
        %parallel_loop3A_687 = vector.bitcast %parallel_loop3A_686 : vector<16xi32> to vector<32xbf16>
        %parallel_loop3A_688 = arith.index_cast %parallel_loop3A_683 : i32 to index
        %parallel_loop3A_689 = arith.constant 0 : index
        %parallel_loop3A_690 = tpu.vector_load %arg10[%parallel_loop3A_688, %parallel_loop3A_689] {strides = array<i32>} : memref<128x64xi32, #tpu.memory_space<vmem>>, vector<16xi32>,
        %parallel_loop3A_691 = vector.bitcast %parallel_loop3A_690 : vector<16xi32> to vector<32xbf16>
        %parallel_loop3A_692 = arith.mulf %parallel_loop3A_687, %parallel_loop3A_691 : vector<32xbf16>
        %parallel_loop3A_693 = tpu.unpack_subelements %parallel_loop3A_692, 0 {pack_format = #tpu.pack_format<interleaved>} : vector<32xbf16> -> vector<16xf32>
        %parallel_loop3A_694 = tpu.unpack_subelements %parallel_loop3A_692, 1 {pack_format = #tpu.pack_format<interleaved>} : vector<32xbf16> -> vector<16xf32>
        %parallel_loop3A_695 = arith.addf %parallel_loop3A_693, %parallel_loop3A_694 : vector<16xf32>
        %parallel_loop3A_696 = arith.index_cast %parallel_loop3A_683 : i32 to index
        %parallel_loop3A_697 = arith.constant 16 : index
        %parallel_loop3A_698 = tpu.vector_load %arg8[%parallel_loop3A_696, %parallel_loop3A_697] {strides = array<i32>} : memref<128x64xi32, #tpu.memory_space<vmem>>, vector<16xi32>,
        %parallel_loop3A_699 = vector.bitcast %parallel_loop3A_698 : vector<16xi32> to vector<32xbf16>
        %parallel_loop3A_700 = arith.index_cast %parallel_loop3A_683 : i32 to index
        %parallel_loop3A_701 = arith.constant 16 : index
        %parallel_loop3A_702 = tpu.vector_load %arg10[%parallel_loop3A_700, %parallel_loop3A_701] {strides = array<i32>} : memref<128x64xi32, #tpu.memory_space<vmem>>, vector<16xi32>,
        %parallel_loop3A_703 = vector.bitcast %parallel_loop3A_702 : vector<16xi32> to vector<32xbf16>
        %parallel_loop3A_704 = arith.mulf %parallel_loop3A_699, %parallel_loop3A_703 : vector<32xbf16>
        %parallel_loop3A_705 = tpu.unpack_subelements %parallel_loop3A_704, 0 {pack_format = #tpu.pack_format<interleaved>} : vector<32xbf16> -> vector<16xf32>
        %parallel_loop3A_706 = tpu.unpack_subelements %parallel_loop3A_704, 1 {pack_format = #tpu.pack_format<interleaved>} : vector<32xbf16> -> vector<16xf32>
        %parallel_loop3A_707 = arith.addf %parallel_loop3A_705, %parallel_loop3A_706 : vector<16xf32>
        %parallel_loop3A_708 = arith.addf %parallel_loop3A_695, %parallel_loop3A_707 : vector<16xf32>
        %parallel_loop3A_709 = arith.index_cast %parallel_loop3A_683 : i32 to index
        %parallel_loop3A_710 = arith.constant 32 : index
        %parallel_loop3A_711 = tpu.vector_load %arg8[%parallel_loop3A_709, %parallel_loop3A_710] {strides = array<i32>} : memref<128x64xi32, #tpu.memory_space<vmem>>, vector<16xi32>,
        %parallel_loop3A_712 = vector.bitcast %parallel_loop3A_711 : vector<16xi32> to vector<32xbf16>
        %parallel_loop3A_713 = arith.index_cast %parallel_loop3A_683 : i32 to index
        %parallel_loop3A_714 = arith.constant 32 : index
        %parallel_loop3A_715 = tpu.vector_load %arg10[%parallel_loop3A_713, %parallel_loop3A_714] {strides = array<i32>} : memref<128x64xi32, #tpu.memory_space<vmem>>, vector<16xi32>,
        %parallel_loop3A_716 = vector.bitcast %parallel_loop3A_715 : vector<16xi32> to vector<32xbf16>
        %parallel_loop3A_717 = arith.mulf %parallel_loop3A_712, %parallel_loop3A_716 : vector<32xbf16>
        %parallel_loop3A_718 = tpu.unpack_subelements %parallel_loop3A_717, 0 {pack_format = #tpu.pack_format<interleaved>} : vector<32xbf16> -> vector<16xf32>
        %parallel_loop3A_719 = tpu.unpack_subelements %parallel_loop3A_717, 1 {pack_format = #tpu.pack_format<interleaved>} : vector<32xbf16> -> vector<16xf32>
        %parallel_loop3A_720 = arith.addf %parallel_loop3A_718, %parallel_loop3A_719 : vector<16xf32>
        %parallel_loop3A_721 = arith.addf %parallel_loop3A_708, %parallel_loop3A_720 : vector<16xf32>
        %parallel_loop3A_722 = arith.index_cast %parallel_loop3A_683 : i32 to index
        %parallel_loop3A_723 = arith.constant 48 : index
        %parallel_loop3A_724 = tpu.vector_load %arg8[%parallel_loop3A_722, %parallel_loop3A_723] {strides = array<i32>} : memref<128x64xi32, #tpu.memory_space<vmem>>, vector<16xi32>,
        %parallel_loop3A_725 = vector.bitcast %parallel_loop3A_724 : vector<16xi32> to vector<32xbf16>
        %parallel_loop3A_726 = arith.index_cast %parallel_loop3A_683 : i32 to index
        %parallel_loop3A_727 = arith.constant 48 : index
        %parallel_loop3A_728 = tpu.vector_load %arg10[%parallel_loop3A_726, %parallel_loop3A_727] {strides = array<i32>} : memref<128x64xi32, #tpu.memory_space<vmem>>, vector<16xi32>,
        %parallel_loop3A_729 = vector.bitcast %parallel_loop3A_728 : vector<16xi32> to vector<32xbf16>
        %parallel_loop3A_730 = arith.mulf %parallel_loop3A_725, %parallel_loop3A_729 : vector<32xbf16>
        %parallel_loop3A_731 = tpu.unpack_subelements %parallel_loop3A_730, 0 {pack_format = #tpu.pack_format<interleaved>} : vector<32xbf16> -> vector<16xf32>
        %parallel_loop3A_732 = tpu.unpack_subelements %parallel_loop3A_730, 1 {pack_format = #tpu.pack_format<interleaved>} : vector<32xbf16> -> vector<16xf32>
        %parallel_loop3A_733 = arith.addf %parallel_loop3A_731, %parallel_loop3A_732 : vector<16xf32>
        %parallel_loop3A_734 = arith.addf %parallel_loop3A_721, %parallel_loop3A_733 : vector<16xf32>
        %parallel_loop3A_735 = arith.constant true
        %parallel_loop3A_736 = vector.broadcast %parallel_loop3A_735 : i1 to vector<16xi1>
        %parallel_loop3A_737 = tpu.scan <sum>, %parallel_loop3A_734 masked %parallel_loop3A_736 : vector<16xf32>, vector<16xi1> -> vector<16xf32>
        %parallel_loop3A_738 = vector.extract %parallel_loop3A_737[15] : f32 from vector<16xf32>
        %parallel_loop3A_739 = tpu.iota {dimensions = array<i32: 0>} : vector<16xi32>
        %parallel_loop3A_740 = arith.constant 8 : i32
        %parallel_loop3A_741 = vector.broadcast %parallel_loop3A_740 : i32 to vector<16xi32>
        %parallel_loop3A_742 = arith.cmpi eq, %parallel_loop3A_739, %parallel_loop3A_741 : vector<16xi32>
        %parallel_loop3A_743 = arith.extui %parallel_loop3A_742 : vector<16xi1> to vector<16xi32>
        %parallel_loop3A_744 = arith.sitofp %parallel_loop3A_743 : vector<16xi32> to vector<16xf32>
        %parallel_loop3A_745 = vector.broadcast %parallel_loop3A_738 : f32 to vector<16xf32>
        %parallel_loop3A_746 = arith.mulf %parallel_loop3A_745, %parallel_loop3A_744 : vector<16xf32>
        %parallel_loop3A_747 = arith.addf %parallel_loop3A_679, %parallel_loop3A_746 : vector<16xf32>
        %parallel_loop3A_748 = arith.constant 16 : i32
        %parallel_loop3A_749 = arith.muli %parallel_loop3A_133, %parallel_loop3A_748 : i32
        %parallel_loop3A_750 = arith.constant 9 : i32
        %parallel_loop3A_751 = arith.addi %parallel_loop3A_749, %parallel_loop3A_750 : i32
        %parallel_loop3A_752 = arith.index_cast %parallel_loop3A_751 : i32 to index
        %parallel_loop3A_753 = arith.constant 0 : index
        %parallel_loop3A_754 = tpu.vector_load %arg8[%parallel_loop3A_752, %parallel_loop3A_753] {strides = array<i32>} : memref<128x64xi32, #tpu.memory_space<vmem>>, vector<16xi32>,
        %parallel_loop3A_755 = vector.bitcast %parallel_loop3A_754 : vector<16xi32> to vector<32xbf16>
        %parallel_loop3A_756 = arith.index_cast %parallel_loop3A_751 : i32 to index
        %parallel_loop3A_757 = arith.constant 0 : index
        %parallel_loop3A_758 = tpu.vector_load %arg10[%parallel_loop3A_756, %parallel_loop3A_757] {strides = array<i32>} : memref<128x64xi32, #tpu.memory_space<vmem>>, vector<16xi32>,
        %parallel_loop3A_759 = vector.bitcast %parallel_loop3A_758 : vector<16xi32> to vector<32xbf16>
        %parallel_loop3A_760 = arith.mulf %parallel_loop3A_755, %parallel_loop3A_759 : vector<32xbf16>
        %parallel_loop3A_761 = tpu.unpack_subelements %parallel_loop3A_760, 0 {pack_format = #tpu.pack_format<interleaved>} : vector<32xbf16> -> vector<16xf32>
        %parallel_loop3A_762 = tpu.unpack_subelements %parallel_loop3A_760, 1 {pack_format = #tpu.pack_format<interleaved>} : vector<32xbf16> -> vector<16xf32>
        %parallel_loop3A_763 = arith.addf %parallel_loop3A_761, %parallel_loop3A_762 : vector<16xf32>
        %parallel_loop3A_764 = arith.index_cast %parallel_loop3A_751 : i32 to index
        %parallel_loop3A_765 = arith.constant 16 : index
        %parallel_loop3A_766 = tpu.vector_load %arg8[%parallel_loop3A_764, %parallel_loop3A_765] {strides = array<i32>} : memref<128x64xi32, #tpu.memory_space<vmem>>, vector<16xi32>,
        %parallel_loop3A_767 = vector.bitcast %parallel_loop3A_766 : vector<16xi32> to vector<32xbf16>
        %parallel_loop3A_768 = arith.index_cast %parallel_loop3A_751 : i32 to index
        %parallel_loop3A_769 = arith.constant 16 : index
        %parallel_loop3A_770 = tpu.vector_load %arg10[%parallel_loop3A_768, %parallel_loop3A_769] {strides = array<i32>} : memref<128x64xi32, #tpu.memory_space<vmem>>, vector<16xi32>,
        %parallel_loop3A_771 = vector.bitcast %parallel_loop3A_770 : vector<16xi32> to vector<32xbf16>
        %parallel_loop3A_772 = arith.mulf %parallel_loop3A_767, %parallel_loop3A_771 : vector<32xbf16>
        %parallel_loop3A_773 = tpu.unpack_subelements %parallel_loop3A_772, 0 {pack_format = #tpu.pack_format<interleaved>} : vector<32xbf16> -> vector<16xf32>
        %parallel_loop3A_774 = tpu.unpack_subelements %parallel_loop3A_772, 1 {pack_format = #tpu.pack_format<interleaved>} : vector<32xbf16> -> vector<16xf32>
        %parallel_loop3A_775 = arith.addf %parallel_loop3A_773, %parallel_loop3A_774 : vector<16xf32>
        %parallel_loop3A_776 = arith.addf %parallel_loop3A_763, %parallel_loop3A_775 : vector<16xf32>
        %parallel_loop3A_777 = arith.index_cast %parallel_loop3A_751 : i32 to index
        %parallel_loop3A_778 = arith.constant 32 : index
        %parallel_loop3A_779 = tpu.vector_load %arg8[%parallel_loop3A_777, %parallel_loop3A_778] {strides = array<i32>} : memref<128x64xi32, #tpu.memory_space<vmem>>, vector<16xi32>,
        %parallel_loop3A_780 = vector.bitcast %parallel_loop3A_779 : vector<16xi32> to vector<32xbf16>
        %parallel_loop3A_781 = arith.index_cast %parallel_loop3A_751 : i32 to index
        %parallel_loop3A_782 = arith.constant 32 : index
        %parallel_loop3A_783 = tpu.vector_load %arg10[%parallel_loop3A_781, %parallel_loop3A_782] {strides = array<i32>} : memref<128x64xi32, #tpu.memory_space<vmem>>, vector<16xi32>,
        %parallel_loop3A_784 = vector.bitcast %parallel_loop3A_783 : vector<16xi32> to vector<32xbf16>
        %parallel_loop3A_785 = arith.mulf %parallel_loop3A_780, %parallel_loop3A_784 : vector<32xbf16>
        %parallel_loop3A_786 = tpu.unpack_subelements %parallel_loop3A_785, 0 {pack_format = #tpu.pack_format<interleaved>} : vector<32xbf16> -> vector<16xf32>
        %parallel_loop3A_787 = tpu.unpack_subelements %parallel_loop3A_785, 1 {pack_format = #tpu.pack_format<interleaved>} : vector<32xbf16> -> vector<16xf32>
        %parallel_loop3A_788 = arith.addf %parallel_loop3A_786, %parallel_loop3A_787 : vector<16xf32>
        %parallel_loop3A_789 = arith.addf %parallel_loop3A_776, %parallel_loop3A_788 : vector<16xf32>
        %parallel_loop3A_790 = arith.index_cast %parallel_loop3A_751 : i32 to index
        %parallel_loop3A_791 = arith.constant 48 : index
        %parallel_loop3A_792 = tpu.vector_load %arg8[%parallel_loop3A_790, %parallel_loop3A_791] {strides = array<i32>} : memref<128x64xi32, #tpu.memory_space<vmem>>, vector<16xi32>,
        %parallel_loop3A_793 = vector.bitcast %parallel_loop3A_792 : vector<16xi32> to vector<32xbf16>
        %parallel_loop3A_794 = arith.index_cast %parallel_loop3A_751 : i32 to index
        %parallel_loop3A_795 = arith.constant 48 : index
        %parallel_loop3A_796 = tpu.vector_load %arg10[%parallel_loop3A_794, %parallel_loop3A_795] {strides = array<i32>} : memref<128x64xi32, #tpu.memory_space<vmem>>, vector<16xi32>,
        %parallel_loop3A_797 = vector.bitcast %parallel_loop3A_796 : vector<16xi32> to vector<32xbf16>
        %parallel_loop3A_798 = arith.mulf %parallel_loop3A_793, %parallel_loop3A_797 : vector<32xbf16>
        %parallel_loop3A_799 = tpu.unpack_subelements %parallel_loop3A_798, 0 {pack_format = #tpu.pack_format<interleaved>} : vector<32xbf16> -> vector<16xf32>
        %parallel_loop3A_800 = tpu.unpack_subelements %parallel_loop3A_798, 1 {pack_format = #tpu.pack_format<interleaved>} : vector<32xbf16> -> vector<16xf32>
        %parallel_loop3A_801 = arith.addf %parallel_loop3A_799, %parallel_loop3A_800 : vector<16xf32>
        %parallel_loop3A_802 = arith.addf %parallel_loop3A_789, %parallel_loop3A_801 : vector<16xf32>
        %parallel_loop3A_803 = arith.constant true
        %parallel_loop3A_804 = vector.broadcast %parallel_loop3A_803 : i1 to vector<16xi1>
        %parallel_loop3A_805 = tpu.scan <sum>, %parallel_loop3A_802 masked %parallel_loop3A_804 : vector<16xf32>, vector<16xi1> -> vector<16xf32>
        %parallel_loop3A_806 = vector.extract %parallel_loop3A_805[15] : f32 from vector<16xf32>
        %parallel_loop3A_807 = tpu.iota {dimensions = array<i32: 0>} : vector<16xi32>
        %parallel_loop3A_808 = arith.constant 9 : i32
        %parallel_loop3A_809 = vector.broadcast %parallel_loop3A_808 : i32 to vector<16xi32>
        %parallel_loop3A_810 = arith.cmpi eq, %parallel_loop3A_807, %parallel_loop3A_809 : vector<16xi32>
        %parallel_loop3A_811 = arith.extui %parallel_loop3A_810 : vector<16xi1> to vector<16xi32>
        %parallel_loop3A_812 = arith.sitofp %parallel_loop3A_811 : vector<16xi32> to vector<16xf32>
        %parallel_loop3A_813 = vector.broadcast %parallel_loop3A_806 : f32 to vector<16xf32>
        %parallel_loop3A_814 = arith.mulf %parallel_loop3A_813, %parallel_loop3A_812 : vector<16xf32>
        %parallel_loop3A_815 = arith.addf %parallel_loop3A_747, %parallel_loop3A_814 : vector<16xf32>
        %parallel_loop3A_816 = arith.constant 16 : i32
        %parallel_loop3A_817 = arith.muli %parallel_loop3A_133, %parallel_loop3A_816 : i32
        %parallel_loop3A_818 = arith.constant 10 : i32
        %parallel_loop3A_819 = arith.addi %parallel_loop3A_817, %parallel_loop3A_818 : i32
        %parallel_loop3A_820 = arith.index_cast %parallel_loop3A_819 : i32 to index
        %parallel_loop3A_821 = arith.constant 0 : index
        %parallel_loop3A_822 = tpu.vector_load %arg8[%parallel_loop3A_820, %parallel_loop3A_821] {strides = array<i32>} : memref<128x64xi32, #tpu.memory_space<vmem>>, vector<16xi32>,
        %parallel_loop3A_823 = vector.bitcast %parallel_loop3A_822 : vector<16xi32> to vector<32xbf16>
        %parallel_loop3A_824 = arith.index_cast %parallel_loop3A_819 : i32 to index
        %parallel_loop3A_825 = arith.constant 0 : index
        %parallel_loop3A_826 = tpu.vector_load %arg10[%parallel_loop3A_824, %parallel_loop3A_825] {strides = array<i32>} : memref<128x64xi32, #tpu.memory_space<vmem>>, vector<16xi32>,
        %parallel_loop3A_827 = vector.bitcast %parallel_loop3A_826 : vector<16xi32> to vector<32xbf16>
        %parallel_loop3A_828 = arith.mulf %parallel_loop3A_823, %parallel_loop3A_827 : vector<32xbf16>
        %parallel_loop3A_829 = tpu.unpack_subelements %parallel_loop3A_828, 0 {pack_format = #tpu.pack_format<interleaved>} : vector<32xbf16> -> vector<16xf32>
        %parallel_loop3A_830 = tpu.unpack_subelements %parallel_loop3A_828, 1 {pack_format = #tpu.pack_format<interleaved>} : vector<32xbf16> -> vector<16xf32>
        %parallel_loop3A_831 = arith.addf %parallel_loop3A_829, %parallel_loop3A_830 : vector<16xf32>
        %parallel_loop3A_832 = arith.index_cast %parallel_loop3A_819 : i32 to index
        %parallel_loop3A_833 = arith.constant 16 : index
        %parallel_loop3A_834 = tpu.vector_load %arg8[%parallel_loop3A_832, %parallel_loop3A_833] {strides = array<i32>} : memref<128x64xi32, #tpu.memory_space<vmem>>, vector<16xi32>,
        %parallel_loop3A_835 = vector.bitcast %parallel_loop3A_834 : vector<16xi32> to vector<32xbf16>
        %parallel_loop3A_836 = arith.index_cast %parallel_loop3A_819 : i32 to index
        %parallel_loop3A_837 = arith.constant 16 : index
        %parallel_loop3A_838 = tpu.vector_load %arg10[%parallel_loop3A_836, %parallel_loop3A_837] {strides = array<i32>} : memref<128x64xi32, #tpu.memory_space<vmem>>, vector<16xi32>,
        %parallel_loop3A_839 = vector.bitcast %parallel_loop3A_838 : vector<16xi32> to vector<32xbf16>
        %parallel_loop3A_840 = arith.mulf %parallel_loop3A_835, %parallel_loop3A_839 : vector<32xbf16>
        %parallel_loop3A_841 = tpu.unpack_subelements %parallel_loop3A_840, 0 {pack_format = #tpu.pack_format<interleaved>} : vector<32xbf16> -> vector<16xf32>
        %parallel_loop3A_842 = tpu.unpack_subelements %parallel_loop3A_840, 1 {pack_format = #tpu.pack_format<interleaved>} : vector<32xbf16> -> vector<16xf32>
        %parallel_loop3A_843 = arith.addf %parallel_loop3A_841, %parallel_loop3A_842 : vector<16xf32>
        %parallel_loop3A_844 = arith.addf %parallel_loop3A_831, %parallel_loop3A_843 : vector<16xf32>
        %parallel_loop3A_845 = arith.index_cast %parallel_loop3A_819 : i32 to index
        %parallel_loop3A_846 = arith.constant 32 : index
        %parallel_loop3A_847 = tpu.vector_load %arg8[%parallel_loop3A_845, %parallel_loop3A_846] {strides = array<i32>} : memref<128x64xi32, #tpu.memory_space<vmem>>, vector<16xi32>,
        %parallel_loop3A_848 = vector.bitcast %parallel_loop3A_847 : vector<16xi32> to vector<32xbf16>
        %parallel_loop3A_849 = arith.index_cast %parallel_loop3A_819 : i32 to index
        %parallel_loop3A_850 = arith.constant 32 : index
        %parallel_loop3A_851 = tpu.vector_load %arg10[%parallel_loop3A_849, %parallel_loop3A_850] {strides = array<i32>} : memref<128x64xi32, #tpu.memory_space<vmem>>, vector<16xi32>,
        %parallel_loop3A_852 = vector.bitcast %parallel_loop3A_851 : vector<16xi32> to vector<32xbf16>
        %parallel_loop3A_853 = arith.mulf %parallel_loop3A_848, %parallel_loop3A_852 : vector<32xbf16>
        %parallel_loop3A_854 = tpu.unpack_subelements %parallel_loop3A_853, 0 {pack_format = #tpu.pack_format<interleaved>} : vector<32xbf16> -> vector<16xf32>
        %parallel_loop3A_855 = tpu.unpack_subelements %parallel_loop3A_853, 1 {pack_format = #tpu.pack_format<interleaved>} : vector<32xbf16> -> vector<16xf32>
        %parallel_loop3A_856 = arith.addf %parallel_loop3A_854, %parallel_loop3A_855 : vector<16xf32>
        %parallel_loop3A_857 = arith.addf %parallel_loop3A_844, %parallel_loop3A_856 : vector<16xf32>
        %parallel_loop3A_858 = arith.index_cast %parallel_loop3A_819 : i32 to index
        %parallel_loop3A_859 = arith.constant 48 : index
        %parallel_loop3A_860 = tpu.vector_load %arg8[%parallel_loop3A_858, %parallel_loop3A_859] {strides = array<i32>} : memref<128x64xi32, #tpu.memory_space<vmem>>, vector<16xi32>,
        %parallel_loop3A_861 = vector.bitcast %parallel_loop3A_860 : vector<16xi32> to vector<32xbf16>
        %parallel_loop3A_862 = arith.index_cast %parallel_loop3A_819 : i32 to index
        %parallel_loop3A_863 = arith.constant 48 : index
        %parallel_loop3A_864 = tpu.vector_load %arg10[%parallel_loop3A_862, %parallel_loop3A_863] {strides = array<i32>} : memref<128x64xi32, #tpu.memory_space<vmem>>, vector<16xi32>,
        %parallel_loop3A_865 = vector.bitcast %parallel_loop3A_864 : vector<16xi32> to vector<32xbf16>
        %parallel_loop3A_866 = arith.mulf %parallel_loop3A_861, %parallel_loop3A_865 : vector<32xbf16>
        %parallel_loop3A_867 = tpu.unpack_subelements %parallel_loop3A_866, 0 {pack_format = #tpu.pack_format<interleaved>} : vector<32xbf16> -> vector<16xf32>
        %parallel_loop3A_868 = tpu.unpack_subelements %parallel_loop3A_866, 1 {pack_format = #tpu.pack_format<interleaved>} : vector<32xbf16> -> vector<16xf32>
        %parallel_loop3A_869 = arith.addf %parallel_loop3A_867, %parallel_loop3A_868 : vector<16xf32>
        %parallel_loop3A_870 = arith.addf %parallel_loop3A_857, %parallel_loop3A_869 : vector<16xf32>
        %parallel_loop3A_871 = arith.constant true
        %parallel_loop3A_872 = vector.broadcast %parallel_loop3A_871 : i1 to vector<16xi1>
        %parallel_loop3A_873 = tpu.scan <sum>, %parallel_loop3A_870 masked %parallel_loop3A_872 : vector<16xf32>, vector<16xi1> -> vector<16xf32>
        %parallel_loop3A_874 = vector.extract %parallel_loop3A_873[15] : f32 from vector<16xf32>
        %parallel_loop3A_875 = tpu.iota {dimensions = array<i32: 0>} : vector<16xi32>
        %parallel_loop3A_876 = arith.constant 10 : i32
        %parallel_loop3A_877 = vector.broadcast %parallel_loop3A_876 : i32 to vector<16xi32>
        %parallel_loop3A_878 = arith.cmpi eq, %parallel_loop3A_875, %parallel_loop3A_877 : vector<16xi32>
        %parallel_loop3A_879 = arith.extui %parallel_loop3A_878 : vector<16xi1> to vector<16xi32>
        %parallel_loop3A_880 = arith.sitofp %parallel_loop3A_879 : vector<16xi32> to vector<16xf32>
        %parallel_loop3A_881 = vector.broadcast %parallel_loop3A_874 : f32 to vector<16xf32>
        %parallel_loop3A_882 = arith.mulf %parallel_loop3A_881, %parallel_loop3A_880 : vector<16xf32>
        %parallel_loop3A_883 = arith.addf %parallel_loop3A_815, %parallel_loop3A_882 : vector<16xf32>
        %parallel_loop3A_884 = arith.constant 16 : i32
        %parallel_loop3A_885 = arith.muli %parallel_loop3A_133, %parallel_loop3A_884 : i32
        %parallel_loop3A_886 = arith.constant 11 : i32
        %parallel_loop3A_887 = arith.addi %parallel_loop3A_885, %parallel_loop3A_886 : i32
        %parallel_loop3A_888 = arith.index_cast %parallel_loop3A_887 : i32 to index
        %parallel_loop3A_889 = arith.constant 0 : index
        %parallel_loop3A_890 = tpu.vector_load %arg8[%parallel_loop3A_888, %parallel_loop3A_889] {strides = array<i32>} : memref<128x64xi32, #tpu.memory_space<vmem>>, vector<16xi32>,
        %parallel_loop3A_891 = vector.bitcast %parallel_loop3A_890 : vector<16xi32> to vector<32xbf16>
        %parallel_loop3A_892 = arith.index_cast %parallel_loop3A_887 : i32 to index
        %parallel_loop3A_893 = arith.constant 0 : index
        %parallel_loop3A_894 = tpu.vector_load %arg10[%parallel_loop3A_892, %parallel_loop3A_893] {strides = array<i32>} : memref<128x64xi32, #tpu.memory_space<vmem>>, vector<16xi32>,
        %parallel_loop3A_895 = vector.bitcast %parallel_loop3A_894 : vector<16xi32> to vector<32xbf16>
        %parallel_loop3A_896 = arith.mulf %parallel_loop3A_891, %parallel_loop3A_895 : vector<32xbf16>
        %parallel_loop3A_897 = tpu.unpack_subelements %parallel_loop3A_896, 0 {pack_format = #tpu.pack_format<interleaved>} : vector<32xbf16> -> vector<16xf32>
        %parallel_loop3A_898 = tpu.unpack_subelements %parallel_loop3A_896, 1 {pack_format = #tpu.pack_format<interleaved>} : vector<32xbf16> -> vector<16xf32>
        %parallel_loop3A_899 = arith.addf %parallel_loop3A_897, %parallel_loop3A_898 : vector<16xf32>
        %parallel_loop3A_900 = arith.index_cast %parallel_loop3A_887 : i32 to index
        %parallel_loop3A_901 = arith.constant 16 : index
        %parallel_loop3A_902 = tpu.vector_load %arg8[%parallel_loop3A_900, %parallel_loop3A_901] {strides = array<i32>} : memref<128x64xi32, #tpu.memory_space<vmem>>, vector<16xi32>,
        %parallel_loop3A_903 = vector.bitcast %parallel_loop3A_902 : vector<16xi32> to vector<32xbf16>
        %parallel_loop3A_904 = arith.index_cast %parallel_loop3A_887 : i32 to index
        %parallel_loop3A_905 = arith.constant 16 : index
        %parallel_loop3A_906 = tpu.vector_load %arg10[%parallel_loop3A_904, %parallel_loop3A_905] {strides = array<i32>} : memref<128x64xi32, #tpu.memory_space<vmem>>, vector<16xi32>,
        %parallel_loop3A_907 = vector.bitcast %parallel_loop3A_906 : vector<16xi32> to vector<32xbf16>
        %parallel_loop3A_908 = arith.mulf %parallel_loop3A_903, %parallel_loop3A_907 : vector<32xbf16>
        %parallel_loop3A_909 = tpu.unpack_subelements %parallel_loop3A_908, 0 {pack_format = #tpu.pack_format<interleaved>} : vector<32xbf16> -> vector<16xf32>
        %parallel_loop3A_910 = tpu.unpack_subelements %parallel_loop3A_908, 1 {pack_format = #tpu.pack_format<interleaved>} : vector<32xbf16> -> vector<16xf32>
        %parallel_loop3A_911 = arith.addf %parallel_loop3A_909, %parallel_loop3A_910 : vector<16xf32>
        %parallel_loop3A_912 = arith.addf %parallel_loop3A_899, %parallel_loop3A_911 : vector<16xf32>
        %parallel_loop3A_913 = arith.index_cast %parallel_loop3A_887 : i32 to index
        %parallel_loop3A_914 = arith.constant 32 : index
        %parallel_loop3A_915 = tpu.vector_load %arg8[%parallel_loop3A_913, %parallel_loop3A_914] {strides = array<i32>} : memref<128x64xi32, #tpu.memory_space<vmem>>, vector<16xi32>,
        %parallel_loop3A_916 = vector.bitcast %parallel_loop3A_915 : vector<16xi32> to vector<32xbf16>
        %parallel_loop3A_917 = arith.index_cast %parallel_loop3A_887 : i32 to index
        %parallel_loop3A_918 = arith.constant 32 : index
        %parallel_loop3A_919 = tpu.vector_load %arg10[%parallel_loop3A_917, %parallel_loop3A_918] {strides = array<i32>} : memref<128x64xi32, #tpu.memory_space<vmem>>, vector<16xi32>,
        %parallel_loop3A_920 = vector.bitcast %parallel_loop3A_919 : vector<16xi32> to vector<32xbf16>
        %parallel_loop3A_921 = arith.mulf %parallel_loop3A_916, %parallel_loop3A_920 : vector<32xbf16>
        %parallel_loop3A_922 = tpu.unpack_subelements %parallel_loop3A_921, 0 {pack_format = #tpu.pack_format<interleaved>} : vector<32xbf16> -> vector<16xf32>
        %parallel_loop3A_923 = tpu.unpack_subelements %parallel_loop3A_921, 1 {pack_format = #tpu.pack_format<interleaved>} : vector<32xbf16> -> vector<16xf32>
        %parallel_loop3A_924 = arith.addf %parallel_loop3A_922, %parallel_loop3A_923 : vector<16xf32>
        %parallel_loop3A_925 = arith.addf %parallel_loop3A_912, %parallel_loop3A_924 : vector<16xf32>
        %parallel_loop3A_926 = arith.index_cast %parallel_loop3A_887 : i32 to index
        %parallel_loop3A_927 = arith.constant 48 : index
        %parallel_loop3A_928 = tpu.vector_load %arg8[%parallel_loop3A_926, %parallel_loop3A_927] {strides = array<i32>} : memref<128x64xi32, #tpu.memory_space<vmem>>, vector<16xi32>,
        %parallel_loop3A_929 = vector.bitcast %parallel_loop3A_928 : vector<16xi32> to vector<32xbf16>
        %parallel_loop3A_930 = arith.index_cast %parallel_loop3A_887 : i32 to index
        %parallel_loop3A_931 = arith.constant 48 : index
        %parallel_loop3A_932 = tpu.vector_load %arg10[%parallel_loop3A_930, %parallel_loop3A_931] {strides = array<i32>} : memref<128x64xi32, #tpu.memory_space<vmem>>, vector<16xi32>,
        %parallel_loop3A_933 = vector.bitcast %parallel_loop3A_932 : vector<16xi32> to vector<32xbf16>
        %parallel_loop3A_934 = arith.mulf %parallel_loop3A_929, %parallel_loop3A_933 : vector<32xbf16>
        %parallel_loop3A_935 = tpu.unpack_subelements %parallel_loop3A_934, 0 {pack_format = #tpu.pack_format<interleaved>} : vector<32xbf16> -> vector<16xf32>
        %parallel_loop3A_936 = tpu.unpack_subelements %parallel_loop3A_934, 1 {pack_format = #tpu.pack_format<interleaved>} : vector<32xbf16> -> vector<16xf32>
        %parallel_loop3A_937 = arith.addf %parallel_loop3A_935, %parallel_loop3A_936 : vector<16xf32>
        %parallel_loop3A_938 = arith.addf %parallel_loop3A_925, %parallel_loop3A_937 : vector<16xf32>
        %parallel_loop3A_939 = arith.constant true
        %parallel_loop3A_940 = vector.broadcast %parallel_loop3A_939 : i1 to vector<16xi1>
        %parallel_loop3A_941 = tpu.scan <sum>, %parallel_loop3A_938 masked %parallel_loop3A_940 : vector<16xf32>, vector<16xi1> -> vector<16xf32>
        %parallel_loop3A_942 = vector.extract %parallel_loop3A_941[15] : f32 from vector<16xf32>
        %parallel_loop3A_943 = tpu.iota {dimensions = array<i32: 0>} : vector<16xi32>
        %parallel_loop3A_944 = arith.constant 11 : i32
        %parallel_loop3A_945 = vector.broadcast %parallel_loop3A_944 : i32 to vector<16xi32>
        %parallel_loop3A_946 = arith.cmpi eq, %parallel_loop3A_943, %parallel_loop3A_945 : vector<16xi32>
        %parallel_loop3A_947 = arith.extui %parallel_loop3A_946 : vector<16xi1> to vector<16xi32>
        %parallel_loop3A_948 = arith.sitofp %parallel_loop3A_947 : vector<16xi32> to vector<16xf32>
        %parallel_loop3A_949 = vector.broadcast %parallel_loop3A_942 : f32 to vector<16xf32>
        %parallel_loop3A_950 = arith.mulf %parallel_loop3A_949, %parallel_loop3A_948 : vector<16xf32>
        %parallel_loop3A_951 = arith.addf %parallel_loop3A_883, %parallel_loop3A_950 : vector<16xf32>
        %parallel_loop3A_952 = arith.constant 16 : i32
        %parallel_loop3A_953 = arith.muli %parallel_loop3A_133, %parallel_loop3A_952 : i32
        %parallel_loop3A_954 = arith.constant 12 : i32
        %parallel_loop3A_955 = arith.addi %parallel_loop3A_953, %parallel_loop3A_954 : i32
        %parallel_loop3A_956 = arith.index_cast %parallel_loop3A_955 : i32 to index
        %parallel_loop3A_957 = arith.constant 0 : index
        %parallel_loop3A_958 = tpu.vector_load %arg8[%parallel_loop3A_956, %parallel_loop3A_957] {strides = array<i32>} : memref<128x64xi32, #tpu.memory_space<vmem>>, vector<16xi32>,
        %parallel_loop3A_959 = vector.bitcast %parallel_loop3A_958 : vector<16xi32> to vector<32xbf16>
        %parallel_loop3A_960 = arith.index_cast %parallel_loop3A_955 : i32 to index
        %parallel_loop3A_961 = arith.constant 0 : index
        %parallel_loop3A_962 = tpu.vector_load %arg10[%parallel_loop3A_960, %parallel_loop3A_961] {strides = array<i32>} : memref<128x64xi32, #tpu.memory_space<vmem>>, vector<16xi32>,
        %parallel_loop3A_963 = vector.bitcast %parallel_loop3A_962 : vector<16xi32> to vector<32xbf16>
        %parallel_loop3A_964 = arith.mulf %parallel_loop3A_959, %parallel_loop3A_963 : vector<32xbf16>
        %parallel_loop3A_965 = tpu.unpack_subelements %parallel_loop3A_964, 0 {pack_format = #tpu.pack_format<interleaved>} : vector<32xbf16> -> vector<16xf32>
        %parallel_loop3A_966 = tpu.unpack_subelements %parallel_loop3A_964, 1 {pack_format = #tpu.pack_format<interleaved>} : vector<32xbf16> -> vector<16xf32>
        %parallel_loop3A_967 = arith.addf %parallel_loop3A_965, %parallel_loop3A_966 : vector<16xf32>
        %parallel_loop3A_968 = arith.index_cast %parallel_loop3A_955 : i32 to index
        %parallel_loop3A_969 = arith.constant 16 : index
        %parallel_loop3A_970 = tpu.vector_load %arg8[%parallel_loop3A_968, %parallel_loop3A_969] {strides = array<i32>} : memref<128x64xi32, #tpu.memory_space<vmem>>, vector<16xi32>,
        %parallel_loop3A_971 = vector.bitcast %parallel_loop3A_970 : vector<16xi32> to vector<32xbf16>
        %parallel_loop3A_972 = arith.index_cast %parallel_loop3A_955 : i32 to index
        %parallel_loop3A_973 = arith.constant 16 : index
        %parallel_loop3A_974 = tpu.vector_load %arg10[%parallel_loop3A_972, %parallel_loop3A_973] {strides = array<i32>} : memref<128x64xi32, #tpu.memory_space<vmem>>, vector<16xi32>,
        %parallel_loop3A_975 = vector.bitcast %parallel_loop3A_974 : vector<16xi32> to vector<32xbf16>
        %parallel_loop3A_976 = arith.mulf %parallel_loop3A_971, %parallel_loop3A_975 : vector<32xbf16>
        %parallel_loop3A_977 = tpu.unpack_subelements %parallel_loop3A_976, 0 {pack_format = #tpu.pack_format<interleaved>} : vector<32xbf16> -> vector<16xf32>
        %parallel_loop3A_978 = tpu.unpack_subelements %parallel_loop3A_976, 1 {pack_format = #tpu.pack_format<interleaved>} : vector<32xbf16> -> vector<16xf32>
        %parallel_loop3A_979 = arith.addf %parallel_loop3A_977, %parallel_loop3A_978 : vector<16xf32>
        %parallel_loop3A_980 = arith.addf %parallel_loop3A_967, %parallel_loop3A_979 : vector<16xf32>
        %parallel_loop3A_981 = arith.index_cast %parallel_loop3A_955 : i32 to index
        %parallel_loop3A_982 = arith.constant 32 : index
        %parallel_loop3A_983 = tpu.vector_load %arg8[%parallel_loop3A_981, %parallel_loop3A_982] {strides = array<i32>} : memref<128x64xi32, #tpu.memory_space<vmem>>, vector<16xi32>,
        %parallel_loop3A_984 = vector.bitcast %parallel_loop3A_983 : vector<16xi32> to vector<32xbf16>
        %parallel_loop3A_985 = arith.index_cast %parallel_loop3A_955 : i32 to index
        %parallel_loop3A_986 = arith.constant 32 : index
        %parallel_loop3A_987 = tpu.vector_load %arg10[%parallel_loop3A_985, %parallel_loop3A_986] {strides = array<i32>} : memref<128x64xi32, #tpu.memory_space<vmem>>, vector<16xi32>,
        %parallel_loop3A_988 = vector.bitcast %parallel_loop3A_987 : vector<16xi32> to vector<32xbf16>
        %parallel_loop3A_989 = arith.mulf %parallel_loop3A_984, %parallel_loop3A_988 : vector<32xbf16>
        %parallel_loop3A_990 = tpu.unpack_subelements %parallel_loop3A_989, 0 {pack_format = #tpu.pack_format<interleaved>} : vector<32xbf16> -> vector<16xf32>
        %parallel_loop3A_991 = tpu.unpack_subelements %parallel_loop3A_989, 1 {pack_format = #tpu.pack_format<interleaved>} : vector<32xbf16> -> vector<16xf32>
        %parallel_loop3A_992 = arith.addf %parallel_loop3A_990, %parallel_loop3A_991 : vector<16xf32>
        %parallel_loop3A_993 = arith.addf %parallel_loop3A_980, %parallel_loop3A_992 : vector<16xf32>
        %parallel_loop3A_994 = arith.index_cast %parallel_loop3A_955 : i32 to index
        %parallel_loop3A_995 = arith.constant 48 : index
        %parallel_loop3A_996 = tpu.vector_load %arg8[%parallel_loop3A_994, %parallel_loop3A_995] {strides = array<i32>} : memref<128x64xi32, #tpu.memory_space<vmem>>, vector<16xi32>,
        %parallel_loop3A_997 = vector.bitcast %parallel_loop3A_996 : vector<16xi32> to vector<32xbf16>
        %parallel_loop3A_998 = arith.index_cast %parallel_loop3A_955 : i32 to index
        %parallel_loop3A_999 = arith.constant 48 : index
        %parallel_loop3A_1000 = tpu.vector_load %arg10[%parallel_loop3A_998, %parallel_loop3A_999] {strides = array<i32>} : memref<128x64xi32, #tpu.memory_space<vmem>>, vector<16xi32>,
        %parallel_loop3A_1001 = vector.bitcast %parallel_loop3A_1000 : vector<16xi32> to vector<32xbf16>
        %parallel_loop3A_1002 = arith.mulf %parallel_loop3A_997, %parallel_loop3A_1001 : vector<32xbf16>
        %parallel_loop3A_1003 = tpu.unpack_subelements %parallel_loop3A_1002, 0 {pack_format = #tpu.pack_format<interleaved>} : vector<32xbf16> -> vector<16xf32>
        %parallel_loop3A_1004 = tpu.unpack_subelements %parallel_loop3A_1002, 1 {pack_format = #tpu.pack_format<interleaved>} : vector<32xbf16> -> vector<16xf32>
        %parallel_loop3A_1005 = arith.addf %parallel_loop3A_1003, %parallel_loop3A_1004 : vector<16xf32>
        %parallel_loop3A_1006 = arith.addf %parallel_loop3A_993, %parallel_loop3A_1005 : vector<16xf32>
        %parallel_loop3A_1007 = arith.constant true
        %parallel_loop3A_1008 = vector.broadcast %parallel_loop3A_1007 : i1 to vector<16xi1>
        %parallel_loop3A_1009 = tpu.scan <sum>, %parallel_loop3A_1006 masked %parallel_loop3A_1008 : vector<16xf32>, vector<16xi1> -> vector<16xf32>
        %parallel_loop3A_1010 = vector.extract %parallel_loop3A_1009[15] : f32 from vector<16xf32>
        %parallel_loop3A_1011 = tpu.iota {dimensions = array<i32: 0>} : vector<16xi32>
        %parallel_loop3A_1012 = arith.constant 12 : i32
        %parallel_loop3A_1013 = vector.broadcast %parallel_loop3A_1012 : i32 to vector<16xi32>
        %parallel_loop3A_1014 = arith.cmpi eq, %parallel_loop3A_1011, %parallel_loop3A_1013 : vector<16xi32>
        %parallel_loop3A_1015 = arith.extui %parallel_loop3A_1014 : vector<16xi1> to vector<16xi32>
        %parallel_loop3A_1016 = arith.sitofp %parallel_loop3A_1015 : vector<16xi32> to vector<16xf32>
        %parallel_loop3A_1017 = vector.broadcast %parallel_loop3A_1010 : f32 to vector<16xf32>
        %parallel_loop3A_1018 = arith.mulf %parallel_loop3A_1017, %parallel_loop3A_1016 : vector<16xf32>
        %parallel_loop3A_1019 = arith.addf %parallel_loop3A_951, %parallel_loop3A_1018 : vector<16xf32>
        %parallel_loop3A_1020 = arith.constant 16 : i32
        %parallel_loop3A_1021 = arith.muli %parallel_loop3A_133, %parallel_loop3A_1020 : i32
        %parallel_loop3A_1022 = arith.constant 13 : i32
        %parallel_loop3A_1023 = arith.addi %parallel_loop3A_1021, %parallel_loop3A_1022 : i32
        %parallel_loop3A_1024 = arith.index_cast %parallel_loop3A_1023 : i32 to index
        %parallel_loop3A_1025 = arith.constant 0 : index
        %parallel_loop3A_1026 = tpu.vector_load %arg8[%parallel_loop3A_1024, %parallel_loop3A_1025] {strides = array<i32>} : memref<128x64xi32, #tpu.memory_space<vmem>>, vector<16xi32>,
        %parallel_loop3A_1027 = vector.bitcast %parallel_loop3A_1026 : vector<16xi32> to vector<32xbf16>
        %parallel_loop3A_1028 = arith.index_cast %parallel_loop3A_1023 : i32 to index
        %parallel_loop3A_1029 = arith.constant 0 : index
        %parallel_loop3A_1030 = tpu.vector_load %arg10[%parallel_loop3A_1028, %parallel_loop3A_1029] {strides = array<i32>} : memref<128x64xi32, #tpu.memory_space<vmem>>, vector<16xi32>,
        %parallel_loop3A_1031 = vector.bitcast %parallel_loop3A_1030 : vector<16xi32> to vector<32xbf16>
        %parallel_loop3A_1032 = arith.mulf %parallel_loop3A_1027, %parallel_loop3A_1031 : vector<32xbf16>
        %parallel_loop3A_1033 = tpu.unpack_subelements %parallel_loop3A_1032, 0 {pack_format = #tpu.pack_format<interleaved>} : vector<32xbf16> -> vector<16xf32>
        %parallel_loop3A_1034 = tpu.unpack_subelements %parallel_loop3A_1032, 1 {pack_format = #tpu.pack_format<interleaved>} : vector<32xbf16> -> vector<16xf32>
        %parallel_loop3A_1035 = arith.addf %parallel_loop3A_1033, %parallel_loop3A_1034 : vector<16xf32>
        %parallel_loop3A_1036 = arith.index_cast %parallel_loop3A_1023 : i32 to index
        %parallel_loop3A_1037 = arith.constant 16 : index
        %parallel_loop3A_1038 = tpu.vector_load %arg8[%parallel_loop3A_1036, %parallel_loop3A_1037] {strides = array<i32>} : memref<128x64xi32, #tpu.memory_space<vmem>>, vector<16xi32>,
        %parallel_loop3A_1039 = vector.bitcast %parallel_loop3A_1038 : vector<16xi32> to vector<32xbf16>
        %parallel_loop3A_1040 = arith.index_cast %parallel_loop3A_1023 : i32 to index
        %parallel_loop3A_1041 = arith.constant 16 : index
        %parallel_loop3A_1042 = tpu.vector_load %arg10[%parallel_loop3A_1040, %parallel_loop3A_1041] {strides = array<i32>} : memref<128x64xi32, #tpu.memory_space<vmem>>, vector<16xi32>,
        %parallel_loop3A_1043 = vector.bitcast %parallel_loop3A_1042 : vector<16xi32> to vector<32xbf16>
        %parallel_loop3A_1044 = arith.mulf %parallel_loop3A_1039, %parallel_loop3A_1043 : vector<32xbf16>
        %parallel_loop3A_1045 = tpu.unpack_subelements %parallel_loop3A_1044, 0 {pack_format = #tpu.pack_format<interleaved>} : vector<32xbf16> -> vector<16xf32>
        %parallel_loop3A_1046 = tpu.unpack_subelements %parallel_loop3A_1044, 1 {pack_format = #tpu.pack_format<interleaved>} : vector<32xbf16> -> vector<16xf32>
        %parallel_loop3A_1047 = arith.addf %parallel_loop3A_1045, %parallel_loop3A_1046 : vector<16xf32>
        %parallel_loop3A_1048 = arith.addf %parallel_loop3A_1035, %parallel_loop3A_1047 : vector<16xf32>
        %parallel_loop3A_1049 = arith.index_cast %parallel_loop3A_1023 : i32 to index
        %parallel_loop3A_1050 = arith.constant 32 : index
        %parallel_loop3A_1051 = tpu.vector_load %arg8[%parallel_loop3A_1049, %parallel_loop3A_1050] {strides = array<i32>} : memref<128x64xi32, #tpu.memory_space<vmem>>, vector<16xi32>,
        %parallel_loop3A_1052 = vector.bitcast %parallel_loop3A_1051 : vector<16xi32> to vector<32xbf16>
        %parallel_loop3A_1053 = arith.index_cast %parallel_loop3A_1023 : i32 to index
        %parallel_loop3A_1054 = arith.constant 32 : index
        %parallel_loop3A_1055 = tpu.vector_load %arg10[%parallel_loop3A_1053, %parallel_loop3A_1054] {strides = array<i32>} : memref<128x64xi32, #tpu.memory_space<vmem>>, vector<16xi32>,
        %parallel_loop3A_1056 = vector.bitcast %parallel_loop3A_1055 : vector<16xi32> to vector<32xbf16>
        %parallel_loop3A_1057 = arith.mulf %parallel_loop3A_1052, %parallel_loop3A_1056 : vector<32xbf16>
        %parallel_loop3A_1058 = tpu.unpack_subelements %parallel_loop3A_1057, 0 {pack_format = #tpu.pack_format<interleaved>} : vector<32xbf16> -> vector<16xf32>
        %parallel_loop3A_1059 = tpu.unpack_subelements %parallel_loop3A_1057, 1 {pack_format = #tpu.pack_format<interleaved>} : vector<32xbf16> -> vector<16xf32>
        %parallel_loop3A_1060 = arith.addf %parallel_loop3A_1058, %parallel_loop3A_1059 : vector<16xf32>
        %parallel_loop3A_1061 = arith.addf %parallel_loop3A_1048, %parallel_loop3A_1060 : vector<16xf32>
        %parallel_loop3A_1062 = arith.index_cast %parallel_loop3A_1023 : i32 to index
        %parallel_loop3A_1063 = arith.constant 48 : index
        %parallel_loop3A_1064 = tpu.vector_load %arg8[%parallel_loop3A_1062, %parallel_loop3A_1063] {strides = array<i32>} : memref<128x64xi32, #tpu.memory_space<vmem>>, vector<16xi32>,
        %parallel_loop3A_1065 = vector.bitcast %parallel_loop3A_1064 : vector<16xi32> to vector<32xbf16>
        %parallel_loop3A_1066 = arith.index_cast %parallel_loop3A_1023 : i32 to index
        %parallel_loop3A_1067 = arith.constant 48 : index
        %parallel_loop3A_1068 = tpu.vector_load %arg10[%parallel_loop3A_1066, %parallel_loop3A_1067] {strides = array<i32>} : memref<128x64xi32, #tpu.memory_space<vmem>>, vector<16xi32>,
        %parallel_loop3A_1069 = vector.bitcast %parallel_loop3A_1068 : vector<16xi32> to vector<32xbf16>
        %parallel_loop3A_1070 = arith.mulf %parallel_loop3A_1065, %parallel_loop3A_1069 : vector<32xbf16>
        %parallel_loop3A_1071 = tpu.unpack_subelements %parallel_loop3A_1070, 0 {pack_format = #tpu.pack_format<interleaved>} : vector<32xbf16> -> vector<16xf32>
        %parallel_loop3A_1072 = tpu.unpack_subelements %parallel_loop3A_1070, 1 {pack_format = #tpu.pack_format<interleaved>} : vector<32xbf16> -> vector<16xf32>
        %parallel_loop3A_1073 = arith.addf %parallel_loop3A_1071, %parallel_loop3A_1072 : vector<16xf32>
        %parallel_loop3A_1074 = arith.addf %parallel_loop3A_1061, %parallel_loop3A_1073 : vector<16xf32>
        %parallel_loop3A_1075 = arith.constant true
        %parallel_loop3A_1076 = vector.broadcast %parallel_loop3A_1075 : i1 to vector<16xi1>
        %parallel_loop3A_1077 = tpu.scan <sum>, %parallel_loop3A_1074 masked %parallel_loop3A_1076 : vector<16xf32>, vector<16xi1> -> vector<16xf32>
        %parallel_loop3A_1078 = vector.extract %parallel_loop3A_1077[15] : f32 from vector<16xf32>
        %parallel_loop3A_1079 = tpu.iota {dimensions = array<i32: 0>} : vector<16xi32>
        %parallel_loop3A_1080 = arith.constant 13 : i32
        %parallel_loop3A_1081 = vector.broadcast %parallel_loop3A_1080 : i32 to vector<16xi32>
        %parallel_loop3A_1082 = arith.cmpi eq, %parallel_loop3A_1079, %parallel_loop3A_1081 : vector<16xi32>
        %parallel_loop3A_1083 = arith.extui %parallel_loop3A_1082 : vector<16xi1> to vector<16xi32>
        %parallel_loop3A_1084 = arith.sitofp %parallel_loop3A_1083 : vector<16xi32> to vector<16xf32>
        %parallel_loop3A_1085 = vector.broadcast %parallel_loop3A_1078 : f32 to vector<16xf32>
        %parallel_loop3A_1086 = arith.mulf %parallel_loop3A_1085, %parallel_loop3A_1084 : vector<16xf32>
        %parallel_loop3A_1087 = arith.addf %parallel_loop3A_1019, %parallel_loop3A_1086 : vector<16xf32>
        %parallel_loop3A_1088 = arith.constant 16 : i32
        %parallel_loop3A_1089 = arith.muli %parallel_loop3A_133, %parallel_loop3A_1088 : i32
        %parallel_loop3A_1090 = arith.constant 14 : i32
        %parallel_loop3A_1091 = arith.addi %parallel_loop3A_1089, %parallel_loop3A_1090 : i32
        %parallel_loop3A_1092 = arith.index_cast %parallel_loop3A_1091 : i32 to index
        %parallel_loop3A_1093 = arith.constant 0 : index
        %parallel_loop3A_1094 = tpu.vector_load %arg8[%parallel_loop3A_1092, %parallel_loop3A_1093] {strides = array<i32>} : memref<128x64xi32, #tpu.memory_space<vmem>>, vector<16xi32>,
        %parallel_loop3A_1095 = vector.bitcast %parallel_loop3A_1094 : vector<16xi32> to vector<32xbf16>
        %parallel_loop3A_1096 = arith.index_cast %parallel_loop3A_1091 : i32 to index
        %parallel_loop3A_1097 = arith.constant 0 : index
        %parallel_loop3A_1098 = tpu.vector_load %arg10[%parallel_loop3A_1096, %parallel_loop3A_1097] {strides = array<i32>} : memref<128x64xi32, #tpu.memory_space<vmem>>, vector<16xi32>,
        %parallel_loop3A_1099 = vector.bitcast %parallel_loop3A_1098 : vector<16xi32> to vector<32xbf16>
        %parallel_loop3A_1100 = arith.mulf %parallel_loop3A_1095, %parallel_loop3A_1099 : vector<32xbf16>
        %parallel_loop3A_1101 = tpu.unpack_subelements %parallel_loop3A_1100, 0 {pack_format = #tpu.pack_format<interleaved>} : vector<32xbf16> -> vector<16xf32>
        %parallel_loop3A_1102 = tpu.unpack_subelements %parallel_loop3A_1100, 1 {pack_format = #tpu.pack_format<interleaved>} : vector<32xbf16> -> vector<16xf32>
        %parallel_loop3A_1103 = arith.addf %parallel_loop3A_1101, %parallel_loop3A_1102 : vector<16xf32>
        %parallel_loop3A_1104 = arith.index_cast %parallel_loop3A_1091 : i32 to index
        %parallel_loop3A_1105 = arith.constant 16 : index
        %parallel_loop3A_1106 = tpu.vector_load %arg8[%parallel_loop3A_1104, %parallel_loop3A_1105] {strides = array<i32>} : memref<128x64xi32, #tpu.memory_space<vmem>>, vector<16xi32>,
        %parallel_loop3A_1107 = vector.bitcast %parallel_loop3A_1106 : vector<16xi32> to vector<32xbf16>
        %parallel_loop3A_1108 = arith.index_cast %parallel_loop3A_1091 : i32 to index
        %parallel_loop3A_1109 = arith.constant 16 : index
        %parallel_loop3A_1110 = tpu.vector_load %arg10[%parallel_loop3A_1108, %parallel_loop3A_1109] {strides = array<i32>} : memref<128x64xi32, #tpu.memory_space<vmem>>, vector<16xi32>,
        %parallel_loop3A_1111 = vector.bitcast %parallel_loop3A_1110 : vector<16xi32> to vector<32xbf16>
        %parallel_loop3A_1112 = arith.mulf %parallel_loop3A_1107, %parallel_loop3A_1111 : vector<32xbf16>
        %parallel_loop3A_1113 = tpu.unpack_subelements %parallel_loop3A_1112, 0 {pack_format = #tpu.pack_format<interleaved>} : vector<32xbf16> -> vector<16xf32>
        %parallel_loop3A_1114 = tpu.unpack_subelements %parallel_loop3A_1112, 1 {pack_format = #tpu.pack_format<interleaved>} : vector<32xbf16> -> vector<16xf32>
        %parallel_loop3A_1115 = arith.addf %parallel_loop3A_1113, %parallel_loop3A_1114 : vector<16xf32>
        %parallel_loop3A_1116 = arith.addf %parallel_loop3A_1103, %parallel_loop3A_1115 : vector<16xf32>
        %parallel_loop3A_1117 = arith.index_cast %parallel_loop3A_1091 : i32 to index
        %parallel_loop3A_1118 = arith.constant 32 : index
        %parallel_loop3A_1119 = tpu.vector_load %arg8[%parallel_loop3A_1117, %parallel_loop3A_1118] {strides = array<i32>} : memref<128x64xi32, #tpu.memory_space<vmem>>, vector<16xi32>,
        %parallel_loop3A_1120 = vector.bitcast %parallel_loop3A_1119 : vector<16xi32> to vector<32xbf16>
        %parallel_loop3A_1121 = arith.index_cast %parallel_loop3A_1091 : i32 to index
        %parallel_loop3A_1122 = arith.constant 32 : index
        %parallel_loop3A_1123 = tpu.vector_load %arg10[%parallel_loop3A_1121, %parallel_loop3A_1122] {strides = array<i32>} : memref<128x64xi32, #tpu.memory_space<vmem>>, vector<16xi32>,
        %parallel_loop3A_1124 = vector.bitcast %parallel_loop3A_1123 : vector<16xi32> to vector<32xbf16>
        %parallel_loop3A_1125 = arith.mulf %parallel_loop3A_1120, %parallel_loop3A_1124 : vector<32xbf16>
        %parallel_loop3A_1126 = tpu.unpack_subelements %parallel_loop3A_1125, 0 {pack_format = #tpu.pack_format<interleaved>} : vector<32xbf16> -> vector<16xf32>
        %parallel_loop3A_1127 = tpu.unpack_subelements %parallel_loop3A_1125, 1 {pack_format = #tpu.pack_format<interleaved>} : vector<32xbf16> -> vector<16xf32>
        %parallel_loop3A_1128 = arith.addf %parallel_loop3A_1126, %parallel_loop3A_1127 : vector<16xf32>
        %parallel_loop3A_1129 = arith.addf %parallel_loop3A_1116, %parallel_loop3A_1128 : vector<16xf32>
        %parallel_loop3A_1130 = arith.index_cast %parallel_loop3A_1091 : i32 to index
        %parallel_loop3A_1131 = arith.constant 48 : index
        %parallel_loop3A_1132 = tpu.vector_load %arg8[%parallel_loop3A_1130, %parallel_loop3A_1131] {strides = array<i32>} : memref<128x64xi32, #tpu.memory_space<vmem>>, vector<16xi32>,
        %parallel_loop3A_1133 = vector.bitcast %parallel_loop3A_1132 : vector<16xi32> to vector<32xbf16>
        %parallel_loop3A_1134 = arith.index_cast %parallel_loop3A_1091 : i32 to index
        %parallel_loop3A_1135 = arith.constant 48 : index
        %parallel_loop3A_1136 = tpu.vector_load %arg10[%parallel_loop3A_1134, %parallel_loop3A_1135] {strides = array<i32>} : memref<128x64xi32, #tpu.memory_space<vmem>>, vector<16xi32>,
        %parallel_loop3A_1137 = vector.bitcast %parallel_loop3A_1136 : vector<16xi32> to vector<32xbf16>
        %parallel_loop3A_1138 = arith.mulf %parallel_loop3A_1133, %parallel_loop3A_1137 : vector<32xbf16>
        %parallel_loop3A_1139 = tpu.unpack_subelements %parallel_loop3A_1138, 0 {pack_format = #tpu.pack_format<interleaved>} : vector<32xbf16> -> vector<16xf32>
        %parallel_loop3A_1140 = tpu.unpack_subelements %parallel_loop3A_1138, 1 {pack_format = #tpu.pack_format<interleaved>} : vector<32xbf16> -> vector<16xf32>
        %parallel_loop3A_1141 = arith.addf %parallel_loop3A_1139, %parallel_loop3A_1140 : vector<16xf32>
        %parallel_loop3A_1142 = arith.addf %parallel_loop3A_1129, %parallel_loop3A_1141 : vector<16xf32>
        %parallel_loop3A_1143 = arith.constant true
        %parallel_loop3A_1144 = vector.broadcast %parallel_loop3A_1143 : i1 to vector<16xi1>
        %parallel_loop3A_1145 = tpu.scan <sum>, %parallel_loop3A_1142 masked %parallel_loop3A_1144 : vector<16xf32>, vector<16xi1> -> vector<16xf32>
        %parallel_loop3A_1146 = vector.extract %parallel_loop3A_1145[15] : f32 from vector<16xf32>
        %parallel_loop3A_1147 = tpu.iota {dimensions = array<i32: 0>} : vector<16xi32>
        %parallel_loop3A_1148 = arith.constant 14 : i32
        %parallel_loop3A_1149 = vector.broadcast %parallel_loop3A_1148 : i32 to vector<16xi32>
        %parallel_loop3A_1150 = arith.cmpi eq, %parallel_loop3A_1147, %parallel_loop3A_1149 : vector<16xi32>
        %parallel_loop3A_1151 = arith.extui %parallel_loop3A_1150 : vector<16xi1> to vector<16xi32>
        %parallel_loop3A_1152 = arith.sitofp %parallel_loop3A_1151 : vector<16xi32> to vector<16xf32>
        %parallel_loop3A_1153 = vector.broadcast %parallel_loop3A_1146 : f32 to vector<16xf32>
        %parallel_loop3A_1154 = arith.mulf %parallel_loop3A_1153, %parallel_loop3A_1152 : vector<16xf32>
        %parallel_loop3A_1155 = arith.addf %parallel_loop3A_1087, %parallel_loop3A_1154 : vector<16xf32>
        %parallel_loop3A_1156 = arith.constant 16 : i32
        %parallel_loop3A_1157 = arith.muli %parallel_loop3A_133, %parallel_loop3A_1156 : i32
        %parallel_loop3A_1158 = arith.constant 15 : i32
        %parallel_loop3A_1159 = arith.addi %parallel_loop3A_1157, %parallel_loop3A_1158 : i32
        %parallel_loop3A_1160 = arith.index_cast %parallel_loop3A_1159 : i32 to index
        %parallel_loop3A_1161 = arith.constant 0 : index
        %parallel_loop3A_1162 = tpu.vector_load %arg8[%parallel_loop3A_1160, %parallel_loop3A_1161] {strides = array<i32>} : memref<128x64xi32, #tpu.memory_space<vmem>>, vector<16xi32>,
        %parallel_loop3A_1163 = vector.bitcast %parallel_loop3A_1162 : vector<16xi32> to vector<32xbf16>
        %parallel_loop3A_1164 = arith.index_cast %parallel_loop3A_1159 : i32 to index
        %parallel_loop3A_1165 = arith.constant 0 : index
        %parallel_loop3A_1166 = tpu.vector_load %arg10[%parallel_loop3A_1164, %parallel_loop3A_1165] {strides = array<i32>} : memref<128x64xi32, #tpu.memory_space<vmem>>, vector<16xi32>,
        %parallel_loop3A_1167 = vector.bitcast %parallel_loop3A_1166 : vector<16xi32> to vector<32xbf16>
        %parallel_loop3A_1168 = arith.mulf %parallel_loop3A_1163, %parallel_loop3A_1167 : vector<32xbf16>
        %parallel_loop3A_1169 = tpu.unpack_subelements %parallel_loop3A_1168, 0 {pack_format = #tpu.pack_format<interleaved>} : vector<32xbf16> -> vector<16xf32>
        %parallel_loop3A_1170 = tpu.unpack_subelements %parallel_loop3A_1168, 1 {pack_format = #tpu.pack_format<interleaved>} : vector<32xbf16> -> vector<16xf32>
        %parallel_loop3A_1171 = arith.addf %parallel_loop3A_1169, %parallel_loop3A_1170 : vector<16xf32>
        %parallel_loop3A_1172 = arith.index_cast %parallel_loop3A_1159 : i32 to index
        %parallel_loop3A_1173 = arith.constant 16 : index
        %parallel_loop3A_1174 = tpu.vector_load %arg8[%parallel_loop3A_1172, %parallel_loop3A_1173] {strides = array<i32>} : memref<128x64xi32, #tpu.memory_space<vmem>>, vector<16xi32>,
        %parallel_loop3A_1175 = vector.bitcast %parallel_loop3A_1174 : vector<16xi32> to vector<32xbf16>
        %parallel_loop3A_1176 = arith.index_cast %parallel_loop3A_1159 : i32 to index
        %parallel_loop3A_1177 = arith.constant 16 : index
        %parallel_loop3A_1178 = tpu.vector_load %arg10[%parallel_loop3A_1176, %parallel_loop3A_1177] {strides = array<i32>} : memref<128x64xi32, #tpu.memory_space<vmem>>, vector<16xi32>,
        %parallel_loop3A_1179 = vector.bitcast %parallel_loop3A_1178 : vector<16xi32> to vector<32xbf16>
        %parallel_loop3A_1180 = arith.mulf %parallel_loop3A_1175, %parallel_loop3A_1179 : vector<32xbf16>
        %parallel_loop3A_1181 = tpu.unpack_subelements %parallel_loop3A_1180, 0 {pack_format = #tpu.pack_format<interleaved>} : vector<32xbf16> -> vector<16xf32>
        %parallel_loop3A_1182 = tpu.unpack_subelements %parallel_loop3A_1180, 1 {pack_format = #tpu.pack_format<interleaved>} : vector<32xbf16> -> vector<16xf32>
        %parallel_loop3A_1183 = arith.addf %parallel_loop3A_1181, %parallel_loop3A_1182 : vector<16xf32>
        %parallel_loop3A_1184 = arith.addf %parallel_loop3A_1171, %parallel_loop3A_1183 : vector<16xf32>
        %parallel_loop3A_1185 = arith.index_cast %parallel_loop3A_1159 : i32 to index
        %parallel_loop3A_1186 = arith.constant 32 : index
        %parallel_loop3A_1187 = tpu.vector_load %arg8[%parallel_loop3A_1185, %parallel_loop3A_1186] {strides = array<i32>} : memref<128x64xi32, #tpu.memory_space<vmem>>, vector<16xi32>,
        %parallel_loop3A_1188 = vector.bitcast %parallel_loop3A_1187 : vector<16xi32> to vector<32xbf16>
        %parallel_loop3A_1189 = arith.index_cast %parallel_loop3A_1159 : i32 to index
        %parallel_loop3A_1190 = arith.constant 32 : index
        %parallel_loop3A_1191 = tpu.vector_load %arg10[%parallel_loop3A_1189, %parallel_loop3A_1190] {strides = array<i32>} : memref<128x64xi32, #tpu.memory_space<vmem>>, vector<16xi32>,
        %parallel_loop3A_1192 = vector.bitcast %parallel_loop3A_1191 : vector<16xi32> to vector<32xbf16>
        %parallel_loop3A_1193 = arith.mulf %parallel_loop3A_1188, %parallel_loop3A_1192 : vector<32xbf16>
        %parallel_loop3A_1194 = tpu.unpack_subelements %parallel_loop3A_1193, 0 {pack_format = #tpu.pack_format<interleaved>} : vector<32xbf16> -> vector<16xf32>
        %parallel_loop3A_1195 = tpu.unpack_subelements %parallel_loop3A_1193, 1 {pack_format = #tpu.pack_format<interleaved>} : vector<32xbf16> -> vector<16xf32>
        %parallel_loop3A_1196 = arith.addf %parallel_loop3A_1194, %parallel_loop3A_1195 : vector<16xf32>
        %parallel_loop3A_1197 = arith.addf %parallel_loop3A_1184, %parallel_loop3A_1196 : vector<16xf32>
        %parallel_loop3A_1198 = arith.index_cast %parallel_loop3A_1159 : i32 to index
        %parallel_loop3A_1199 = arith.constant 48 : index
        %parallel_loop3A_1200 = tpu.vector_load %arg8[%parallel_loop3A_1198, %parallel_loop3A_1199] {strides = array<i32>} : memref<128x64xi32, #tpu.memory_space<vmem>>, vector<16xi32>,
        %parallel_loop3A_1201 = vector.bitcast %parallel_loop3A_1200 : vector<16xi32> to vector<32xbf16>
        %parallel_loop3A_1202 = arith.index_cast %parallel_loop3A_1159 : i32 to index
        %parallel_loop3A_1203 = arith.constant 48 : index
        %parallel_loop3A_1204 = tpu.vector_load %arg10[%parallel_loop3A_1202, %parallel_loop3A_1203] {strides = array<i32>} : memref<128x64xi32, #tpu.memory_space<vmem>>, vector<16xi32>,
        %parallel_loop3A_1205 = vector.bitcast %parallel_loop3A_1204 : vector<16xi32> to vector<32xbf16>
        %parallel_loop3A_1206 = arith.mulf %parallel_loop3A_1201, %parallel_loop3A_1205 : vector<32xbf16>
        %parallel_loop3A_1207 = tpu.unpack_subelements %parallel_loop3A_1206, 0 {pack_format = #tpu.pack_format<interleaved>} : vector<32xbf16> -> vector<16xf32>
        %parallel_loop3A_1208 = tpu.unpack_subelements %parallel_loop3A_1206, 1 {pack_format = #tpu.pack_format<interleaved>} : vector<32xbf16> -> vector<16xf32>
        %parallel_loop3A_1209 = arith.addf %parallel_loop3A_1207, %parallel_loop3A_1208 : vector<16xf32>
        %parallel_loop3A_1210 = arith.addf %parallel_loop3A_1197, %parallel_loop3A_1209 : vector<16xf32>
        %parallel_loop3A_1211 = arith.constant true
        %parallel_loop3A_1212 = vector.broadcast %parallel_loop3A_1211 : i1 to vector<16xi1>
        %parallel_loop3A_1213 = tpu.scan <sum>, %parallel_loop3A_1210 masked %parallel_loop3A_1212 : vector<16xf32>, vector<16xi1> -> vector<16xf32>
        %parallel_loop3A_1214 = vector.extract %parallel_loop3A_1213[15] : f32 from vector<16xf32>
        %parallel_loop3A_1215 = tpu.iota {dimensions = array<i32: 0>} : vector<16xi32>
        %parallel_loop3A_1216 = arith.constant 15 : i32
        %parallel_loop3A_1217 = vector.broadcast %parallel_loop3A_1216 : i32 to vector<16xi32>
        %parallel_loop3A_1218 = arith.cmpi eq, %parallel_loop3A_1215, %parallel_loop3A_1217 : vector<16xi32>
        %parallel_loop3A_1219 = arith.extui %parallel_loop3A_1218 : vector<16xi1> to vector<16xi32>
        %parallel_loop3A_1220 = arith.sitofp %parallel_loop3A_1219 : vector<16xi32> to vector<16xf32>
        %parallel_loop3A_1221 = vector.broadcast %parallel_loop3A_1214 : f32 to vector<16xf32>
        %parallel_loop3A_1222 = arith.mulf %parallel_loop3A_1221, %parallel_loop3A_1220 : vector<16xf32>
        %parallel_loop3A_1223 = arith.addf %parallel_loop3A_1155, %parallel_loop3A_1222 : vector<16xf32>
        %parallel_loop3A_1224 = arith.constant 16 : i32
        %parallel_loop3A_1225 = arith.muli %parallel_loop3A_133, %parallel_loop3A_1224 : i32
        %parallel_loop3A_1226 = arith.index_cast %parallel_loop3A_1225 : i32 to index
        %parallel_loop3A_1227 = tpu.vector_load %arg12[%parallel_loop3A_1226] {strides = array<i32>} : memref<128xf32, #tpu.memory_space<vmem>>, vector<16xf32>,
        tpu.vector_store %arg12[%parallel_loop3A_1226], %parallel_loop3A_1223 {strides = array<i32>} : memref<128xf32, #tpu.memory_space<vmem>>, vector<16xf32>,
      } {sc.loop_unroll_factor = 2 : i64, sc.parallel_access}
      %mul3A_77 = arith.constant 128 : i32
      %mul3A_78 = arith.muli %add3A_62, %mul3A_77 : i32
      %add3A_79 = arith.addi %mul3A_2, %mul3A_78 : i32
      "tpu.region"() ({
        %run_scoped3A = tpu.sem_alloc : memref<!tpu.dma_semaphore, #tpu.memory_space<semaphore_mem>>
        %dma_start3A_133 = tpu.memref_slice %arg5[%add3A_79] : memref<327680xf32, #tpu.memory_space<hbm>> -> memref<128xf32, #tpu.memory_space<hbm>>
        %dma_start3A_134 = tpu.memref_slice %arg5[%add3A_79] : memref<327680xf32, #tpu.memory_space<hbm>> -> memref<128xf32, #tpu.memory_space<hbm>>
        tpu.enqueue_dma source(%arg12 : memref<128xf32, #tpu.memory_space<vmem>>) target(%dma_start3A_134 : memref<128xf32, #tpu.memory_space<hbm>>) target_semaphore(%run_scoped3A : memref<!tpu.dma_semaphore, #tpu.memory_space<semaphore_mem>>)
        %dma_wait3A_135 = tpu.memref_slice %arg5[%add3A_79] : memref<327680xf32, #tpu.memory_space<hbm>> -> memref<128xf32, #tpu.memory_space<hbm>>
        %dma_wait3A_136 = tpu.memref_slice %arg5[%add3A_79] : memref<327680xf32, #tpu.memory_space<hbm>> -> memref<128xf32, #tpu.memory_space<hbm>>
        tpu.wait_dma2 semaphore(%run_scoped3A : memref<!tpu.dma_semaphore, #tpu.memory_space<semaphore_mem>>) src(%arg12 : memref<128xf32, #tpu.memory_space<vmem>>) dst(%dma_wait3A_136 : memref<128xf32, #tpu.memory_space<hbm>>)
        tpu.yield
      }) : () -> ()
      %add3A_80 = arith.constant 2 : i32
      %add3A_81 = arith.addi %add3A_62, %add3A_80 : i32
      %min3A = arith.constant 79 : i32
      %min3A_82 = arith.minsi %add3A_81, %min3A : i32
      %dma_start3A_83 = arith.constant 0 : i32
      %dma_start3A_84 = tpu.memref_slice %arg6[%min3A_82, %dma_start3A_83] : memref<80x128xi32, #tpu.memory_space<vmem>> -> memref<1x128xi32, #tpu.memory_space<vmem>>
      %dma_start3A_85 = tpu.memref_squeeze %dma_start3A_84 : memref<1x128xi32, #tpu.memory_space<vmem>> -> memref<128xi32, #tpu.memory_space<vmem>>
      %dma_start3A_86 = arith.constant 0 : i32
      %dma_start3A_87 = arith.constant 0 : i32
      %dma_start3A_88 = tpu.memref_slice %arg4[%dma_start3A_86, %dma_start3A_87] : memref<10240x64xi32, #tpu.memory_space<hbm>> -> memref<10240x64xi32, #tpu.memory_space<hbm>>
      tpu.enqueue_indirect_dma source(%dma_start3A_88 : memref<10240x64xi32, #tpu.memory_space<hbm>>) target(%arg8 : memref<128x64xi32, #tpu.memory_space<vmem>>) offsets(%dma_start3A_85 : memref<128xi32, #tpu.memory_space<vmem>>) semaphore(%arg13 : memref<!tpu.dma_semaphore, #tpu.memory_space<semaphore_mem>>)
      %dma_start3A_89 = arith.constant 0 : i32
      %dma_start3A_90 = tpu.memref_slice %arg7[%min3A_82, %dma_start3A_89] : memref<80x128xi32, #tpu.memory_space<vmem>> -> memref<1x128xi32, #tpu.memory_space<vmem>>
      %dma_start3A_91 = tpu.memref_squeeze %dma_start3A_90 : memref<1x128xi32, #tpu.memory_space<vmem>> -> memref<128xi32, #tpu.memory_space<vmem>>
      %dma_start3A_92 = arith.constant 0 : i32
      %dma_start3A_93 = arith.constant 0 : i32
      %dma_start3A_94 = tpu.memref_slice %arg4[%dma_start3A_92, %dma_start3A_93] : memref<10240x64xi32, #tpu.memory_space<hbm>> -> memref<10240x64xi32, #tpu.memory_space<hbm>>
      tpu.enqueue_indirect_dma source(%dma_start3A_94 : memref<10240x64xi32, #tpu.memory_space<hbm>>) target(%arg10 : memref<128x64xi32, #tpu.memory_space<vmem>>) offsets(%dma_start3A_91 : memref<128xi32, #tpu.memory_space<vmem>>) semaphore(%arg13 : memref<!tpu.dma_semaphore, #tpu.memory_space<semaphore_mem>>)
      %mul3A_95 = arith.constant 2 : i32
      %mul3A_96 = arith.muli %scan3A_58, %mul3A_95 : i32
      %add3A_97 = arith.constant 1 : i32
      %add3A_98 = arith.addi %mul3A_96, %add3A_97 : i32
      %dma_wait3A_99 = arith.constant 0 : i32
      %dma_wait3A_100 = arith.constant 0 : i32
      %dma_wait3A_101 = tpu.memref_slice %arg4[%dma_wait3A_99, %dma_wait3A_100] : memref<10240x64xi32, #tpu.memory_space<hbm>> -> memref<128x64xi32, #tpu.memory_space<hbm>>
      %dma_wait3A_102 = arith.constant 0 : i32
      %dma_wait3A_103 = arith.constant 0 : i32
      %dma_wait3A_104 = tpu.memref_slice %arg4[%dma_wait3A_102, %dma_wait3A_103] : memref<10240x64xi32, #tpu.memory_space<hbm>> -> memref<128x64xi32, #tpu.memory_space<hbm>>
      tpu.wait_dma2 semaphore(%arg14 : memref<!tpu.dma_semaphore, #tpu.memory_space<semaphore_mem>>) src(%dma_wait3A_104 : memref<128x64xi32, #tpu.memory_space<hbm>>) dst(%arg9 : memref<128x64xi32, #tpu.memory_space<vmem>>)
      %dma_wait3A_105 = arith.constant 0 : i32
      %dma_wait3A_106 = arith.constant 0 : i32
      %dma_wait3A_107 = tpu.memref_slice %arg4[%dma_wait3A_105, %dma_wait3A_106] : memref<10240x64xi32, #tpu.memory_space<hbm>> -> memref<128x64xi32, #tpu.memory_space<hbm>>
      %dma_wait3A_108 = arith.constant 0 : i32
      %dma_wait3A_109 = arith.constant 0 : i32
      %dma_wait3A_110 = tpu.memref_slice %arg4[%dma_wait3A_108, %dma_wait3A_109] : memref<10240x64xi32, #tpu.memory_space<hbm>> -> memref<128x64xi32, #tpu.memory_space<hbm>>
      tpu.wait_dma2 semaphore(%arg14 : memref<!tpu.dma_semaphore, #tpu.memory_space<semaphore_mem>>) src(%dma_wait3A_110 : memref<128x64xi32, #tpu.memory_space<hbm>>) dst(%arg11 : memref<128x64xi32, #tpu.memory_space<vmem>>)
      %parallel_loop3A_111 = arith.constant 0 : i32
      %parallel_loop3A_112 = arith.constant 8 : i32
      %parallel_loop3A_113 = arith.constant 1 : i32
      scf.for %parallel_loop3A_133 = %parallel_loop3A_111 to %parallel_loop3A_112 step %parallel_loop3A_113  : i32 {
        %parallel_loop3A_134 = arith.constant 0.000000e+00 : f32
        %parallel_loop3A_135 = vector.broadcast %parallel_loop3A_134 : f32 to vector<16xf32>
        %parallel_loop3A_136 = arith.constant 16 : i32
        %parallel_loop3A_137 = arith.muli %parallel_loop3A_133, %parallel_loop3A_136 : i32
        %parallel_loop3A_138 = arith.constant 0 : i32
        %parallel_loop3A_139 = arith.addi %parallel_loop3A_137, %parallel_loop3A_138 : i32
        %parallel_loop3A_140 = arith.index_cast %parallel_loop3A_139 : i32 to index
        %parallel_loop3A_141 = arith.constant 0 : index
        %parallel_loop3A_142 = tpu.vector_load %arg9[%parallel_loop3A_140, %parallel_loop3A_141] {strides = array<i32>} : memref<128x64xi32, #tpu.memory_space<vmem>>, vector<16xi32>,
        %parallel_loop3A_143 = vector.bitcast %parallel_loop3A_142 : vector<16xi32> to vector<32xbf16>
        %parallel_loop3A_144 = arith.index_cast %parallel_loop3A_139 : i32 to index
        %parallel_loop3A_145 = arith.constant 0 : index
        %parallel_loop3A_146 = tpu.vector_load %arg11[%parallel_loop3A_144, %parallel_loop3A_145] {strides = array<i32>} : memref<128x64xi32, #tpu.memory_space<vmem>>, vector<16xi32>,
        %parallel_loop3A_147 = vector.bitcast %parallel_loop3A_146 : vector<16xi32> to vector<32xbf16>
        %parallel_loop3A_148 = arith.mulf %parallel_loop3A_143, %parallel_loop3A_147 : vector<32xbf16>
        %parallel_loop3A_149 = tpu.unpack_subelements %parallel_loop3A_148, 0 {pack_format = #tpu.pack_format<interleaved>} : vector<32xbf16> -> vector<16xf32>
        %parallel_loop3A_150 = tpu.unpack_subelements %parallel_loop3A_148, 1 {pack_format = #tpu.pack_format<interleaved>} : vector<32xbf16> -> vector<16xf32>
        %parallel_loop3A_151 = arith.addf %parallel_loop3A_149, %parallel_loop3A_150 : vector<16xf32>
        %parallel_loop3A_152 = arith.index_cast %parallel_loop3A_139 : i32 to index
        %parallel_loop3A_153 = arith.constant 16 : index
        %parallel_loop3A_154 = tpu.vector_load %arg9[%parallel_loop3A_152, %parallel_loop3A_153] {strides = array<i32>} : memref<128x64xi32, #tpu.memory_space<vmem>>, vector<16xi32>,
        %parallel_loop3A_155 = vector.bitcast %parallel_loop3A_154 : vector<16xi32> to vector<32xbf16>
        %parallel_loop3A_156 = arith.index_cast %parallel_loop3A_139 : i32 to index
        %parallel_loop3A_157 = arith.constant 16 : index
        %parallel_loop3A_158 = tpu.vector_load %arg11[%parallel_loop3A_156, %parallel_loop3A_157] {strides = array<i32>} : memref<128x64xi32, #tpu.memory_space<vmem>>, vector<16xi32>,
        %parallel_loop3A_159 = vector.bitcast %parallel_loop3A_158 : vector<16xi32> to vector<32xbf16>
        %parallel_loop3A_160 = arith.mulf %parallel_loop3A_155, %parallel_loop3A_159 : vector<32xbf16>
        %parallel_loop3A_161 = tpu.unpack_subelements %parallel_loop3A_160, 0 {pack_format = #tpu.pack_format<interleaved>} : vector<32xbf16> -> vector<16xf32>
        %parallel_loop3A_162 = tpu.unpack_subelements %parallel_loop3A_160, 1 {pack_format = #tpu.pack_format<interleaved>} : vector<32xbf16> -> vector<16xf32>
        %parallel_loop3A_163 = arith.addf %parallel_loop3A_161, %parallel_loop3A_162 : vector<16xf32>
        %parallel_loop3A_164 = arith.addf %parallel_loop3A_151, %parallel_loop3A_163 : vector<16xf32>
        %parallel_loop3A_165 = arith.index_cast %parallel_loop3A_139 : i32 to index
        %parallel_loop3A_166 = arith.constant 32 : index
        %parallel_loop3A_167 = tpu.vector_load %arg9[%parallel_loop3A_165, %parallel_loop3A_166] {strides = array<i32>} : memref<128x64xi32, #tpu.memory_space<vmem>>, vector<16xi32>,
        %parallel_loop3A_168 = vector.bitcast %parallel_loop3A_167 : vector<16xi32> to vector<32xbf16>
        %parallel_loop3A_169 = arith.index_cast %parallel_loop3A_139 : i32 to index
        %parallel_loop3A_170 = arith.constant 32 : index
        %parallel_loop3A_171 = tpu.vector_load %arg11[%parallel_loop3A_169, %parallel_loop3A_170] {strides = array<i32>} : memref<128x64xi32, #tpu.memory_space<vmem>>, vector<16xi32>,
        %parallel_loop3A_172 = vector.bitcast %parallel_loop3A_171 : vector<16xi32> to vector<32xbf16>
        %parallel_loop3A_173 = arith.mulf %parallel_loop3A_168, %parallel_loop3A_172 : vector<32xbf16>
        %parallel_loop3A_174 = tpu.unpack_subelements %parallel_loop3A_173, 0 {pack_format = #tpu.pack_format<interleaved>} : vector<32xbf16> -> vector<16xf32>
        %parallel_loop3A_175 = tpu.unpack_subelements %parallel_loop3A_173, 1 {pack_format = #tpu.pack_format<interleaved>} : vector<32xbf16> -> vector<16xf32>
        %parallel_loop3A_176 = arith.addf %parallel_loop3A_174, %parallel_loop3A_175 : vector<16xf32>
        %parallel_loop3A_177 = arith.addf %parallel_loop3A_164, %parallel_loop3A_176 : vector<16xf32>
        %parallel_loop3A_178 = arith.index_cast %parallel_loop3A_139 : i32 to index
        %parallel_loop3A_179 = arith.constant 48 : index
        %parallel_loop3A_180 = tpu.vector_load %arg9[%parallel_loop3A_178, %parallel_loop3A_179] {strides = array<i32>} : memref<128x64xi32, #tpu.memory_space<vmem>>, vector<16xi32>,
        %parallel_loop3A_181 = vector.bitcast %parallel_loop3A_180 : vector<16xi32> to vector<32xbf16>
        %parallel_loop3A_182 = arith.index_cast %parallel_loop3A_139 : i32 to index
        %parallel_loop3A_183 = arith.constant 48 : index
        %parallel_loop3A_184 = tpu.vector_load %arg11[%parallel_loop3A_182, %parallel_loop3A_183] {strides = array<i32>} : memref<128x64xi32, #tpu.memory_space<vmem>>, vector<16xi32>,
        %parallel_loop3A_185 = vector.bitcast %parallel_loop3A_184 : vector<16xi32> to vector<32xbf16>
        %parallel_loop3A_186 = arith.mulf %parallel_loop3A_181, %parallel_loop3A_185 : vector<32xbf16>
        %parallel_loop3A_187 = tpu.unpack_subelements %parallel_loop3A_186, 0 {pack_format = #tpu.pack_format<interleaved>} : vector<32xbf16> -> vector<16xf32>
        %parallel_loop3A_188 = tpu.unpack_subelements %parallel_loop3A_186, 1 {pack_format = #tpu.pack_format<interleaved>} : vector<32xbf16> -> vector<16xf32>
        %parallel_loop3A_189 = arith.addf %parallel_loop3A_187, %parallel_loop3A_188 : vector<16xf32>
        %parallel_loop3A_190 = arith.addf %parallel_loop3A_177, %parallel_loop3A_189 : vector<16xf32>
        %parallel_loop3A_191 = arith.constant true
        %parallel_loop3A_192 = vector.broadcast %parallel_loop3A_191 : i1 to vector<16xi1>
        %parallel_loop3A_193 = tpu.scan <sum>, %parallel_loop3A_190 masked %parallel_loop3A_192 : vector<16xf32>, vector<16xi1> -> vector<16xf32>
        %parallel_loop3A_194 = vector.extract %parallel_loop3A_193[15] : f32 from vector<16xf32>
        %parallel_loop3A_195 = tpu.iota {dimensions = array<i32: 0>} : vector<16xi32>
        %parallel_loop3A_196 = arith.constant 0 : i32
        %parallel_loop3A_197 = vector.broadcast %parallel_loop3A_196 : i32 to vector<16xi32>
        %parallel_loop3A_198 = arith.cmpi eq, %parallel_loop3A_195, %parallel_loop3A_197 : vector<16xi32>
        %parallel_loop3A_199 = arith.extui %parallel_loop3A_198 : vector<16xi1> to vector<16xi32>
        %parallel_loop3A_200 = arith.sitofp %parallel_loop3A_199 : vector<16xi32> to vector<16xf32>
        %parallel_loop3A_201 = vector.broadcast %parallel_loop3A_194 : f32 to vector<16xf32>
        %parallel_loop3A_202 = arith.mulf %parallel_loop3A_201, %parallel_loop3A_200 : vector<16xf32>
        %parallel_loop3A_203 = arith.addf %parallel_loop3A_135, %parallel_loop3A_202 : vector<16xf32>
        %parallel_loop3A_204 = arith.constant 16 : i32
        %parallel_loop3A_205 = arith.muli %parallel_loop3A_133, %parallel_loop3A_204 : i32
        %parallel_loop3A_206 = arith.constant 1 : i32
        %parallel_loop3A_207 = arith.addi %parallel_loop3A_205, %parallel_loop3A_206 : i32
        %parallel_loop3A_208 = arith.index_cast %parallel_loop3A_207 : i32 to index
        %parallel_loop3A_209 = arith.constant 0 : index
        %parallel_loop3A_210 = tpu.vector_load %arg9[%parallel_loop3A_208, %parallel_loop3A_209] {strides = array<i32>} : memref<128x64xi32, #tpu.memory_space<vmem>>, vector<16xi32>,
        %parallel_loop3A_211 = vector.bitcast %parallel_loop3A_210 : vector<16xi32> to vector<32xbf16>
        %parallel_loop3A_212 = arith.index_cast %parallel_loop3A_207 : i32 to index
        %parallel_loop3A_213 = arith.constant 0 : index
        %parallel_loop3A_214 = tpu.vector_load %arg11[%parallel_loop3A_212, %parallel_loop3A_213] {strides = array<i32>} : memref<128x64xi32, #tpu.memory_space<vmem>>, vector<16xi32>,
        %parallel_loop3A_215 = vector.bitcast %parallel_loop3A_214 : vector<16xi32> to vector<32xbf16>
        %parallel_loop3A_216 = arith.mulf %parallel_loop3A_211, %parallel_loop3A_215 : vector<32xbf16>
        %parallel_loop3A_217 = tpu.unpack_subelements %parallel_loop3A_216, 0 {pack_format = #tpu.pack_format<interleaved>} : vector<32xbf16> -> vector<16xf32>
        %parallel_loop3A_218 = tpu.unpack_subelements %parallel_loop3A_216, 1 {pack_format = #tpu.pack_format<interleaved>} : vector<32xbf16> -> vector<16xf32>
        %parallel_loop3A_219 = arith.addf %parallel_loop3A_217, %parallel_loop3A_218 : vector<16xf32>
        %parallel_loop3A_220 = arith.index_cast %parallel_loop3A_207 : i32 to index
        %parallel_loop3A_221 = arith.constant 16 : index
        %parallel_loop3A_222 = tpu.vector_load %arg9[%parallel_loop3A_220, %parallel_loop3A_221] {strides = array<i32>} : memref<128x64xi32, #tpu.memory_space<vmem>>, vector<16xi32>,
        %parallel_loop3A_223 = vector.bitcast %parallel_loop3A_222 : vector<16xi32> to vector<32xbf16>
        %parallel_loop3A_224 = arith.index_cast %parallel_loop3A_207 : i32 to index
        %parallel_loop3A_225 = arith.constant 16 : index
        %parallel_loop3A_226 = tpu.vector_load %arg11[%parallel_loop3A_224, %parallel_loop3A_225] {strides = array<i32>} : memref<128x64xi32, #tpu.memory_space<vmem>>, vector<16xi32>,
        %parallel_loop3A_227 = vector.bitcast %parallel_loop3A_226 : vector<16xi32> to vector<32xbf16>
        %parallel_loop3A_228 = arith.mulf %parallel_loop3A_223, %parallel_loop3A_227 : vector<32xbf16>
        %parallel_loop3A_229 = tpu.unpack_subelements %parallel_loop3A_228, 0 {pack_format = #tpu.pack_format<interleaved>} : vector<32xbf16> -> vector<16xf32>
        %parallel_loop3A_230 = tpu.unpack_subelements %parallel_loop3A_228, 1 {pack_format = #tpu.pack_format<interleaved>} : vector<32xbf16> -> vector<16xf32>
        %parallel_loop3A_231 = arith.addf %parallel_loop3A_229, %parallel_loop3A_230 : vector<16xf32>
        %parallel_loop3A_232 = arith.addf %parallel_loop3A_219, %parallel_loop3A_231 : vector<16xf32>
        %parallel_loop3A_233 = arith.index_cast %parallel_loop3A_207 : i32 to index
        %parallel_loop3A_234 = arith.constant 32 : index
        %parallel_loop3A_235 = tpu.vector_load %arg9[%parallel_loop3A_233, %parallel_loop3A_234] {strides = array<i32>} : memref<128x64xi32, #tpu.memory_space<vmem>>, vector<16xi32>,
        %parallel_loop3A_236 = vector.bitcast %parallel_loop3A_235 : vector<16xi32> to vector<32xbf16>
        %parallel_loop3A_237 = arith.index_cast %parallel_loop3A_207 : i32 to index
        %parallel_loop3A_238 = arith.constant 32 : index
        %parallel_loop3A_239 = tpu.vector_load %arg11[%parallel_loop3A_237, %parallel_loop3A_238] {strides = array<i32>} : memref<128x64xi32, #tpu.memory_space<vmem>>, vector<16xi32>,
        %parallel_loop3A_240 = vector.bitcast %parallel_loop3A_239 : vector<16xi32> to vector<32xbf16>
        %parallel_loop3A_241 = arith.mulf %parallel_loop3A_236, %parallel_loop3A_240 : vector<32xbf16>
        %parallel_loop3A_242 = tpu.unpack_subelements %parallel_loop3A_241, 0 {pack_format = #tpu.pack_format<interleaved>} : vector<32xbf16> -> vector<16xf32>
        %parallel_loop3A_243 = tpu.unpack_subelements %parallel_loop3A_241, 1 {pack_format = #tpu.pack_format<interleaved>} : vector<32xbf16> -> vector<16xf32>
        %parallel_loop3A_244 = arith.addf %parallel_loop3A_242, %parallel_loop3A_243 : vector<16xf32>
        %parallel_loop3A_245 = arith.addf %parallel_loop3A_232, %parallel_loop3A_244 : vector<16xf32>
        %parallel_loop3A_246 = arith.index_cast %parallel_loop3A_207 : i32 to index
        %parallel_loop3A_247 = arith.constant 48 : index
        %parallel_loop3A_248 = tpu.vector_load %arg9[%parallel_loop3A_246, %parallel_loop3A_247] {strides = array<i32>} : memref<128x64xi32, #tpu.memory_space<vmem>>, vector<16xi32>,
        %parallel_loop3A_249 = vector.bitcast %parallel_loop3A_248 : vector<16xi32> to vector<32xbf16>
        %parallel_loop3A_250 = arith.index_cast %parallel_loop3A_207 : i32 to index
        %parallel_loop3A_251 = arith.constant 48 : index
        %parallel_loop3A_252 = tpu.vector_load %arg11[%parallel_loop3A_250, %parallel_loop3A_251] {strides = array<i32>} : memref<128x64xi32, #tpu.memory_space<vmem>>, vector<16xi32>,
        %parallel_loop3A_253 = vector.bitcast %parallel_loop3A_252 : vector<16xi32> to vector<32xbf16>
        %parallel_loop3A_254 = arith.mulf %parallel_loop3A_249, %parallel_loop3A_253 : vector<32xbf16>
        %parallel_loop3A_255 = tpu.unpack_subelements %parallel_loop3A_254, 0 {pack_format = #tpu.pack_format<interleaved>} : vector<32xbf16> -> vector<16xf32>
        %parallel_loop3A_256 = tpu.unpack_subelements %parallel_loop3A_254, 1 {pack_format = #tpu.pack_format<interleaved>} : vector<32xbf16> -> vector<16xf32>
        %parallel_loop3A_257 = arith.addf %parallel_loop3A_255, %parallel_loop3A_256 : vector<16xf32>
        %parallel_loop3A_258 = arith.addf %parallel_loop3A_245, %parallel_loop3A_257 : vector<16xf32>
        %parallel_loop3A_259 = arith.constant true
        %parallel_loop3A_260 = vector.broadcast %parallel_loop3A_259 : i1 to vector<16xi1>
        %parallel_loop3A_261 = tpu.scan <sum>, %parallel_loop3A_258 masked %parallel_loop3A_260 : vector<16xf32>, vector<16xi1> -> vector<16xf32>
        %parallel_loop3A_262 = vector.extract %parallel_loop3A_261[15] : f32 from vector<16xf32>
        %parallel_loop3A_263 = tpu.iota {dimensions = array<i32: 0>} : vector<16xi32>
        %parallel_loop3A_264 = arith.constant 1 : i32
        %parallel_loop3A_265 = vector.broadcast %parallel_loop3A_264 : i32 to vector<16xi32>
        %parallel_loop3A_266 = arith.cmpi eq, %parallel_loop3A_263, %parallel_loop3A_265 : vector<16xi32>
        %parallel_loop3A_267 = arith.extui %parallel_loop3A_266 : vector<16xi1> to vector<16xi32>
        %parallel_loop3A_268 = arith.sitofp %parallel_loop3A_267 : vector<16xi32> to vector<16xf32>
        %parallel_loop3A_269 = vector.broadcast %parallel_loop3A_262 : f32 to vector<16xf32>
        %parallel_loop3A_270 = arith.mulf %parallel_loop3A_269, %parallel_loop3A_268 : vector<16xf32>
        %parallel_loop3A_271 = arith.addf %parallel_loop3A_203, %parallel_loop3A_270 : vector<16xf32>
        %parallel_loop3A_272 = arith.constant 16 : i32
        %parallel_loop3A_273 = arith.muli %parallel_loop3A_133, %parallel_loop3A_272 : i32
        %parallel_loop3A_274 = arith.constant 2 : i32
        %parallel_loop3A_275 = arith.addi %parallel_loop3A_273, %parallel_loop3A_274 : i32
        %parallel_loop3A_276 = arith.index_cast %parallel_loop3A_275 : i32 to index
        %parallel_loop3A_277 = arith.constant 0 : index
        %parallel_loop3A_278 = tpu.vector_load %arg9[%parallel_loop3A_276, %parallel_loop3A_277] {strides = array<i32>} : memref<128x64xi32, #tpu.memory_space<vmem>>, vector<16xi32>,
        %parallel_loop3A_279 = vector.bitcast %parallel_loop3A_278 : vector<16xi32> to vector<32xbf16>
        %parallel_loop3A_280 = arith.index_cast %parallel_loop3A_275 : i32 to index
        %parallel_loop3A_281 = arith.constant 0 : index
        %parallel_loop3A_282 = tpu.vector_load %arg11[%parallel_loop3A_280, %parallel_loop3A_281] {strides = array<i32>} : memref<128x64xi32, #tpu.memory_space<vmem>>, vector<16xi32>,
        %parallel_loop3A_283 = vector.bitcast %parallel_loop3A_282 : vector<16xi32> to vector<32xbf16>
        %parallel_loop3A_284 = arith.mulf %parallel_loop3A_279, %parallel_loop3A_283 : vector<32xbf16>
        %parallel_loop3A_285 = tpu.unpack_subelements %parallel_loop3A_284, 0 {pack_format = #tpu.pack_format<interleaved>} : vector<32xbf16> -> vector<16xf32>
        %parallel_loop3A_286 = tpu.unpack_subelements %parallel_loop3A_284, 1 {pack_format = #tpu.pack_format<interleaved>} : vector<32xbf16> -> vector<16xf32>
        %parallel_loop3A_287 = arith.addf %parallel_loop3A_285, %parallel_loop3A_286 : vector<16xf32>
        %parallel_loop3A_288 = arith.index_cast %parallel_loop3A_275 : i32 to index
        %parallel_loop3A_289 = arith.constant 16 : index
        %parallel_loop3A_290 = tpu.vector_load %arg9[%parallel_loop3A_288, %parallel_loop3A_289] {strides = array<i32>} : memref<128x64xi32, #tpu.memory_space<vmem>>, vector<16xi32>,
        %parallel_loop3A_291 = vector.bitcast %parallel_loop3A_290 : vector<16xi32> to vector<32xbf16>
        %parallel_loop3A_292 = arith.index_cast %parallel_loop3A_275 : i32 to index
        %parallel_loop3A_293 = arith.constant 16 : index
        %parallel_loop3A_294 = tpu.vector_load %arg11[%parallel_loop3A_292, %parallel_loop3A_293] {strides = array<i32>} : memref<128x64xi32, #tpu.memory_space<vmem>>, vector<16xi32>,
        %parallel_loop3A_295 = vector.bitcast %parallel_loop3A_294 : vector<16xi32> to vector<32xbf16>
        %parallel_loop3A_296 = arith.mulf %parallel_loop3A_291, %parallel_loop3A_295 : vector<32xbf16>
        %parallel_loop3A_297 = tpu.unpack_subelements %parallel_loop3A_296, 0 {pack_format = #tpu.pack_format<interleaved>} : vector<32xbf16> -> vector<16xf32>
        %parallel_loop3A_298 = tpu.unpack_subelements %parallel_loop3A_296, 1 {pack_format = #tpu.pack_format<interleaved>} : vector<32xbf16> -> vector<16xf32>
        %parallel_loop3A_299 = arith.addf %parallel_loop3A_297, %parallel_loop3A_298 : vector<16xf32>
        %parallel_loop3A_300 = arith.addf %parallel_loop3A_287, %parallel_loop3A_299 : vector<16xf32>
        %parallel_loop3A_301 = arith.index_cast %parallel_loop3A_275 : i32 to index
        %parallel_loop3A_302 = arith.constant 32 : index
        %parallel_loop3A_303 = tpu.vector_load %arg9[%parallel_loop3A_301, %parallel_loop3A_302] {strides = array<i32>} : memref<128x64xi32, #tpu.memory_space<vmem>>, vector<16xi32>,
        %parallel_loop3A_304 = vector.bitcast %parallel_loop3A_303 : vector<16xi32> to vector<32xbf16>
        %parallel_loop3A_305 = arith.index_cast %parallel_loop3A_275 : i32 to index
        %parallel_loop3A_306 = arith.constant 32 : index
        %parallel_loop3A_307 = tpu.vector_load %arg11[%parallel_loop3A_305, %parallel_loop3A_306] {strides = array<i32>} : memref<128x64xi32, #tpu.memory_space<vmem>>, vector<16xi32>,
        %parallel_loop3A_308 = vector.bitcast %parallel_loop3A_307 : vector<16xi32> to vector<32xbf16>
        %parallel_loop3A_309 = arith.mulf %parallel_loop3A_304, %parallel_loop3A_308 : vector<32xbf16>
        %parallel_loop3A_310 = tpu.unpack_subelements %parallel_loop3A_309, 0 {pack_format = #tpu.pack_format<interleaved>} : vector<32xbf16> -> vector<16xf32>
        %parallel_loop3A_311 = tpu.unpack_subelements %parallel_loop3A_309, 1 {pack_format = #tpu.pack_format<interleaved>} : vector<32xbf16> -> vector<16xf32>
        %parallel_loop3A_312 = arith.addf %parallel_loop3A_310, %parallel_loop3A_311 : vector<16xf32>
        %parallel_loop3A_313 = arith.addf %parallel_loop3A_300, %parallel_loop3A_312 : vector<16xf32>
        %parallel_loop3A_314 = arith.index_cast %parallel_loop3A_275 : i32 to index
        %parallel_loop3A_315 = arith.constant 48 : index
        %parallel_loop3A_316 = tpu.vector_load %arg9[%parallel_loop3A_314, %parallel_loop3A_315] {strides = array<i32>} : memref<128x64xi32, #tpu.memory_space<vmem>>, vector<16xi32>,
        %parallel_loop3A_317 = vector.bitcast %parallel_loop3A_316 : vector<16xi32> to vector<32xbf16>
        %parallel_loop3A_318 = arith.index_cast %parallel_loop3A_275 : i32 to index
        %parallel_loop3A_319 = arith.constant 48 : index
        %parallel_loop3A_320 = tpu.vector_load %arg11[%parallel_loop3A_318, %parallel_loop3A_319] {strides = array<i32>} : memref<128x64xi32, #tpu.memory_space<vmem>>, vector<16xi32>,
        %parallel_loop3A_321 = vector.bitcast %parallel_loop3A_320 : vector<16xi32> to vector<32xbf16>
        %parallel_loop3A_322 = arith.mulf %parallel_loop3A_317, %parallel_loop3A_321 : vector<32xbf16>
        %parallel_loop3A_323 = tpu.unpack_subelements %parallel_loop3A_322, 0 {pack_format = #tpu.pack_format<interleaved>} : vector<32xbf16> -> vector<16xf32>
        %parallel_loop3A_324 = tpu.unpack_subelements %parallel_loop3A_322, 1 {pack_format = #tpu.pack_format<interleaved>} : vector<32xbf16> -> vector<16xf32>
        %parallel_loop3A_325 = arith.addf %parallel_loop3A_323, %parallel_loop3A_324 : vector<16xf32>
        %parallel_loop3A_326 = arith.addf %parallel_loop3A_313, %parallel_loop3A_325 : vector<16xf32>
        %parallel_loop3A_327 = arith.constant true
        %parallel_loop3A_328 = vector.broadcast %parallel_loop3A_327 : i1 to vector<16xi1>
        %parallel_loop3A_329 = tpu.scan <sum>, %parallel_loop3A_326 masked %parallel_loop3A_328 : vector<16xf32>, vector<16xi1> -> vector<16xf32>
        %parallel_loop3A_330 = vector.extract %parallel_loop3A_329[15] : f32 from vector<16xf32>
        %parallel_loop3A_331 = tpu.iota {dimensions = array<i32: 0>} : vector<16xi32>
        %parallel_loop3A_332 = arith.constant 2 : i32
        %parallel_loop3A_333 = vector.broadcast %parallel_loop3A_332 : i32 to vector<16xi32>
        %parallel_loop3A_334 = arith.cmpi eq, %parallel_loop3A_331, %parallel_loop3A_333 : vector<16xi32>
        %parallel_loop3A_335 = arith.extui %parallel_loop3A_334 : vector<16xi1> to vector<16xi32>
        %parallel_loop3A_336 = arith.sitofp %parallel_loop3A_335 : vector<16xi32> to vector<16xf32>
        %parallel_loop3A_337 = vector.broadcast %parallel_loop3A_330 : f32 to vector<16xf32>
        %parallel_loop3A_338 = arith.mulf %parallel_loop3A_337, %parallel_loop3A_336 : vector<16xf32>
        %parallel_loop3A_339 = arith.addf %parallel_loop3A_271, %parallel_loop3A_338 : vector<16xf32>
        %parallel_loop3A_340 = arith.constant 16 : i32
        %parallel_loop3A_341 = arith.muli %parallel_loop3A_133, %parallel_loop3A_340 : i32
        %parallel_loop3A_342 = arith.constant 3 : i32
        %parallel_loop3A_343 = arith.addi %parallel_loop3A_341, %parallel_loop3A_342 : i32
        %parallel_loop3A_344 = arith.index_cast %parallel_loop3A_343 : i32 to index
        %parallel_loop3A_345 = arith.constant 0 : index
        %parallel_loop3A_346 = tpu.vector_load %arg9[%parallel_loop3A_344, %parallel_loop3A_345] {strides = array<i32>} : memref<128x64xi32, #tpu.memory_space<vmem>>, vector<16xi32>,
        %parallel_loop3A_347 = vector.bitcast %parallel_loop3A_346 : vector<16xi32> to vector<32xbf16>
        %parallel_loop3A_348 = arith.index_cast %parallel_loop3A_343 : i32 to index
        %parallel_loop3A_349 = arith.constant 0 : index
        %parallel_loop3A_350 = tpu.vector_load %arg11[%parallel_loop3A_348, %parallel_loop3A_349] {strides = array<i32>} : memref<128x64xi32, #tpu.memory_space<vmem>>, vector<16xi32>,
        %parallel_loop3A_351 = vector.bitcast %parallel_loop3A_350 : vector<16xi32> to vector<32xbf16>
        %parallel_loop3A_352 = arith.mulf %parallel_loop3A_347, %parallel_loop3A_351 : vector<32xbf16>
        %parallel_loop3A_353 = tpu.unpack_subelements %parallel_loop3A_352, 0 {pack_format = #tpu.pack_format<interleaved>} : vector<32xbf16> -> vector<16xf32>
        %parallel_loop3A_354 = tpu.unpack_subelements %parallel_loop3A_352, 1 {pack_format = #tpu.pack_format<interleaved>} : vector<32xbf16> -> vector<16xf32>
        %parallel_loop3A_355 = arith.addf %parallel_loop3A_353, %parallel_loop3A_354 : vector<16xf32>
        %parallel_loop3A_356 = arith.index_cast %parallel_loop3A_343 : i32 to index
        %parallel_loop3A_357 = arith.constant 16 : index
        %parallel_loop3A_358 = tpu.vector_load %arg9[%parallel_loop3A_356, %parallel_loop3A_357] {strides = array<i32>} : memref<128x64xi32, #tpu.memory_space<vmem>>, vector<16xi32>,
        %parallel_loop3A_359 = vector.bitcast %parallel_loop3A_358 : vector<16xi32> to vector<32xbf16>
        %parallel_loop3A_360 = arith.index_cast %parallel_loop3A_343 : i32 to index
        %parallel_loop3A_361 = arith.constant 16 : index
        %parallel_loop3A_362 = tpu.vector_load %arg11[%parallel_loop3A_360, %parallel_loop3A_361] {strides = array<i32>} : memref<128x64xi32, #tpu.memory_space<vmem>>, vector<16xi32>,
        %parallel_loop3A_363 = vector.bitcast %parallel_loop3A_362 : vector<16xi32> to vector<32xbf16>
        %parallel_loop3A_364 = arith.mulf %parallel_loop3A_359, %parallel_loop3A_363 : vector<32xbf16>
        %parallel_loop3A_365 = tpu.unpack_subelements %parallel_loop3A_364, 0 {pack_format = #tpu.pack_format<interleaved>} : vector<32xbf16> -> vector<16xf32>
        %parallel_loop3A_366 = tpu.unpack_subelements %parallel_loop3A_364, 1 {pack_format = #tpu.pack_format<interleaved>} : vector<32xbf16> -> vector<16xf32>
        %parallel_loop3A_367 = arith.addf %parallel_loop3A_365, %parallel_loop3A_366 : vector<16xf32>
        %parallel_loop3A_368 = arith.addf %parallel_loop3A_355, %parallel_loop3A_367 : vector<16xf32>
        %parallel_loop3A_369 = arith.index_cast %parallel_loop3A_343 : i32 to index
        %parallel_loop3A_370 = arith.constant 32 : index
        %parallel_loop3A_371 = tpu.vector_load %arg9[%parallel_loop3A_369, %parallel_loop3A_370] {strides = array<i32>} : memref<128x64xi32, #tpu.memory_space<vmem>>, vector<16xi32>,
        %parallel_loop3A_372 = vector.bitcast %parallel_loop3A_371 : vector<16xi32> to vector<32xbf16>
        %parallel_loop3A_373 = arith.index_cast %parallel_loop3A_343 : i32 to index
        %parallel_loop3A_374 = arith.constant 32 : index
        %parallel_loop3A_375 = tpu.vector_load %arg11[%parallel_loop3A_373, %parallel_loop3A_374] {strides = array<i32>} : memref<128x64xi32, #tpu.memory_space<vmem>>, vector<16xi32>,
        %parallel_loop3A_376 = vector.bitcast %parallel_loop3A_375 : vector<16xi32> to vector<32xbf16>
        %parallel_loop3A_377 = arith.mulf %parallel_loop3A_372, %parallel_loop3A_376 : vector<32xbf16>
        %parallel_loop3A_378 = tpu.unpack_subelements %parallel_loop3A_377, 0 {pack_format = #tpu.pack_format<interleaved>} : vector<32xbf16> -> vector<16xf32>
        %parallel_loop3A_379 = tpu.unpack_subelements %parallel_loop3A_377, 1 {pack_format = #tpu.pack_format<interleaved>} : vector<32xbf16> -> vector<16xf32>
        %parallel_loop3A_380 = arith.addf %parallel_loop3A_378, %parallel_loop3A_379 : vector<16xf32>
        %parallel_loop3A_381 = arith.addf %parallel_loop3A_368, %parallel_loop3A_380 : vector<16xf32>
        %parallel_loop3A_382 = arith.index_cast %parallel_loop3A_343 : i32 to index
        %parallel_loop3A_383 = arith.constant 48 : index
        %parallel_loop3A_384 = tpu.vector_load %arg9[%parallel_loop3A_382, %parallel_loop3A_383] {strides = array<i32>} : memref<128x64xi32, #tpu.memory_space<vmem>>, vector<16xi32>,
        %parallel_loop3A_385 = vector.bitcast %parallel_loop3A_384 : vector<16xi32> to vector<32xbf16>
        %parallel_loop3A_386 = arith.index_cast %parallel_loop3A_343 : i32 to index
        %parallel_loop3A_387 = arith.constant 48 : index
        %parallel_loop3A_388 = tpu.vector_load %arg11[%parallel_loop3A_386, %parallel_loop3A_387] {strides = array<i32>} : memref<128x64xi32, #tpu.memory_space<vmem>>, vector<16xi32>,
        %parallel_loop3A_389 = vector.bitcast %parallel_loop3A_388 : vector<16xi32> to vector<32xbf16>
        %parallel_loop3A_390 = arith.mulf %parallel_loop3A_385, %parallel_loop3A_389 : vector<32xbf16>
        %parallel_loop3A_391 = tpu.unpack_subelements %parallel_loop3A_390, 0 {pack_format = #tpu.pack_format<interleaved>} : vector<32xbf16> -> vector<16xf32>
        %parallel_loop3A_392 = tpu.unpack_subelements %parallel_loop3A_390, 1 {pack_format = #tpu.pack_format<interleaved>} : vector<32xbf16> -> vector<16xf32>
        %parallel_loop3A_393 = arith.addf %parallel_loop3A_391, %parallel_loop3A_392 : vector<16xf32>
        %parallel_loop3A_394 = arith.addf %parallel_loop3A_381, %parallel_loop3A_393 : vector<16xf32>
        %parallel_loop3A_395 = arith.constant true
        %parallel_loop3A_396 = vector.broadcast %parallel_loop3A_395 : i1 to vector<16xi1>
        %parallel_loop3A_397 = tpu.scan <sum>, %parallel_loop3A_394 masked %parallel_loop3A_396 : vector<16xf32>, vector<16xi1> -> vector<16xf32>
        %parallel_loop3A_398 = vector.extract %parallel_loop3A_397[15] : f32 from vector<16xf32>
        %parallel_loop3A_399 = tpu.iota {dimensions = array<i32: 0>} : vector<16xi32>
        %parallel_loop3A_400 = arith.constant 3 : i32
        %parallel_loop3A_401 = vector.broadcast %parallel_loop3A_400 : i32 to vector<16xi32>
        %parallel_loop3A_402 = arith.cmpi eq, %parallel_loop3A_399, %parallel_loop3A_401 : vector<16xi32>
        %parallel_loop3A_403 = arith.extui %parallel_loop3A_402 : vector<16xi1> to vector<16xi32>
        %parallel_loop3A_404 = arith.sitofp %parallel_loop3A_403 : vector<16xi32> to vector<16xf32>
        %parallel_loop3A_405 = vector.broadcast %parallel_loop3A_398 : f32 to vector<16xf32>
        %parallel_loop3A_406 = arith.mulf %parallel_loop3A_405, %parallel_loop3A_404 : vector<16xf32>
        %parallel_loop3A_407 = arith.addf %parallel_loop3A_339, %parallel_loop3A_406 : vector<16xf32>
        %parallel_loop3A_408 = arith.constant 16 : i32
        %parallel_loop3A_409 = arith.muli %parallel_loop3A_133, %parallel_loop3A_408 : i32
        %parallel_loop3A_410 = arith.constant 4 : i32
        %parallel_loop3A_411 = arith.addi %parallel_loop3A_409, %parallel_loop3A_410 : i32
        %parallel_loop3A_412 = arith.index_cast %parallel_loop3A_411 : i32 to index
        %parallel_loop3A_413 = arith.constant 0 : index
        %parallel_loop3A_414 = tpu.vector_load %arg9[%parallel_loop3A_412, %parallel_loop3A_413] {strides = array<i32>} : memref<128x64xi32, #tpu.memory_space<vmem>>, vector<16xi32>,
        %parallel_loop3A_415 = vector.bitcast %parallel_loop3A_414 : vector<16xi32> to vector<32xbf16>
        %parallel_loop3A_416 = arith.index_cast %parallel_loop3A_411 : i32 to index
        %parallel_loop3A_417 = arith.constant 0 : index
        %parallel_loop3A_418 = tpu.vector_load %arg11[%parallel_loop3A_416, %parallel_loop3A_417] {strides = array<i32>} : memref<128x64xi32, #tpu.memory_space<vmem>>, vector<16xi32>,
        %parallel_loop3A_419 = vector.bitcast %parallel_loop3A_418 : vector<16xi32> to vector<32xbf16>
        %parallel_loop3A_420 = arith.mulf %parallel_loop3A_415, %parallel_loop3A_419 : vector<32xbf16>
        %parallel_loop3A_421 = tpu.unpack_subelements %parallel_loop3A_420, 0 {pack_format = #tpu.pack_format<interleaved>} : vector<32xbf16> -> vector<16xf32>
        %parallel_loop3A_422 = tpu.unpack_subelements %parallel_loop3A_420, 1 {pack_format = #tpu.pack_format<interleaved>} : vector<32xbf16> -> vector<16xf32>
        %parallel_loop3A_423 = arith.addf %parallel_loop3A_421, %parallel_loop3A_422 : vector<16xf32>
        %parallel_loop3A_424 = arith.index_cast %parallel_loop3A_411 : i32 to index
        %parallel_loop3A_425 = arith.constant 16 : index
        %parallel_loop3A_426 = tpu.vector_load %arg9[%parallel_loop3A_424, %parallel_loop3A_425] {strides = array<i32>} : memref<128x64xi32, #tpu.memory_space<vmem>>, vector<16xi32>,
        %parallel_loop3A_427 = vector.bitcast %parallel_loop3A_426 : vector<16xi32> to vector<32xbf16>
        %parallel_loop3A_428 = arith.index_cast %parallel_loop3A_411 : i32 to index
        %parallel_loop3A_429 = arith.constant 16 : index
        %parallel_loop3A_430 = tpu.vector_load %arg11[%parallel_loop3A_428, %parallel_loop3A_429] {strides = array<i32>} : memref<128x64xi32, #tpu.memory_space<vmem>>, vector<16xi32>,
        %parallel_loop3A_431 = vector.bitcast %parallel_loop3A_430 : vector<16xi32> to vector<32xbf16>
        %parallel_loop3A_432 = arith.mulf %parallel_loop3A_427, %parallel_loop3A_431 : vector<32xbf16>
        %parallel_loop3A_433 = tpu.unpack_subelements %parallel_loop3A_432, 0 {pack_format = #tpu.pack_format<interleaved>} : vector<32xbf16> -> vector<16xf32>
        %parallel_loop3A_434 = tpu.unpack_subelements %parallel_loop3A_432, 1 {pack_format = #tpu.pack_format<interleaved>} : vector<32xbf16> -> vector<16xf32>
        %parallel_loop3A_435 = arith.addf %parallel_loop3A_433, %parallel_loop3A_434 : vector<16xf32>
        %parallel_loop3A_436 = arith.addf %parallel_loop3A_423, %parallel_loop3A_435 : vector<16xf32>
        %parallel_loop3A_437 = arith.index_cast %parallel_loop3A_411 : i32 to index
        %parallel_loop3A_438 = arith.constant 32 : index
        %parallel_loop3A_439 = tpu.vector_load %arg9[%parallel_loop3A_437, %parallel_loop3A_438] {strides = array<i32>} : memref<128x64xi32, #tpu.memory_space<vmem>>, vector<16xi32>,
        %parallel_loop3A_440 = vector.bitcast %parallel_loop3A_439 : vector<16xi32> to vector<32xbf16>
        %parallel_loop3A_441 = arith.index_cast %parallel_loop3A_411 : i32 to index
        %parallel_loop3A_442 = arith.constant 32 : index
        %parallel_loop3A_443 = tpu.vector_load %arg11[%parallel_loop3A_441, %parallel_loop3A_442] {strides = array<i32>} : memref<128x64xi32, #tpu.memory_space<vmem>>, vector<16xi32>,
        %parallel_loop3A_444 = vector.bitcast %parallel_loop3A_443 : vector<16xi32> to vector<32xbf16>
        %parallel_loop3A_445 = arith.mulf %parallel_loop3A_440, %parallel_loop3A_444 : vector<32xbf16>
        %parallel_loop3A_446 = tpu.unpack_subelements %parallel_loop3A_445, 0 {pack_format = #tpu.pack_format<interleaved>} : vector<32xbf16> -> vector<16xf32>
        %parallel_loop3A_447 = tpu.unpack_subelements %parallel_loop3A_445, 1 {pack_format = #tpu.pack_format<interleaved>} : vector<32xbf16> -> vector<16xf32>
        %parallel_loop3A_448 = arith.addf %parallel_loop3A_446, %parallel_loop3A_447 : vector<16xf32>
        %parallel_loop3A_449 = arith.addf %parallel_loop3A_436, %parallel_loop3A_448 : vector<16xf32>
        %parallel_loop3A_450 = arith.index_cast %parallel_loop3A_411 : i32 to index
        %parallel_loop3A_451 = arith.constant 48 : index
        %parallel_loop3A_452 = tpu.vector_load %arg9[%parallel_loop3A_450, %parallel_loop3A_451] {strides = array<i32>} : memref<128x64xi32, #tpu.memory_space<vmem>>, vector<16xi32>,
        %parallel_loop3A_453 = vector.bitcast %parallel_loop3A_452 : vector<16xi32> to vector<32xbf16>
        %parallel_loop3A_454 = arith.index_cast %parallel_loop3A_411 : i32 to index
        %parallel_loop3A_455 = arith.constant 48 : index
        %parallel_loop3A_456 = tpu.vector_load %arg11[%parallel_loop3A_454, %parallel_loop3A_455] {strides = array<i32>} : memref<128x64xi32, #tpu.memory_space<vmem>>, vector<16xi32>,
        %parallel_loop3A_457 = vector.bitcast %parallel_loop3A_456 : vector<16xi32> to vector<32xbf16>
        %parallel_loop3A_458 = arith.mulf %parallel_loop3A_453, %parallel_loop3A_457 : vector<32xbf16>
        %parallel_loop3A_459 = tpu.unpack_subelements %parallel_loop3A_458, 0 {pack_format = #tpu.pack_format<interleaved>} : vector<32xbf16> -> vector<16xf32>
        %parallel_loop3A_460 = tpu.unpack_subelements %parallel_loop3A_458, 1 {pack_format = #tpu.pack_format<interleaved>} : vector<32xbf16> -> vector<16xf32>
        %parallel_loop3A_461 = arith.addf %parallel_loop3A_459, %parallel_loop3A_460 : vector<16xf32>
        %parallel_loop3A_462 = arith.addf %parallel_loop3A_449, %parallel_loop3A_461 : vector<16xf32>
        %parallel_loop3A_463 = arith.constant true
        %parallel_loop3A_464 = vector.broadcast %parallel_loop3A_463 : i1 to vector<16xi1>
        %parallel_loop3A_465 = tpu.scan <sum>, %parallel_loop3A_462 masked %parallel_loop3A_464 : vector<16xf32>, vector<16xi1> -> vector<16xf32>
        %parallel_loop3A_466 = vector.extract %parallel_loop3A_465[15] : f32 from vector<16xf32>
        %parallel_loop3A_467 = tpu.iota {dimensions = array<i32: 0>} : vector<16xi32>
        %parallel_loop3A_468 = arith.constant 4 : i32
        %parallel_loop3A_469 = vector.broadcast %parallel_loop3A_468 : i32 to vector<16xi32>
        %parallel_loop3A_470 = arith.cmpi eq, %parallel_loop3A_467, %parallel_loop3A_469 : vector<16xi32>
        %parallel_loop3A_471 = arith.extui %parallel_loop3A_470 : vector<16xi1> to vector<16xi32>
        %parallel_loop3A_472 = arith.sitofp %parallel_loop3A_471 : vector<16xi32> to vector<16xf32>
        %parallel_loop3A_473 = vector.broadcast %parallel_loop3A_466 : f32 to vector<16xf32>
        %parallel_loop3A_474 = arith.mulf %parallel_loop3A_473, %parallel_loop3A_472 : vector<16xf32>
        %parallel_loop3A_475 = arith.addf %parallel_loop3A_407, %parallel_loop3A_474 : vector<16xf32>
        %parallel_loop3A_476 = arith.constant 16 : i32
        %parallel_loop3A_477 = arith.muli %parallel_loop3A_133, %parallel_loop3A_476 : i32
        %parallel_loop3A_478 = arith.constant 5 : i32
        %parallel_loop3A_479 = arith.addi %parallel_loop3A_477, %parallel_loop3A_478 : i32
        %parallel_loop3A_480 = arith.index_cast %parallel_loop3A_479 : i32 to index
        %parallel_loop3A_481 = arith.constant 0 : index
        %parallel_loop3A_482 = tpu.vector_load %arg9[%parallel_loop3A_480, %parallel_loop3A_481] {strides = array<i32>} : memref<128x64xi32, #tpu.memory_space<vmem>>, vector<16xi32>,
        %parallel_loop3A_483 = vector.bitcast %parallel_loop3A_482 : vector<16xi32> to vector<32xbf16>
        %parallel_loop3A_484 = arith.index_cast %parallel_loop3A_479 : i32 to index
        %parallel_loop3A_485 = arith.constant 0 : index
        %parallel_loop3A_486 = tpu.vector_load %arg11[%parallel_loop3A_484, %parallel_loop3A_485] {strides = array<i32>} : memref<128x64xi32, #tpu.memory_space<vmem>>, vector<16xi32>,
        %parallel_loop3A_487 = vector.bitcast %parallel_loop3A_486 : vector<16xi32> to vector<32xbf16>
        %parallel_loop3A_488 = arith.mulf %parallel_loop3A_483, %parallel_loop3A_487 : vector<32xbf16>
        %parallel_loop3A_489 = tpu.unpack_subelements %parallel_loop3A_488, 0 {pack_format = #tpu.pack_format<interleaved>} : vector<32xbf16> -> vector<16xf32>
        %parallel_loop3A_490 = tpu.unpack_subelements %parallel_loop3A_488, 1 {pack_format = #tpu.pack_format<interleaved>} : vector<32xbf16> -> vector<16xf32>
        %parallel_loop3A_491 = arith.addf %parallel_loop3A_489, %parallel_loop3A_490 : vector<16xf32>
        %parallel_loop3A_492 = arith.index_cast %parallel_loop3A_479 : i32 to index
        %parallel_loop3A_493 = arith.constant 16 : index
        %parallel_loop3A_494 = tpu.vector_load %arg9[%parallel_loop3A_492, %parallel_loop3A_493] {strides = array<i32>} : memref<128x64xi32, #tpu.memory_space<vmem>>, vector<16xi32>,
        %parallel_loop3A_495 = vector.bitcast %parallel_loop3A_494 : vector<16xi32> to vector<32xbf16>
        %parallel_loop3A_496 = arith.index_cast %parallel_loop3A_479 : i32 to index
        %parallel_loop3A_497 = arith.constant 16 : index
        %parallel_loop3A_498 = tpu.vector_load %arg11[%parallel_loop3A_496, %parallel_loop3A_497] {strides = array<i32>} : memref<128x64xi32, #tpu.memory_space<vmem>>, vector<16xi32>,
        %parallel_loop3A_499 = vector.bitcast %parallel_loop3A_498 : vector<16xi32> to vector<32xbf16>
        %parallel_loop3A_500 = arith.mulf %parallel_loop3A_495, %parallel_loop3A_499 : vector<32xbf16>
        %parallel_loop3A_501 = tpu.unpack_subelements %parallel_loop3A_500, 0 {pack_format = #tpu.pack_format<interleaved>} : vector<32xbf16> -> vector<16xf32>
        %parallel_loop3A_502 = tpu.unpack_subelements %parallel_loop3A_500, 1 {pack_format = #tpu.pack_format<interleaved>} : vector<32xbf16> -> vector<16xf32>
        %parallel_loop3A_503 = arith.addf %parallel_loop3A_501, %parallel_loop3A_502 : vector<16xf32>
        %parallel_loop3A_504 = arith.addf %parallel_loop3A_491, %parallel_loop3A_503 : vector<16xf32>
        %parallel_loop3A_505 = arith.index_cast %parallel_loop3A_479 : i32 to index
        %parallel_loop3A_506 = arith.constant 32 : index
        %parallel_loop3A_507 = tpu.vector_load %arg9[%parallel_loop3A_505, %parallel_loop3A_506] {strides = array<i32>} : memref<128x64xi32, #tpu.memory_space<vmem>>, vector<16xi32>,
        %parallel_loop3A_508 = vector.bitcast %parallel_loop3A_507 : vector<16xi32> to vector<32xbf16>
        %parallel_loop3A_509 = arith.index_cast %parallel_loop3A_479 : i32 to index
        %parallel_loop3A_510 = arith.constant 32 : index
        %parallel_loop3A_511 = tpu.vector_load %arg11[%parallel_loop3A_509, %parallel_loop3A_510] {strides = array<i32>} : memref<128x64xi32, #tpu.memory_space<vmem>>, vector<16xi32>,
        %parallel_loop3A_512 = vector.bitcast %parallel_loop3A_511 : vector<16xi32> to vector<32xbf16>
        %parallel_loop3A_513 = arith.mulf %parallel_loop3A_508, %parallel_loop3A_512 : vector<32xbf16>
        %parallel_loop3A_514 = tpu.unpack_subelements %parallel_loop3A_513, 0 {pack_format = #tpu.pack_format<interleaved>} : vector<32xbf16> -> vector<16xf32>
        %parallel_loop3A_515 = tpu.unpack_subelements %parallel_loop3A_513, 1 {pack_format = #tpu.pack_format<interleaved>} : vector<32xbf16> -> vector<16xf32>
        %parallel_loop3A_516 = arith.addf %parallel_loop3A_514, %parallel_loop3A_515 : vector<16xf32>
        %parallel_loop3A_517 = arith.addf %parallel_loop3A_504, %parallel_loop3A_516 : vector<16xf32>
        %parallel_loop3A_518 = arith.index_cast %parallel_loop3A_479 : i32 to index
        %parallel_loop3A_519 = arith.constant 48 : index
        %parallel_loop3A_520 = tpu.vector_load %arg9[%parallel_loop3A_518, %parallel_loop3A_519] {strides = array<i32>} : memref<128x64xi32, #tpu.memory_space<vmem>>, vector<16xi32>,
        %parallel_loop3A_521 = vector.bitcast %parallel_loop3A_520 : vector<16xi32> to vector<32xbf16>
        %parallel_loop3A_522 = arith.index_cast %parallel_loop3A_479 : i32 to index
        %parallel_loop3A_523 = arith.constant 48 : index
        %parallel_loop3A_524 = tpu.vector_load %arg11[%parallel_loop3A_522, %parallel_loop3A_523] {strides = array<i32>} : memref<128x64xi32, #tpu.memory_space<vmem>>, vector<16xi32>,
        %parallel_loop3A_525 = vector.bitcast %parallel_loop3A_524 : vector<16xi32> to vector<32xbf16>
        %parallel_loop3A_526 = arith.mulf %parallel_loop3A_521, %parallel_loop3A_525 : vector<32xbf16>
        %parallel_loop3A_527 = tpu.unpack_subelements %parallel_loop3A_526, 0 {pack_format = #tpu.pack_format<interleaved>} : vector<32xbf16> -> vector<16xf32>
        %parallel_loop3A_528 = tpu.unpack_subelements %parallel_loop3A_526, 1 {pack_format = #tpu.pack_format<interleaved>} : vector<32xbf16> -> vector<16xf32>
        %parallel_loop3A_529 = arith.addf %parallel_loop3A_527, %parallel_loop3A_528 : vector<16xf32>
        %parallel_loop3A_530 = arith.addf %parallel_loop3A_517, %parallel_loop3A_529 : vector<16xf32>
        %parallel_loop3A_531 = arith.constant true
        %parallel_loop3A_532 = vector.broadcast %parallel_loop3A_531 : i1 to vector<16xi1>
        %parallel_loop3A_533 = tpu.scan <sum>, %parallel_loop3A_530 masked %parallel_loop3A_532 : vector<16xf32>, vector<16xi1> -> vector<16xf32>
        %parallel_loop3A_534 = vector.extract %parallel_loop3A_533[15] : f32 from vector<16xf32>
        %parallel_loop3A_535 = tpu.iota {dimensions = array<i32: 0>} : vector<16xi32>
        %parallel_loop3A_536 = arith.constant 5 : i32
        %parallel_loop3A_537 = vector.broadcast %parallel_loop3A_536 : i32 to vector<16xi32>
        %parallel_loop3A_538 = arith.cmpi eq, %parallel_loop3A_535, %parallel_loop3A_537 : vector<16xi32>
        %parallel_loop3A_539 = arith.extui %parallel_loop3A_538 : vector<16xi1> to vector<16xi32>
        %parallel_loop3A_540 = arith.sitofp %parallel_loop3A_539 : vector<16xi32> to vector<16xf32>
        %parallel_loop3A_541 = vector.broadcast %parallel_loop3A_534 : f32 to vector<16xf32>
        %parallel_loop3A_542 = arith.mulf %parallel_loop3A_541, %parallel_loop3A_540 : vector<16xf32>
        %parallel_loop3A_543 = arith.addf %parallel_loop3A_475, %parallel_loop3A_542 : vector<16xf32>
        %parallel_loop3A_544 = arith.constant 16 : i32
        %parallel_loop3A_545 = arith.muli %parallel_loop3A_133, %parallel_loop3A_544 : i32
        %parallel_loop3A_546 = arith.constant 6 : i32
        %parallel_loop3A_547 = arith.addi %parallel_loop3A_545, %parallel_loop3A_546 : i32
        %parallel_loop3A_548 = arith.index_cast %parallel_loop3A_547 : i32 to index
        %parallel_loop3A_549 = arith.constant 0 : index
        %parallel_loop3A_550 = tpu.vector_load %arg9[%parallel_loop3A_548, %parallel_loop3A_549] {strides = array<i32>} : memref<128x64xi32, #tpu.memory_space<vmem>>, vector<16xi32>,
        %parallel_loop3A_551 = vector.bitcast %parallel_loop3A_550 : vector<16xi32> to vector<32xbf16>
        %parallel_loop3A_552 = arith.index_cast %parallel_loop3A_547 : i32 to index
        %parallel_loop3A_553 = arith.constant 0 : index
        %parallel_loop3A_554 = tpu.vector_load %arg11[%parallel_loop3A_552, %parallel_loop3A_553] {strides = array<i32>} : memref<128x64xi32, #tpu.memory_space<vmem>>, vector<16xi32>,
        %parallel_loop3A_555 = vector.bitcast %parallel_loop3A_554 : vector<16xi32> to vector<32xbf16>
        %parallel_loop3A_556 = arith.mulf %parallel_loop3A_551, %parallel_loop3A_555 : vector<32xbf16>
        %parallel_loop3A_557 = tpu.unpack_subelements %parallel_loop3A_556, 0 {pack_format = #tpu.pack_format<interleaved>} : vector<32xbf16> -> vector<16xf32>
        %parallel_loop3A_558 = tpu.unpack_subelements %parallel_loop3A_556, 1 {pack_format = #tpu.pack_format<interleaved>} : vector<32xbf16> -> vector<16xf32>
        %parallel_loop3A_559 = arith.addf %parallel_loop3A_557, %parallel_loop3A_558 : vector<16xf32>
        %parallel_loop3A_560 = arith.index_cast %parallel_loop3A_547 : i32 to index
        %parallel_loop3A_561 = arith.constant 16 : index
        %parallel_loop3A_562 = tpu.vector_load %arg9[%parallel_loop3A_560, %parallel_loop3A_561] {strides = array<i32>} : memref<128x64xi32, #tpu.memory_space<vmem>>, vector<16xi32>,
        %parallel_loop3A_563 = vector.bitcast %parallel_loop3A_562 : vector<16xi32> to vector<32xbf16>
        %parallel_loop3A_564 = arith.index_cast %parallel_loop3A_547 : i32 to index
        %parallel_loop3A_565 = arith.constant 16 : index
        %parallel_loop3A_566 = tpu.vector_load %arg11[%parallel_loop3A_564, %parallel_loop3A_565] {strides = array<i32>} : memref<128x64xi32, #tpu.memory_space<vmem>>, vector<16xi32>,
        %parallel_loop3A_567 = vector.bitcast %parallel_loop3A_566 : vector<16xi32> to vector<32xbf16>
        %parallel_loop3A_568 = arith.mulf %parallel_loop3A_563, %parallel_loop3A_567 : vector<32xbf16>
        %parallel_loop3A_569 = tpu.unpack_subelements %parallel_loop3A_568, 0 {pack_format = #tpu.pack_format<interleaved>} : vector<32xbf16> -> vector<16xf32>
        %parallel_loop3A_570 = tpu.unpack_subelements %parallel_loop3A_568, 1 {pack_format = #tpu.pack_format<interleaved>} : vector<32xbf16> -> vector<16xf32>
        %parallel_loop3A_571 = arith.addf %parallel_loop3A_569, %parallel_loop3A_570 : vector<16xf32>
        %parallel_loop3A_572 = arith.addf %parallel_loop3A_559, %parallel_loop3A_571 : vector<16xf32>
        %parallel_loop3A_573 = arith.index_cast %parallel_loop3A_547 : i32 to index
        %parallel_loop3A_574 = arith.constant 32 : index
        %parallel_loop3A_575 = tpu.vector_load %arg9[%parallel_loop3A_573, %parallel_loop3A_574] {strides = array<i32>} : memref<128x64xi32, #tpu.memory_space<vmem>>, vector<16xi32>,
        %parallel_loop3A_576 = vector.bitcast %parallel_loop3A_575 : vector<16xi32> to vector<32xbf16>
        %parallel_loop3A_577 = arith.index_cast %parallel_loop3A_547 : i32 to index
        %parallel_loop3A_578 = arith.constant 32 : index
        %parallel_loop3A_579 = tpu.vector_load %arg11[%parallel_loop3A_577, %parallel_loop3A_578] {strides = array<i32>} : memref<128x64xi32, #tpu.memory_space<vmem>>, vector<16xi32>,
        %parallel_loop3A_580 = vector.bitcast %parallel_loop3A_579 : vector<16xi32> to vector<32xbf16>
        %parallel_loop3A_581 = arith.mulf %parallel_loop3A_576, %parallel_loop3A_580 : vector<32xbf16>
        %parallel_loop3A_582 = tpu.unpack_subelements %parallel_loop3A_581, 0 {pack_format = #tpu.pack_format<interleaved>} : vector<32xbf16> -> vector<16xf32>
        %parallel_loop3A_583 = tpu.unpack_subelements %parallel_loop3A_581, 1 {pack_format = #tpu.pack_format<interleaved>} : vector<32xbf16> -> vector<16xf32>
        %parallel_loop3A_584 = arith.addf %parallel_loop3A_582, %parallel_loop3A_583 : vector<16xf32>
        %parallel_loop3A_585 = arith.addf %parallel_loop3A_572, %parallel_loop3A_584 : vector<16xf32>
        %parallel_loop3A_586 = arith.index_cast %parallel_loop3A_547 : i32 to index
        %parallel_loop3A_587 = arith.constant 48 : index
        %parallel_loop3A_588 = tpu.vector_load %arg9[%parallel_loop3A_586, %parallel_loop3A_587] {strides = array<i32>} : memref<128x64xi32, #tpu.memory_space<vmem>>, vector<16xi32>,
        %parallel_loop3A_589 = vector.bitcast %parallel_loop3A_588 : vector<16xi32> to vector<32xbf16>
        %parallel_loop3A_590 = arith.index_cast %parallel_loop3A_547 : i32 to index
        %parallel_loop3A_591 = arith.constant 48 : index
        %parallel_loop3A_592 = tpu.vector_load %arg11[%parallel_loop3A_590, %parallel_loop3A_591] {strides = array<i32>} : memref<128x64xi32, #tpu.memory_space<vmem>>, vector<16xi32>,
        %parallel_loop3A_593 = vector.bitcast %parallel_loop3A_592 : vector<16xi32> to vector<32xbf16>
        %parallel_loop3A_594 = arith.mulf %parallel_loop3A_589, %parallel_loop3A_593 : vector<32xbf16>
        %parallel_loop3A_595 = tpu.unpack_subelements %parallel_loop3A_594, 0 {pack_format = #tpu.pack_format<interleaved>} : vector<32xbf16> -> vector<16xf32>
        %parallel_loop3A_596 = tpu.unpack_subelements %parallel_loop3A_594, 1 {pack_format = #tpu.pack_format<interleaved>} : vector<32xbf16> -> vector<16xf32>
        %parallel_loop3A_597 = arith.addf %parallel_loop3A_595, %parallel_loop3A_596 : vector<16xf32>
        %parallel_loop3A_598 = arith.addf %parallel_loop3A_585, %parallel_loop3A_597 : vector<16xf32>
        %parallel_loop3A_599 = arith.constant true
        %parallel_loop3A_600 = vector.broadcast %parallel_loop3A_599 : i1 to vector<16xi1>
        %parallel_loop3A_601 = tpu.scan <sum>, %parallel_loop3A_598 masked %parallel_loop3A_600 : vector<16xf32>, vector<16xi1> -> vector<16xf32>
        %parallel_loop3A_602 = vector.extract %parallel_loop3A_601[15] : f32 from vector<16xf32>
        %parallel_loop3A_603 = tpu.iota {dimensions = array<i32: 0>} : vector<16xi32>
        %parallel_loop3A_604 = arith.constant 6 : i32
        %parallel_loop3A_605 = vector.broadcast %parallel_loop3A_604 : i32 to vector<16xi32>
        %parallel_loop3A_606 = arith.cmpi eq, %parallel_loop3A_603, %parallel_loop3A_605 : vector<16xi32>
        %parallel_loop3A_607 = arith.extui %parallel_loop3A_606 : vector<16xi1> to vector<16xi32>
        %parallel_loop3A_608 = arith.sitofp %parallel_loop3A_607 : vector<16xi32> to vector<16xf32>
        %parallel_loop3A_609 = vector.broadcast %parallel_loop3A_602 : f32 to vector<16xf32>
        %parallel_loop3A_610 = arith.mulf %parallel_loop3A_609, %parallel_loop3A_608 : vector<16xf32>
        %parallel_loop3A_611 = arith.addf %parallel_loop3A_543, %parallel_loop3A_610 : vector<16xf32>
        %parallel_loop3A_612 = arith.constant 16 : i32
        %parallel_loop3A_613 = arith.muli %parallel_loop3A_133, %parallel_loop3A_612 : i32
        %parallel_loop3A_614 = arith.constant 7 : i32
        %parallel_loop3A_615 = arith.addi %parallel_loop3A_613, %parallel_loop3A_614 : i32
        %parallel_loop3A_616 = arith.index_cast %parallel_loop3A_615 : i32 to index
        %parallel_loop3A_617 = arith.constant 0 : index
        %parallel_loop3A_618 = tpu.vector_load %arg9[%parallel_loop3A_616, %parallel_loop3A_617] {strides = array<i32>} : memref<128x64xi32, #tpu.memory_space<vmem>>, vector<16xi32>,
        %parallel_loop3A_619 = vector.bitcast %parallel_loop3A_618 : vector<16xi32> to vector<32xbf16>
        %parallel_loop3A_620 = arith.index_cast %parallel_loop3A_615 : i32 to index
        %parallel_loop3A_621 = arith.constant 0 : index
        %parallel_loop3A_622 = tpu.vector_load %arg11[%parallel_loop3A_620, %parallel_loop3A_621] {strides = array<i32>} : memref<128x64xi32, #tpu.memory_space<vmem>>, vector<16xi32>,
        %parallel_loop3A_623 = vector.bitcast %parallel_loop3A_622 : vector<16xi32> to vector<32xbf16>
        %parallel_loop3A_624 = arith.mulf %parallel_loop3A_619, %parallel_loop3A_623 : vector<32xbf16>
        %parallel_loop3A_625 = tpu.unpack_subelements %parallel_loop3A_624, 0 {pack_format = #tpu.pack_format<interleaved>} : vector<32xbf16> -> vector<16xf32>
        %parallel_loop3A_626 = tpu.unpack_subelements %parallel_loop3A_624, 1 {pack_format = #tpu.pack_format<interleaved>} : vector<32xbf16> -> vector<16xf32>
        %parallel_loop3A_627 = arith.addf %parallel_loop3A_625, %parallel_loop3A_626 : vector<16xf32>
        %parallel_loop3A_628 = arith.index_cast %parallel_loop3A_615 : i32 to index
        %parallel_loop3A_629 = arith.constant 16 : index
        %parallel_loop3A_630 = tpu.vector_load %arg9[%parallel_loop3A_628, %parallel_loop3A_629] {strides = array<i32>} : memref<128x64xi32, #tpu.memory_space<vmem>>, vector<16xi32>,
        %parallel_loop3A_631 = vector.bitcast %parallel_loop3A_630 : vector<16xi32> to vector<32xbf16>
        %parallel_loop3A_632 = arith.index_cast %parallel_loop3A_615 : i32 to index
        %parallel_loop3A_633 = arith.constant 16 : index
        %parallel_loop3A_634 = tpu.vector_load %arg11[%parallel_loop3A_632, %parallel_loop3A_633] {strides = array<i32>} : memref<128x64xi32, #tpu.memory_space<vmem>>, vector<16xi32>,
        %parallel_loop3A_635 = vector.bitcast %parallel_loop3A_634 : vector<16xi32> to vector<32xbf16>
        %parallel_loop3A_636 = arith.mulf %parallel_loop3A_631, %parallel_loop3A_635 : vector<32xbf16>
        %parallel_loop3A_637 = tpu.unpack_subelements %parallel_loop3A_636, 0 {pack_format = #tpu.pack_format<interleaved>} : vector<32xbf16> -> vector<16xf32>
        %parallel_loop3A_638 = tpu.unpack_subelements %parallel_loop3A_636, 1 {pack_format = #tpu.pack_format<interleaved>} : vector<32xbf16> -> vector<16xf32>
        %parallel_loop3A_639 = arith.addf %parallel_loop3A_637, %parallel_loop3A_638 : vector<16xf32>
        %parallel_loop3A_640 = arith.addf %parallel_loop3A_627, %parallel_loop3A_639 : vector<16xf32>
        %parallel_loop3A_641 = arith.index_cast %parallel_loop3A_615 : i32 to index
        %parallel_loop3A_642 = arith.constant 32 : index
        %parallel_loop3A_643 = tpu.vector_load %arg9[%parallel_loop3A_641, %parallel_loop3A_642] {strides = array<i32>} : memref<128x64xi32, #tpu.memory_space<vmem>>, vector<16xi32>,
        %parallel_loop3A_644 = vector.bitcast %parallel_loop3A_643 : vector<16xi32> to vector<32xbf16>
        %parallel_loop3A_645 = arith.index_cast %parallel_loop3A_615 : i32 to index
        %parallel_loop3A_646 = arith.constant 32 : index
        %parallel_loop3A_647 = tpu.vector_load %arg11[%parallel_loop3A_645, %parallel_loop3A_646] {strides = array<i32>} : memref<128x64xi32, #tpu.memory_space<vmem>>, vector<16xi32>,
        %parallel_loop3A_648 = vector.bitcast %parallel_loop3A_647 : vector<16xi32> to vector<32xbf16>
        %parallel_loop3A_649 = arith.mulf %parallel_loop3A_644, %parallel_loop3A_648 : vector<32xbf16>
        %parallel_loop3A_650 = tpu.unpack_subelements %parallel_loop3A_649, 0 {pack_format = #tpu.pack_format<interleaved>} : vector<32xbf16> -> vector<16xf32>
        %parallel_loop3A_651 = tpu.unpack_subelements %parallel_loop3A_649, 1 {pack_format = #tpu.pack_format<interleaved>} : vector<32xbf16> -> vector<16xf32>
        %parallel_loop3A_652 = arith.addf %parallel_loop3A_650, %parallel_loop3A_651 : vector<16xf32>
        %parallel_loop3A_653 = arith.addf %parallel_loop3A_640, %parallel_loop3A_652 : vector<16xf32>
        %parallel_loop3A_654 = arith.index_cast %parallel_loop3A_615 : i32 to index
        %parallel_loop3A_655 = arith.constant 48 : index
        %parallel_loop3A_656 = tpu.vector_load %arg9[%parallel_loop3A_654, %parallel_loop3A_655] {strides = array<i32>} : memref<128x64xi32, #tpu.memory_space<vmem>>, vector<16xi32>,
        %parallel_loop3A_657 = vector.bitcast %parallel_loop3A_656 : vector<16xi32> to vector<32xbf16>
        %parallel_loop3A_658 = arith.index_cast %parallel_loop3A_615 : i32 to index
        %parallel_loop3A_659 = arith.constant 48 : index
        %parallel_loop3A_660 = tpu.vector_load %arg11[%parallel_loop3A_658, %parallel_loop3A_659] {strides = array<i32>} : memref<128x64xi32, #tpu.memory_space<vmem>>, vector<16xi32>,
        %parallel_loop3A_661 = vector.bitcast %parallel_loop3A_660 : vector<16xi32> to vector<32xbf16>
        %parallel_loop3A_662 = arith.mulf %parallel_loop3A_657, %parallel_loop3A_661 : vector<32xbf16>
        %parallel_loop3A_663 = tpu.unpack_subelements %parallel_loop3A_662, 0 {pack_format = #tpu.pack_format<interleaved>} : vector<32xbf16> -> vector<16xf32>
        %parallel_loop3A_664 = tpu.unpack_subelements %parallel_loop3A_662, 1 {pack_format = #tpu.pack_format<interleaved>} : vector<32xbf16> -> vector<16xf32>
        %parallel_loop3A_665 = arith.addf %parallel_loop3A_663, %parallel_loop3A_664 : vector<16xf32>
        %parallel_loop3A_666 = arith.addf %parallel_loop3A_653, %parallel_loop3A_665 : vector<16xf32>
        %parallel_loop3A_667 = arith.constant true
        %parallel_loop3A_668 = vector.broadcast %parallel_loop3A_667 : i1 to vector<16xi1>
        %parallel_loop3A_669 = tpu.scan <sum>, %parallel_loop3A_666 masked %parallel_loop3A_668 : vector<16xf32>, vector<16xi1> -> vector<16xf32>
        %parallel_loop3A_670 = vector.extract %parallel_loop3A_669[15] : f32 from vector<16xf32>
        %parallel_loop3A_671 = tpu.iota {dimensions = array<i32: 0>} : vector<16xi32>
        %parallel_loop3A_672 = arith.constant 7 : i32
        %parallel_loop3A_673 = vector.broadcast %parallel_loop3A_672 : i32 to vector<16xi32>
        %parallel_loop3A_674 = arith.cmpi eq, %parallel_loop3A_671, %parallel_loop3A_673 : vector<16xi32>
        %parallel_loop3A_675 = arith.extui %parallel_loop3A_674 : vector<16xi1> to vector<16xi32>
        %parallel_loop3A_676 = arith.sitofp %parallel_loop3A_675 : vector<16xi32> to vector<16xf32>
        %parallel_loop3A_677 = vector.broadcast %parallel_loop3A_670 : f32 to vector<16xf32>
        %parallel_loop3A_678 = arith.mulf %parallel_loop3A_677, %parallel_loop3A_676 : vector<16xf32>
        %parallel_loop3A_679 = arith.addf %parallel_loop3A_611, %parallel_loop3A_678 : vector<16xf32>
        %parallel_loop3A_680 = arith.constant 16 : i32
        %parallel_loop3A_681 = arith.muli %parallel_loop3A_133, %parallel_loop3A_680 : i32
        %parallel_loop3A_682 = arith.constant 8 : i32
        %parallel_loop3A_683 = arith.addi %parallel_loop3A_681, %parallel_loop3A_682 : i32
        %parallel_loop3A_684 = arith.index_cast %parallel_loop3A_683 : i32 to index
        %parallel_loop3A_685 = arith.constant 0 : index
        %parallel_loop3A_686 = tpu.vector_load %arg9[%parallel_loop3A_684, %parallel_loop3A_685] {strides = array<i32>} : memref<128x64xi32, #tpu.memory_space<vmem>>, vector<16xi32>,
        %parallel_loop3A_687 = vector.bitcast %parallel_loop3A_686 : vector<16xi32> to vector<32xbf16>
        %parallel_loop3A_688 = arith.index_cast %parallel_loop3A_683 : i32 to index
        %parallel_loop3A_689 = arith.constant 0 : index
        %parallel_loop3A_690 = tpu.vector_load %arg11[%parallel_loop3A_688, %parallel_loop3A_689] {strides = array<i32>} : memref<128x64xi32, #tpu.memory_space<vmem>>, vector<16xi32>,
        %parallel_loop3A_691 = vector.bitcast %parallel_loop3A_690 : vector<16xi32> to vector<32xbf16>
        %parallel_loop3A_692 = arith.mulf %parallel_loop3A_687, %parallel_loop3A_691 : vector<32xbf16>
        %parallel_loop3A_693 = tpu.unpack_subelements %parallel_loop3A_692, 0 {pack_format = #tpu.pack_format<interleaved>} : vector<32xbf16> -> vector<16xf32>
        %parallel_loop3A_694 = tpu.unpack_subelements %parallel_loop3A_692, 1 {pack_format = #tpu.pack_format<interleaved>} : vector<32xbf16> -> vector<16xf32>
        %parallel_loop3A_695 = arith.addf %parallel_loop3A_693, %parallel_loop3A_694 : vector<16xf32>
        %parallel_loop3A_696 = arith.index_cast %parallel_loop3A_683 : i32 to index
        %parallel_loop3A_697 = arith.constant 16 : index
        %parallel_loop3A_698 = tpu.vector_load %arg9[%parallel_loop3A_696, %parallel_loop3A_697] {strides = array<i32>} : memref<128x64xi32, #tpu.memory_space<vmem>>, vector<16xi32>,
        %parallel_loop3A_699 = vector.bitcast %parallel_loop3A_698 : vector<16xi32> to vector<32xbf16>
        %parallel_loop3A_700 = arith.index_cast %parallel_loop3A_683 : i32 to index
        %parallel_loop3A_701 = arith.constant 16 : index
        %parallel_loop3A_702 = tpu.vector_load %arg11[%parallel_loop3A_700, %parallel_loop3A_701] {strides = array<i32>} : memref<128x64xi32, #tpu.memory_space<vmem>>, vector<16xi32>,
        %parallel_loop3A_703 = vector.bitcast %parallel_loop3A_702 : vector<16xi32> to vector<32xbf16>
        %parallel_loop3A_704 = arith.mulf %parallel_loop3A_699, %parallel_loop3A_703 : vector<32xbf16>
        %parallel_loop3A_705 = tpu.unpack_subelements %parallel_loop3A_704, 0 {pack_format = #tpu.pack_format<interleaved>} : vector<32xbf16> -> vector<16xf32>
        %parallel_loop3A_706 = tpu.unpack_subelements %parallel_loop3A_704, 1 {pack_format = #tpu.pack_format<interleaved>} : vector<32xbf16> -> vector<16xf32>
        %parallel_loop3A_707 = arith.addf %parallel_loop3A_705, %parallel_loop3A_706 : vector<16xf32>
        %parallel_loop3A_708 = arith.addf %parallel_loop3A_695, %parallel_loop3A_707 : vector<16xf32>
        %parallel_loop3A_709 = arith.index_cast %parallel_loop3A_683 : i32 to index
        %parallel_loop3A_710 = arith.constant 32 : index
        %parallel_loop3A_711 = tpu.vector_load %arg9[%parallel_loop3A_709, %parallel_loop3A_710] {strides = array<i32>} : memref<128x64xi32, #tpu.memory_space<vmem>>, vector<16xi32>,
        %parallel_loop3A_712 = vector.bitcast %parallel_loop3A_711 : vector<16xi32> to vector<32xbf16>
        %parallel_loop3A_713 = arith.index_cast %parallel_loop3A_683 : i32 to index
        %parallel_loop3A_714 = arith.constant 32 : index
        %parallel_loop3A_715 = tpu.vector_load %arg11[%parallel_loop3A_713, %parallel_loop3A_714] {strides = array<i32>} : memref<128x64xi32, #tpu.memory_space<vmem>>, vector<16xi32>,
        %parallel_loop3A_716 = vector.bitcast %parallel_loop3A_715 : vector<16xi32> to vector<32xbf16>
        %parallel_loop3A_717 = arith.mulf %parallel_loop3A_712, %parallel_loop3A_716 : vector<32xbf16>
        %parallel_loop3A_718 = tpu.unpack_subelements %parallel_loop3A_717, 0 {pack_format = #tpu.pack_format<interleaved>} : vector<32xbf16> -> vector<16xf32>
        %parallel_loop3A_719 = tpu.unpack_subelements %parallel_loop3A_717, 1 {pack_format = #tpu.pack_format<interleaved>} : vector<32xbf16> -> vector<16xf32>
        %parallel_loop3A_720 = arith.addf %parallel_loop3A_718, %parallel_loop3A_719 : vector<16xf32>
        %parallel_loop3A_721 = arith.addf %parallel_loop3A_708, %parallel_loop3A_720 : vector<16xf32>
        %parallel_loop3A_722 = arith.index_cast %parallel_loop3A_683 : i32 to index
        %parallel_loop3A_723 = arith.constant 48 : index
        %parallel_loop3A_724 = tpu.vector_load %arg9[%parallel_loop3A_722, %parallel_loop3A_723] {strides = array<i32>} : memref<128x64xi32, #tpu.memory_space<vmem>>, vector<16xi32>,
        %parallel_loop3A_725 = vector.bitcast %parallel_loop3A_724 : vector<16xi32> to vector<32xbf16>
        %parallel_loop3A_726 = arith.index_cast %parallel_loop3A_683 : i32 to index
        %parallel_loop3A_727 = arith.constant 48 : index
        %parallel_loop3A_728 = tpu.vector_load %arg11[%parallel_loop3A_726, %parallel_loop3A_727] {strides = array<i32>} : memref<128x64xi32, #tpu.memory_space<vmem>>, vector<16xi32>,
        %parallel_loop3A_729 = vector.bitcast %parallel_loop3A_728 : vector<16xi32> to vector<32xbf16>
        %parallel_loop3A_730 = arith.mulf %parallel_loop3A_725, %parallel_loop3A_729 : vector<32xbf16>
        %parallel_loop3A_731 = tpu.unpack_subelements %parallel_loop3A_730, 0 {pack_format = #tpu.pack_format<interleaved>} : vector<32xbf16> -> vector<16xf32>
        %parallel_loop3A_732 = tpu.unpack_subelements %parallel_loop3A_730, 1 {pack_format = #tpu.pack_format<interleaved>} : vector<32xbf16> -> vector<16xf32>
        %parallel_loop3A_733 = arith.addf %parallel_loop3A_731, %parallel_loop3A_732 : vector<16xf32>
        %parallel_loop3A_734 = arith.addf %parallel_loop3A_721, %parallel_loop3A_733 : vector<16xf32>
        %parallel_loop3A_735 = arith.constant true
        %parallel_loop3A_736 = vector.broadcast %parallel_loop3A_735 : i1 to vector<16xi1>
        %parallel_loop3A_737 = tpu.scan <sum>, %parallel_loop3A_734 masked %parallel_loop3A_736 : vector<16xf32>, vector<16xi1> -> vector<16xf32>
        %parallel_loop3A_738 = vector.extract %parallel_loop3A_737[15] : f32 from vector<16xf32>
        %parallel_loop3A_739 = tpu.iota {dimensions = array<i32: 0>} : vector<16xi32>
        %parallel_loop3A_740 = arith.constant 8 : i32
        %parallel_loop3A_741 = vector.broadcast %parallel_loop3A_740 : i32 to vector<16xi32>
        %parallel_loop3A_742 = arith.cmpi eq, %parallel_loop3A_739, %parallel_loop3A_741 : vector<16xi32>
        %parallel_loop3A_743 = arith.extui %parallel_loop3A_742 : vector<16xi1> to vector<16xi32>
        %parallel_loop3A_744 = arith.sitofp %parallel_loop3A_743 : vector<16xi32> to vector<16xf32>
        %parallel_loop3A_745 = vector.broadcast %parallel_loop3A_738 : f32 to vector<16xf32>
        %parallel_loop3A_746 = arith.mulf %parallel_loop3A_745, %parallel_loop3A_744 : vector<16xf32>
        %parallel_loop3A_747 = arith.addf %parallel_loop3A_679, %parallel_loop3A_746 : vector<16xf32>
        %parallel_loop3A_748 = arith.constant 16 : i32
        %parallel_loop3A_749 = arith.muli %parallel_loop3A_133, %parallel_loop3A_748 : i32
        %parallel_loop3A_750 = arith.constant 9 : i32
        %parallel_loop3A_751 = arith.addi %parallel_loop3A_749, %parallel_loop3A_750 : i32
        %parallel_loop3A_752 = arith.index_cast %parallel_loop3A_751 : i32 to index
        %parallel_loop3A_753 = arith.constant 0 : index
        %parallel_loop3A_754 = tpu.vector_load %arg9[%parallel_loop3A_752, %parallel_loop3A_753] {strides = array<i32>} : memref<128x64xi32, #tpu.memory_space<vmem>>, vector<16xi32>,
        %parallel_loop3A_755 = vector.bitcast %parallel_loop3A_754 : vector<16xi32> to vector<32xbf16>
        %parallel_loop3A_756 = arith.index_cast %parallel_loop3A_751 : i32 to index
        %parallel_loop3A_757 = arith.constant 0 : index
        %parallel_loop3A_758 = tpu.vector_load %arg11[%parallel_loop3A_756, %parallel_loop3A_757] {strides = array<i32>} : memref<128x64xi32, #tpu.memory_space<vmem>>, vector<16xi32>,
        %parallel_loop3A_759 = vector.bitcast %parallel_loop3A_758 : vector<16xi32> to vector<32xbf16>
        %parallel_loop3A_760 = arith.mulf %parallel_loop3A_755, %parallel_loop3A_759 : vector<32xbf16>
        %parallel_loop3A_761 = tpu.unpack_subelements %parallel_loop3A_760, 0 {pack_format = #tpu.pack_format<interleaved>} : vector<32xbf16> -> vector<16xf32>
        %parallel_loop3A_762 = tpu.unpack_subelements %parallel_loop3A_760, 1 {pack_format = #tpu.pack_format<interleaved>} : vector<32xbf16> -> vector<16xf32>
        %parallel_loop3A_763 = arith.addf %parallel_loop3A_761, %parallel_loop3A_762 : vector<16xf32>
        %parallel_loop3A_764 = arith.index_cast %parallel_loop3A_751 : i32 to index
        %parallel_loop3A_765 = arith.constant 16 : index
        %parallel_loop3A_766 = tpu.vector_load %arg9[%parallel_loop3A_764, %parallel_loop3A_765] {strides = array<i32>} : memref<128x64xi32, #tpu.memory_space<vmem>>, vector<16xi32>,
        %parallel_loop3A_767 = vector.bitcast %parallel_loop3A_766 : vector<16xi32> to vector<32xbf16>
        %parallel_loop3A_768 = arith.index_cast %parallel_loop3A_751 : i32 to index
        %parallel_loop3A_769 = arith.constant 16 : index
        %parallel_loop3A_770 = tpu.vector_load %arg11[%parallel_loop3A_768, %parallel_loop3A_769] {strides = array<i32>} : memref<128x64xi32, #tpu.memory_space<vmem>>, vector<16xi32>,
        %parallel_loop3A_771 = vector.bitcast %parallel_loop3A_770 : vector<16xi32> to vector<32xbf16>
        %parallel_loop3A_772 = arith.mulf %parallel_loop3A_767, %parallel_loop3A_771 : vector<32xbf16>
        %parallel_loop3A_773 = tpu.unpack_subelements %parallel_loop3A_772, 0 {pack_format = #tpu.pack_format<interleaved>} : vector<32xbf16> -> vector<16xf32>
        %parallel_loop3A_774 = tpu.unpack_subelements %parallel_loop3A_772, 1 {pack_format = #tpu.pack_format<interleaved>} : vector<32xbf16> -> vector<16xf32>
        %parallel_loop3A_775 = arith.addf %parallel_loop3A_773, %parallel_loop3A_774 : vector<16xf32>
        %parallel_loop3A_776 = arith.addf %parallel_loop3A_763, %parallel_loop3A_775 : vector<16xf32>
        %parallel_loop3A_777 = arith.index_cast %parallel_loop3A_751 : i32 to index
        %parallel_loop3A_778 = arith.constant 32 : index
        %parallel_loop3A_779 = tpu.vector_load %arg9[%parallel_loop3A_777, %parallel_loop3A_778] {strides = array<i32>} : memref<128x64xi32, #tpu.memory_space<vmem>>, vector<16xi32>,
        %parallel_loop3A_780 = vector.bitcast %parallel_loop3A_779 : vector<16xi32> to vector<32xbf16>
        %parallel_loop3A_781 = arith.index_cast %parallel_loop3A_751 : i32 to index
        %parallel_loop3A_782 = arith.constant 32 : index
        %parallel_loop3A_783 = tpu.vector_load %arg11[%parallel_loop3A_781, %parallel_loop3A_782] {strides = array<i32>} : memref<128x64xi32, #tpu.memory_space<vmem>>, vector<16xi32>,
        %parallel_loop3A_784 = vector.bitcast %parallel_loop3A_783 : vector<16xi32> to vector<32xbf16>
        %parallel_loop3A_785 = arith.mulf %parallel_loop3A_780, %parallel_loop3A_784 : vector<32xbf16>
        %parallel_loop3A_786 = tpu.unpack_subelements %parallel_loop3A_785, 0 {pack_format = #tpu.pack_format<interleaved>} : vector<32xbf16> -> vector<16xf32>
        %parallel_loop3A_787 = tpu.unpack_subelements %parallel_loop3A_785, 1 {pack_format = #tpu.pack_format<interleaved>} : vector<32xbf16> -> vector<16xf32>
        %parallel_loop3A_788 = arith.addf %parallel_loop3A_786, %parallel_loop3A_787 : vector<16xf32>
        %parallel_loop3A_789 = arith.addf %parallel_loop3A_776, %parallel_loop3A_788 : vector<16xf32>
        %parallel_loop3A_790 = arith.index_cast %parallel_loop3A_751 : i32 to index
        %parallel_loop3A_791 = arith.constant 48 : index
        %parallel_loop3A_792 = tpu.vector_load %arg9[%parallel_loop3A_790, %parallel_loop3A_791] {strides = array<i32>} : memref<128x64xi32, #tpu.memory_space<vmem>>, vector<16xi32>,
        %parallel_loop3A_793 = vector.bitcast %parallel_loop3A_792 : vector<16xi32> to vector<32xbf16>
        %parallel_loop3A_794 = arith.index_cast %parallel_loop3A_751 : i32 to index
        %parallel_loop3A_795 = arith.constant 48 : index
        %parallel_loop3A_796 = tpu.vector_load %arg11[%parallel_loop3A_794, %parallel_loop3A_795] {strides = array<i32>} : memref<128x64xi32, #tpu.memory_space<vmem>>, vector<16xi32>,
        %parallel_loop3A_797 = vector.bitcast %parallel_loop3A_796 : vector<16xi32> to vector<32xbf16>
        %parallel_loop3A_798 = arith.mulf %parallel_loop3A_793, %parallel_loop3A_797 : vector<32xbf16>
        %parallel_loop3A_799 = tpu.unpack_subelements %parallel_loop3A_798, 0 {pack_format = #tpu.pack_format<interleaved>} : vector<32xbf16> -> vector<16xf32>
        %parallel_loop3A_800 = tpu.unpack_subelements %parallel_loop3A_798, 1 {pack_format = #tpu.pack_format<interleaved>} : vector<32xbf16> -> vector<16xf32>
        %parallel_loop3A_801 = arith.addf %parallel_loop3A_799, %parallel_loop3A_800 : vector<16xf32>
        %parallel_loop3A_802 = arith.addf %parallel_loop3A_789, %parallel_loop3A_801 : vector<16xf32>
        %parallel_loop3A_803 = arith.constant true
        %parallel_loop3A_804 = vector.broadcast %parallel_loop3A_803 : i1 to vector<16xi1>
        %parallel_loop3A_805 = tpu.scan <sum>, %parallel_loop3A_802 masked %parallel_loop3A_804 : vector<16xf32>, vector<16xi1> -> vector<16xf32>
        %parallel_loop3A_806 = vector.extract %parallel_loop3A_805[15] : f32 from vector<16xf32>
        %parallel_loop3A_807 = tpu.iota {dimensions = array<i32: 0>} : vector<16xi32>
        %parallel_loop3A_808 = arith.constant 9 : i32
        %parallel_loop3A_809 = vector.broadcast %parallel_loop3A_808 : i32 to vector<16xi32>
        %parallel_loop3A_810 = arith.cmpi eq, %parallel_loop3A_807, %parallel_loop3A_809 : vector<16xi32>
        %parallel_loop3A_811 = arith.extui %parallel_loop3A_810 : vector<16xi1> to vector<16xi32>
        %parallel_loop3A_812 = arith.sitofp %parallel_loop3A_811 : vector<16xi32> to vector<16xf32>
        %parallel_loop3A_813 = vector.broadcast %parallel_loop3A_806 : f32 to vector<16xf32>
        %parallel_loop3A_814 = arith.mulf %parallel_loop3A_813, %parallel_loop3A_812 : vector<16xf32>
        %parallel_loop3A_815 = arith.addf %parallel_loop3A_747, %parallel_loop3A_814 : vector<16xf32>
        %parallel_loop3A_816 = arith.constant 16 : i32
        %parallel_loop3A_817 = arith.muli %parallel_loop3A_133, %parallel_loop3A_816 : i32
        %parallel_loop3A_818 = arith.constant 10 : i32
        %parallel_loop3A_819 = arith.addi %parallel_loop3A_817, %parallel_loop3A_818 : i32
        %parallel_loop3A_820 = arith.index_cast %parallel_loop3A_819 : i32 to index
        %parallel_loop3A_821 = arith.constant 0 : index
        %parallel_loop3A_822 = tpu.vector_load %arg9[%parallel_loop3A_820, %parallel_loop3A_821] {strides = array<i32>} : memref<128x64xi32, #tpu.memory_space<vmem>>, vector<16xi32>,
        %parallel_loop3A_823 = vector.bitcast %parallel_loop3A_822 : vector<16xi32> to vector<32xbf16>
        %parallel_loop3A_824 = arith.index_cast %parallel_loop3A_819 : i32 to index
        %parallel_loop3A_825 = arith.constant 0 : index
        %parallel_loop3A_826 = tpu.vector_load %arg11[%parallel_loop3A_824, %parallel_loop3A_825] {strides = array<i32>} : memref<128x64xi32, #tpu.memory_space<vmem>>, vector<16xi32>,
        %parallel_loop3A_827 = vector.bitcast %parallel_loop3A_826 : vector<16xi32> to vector<32xbf16>
        %parallel_loop3A_828 = arith.mulf %parallel_loop3A_823, %parallel_loop3A_827 : vector<32xbf16>
        %parallel_loop3A_829 = tpu.unpack_subelements %parallel_loop3A_828, 0 {pack_format = #tpu.pack_format<interleaved>} : vector<32xbf16> -> vector<16xf32>
        %parallel_loop3A_830 = tpu.unpack_subelements %parallel_loop3A_828, 1 {pack_format = #tpu.pack_format<interleaved>} : vector<32xbf16> -> vector<16xf32>
        %parallel_loop3A_831 = arith.addf %parallel_loop3A_829, %parallel_loop3A_830 : vector<16xf32>
        %parallel_loop3A_832 = arith.index_cast %parallel_loop3A_819 : i32 to index
        %parallel_loop3A_833 = arith.constant 16 : index
        %parallel_loop3A_834 = tpu.vector_load %arg9[%parallel_loop3A_832, %parallel_loop3A_833] {strides = array<i32>} : memref<128x64xi32, #tpu.memory_space<vmem>>, vector<16xi32>,
        %parallel_loop3A_835 = vector.bitcast %parallel_loop3A_834 : vector<16xi32> to vector<32xbf16>
        %parallel_loop3A_836 = arith.index_cast %parallel_loop3A_819 : i32 to index
        %parallel_loop3A_837 = arith.constant 16 : index
        %parallel_loop3A_838 = tpu.vector_load %arg11[%parallel_loop3A_836, %parallel_loop3A_837] {strides = array<i32>} : memref<128x64xi32, #tpu.memory_space<vmem>>, vector<16xi32>,
        %parallel_loop3A_839 = vector.bitcast %parallel_loop3A_838 : vector<16xi32> to vector<32xbf16>
        %parallel_loop3A_840 = arith.mulf %parallel_loop3A_835, %parallel_loop3A_839 : vector<32xbf16>
        %parallel_loop3A_841 = tpu.unpack_subelements %parallel_loop3A_840, 0 {pack_format = #tpu.pack_format<interleaved>} : vector<32xbf16> -> vector<16xf32>
        %parallel_loop3A_842 = tpu.unpack_subelements %parallel_loop3A_840, 1 {pack_format = #tpu.pack_format<interleaved>} : vector<32xbf16> -> vector<16xf32>
        %parallel_loop3A_843 = arith.addf %parallel_loop3A_841, %parallel_loop3A_842 : vector<16xf32>
        %parallel_loop3A_844 = arith.addf %parallel_loop3A_831, %parallel_loop3A_843 : vector<16xf32>
        %parallel_loop3A_845 = arith.index_cast %parallel_loop3A_819 : i32 to index
        %parallel_loop3A_846 = arith.constant 32 : index
        %parallel_loop3A_847 = tpu.vector_load %arg9[%parallel_loop3A_845, %parallel_loop3A_846] {strides = array<i32>} : memref<128x64xi32, #tpu.memory_space<vmem>>, vector<16xi32>,
        %parallel_loop3A_848 = vector.bitcast %parallel_loop3A_847 : vector<16xi32> to vector<32xbf16>
        %parallel_loop3A_849 = arith.index_cast %parallel_loop3A_819 : i32 to index
        %parallel_loop3A_850 = arith.constant 32 : index
        %parallel_loop3A_851 = tpu.vector_load %arg11[%parallel_loop3A_849, %parallel_loop3A_850] {strides = array<i32>} : memref<128x64xi32, #tpu.memory_space<vmem>>, vector<16xi32>,
        %parallel_loop3A_852 = vector.bitcast %parallel_loop3A_851 : vector<16xi32> to vector<32xbf16>
        %parallel_loop3A_853 = arith.mulf %parallel_loop3A_848, %parallel_loop3A_852 : vector<32xbf16>
        %parallel_loop3A_854 = tpu.unpack_subelements %parallel_loop3A_853, 0 {pack_format = #tpu.pack_format<interleaved>} : vector<32xbf16> -> vector<16xf32>
        %parallel_loop3A_855 = tpu.unpack_subelements %parallel_loop3A_853, 1 {pack_format = #tpu.pack_format<interleaved>} : vector<32xbf16> -> vector<16xf32>
        %parallel_loop3A_856 = arith.addf %parallel_loop3A_854, %parallel_loop3A_855 : vector<16xf32>
        %parallel_loop3A_857 = arith.addf %parallel_loop3A_844, %parallel_loop3A_856 : vector<16xf32>
        %parallel_loop3A_858 = arith.index_cast %parallel_loop3A_819 : i32 to index
        %parallel_loop3A_859 = arith.constant 48 : index
        %parallel_loop3A_860 = tpu.vector_load %arg9[%parallel_loop3A_858, %parallel_loop3A_859] {strides = array<i32>} : memref<128x64xi32, #tpu.memory_space<vmem>>, vector<16xi32>,
        %parallel_loop3A_861 = vector.bitcast %parallel_loop3A_860 : vector<16xi32> to vector<32xbf16>
        %parallel_loop3A_862 = arith.index_cast %parallel_loop3A_819 : i32 to index
        %parallel_loop3A_863 = arith.constant 48 : index
        %parallel_loop3A_864 = tpu.vector_load %arg11[%parallel_loop3A_862, %parallel_loop3A_863] {strides = array<i32>} : memref<128x64xi32, #tpu.memory_space<vmem>>, vector<16xi32>,
        %parallel_loop3A_865 = vector.bitcast %parallel_loop3A_864 : vector<16xi32> to vector<32xbf16>
        %parallel_loop3A_866 = arith.mulf %parallel_loop3A_861, %parallel_loop3A_865 : vector<32xbf16>
        %parallel_loop3A_867 = tpu.unpack_subelements %parallel_loop3A_866, 0 {pack_format = #tpu.pack_format<interleaved>} : vector<32xbf16> -> vector<16xf32>
        %parallel_loop3A_868 = tpu.unpack_subelements %parallel_loop3A_866, 1 {pack_format = #tpu.pack_format<interleaved>} : vector<32xbf16> -> vector<16xf32>
        %parallel_loop3A_869 = arith.addf %parallel_loop3A_867, %parallel_loop3A_868 : vector<16xf32>
        %parallel_loop3A_870 = arith.addf %parallel_loop3A_857, %parallel_loop3A_869 : vector<16xf32>
        %parallel_loop3A_871 = arith.constant true
        %parallel_loop3A_872 = vector.broadcast %parallel_loop3A_871 : i1 to vector<16xi1>
        %parallel_loop3A_873 = tpu.scan <sum>, %parallel_loop3A_870 masked %parallel_loop3A_872 : vector<16xf32>, vector<16xi1> -> vector<16xf32>
        %parallel_loop3A_874 = vector.extract %parallel_loop3A_873[15] : f32 from vector<16xf32>
        %parallel_loop3A_875 = tpu.iota {dimensions = array<i32: 0>} : vector<16xi32>
        %parallel_loop3A_876 = arith.constant 10 : i32
        %parallel_loop3A_877 = vector.broadcast %parallel_loop3A_876 : i32 to vector<16xi32>
        %parallel_loop3A_878 = arith.cmpi eq, %parallel_loop3A_875, %parallel_loop3A_877 : vector<16xi32>
        %parallel_loop3A_879 = arith.extui %parallel_loop3A_878 : vector<16xi1> to vector<16xi32>
        %parallel_loop3A_880 = arith.sitofp %parallel_loop3A_879 : vector<16xi32> to vector<16xf32>
        %parallel_loop3A_881 = vector.broadcast %parallel_loop3A_874 : f32 to vector<16xf32>
        %parallel_loop3A_882 = arith.mulf %parallel_loop3A_881, %parallel_loop3A_880 : vector<16xf32>
        %parallel_loop3A_883 = arith.addf %parallel_loop3A_815, %parallel_loop3A_882 : vector<16xf32>
        %parallel_loop3A_884 = arith.constant 16 : i32
        %parallel_loop3A_885 = arith.muli %parallel_loop3A_133, %parallel_loop3A_884 : i32
        %parallel_loop3A_886 = arith.constant 11 : i32
        %parallel_loop3A_887 = arith.addi %parallel_loop3A_885, %parallel_loop3A_886 : i32
        %parallel_loop3A_888 = arith.index_cast %parallel_loop3A_887 : i32 to index
        %parallel_loop3A_889 = arith.constant 0 : index
        %parallel_loop3A_890 = tpu.vector_load %arg9[%parallel_loop3A_888, %parallel_loop3A_889] {strides = array<i32>} : memref<128x64xi32, #tpu.memory_space<vmem>>, vector<16xi32>,
        %parallel_loop3A_891 = vector.bitcast %parallel_loop3A_890 : vector<16xi32> to vector<32xbf16>
        %parallel_loop3A_892 = arith.index_cast %parallel_loop3A_887 : i32 to index
        %parallel_loop3A_893 = arith.constant 0 : index
        %parallel_loop3A_894 = tpu.vector_load %arg11[%parallel_loop3A_892, %parallel_loop3A_893] {strides = array<i32>} : memref<128x64xi32, #tpu.memory_space<vmem>>, vector<16xi32>,
        %parallel_loop3A_895 = vector.bitcast %parallel_loop3A_894 : vector<16xi32> to vector<32xbf16>
        %parallel_loop3A_896 = arith.mulf %parallel_loop3A_891, %parallel_loop3A_895 : vector<32xbf16>
        %parallel_loop3A_897 = tpu.unpack_subelements %parallel_loop3A_896, 0 {pack_format = #tpu.pack_format<interleaved>} : vector<32xbf16> -> vector<16xf32>
        %parallel_loop3A_898 = tpu.unpack_subelements %parallel_loop3A_896, 1 {pack_format = #tpu.pack_format<interleaved>} : vector<32xbf16> -> vector<16xf32>
        %parallel_loop3A_899 = arith.addf %parallel_loop3A_897, %parallel_loop3A_898 : vector<16xf32>
        %parallel_loop3A_900 = arith.index_cast %parallel_loop3A_887 : i32 to index
        %parallel_loop3A_901 = arith.constant 16 : index
        %parallel_loop3A_902 = tpu.vector_load %arg9[%parallel_loop3A_900, %parallel_loop3A_901] {strides = array<i32>} : memref<128x64xi32, #tpu.memory_space<vmem>>, vector<16xi32>,
        %parallel_loop3A_903 = vector.bitcast %parallel_loop3A_902 : vector<16xi32> to vector<32xbf16>
        %parallel_loop3A_904 = arith.index_cast %parallel_loop3A_887 : i32 to index
        %parallel_loop3A_905 = arith.constant 16 : index
        %parallel_loop3A_906 = tpu.vector_load %arg11[%parallel_loop3A_904, %parallel_loop3A_905] {strides = array<i32>} : memref<128x64xi32, #tpu.memory_space<vmem>>, vector<16xi32>,
        %parallel_loop3A_907 = vector.bitcast %parallel_loop3A_906 : vector<16xi32> to vector<32xbf16>
        %parallel_loop3A_908 = arith.mulf %parallel_loop3A_903, %parallel_loop3A_907 : vector<32xbf16>
        %parallel_loop3A_909 = tpu.unpack_subelements %parallel_loop3A_908, 0 {pack_format = #tpu.pack_format<interleaved>} : vector<32xbf16> -> vector<16xf32>
        %parallel_loop3A_910 = tpu.unpack_subelements %parallel_loop3A_908, 1 {pack_format = #tpu.pack_format<interleaved>} : vector<32xbf16> -> vector<16xf32>
        %parallel_loop3A_911 = arith.addf %parallel_loop3A_909, %parallel_loop3A_910 : vector<16xf32>
        %parallel_loop3A_912 = arith.addf %parallel_loop3A_899, %parallel_loop3A_911 : vector<16xf32>
        %parallel_loop3A_913 = arith.index_cast %parallel_loop3A_887 : i32 to index
        %parallel_loop3A_914 = arith.constant 32 : index
        %parallel_loop3A_915 = tpu.vector_load %arg9[%parallel_loop3A_913, %parallel_loop3A_914] {strides = array<i32>} : memref<128x64xi32, #tpu.memory_space<vmem>>, vector<16xi32>,
        %parallel_loop3A_916 = vector.bitcast %parallel_loop3A_915 : vector<16xi32> to vector<32xbf16>
        %parallel_loop3A_917 = arith.index_cast %parallel_loop3A_887 : i32 to index
        %parallel_loop3A_918 = arith.constant 32 : index
        %parallel_loop3A_919 = tpu.vector_load %arg11[%parallel_loop3A_917, %parallel_loop3A_918] {strides = array<i32>} : memref<128x64xi32, #tpu.memory_space<vmem>>, vector<16xi32>,
        %parallel_loop3A_920 = vector.bitcast %parallel_loop3A_919 : vector<16xi32> to vector<32xbf16>
        %parallel_loop3A_921 = arith.mulf %parallel_loop3A_916, %parallel_loop3A_920 : vector<32xbf16>
        %parallel_loop3A_922 = tpu.unpack_subelements %parallel_loop3A_921, 0 {pack_format = #tpu.pack_format<interleaved>} : vector<32xbf16> -> vector<16xf32>
        %parallel_loop3A_923 = tpu.unpack_subelements %parallel_loop3A_921, 1 {pack_format = #tpu.pack_format<interleaved>} : vector<32xbf16> -> vector<16xf32>
        %parallel_loop3A_924 = arith.addf %parallel_loop3A_922, %parallel_loop3A_923 : vector<16xf32>
        %parallel_loop3A_925 = arith.addf %parallel_loop3A_912, %parallel_loop3A_924 : vector<16xf32>
        %parallel_loop3A_926 = arith.index_cast %parallel_loop3A_887 : i32 to index
        %parallel_loop3A_927 = arith.constant 48 : index
        %parallel_loop3A_928 = tpu.vector_load %arg9[%parallel_loop3A_926, %parallel_loop3A_927] {strides = array<i32>} : memref<128x64xi32, #tpu.memory_space<vmem>>, vector<16xi32>,
        %parallel_loop3A_929 = vector.bitcast %parallel_loop3A_928 : vector<16xi32> to vector<32xbf16>
        %parallel_loop3A_930 = arith.index_cast %parallel_loop3A_887 : i32 to index
        %parallel_loop3A_931 = arith.constant 48 : index
        %parallel_loop3A_932 = tpu.vector_load %arg11[%parallel_loop3A_930, %parallel_loop3A_931] {strides = array<i32>} : memref<128x64xi32, #tpu.memory_space<vmem>>, vector<16xi32>,
        %parallel_loop3A_933 = vector.bitcast %parallel_loop3A_932 : vector<16xi32> to vector<32xbf16>
        %parallel_loop3A_934 = arith.mulf %parallel_loop3A_929, %parallel_loop3A_933 : vector<32xbf16>
        %parallel_loop3A_935 = tpu.unpack_subelements %parallel_loop3A_934, 0 {pack_format = #tpu.pack_format<interleaved>} : vector<32xbf16> -> vector<16xf32>
        %parallel_loop3A_936 = tpu.unpack_subelements %parallel_loop3A_934, 1 {pack_format = #tpu.pack_format<interleaved>} : vector<32xbf16> -> vector<16xf32>
        %parallel_loop3A_937 = arith.addf %parallel_loop3A_935, %parallel_loop3A_936 : vector<16xf32>
        %parallel_loop3A_938 = arith.addf %parallel_loop3A_925, %parallel_loop3A_937 : vector<16xf32>
        %parallel_loop3A_939 = arith.constant true
        %parallel_loop3A_940 = vector.broadcast %parallel_loop3A_939 : i1 to vector<16xi1>
        %parallel_loop3A_941 = tpu.scan <sum>, %parallel_loop3A_938 masked %parallel_loop3A_940 : vector<16xf32>, vector<16xi1> -> vector<16xf32>
        %parallel_loop3A_942 = vector.extract %parallel_loop3A_941[15] : f32 from vector<16xf32>
        %parallel_loop3A_943 = tpu.iota {dimensions = array<i32: 0>} : vector<16xi32>
        %parallel_loop3A_944 = arith.constant 11 : i32
        %parallel_loop3A_945 = vector.broadcast %parallel_loop3A_944 : i32 to vector<16xi32>
        %parallel_loop3A_946 = arith.cmpi eq, %parallel_loop3A_943, %parallel_loop3A_945 : vector<16xi32>
        %parallel_loop3A_947 = arith.extui %parallel_loop3A_946 : vector<16xi1> to vector<16xi32>
        %parallel_loop3A_948 = arith.sitofp %parallel_loop3A_947 : vector<16xi32> to vector<16xf32>
        %parallel_loop3A_949 = vector.broadcast %parallel_loop3A_942 : f32 to vector<16xf32>
        %parallel_loop3A_950 = arith.mulf %parallel_loop3A_949, %parallel_loop3A_948 : vector<16xf32>
        %parallel_loop3A_951 = arith.addf %parallel_loop3A_883, %parallel_loop3A_950 : vector<16xf32>
        %parallel_loop3A_952 = arith.constant 16 : i32
        %parallel_loop3A_953 = arith.muli %parallel_loop3A_133, %parallel_loop3A_952 : i32
        %parallel_loop3A_954 = arith.constant 12 : i32
        %parallel_loop3A_955 = arith.addi %parallel_loop3A_953, %parallel_loop3A_954 : i32
        %parallel_loop3A_956 = arith.index_cast %parallel_loop3A_955 : i32 to index
        %parallel_loop3A_957 = arith.constant 0 : index
        %parallel_loop3A_958 = tpu.vector_load %arg9[%parallel_loop3A_956, %parallel_loop3A_957] {strides = array<i32>} : memref<128x64xi32, #tpu.memory_space<vmem>>, vector<16xi32>,
        %parallel_loop3A_959 = vector.bitcast %parallel_loop3A_958 : vector<16xi32> to vector<32xbf16>
        %parallel_loop3A_960 = arith.index_cast %parallel_loop3A_955 : i32 to index
        %parallel_loop3A_961 = arith.constant 0 : index
        %parallel_loop3A_962 = tpu.vector_load %arg11[%parallel_loop3A_960, %parallel_loop3A_961] {strides = array<i32>} : memref<128x64xi32, #tpu.memory_space<vmem>>, vector<16xi32>,
        %parallel_loop3A_963 = vector.bitcast %parallel_loop3A_962 : vector<16xi32> to vector<32xbf16>
        %parallel_loop3A_964 = arith.mulf %parallel_loop3A_959, %parallel_loop3A_963 : vector<32xbf16>
        %parallel_loop3A_965 = tpu.unpack_subelements %parallel_loop3A_964, 0 {pack_format = #tpu.pack_format<interleaved>} : vector<32xbf16> -> vector<16xf32>
        %parallel_loop3A_966 = tpu.unpack_subelements %parallel_loop3A_964, 1 {pack_format = #tpu.pack_format<interleaved>} : vector<32xbf16> -> vector<16xf32>
        %parallel_loop3A_967 = arith.addf %parallel_loop3A_965, %parallel_loop3A_966 : vector<16xf32>
        %parallel_loop3A_968 = arith.index_cast %parallel_loop3A_955 : i32 to index
        %parallel_loop3A_969 = arith.constant 16 : index
        %parallel_loop3A_970 = tpu.vector_load %arg9[%parallel_loop3A_968, %parallel_loop3A_969] {strides = array<i32>} : memref<128x64xi32, #tpu.memory_space<vmem>>, vector<16xi32>,
        %parallel_loop3A_971 = vector.bitcast %parallel_loop3A_970 : vector<16xi32> to vector<32xbf16>
        %parallel_loop3A_972 = arith.index_cast %parallel_loop3A_955 : i32 to index
        %parallel_loop3A_973 = arith.constant 16 : index
        %parallel_loop3A_974 = tpu.vector_load %arg11[%parallel_loop3A_972, %parallel_loop3A_973] {strides = array<i32>} : memref<128x64xi32, #tpu.memory_space<vmem>>, vector<16xi32>,
        %parallel_loop3A_975 = vector.bitcast %parallel_loop3A_974 : vector<16xi32> to vector<32xbf16>
        %parallel_loop3A_976 = arith.mulf %parallel_loop3A_971, %parallel_loop3A_975 : vector<32xbf16>
        %parallel_loop3A_977 = tpu.unpack_subelements %parallel_loop3A_976, 0 {pack_format = #tpu.pack_format<interleaved>} : vector<32xbf16> -> vector<16xf32>
        %parallel_loop3A_978 = tpu.unpack_subelements %parallel_loop3A_976, 1 {pack_format = #tpu.pack_format<interleaved>} : vector<32xbf16> -> vector<16xf32>
        %parallel_loop3A_979 = arith.addf %parallel_loop3A_977, %parallel_loop3A_978 : vector<16xf32>
        %parallel_loop3A_980 = arith.addf %parallel_loop3A_967, %parallel_loop3A_979 : vector<16xf32>
        %parallel_loop3A_981 = arith.index_cast %parallel_loop3A_955 : i32 to index
        %parallel_loop3A_982 = arith.constant 32 : index
        %parallel_loop3A_983 = tpu.vector_load %arg9[%parallel_loop3A_981, %parallel_loop3A_982] {strides = array<i32>} : memref<128x64xi32, #tpu.memory_space<vmem>>, vector<16xi32>,
        %parallel_loop3A_984 = vector.bitcast %parallel_loop3A_983 : vector<16xi32> to vector<32xbf16>
        %parallel_loop3A_985 = arith.index_cast %parallel_loop3A_955 : i32 to index
        %parallel_loop3A_986 = arith.constant 32 : index
        %parallel_loop3A_987 = tpu.vector_load %arg11[%parallel_loop3A_985, %parallel_loop3A_986] {strides = array<i32>} : memref<128x64xi32, #tpu.memory_space<vmem>>, vector<16xi32>,
        %parallel_loop3A_988 = vector.bitcast %parallel_loop3A_987 : vector<16xi32> to vector<32xbf16>
        %parallel_loop3A_989 = arith.mulf %parallel_loop3A_984, %parallel_loop3A_988 : vector<32xbf16>
        %parallel_loop3A_990 = tpu.unpack_subelements %parallel_loop3A_989, 0 {pack_format = #tpu.pack_format<interleaved>} : vector<32xbf16> -> vector<16xf32>
        %parallel_loop3A_991 = tpu.unpack_subelements %parallel_loop3A_989, 1 {pack_format = #tpu.pack_format<interleaved>} : vector<32xbf16> -> vector<16xf32>
        %parallel_loop3A_992 = arith.addf %parallel_loop3A_990, %parallel_loop3A_991 : vector<16xf32>
        %parallel_loop3A_993 = arith.addf %parallel_loop3A_980, %parallel_loop3A_992 : vector<16xf32>
        %parallel_loop3A_994 = arith.index_cast %parallel_loop3A_955 : i32 to index
        %parallel_loop3A_995 = arith.constant 48 : index
        %parallel_loop3A_996 = tpu.vector_load %arg9[%parallel_loop3A_994, %parallel_loop3A_995] {strides = array<i32>} : memref<128x64xi32, #tpu.memory_space<vmem>>, vector<16xi32>,
        %parallel_loop3A_997 = vector.bitcast %parallel_loop3A_996 : vector<16xi32> to vector<32xbf16>
        %parallel_loop3A_998 = arith.index_cast %parallel_loop3A_955 : i32 to index
        %parallel_loop3A_999 = arith.constant 48 : index
        %parallel_loop3A_1000 = tpu.vector_load %arg11[%parallel_loop3A_998, %parallel_loop3A_999] {strides = array<i32>} : memref<128x64xi32, #tpu.memory_space<vmem>>, vector<16xi32>,
        %parallel_loop3A_1001 = vector.bitcast %parallel_loop3A_1000 : vector<16xi32> to vector<32xbf16>
        %parallel_loop3A_1002 = arith.mulf %parallel_loop3A_997, %parallel_loop3A_1001 : vector<32xbf16>
        %parallel_loop3A_1003 = tpu.unpack_subelements %parallel_loop3A_1002, 0 {pack_format = #tpu.pack_format<interleaved>} : vector<32xbf16> -> vector<16xf32>
        %parallel_loop3A_1004 = tpu.unpack_subelements %parallel_loop3A_1002, 1 {pack_format = #tpu.pack_format<interleaved>} : vector<32xbf16> -> vector<16xf32>
        %parallel_loop3A_1005 = arith.addf %parallel_loop3A_1003, %parallel_loop3A_1004 : vector<16xf32>
        %parallel_loop3A_1006 = arith.addf %parallel_loop3A_993, %parallel_loop3A_1005 : vector<16xf32>
        %parallel_loop3A_1007 = arith.constant true
        %parallel_loop3A_1008 = vector.broadcast %parallel_loop3A_1007 : i1 to vector<16xi1>
        %parallel_loop3A_1009 = tpu.scan <sum>, %parallel_loop3A_1006 masked %parallel_loop3A_1008 : vector<16xf32>, vector<16xi1> -> vector<16xf32>
        %parallel_loop3A_1010 = vector.extract %parallel_loop3A_1009[15] : f32 from vector<16xf32>
        %parallel_loop3A_1011 = tpu.iota {dimensions = array<i32: 0>} : vector<16xi32>
        %parallel_loop3A_1012 = arith.constant 12 : i32
        %parallel_loop3A_1013 = vector.broadcast %parallel_loop3A_1012 : i32 to vector<16xi32>
        %parallel_loop3A_1014 = arith.cmpi eq, %parallel_loop3A_1011, %parallel_loop3A_1013 : vector<16xi32>
        %parallel_loop3A_1015 = arith.extui %parallel_loop3A_1014 : vector<16xi1> to vector<16xi32>
        %parallel_loop3A_1016 = arith.sitofp %parallel_loop3A_1015 : vector<16xi32> to vector<16xf32>
        %parallel_loop3A_1017 = vector.broadcast %parallel_loop3A_1010 : f32 to vector<16xf32>
        %parallel_loop3A_1018 = arith.mulf %parallel_loop3A_1017, %parallel_loop3A_1016 : vector<16xf32>
        %parallel_loop3A_1019 = arith.addf %parallel_loop3A_951, %parallel_loop3A_1018 : vector<16xf32>
        %parallel_loop3A_1020 = arith.constant 16 : i32
        %parallel_loop3A_1021 = arith.muli %parallel_loop3A_133, %parallel_loop3A_1020 : i32
        %parallel_loop3A_1022 = arith.constant 13 : i32
        %parallel_loop3A_1023 = arith.addi %parallel_loop3A_1021, %parallel_loop3A_1022 : i32
        %parallel_loop3A_1024 = arith.index_cast %parallel_loop3A_1023 : i32 to index
        %parallel_loop3A_1025 = arith.constant 0 : index
        %parallel_loop3A_1026 = tpu.vector_load %arg9[%parallel_loop3A_1024, %parallel_loop3A_1025] {strides = array<i32>} : memref<128x64xi32, #tpu.memory_space<vmem>>, vector<16xi32>,
        %parallel_loop3A_1027 = vector.bitcast %parallel_loop3A_1026 : vector<16xi32> to vector<32xbf16>
        %parallel_loop3A_1028 = arith.index_cast %parallel_loop3A_1023 : i32 to index
        %parallel_loop3A_1029 = arith.constant 0 : index
        %parallel_loop3A_1030 = tpu.vector_load %arg11[%parallel_loop3A_1028, %parallel_loop3A_1029] {strides = array<i32>} : memref<128x64xi32, #tpu.memory_space<vmem>>, vector<16xi32>,
        %parallel_loop3A_1031 = vector.bitcast %parallel_loop3A_1030 : vector<16xi32> to vector<32xbf16>
        %parallel_loop3A_1032 = arith.mulf %parallel_loop3A_1027, %parallel_loop3A_1031 : vector<32xbf16>
        %parallel_loop3A_1033 = tpu.unpack_subelements %parallel_loop3A_1032, 0 {pack_format = #tpu.pack_format<interleaved>} : vector<32xbf16> -> vector<16xf32>
        %parallel_loop3A_1034 = tpu.unpack_subelements %parallel_loop3A_1032, 1 {pack_format = #tpu.pack_format<interleaved>} : vector<32xbf16> -> vector<16xf32>
        %parallel_loop3A_1035 = arith.addf %parallel_loop3A_1033, %parallel_loop3A_1034 : vector<16xf32>
        %parallel_loop3A_1036 = arith.index_cast %parallel_loop3A_1023 : i32 to index
        %parallel_loop3A_1037 = arith.constant 16 : index
        %parallel_loop3A_1038 = tpu.vector_load %arg9[%parallel_loop3A_1036, %parallel_loop3A_1037] {strides = array<i32>} : memref<128x64xi32, #tpu.memory_space<vmem>>, vector<16xi32>,
        %parallel_loop3A_1039 = vector.bitcast %parallel_loop3A_1038 : vector<16xi32> to vector<32xbf16>
        %parallel_loop3A_1040 = arith.index_cast %parallel_loop3A_1023 : i32 to index
        %parallel_loop3A_1041 = arith.constant 16 : index
        %parallel_loop3A_1042 = tpu.vector_load %arg11[%parallel_loop3A_1040, %parallel_loop3A_1041] {strides = array<i32>} : memref<128x64xi32, #tpu.memory_space<vmem>>, vector<16xi32>,
        %parallel_loop3A_1043 = vector.bitcast %parallel_loop3A_1042 : vector<16xi32> to vector<32xbf16>
        %parallel_loop3A_1044 = arith.mulf %parallel_loop3A_1039, %parallel_loop3A_1043 : vector<32xbf16>
        %parallel_loop3A_1045 = tpu.unpack_subelements %parallel_loop3A_1044, 0 {pack_format = #tpu.pack_format<interleaved>} : vector<32xbf16> -> vector<16xf32>
        %parallel_loop3A_1046 = tpu.unpack_subelements %parallel_loop3A_1044, 1 {pack_format = #tpu.pack_format<interleaved>} : vector<32xbf16> -> vector<16xf32>
        %parallel_loop3A_1047 = arith.addf %parallel_loop3A_1045, %parallel_loop3A_1046 : vector<16xf32>
        %parallel_loop3A_1048 = arith.addf %parallel_loop3A_1035, %parallel_loop3A_1047 : vector<16xf32>
        %parallel_loop3A_1049 = arith.index_cast %parallel_loop3A_1023 : i32 to index
        %parallel_loop3A_1050 = arith.constant 32 : index
        %parallel_loop3A_1051 = tpu.vector_load %arg9[%parallel_loop3A_1049, %parallel_loop3A_1050] {strides = array<i32>} : memref<128x64xi32, #tpu.memory_space<vmem>>, vector<16xi32>,
        %parallel_loop3A_1052 = vector.bitcast %parallel_loop3A_1051 : vector<16xi32> to vector<32xbf16>
        %parallel_loop3A_1053 = arith.index_cast %parallel_loop3A_1023 : i32 to index
        %parallel_loop3A_1054 = arith.constant 32 : index
        %parallel_loop3A_1055 = tpu.vector_load %arg11[%parallel_loop3A_1053, %parallel_loop3A_1054] {strides = array<i32>} : memref<128x64xi32, #tpu.memory_space<vmem>>, vector<16xi32>,
        %parallel_loop3A_1056 = vector.bitcast %parallel_loop3A_1055 : vector<16xi32> to vector<32xbf16>
        %parallel_loop3A_1057 = arith.mulf %parallel_loop3A_1052, %parallel_loop3A_1056 : vector<32xbf16>
        %parallel_loop3A_1058 = tpu.unpack_subelements %parallel_loop3A_1057, 0 {pack_format = #tpu.pack_format<interleaved>} : vector<32xbf16> -> vector<16xf32>
        %parallel_loop3A_1059 = tpu.unpack_subelements %parallel_loop3A_1057, 1 {pack_format = #tpu.pack_format<interleaved>} : vector<32xbf16> -> vector<16xf32>
        %parallel_loop3A_1060 = arith.addf %parallel_loop3A_1058, %parallel_loop3A_1059 : vector<16xf32>
        %parallel_loop3A_1061 = arith.addf %parallel_loop3A_1048, %parallel_loop3A_1060 : vector<16xf32>
        %parallel_loop3A_1062 = arith.index_cast %parallel_loop3A_1023 : i32 to index
        %parallel_loop3A_1063 = arith.constant 48 : index
        %parallel_loop3A_1064 = tpu.vector_load %arg9[%parallel_loop3A_1062, %parallel_loop3A_1063] {strides = array<i32>} : memref<128x64xi32, #tpu.memory_space<vmem>>, vector<16xi32>,
        %parallel_loop3A_1065 = vector.bitcast %parallel_loop3A_1064 : vector<16xi32> to vector<32xbf16>
        %parallel_loop3A_1066 = arith.index_cast %parallel_loop3A_1023 : i32 to index
        %parallel_loop3A_1067 = arith.constant 48 : index
        %parallel_loop3A_1068 = tpu.vector_load %arg11[%parallel_loop3A_1066, %parallel_loop3A_1067] {strides = array<i32>} : memref<128x64xi32, #tpu.memory_space<vmem>>, vector<16xi32>,
        %parallel_loop3A_1069 = vector.bitcast %parallel_loop3A_1068 : vector<16xi32> to vector<32xbf16>
        %parallel_loop3A_1070 = arith.mulf %parallel_loop3A_1065, %parallel_loop3A_1069 : vector<32xbf16>
        %parallel_loop3A_1071 = tpu.unpack_subelements %parallel_loop3A_1070, 0 {pack_format = #tpu.pack_format<interleaved>} : vector<32xbf16> -> vector<16xf32>
        %parallel_loop3A_1072 = tpu.unpack_subelements %parallel_loop3A_1070, 1 {pack_format = #tpu.pack_format<interleaved>} : vector<32xbf16> -> vector<16xf32>
        %parallel_loop3A_1073 = arith.addf %parallel_loop3A_1071, %parallel_loop3A_1072 : vector<16xf32>
        %parallel_loop3A_1074 = arith.addf %parallel_loop3A_1061, %parallel_loop3A_1073 : vector<16xf32>
        %parallel_loop3A_1075 = arith.constant true
        %parallel_loop3A_1076 = vector.broadcast %parallel_loop3A_1075 : i1 to vector<16xi1>
        %parallel_loop3A_1077 = tpu.scan <sum>, %parallel_loop3A_1074 masked %parallel_loop3A_1076 : vector<16xf32>, vector<16xi1> -> vector<16xf32>
        %parallel_loop3A_1078 = vector.extract %parallel_loop3A_1077[15] : f32 from vector<16xf32>
        %parallel_loop3A_1079 = tpu.iota {dimensions = array<i32: 0>} : vector<16xi32>
        %parallel_loop3A_1080 = arith.constant 13 : i32
        %parallel_loop3A_1081 = vector.broadcast %parallel_loop3A_1080 : i32 to vector<16xi32>
        %parallel_loop3A_1082 = arith.cmpi eq, %parallel_loop3A_1079, %parallel_loop3A_1081 : vector<16xi32>
        %parallel_loop3A_1083 = arith.extui %parallel_loop3A_1082 : vector<16xi1> to vector<16xi32>
        %parallel_loop3A_1084 = arith.sitofp %parallel_loop3A_1083 : vector<16xi32> to vector<16xf32>
        %parallel_loop3A_1085 = vector.broadcast %parallel_loop3A_1078 : f32 to vector<16xf32>
        %parallel_loop3A_1086 = arith.mulf %parallel_loop3A_1085, %parallel_loop3A_1084 : vector<16xf32>
        %parallel_loop3A_1087 = arith.addf %parallel_loop3A_1019, %parallel_loop3A_1086 : vector<16xf32>
        %parallel_loop3A_1088 = arith.constant 16 : i32
        %parallel_loop3A_1089 = arith.muli %parallel_loop3A_133, %parallel_loop3A_1088 : i32
        %parallel_loop3A_1090 = arith.constant 14 : i32
        %parallel_loop3A_1091 = arith.addi %parallel_loop3A_1089, %parallel_loop3A_1090 : i32
        %parallel_loop3A_1092 = arith.index_cast %parallel_loop3A_1091 : i32 to index
        %parallel_loop3A_1093 = arith.constant 0 : index
        %parallel_loop3A_1094 = tpu.vector_load %arg9[%parallel_loop3A_1092, %parallel_loop3A_1093] {strides = array<i32>} : memref<128x64xi32, #tpu.memory_space<vmem>>, vector<16xi32>,
        %parallel_loop3A_1095 = vector.bitcast %parallel_loop3A_1094 : vector<16xi32> to vector<32xbf16>
        %parallel_loop3A_1096 = arith.index_cast %parallel_loop3A_1091 : i32 to index
        %parallel_loop3A_1097 = arith.constant 0 : index
        %parallel_loop3A_1098 = tpu.vector_load %arg11[%parallel_loop3A_1096, %parallel_loop3A_1097] {strides = array<i32>} : memref<128x64xi32, #tpu.memory_space<vmem>>, vector<16xi32>,
        %parallel_loop3A_1099 = vector.bitcast %parallel_loop3A_1098 : vector<16xi32> to vector<32xbf16>
        %parallel_loop3A_1100 = arith.mulf %parallel_loop3A_1095, %parallel_loop3A_1099 : vector<32xbf16>
        %parallel_loop3A_1101 = tpu.unpack_subelements %parallel_loop3A_1100, 0 {pack_format = #tpu.pack_format<interleaved>} : vector<32xbf16> -> vector<16xf32>
        %parallel_loop3A_1102 = tpu.unpack_subelements %parallel_loop3A_1100, 1 {pack_format = #tpu.pack_format<interleaved>} : vector<32xbf16> -> vector<16xf32>
        %parallel_loop3A_1103 = arith.addf %parallel_loop3A_1101, %parallel_loop3A_1102 : vector<16xf32>
        %parallel_loop3A_1104 = arith.index_cast %parallel_loop3A_1091 : i32 to index
        %parallel_loop3A_1105 = arith.constant 16 : index
        %parallel_loop3A_1106 = tpu.vector_load %arg9[%parallel_loop3A_1104, %parallel_loop3A_1105] {strides = array<i32>} : memref<128x64xi32, #tpu.memory_space<vmem>>, vector<16xi32>,
        %parallel_loop3A_1107 = vector.bitcast %parallel_loop3A_1106 : vector<16xi32> to vector<32xbf16>
        %parallel_loop3A_1108 = arith.index_cast %parallel_loop3A_1091 : i32 to index
        %parallel_loop3A_1109 = arith.constant 16 : index
        %parallel_loop3A_1110 = tpu.vector_load %arg11[%parallel_loop3A_1108, %parallel_loop3A_1109] {strides = array<i32>} : memref<128x64xi32, #tpu.memory_space<vmem>>, vector<16xi32>,
        %parallel_loop3A_1111 = vector.bitcast %parallel_loop3A_1110 : vector<16xi32> to vector<32xbf16>
        %parallel_loop3A_1112 = arith.mulf %parallel_loop3A_1107, %parallel_loop3A_1111 : vector<32xbf16>
        %parallel_loop3A_1113 = tpu.unpack_subelements %parallel_loop3A_1112, 0 {pack_format = #tpu.pack_format<interleaved>} : vector<32xbf16> -> vector<16xf32>
        %parallel_loop3A_1114 = tpu.unpack_subelements %parallel_loop3A_1112, 1 {pack_format = #tpu.pack_format<interleaved>} : vector<32xbf16> -> vector<16xf32>
        %parallel_loop3A_1115 = arith.addf %parallel_loop3A_1113, %parallel_loop3A_1114 : vector<16xf32>
        %parallel_loop3A_1116 = arith.addf %parallel_loop3A_1103, %parallel_loop3A_1115 : vector<16xf32>
        %parallel_loop3A_1117 = arith.index_cast %parallel_loop3A_1091 : i32 to index
        %parallel_loop3A_1118 = arith.constant 32 : index
        %parallel_loop3A_1119 = tpu.vector_load %arg9[%parallel_loop3A_1117, %parallel_loop3A_1118] {strides = array<i32>} : memref<128x64xi32, #tpu.memory_space<vmem>>, vector<16xi32>,
        %parallel_loop3A_1120 = vector.bitcast %parallel_loop3A_1119 : vector<16xi32> to vector<32xbf16>
        %parallel_loop3A_1121 = arith.index_cast %parallel_loop3A_1091 : i32 to index
        %parallel_loop3A_1122 = arith.constant 32 : index
        %parallel_loop3A_1123 = tpu.vector_load %arg11[%parallel_loop3A_1121, %parallel_loop3A_1122] {strides = array<i32>} : memref<128x64xi32, #tpu.memory_space<vmem>>, vector<16xi32>,
        %parallel_loop3A_1124 = vector.bitcast %parallel_loop3A_1123 : vector<16xi32> to vector<32xbf16>
        %parallel_loop3A_1125 = arith.mulf %parallel_loop3A_1120, %parallel_loop3A_1124 : vector<32xbf16>
        %parallel_loop3A_1126 = tpu.unpack_subelements %parallel_loop3A_1125, 0 {pack_format = #tpu.pack_format<interleaved>} : vector<32xbf16> -> vector<16xf32>
        %parallel_loop3A_1127 = tpu.unpack_subelements %parallel_loop3A_1125, 1 {pack_format = #tpu.pack_format<interleaved>} : vector<32xbf16> -> vector<16xf32>
        %parallel_loop3A_1128 = arith.addf %parallel_loop3A_1126, %parallel_loop3A_1127 : vector<16xf32>
        %parallel_loop3A_1129 = arith.addf %parallel_loop3A_1116, %parallel_loop3A_1128 : vector<16xf32>
        %parallel_loop3A_1130 = arith.index_cast %parallel_loop3A_1091 : i32 to index
        %parallel_loop3A_1131 = arith.constant 48 : index
        %parallel_loop3A_1132 = tpu.vector_load %arg9[%parallel_loop3A_1130, %parallel_loop3A_1131] {strides = array<i32>} : memref<128x64xi32, #tpu.memory_space<vmem>>, vector<16xi32>,
        %parallel_loop3A_1133 = vector.bitcast %parallel_loop3A_1132 : vector<16xi32> to vector<32xbf16>
        %parallel_loop3A_1134 = arith.index_cast %parallel_loop3A_1091 : i32 to index
        %parallel_loop3A_1135 = arith.constant 48 : index
        %parallel_loop3A_1136 = tpu.vector_load %arg11[%parallel_loop3A_1134, %parallel_loop3A_1135] {strides = array<i32>} : memref<128x64xi32, #tpu.memory_space<vmem>>, vector<16xi32>,
        %parallel_loop3A_1137 = vector.bitcast %parallel_loop3A_1136 : vector<16xi32> to vector<32xbf16>
        %parallel_loop3A_1138 = arith.mulf %parallel_loop3A_1133, %parallel_loop3A_1137 : vector<32xbf16>
        %parallel_loop3A_1139 = tpu.unpack_subelements %parallel_loop3A_1138, 0 {pack_format = #tpu.pack_format<interleaved>} : vector<32xbf16> -> vector<16xf32>
        %parallel_loop3A_1140 = tpu.unpack_subelements %parallel_loop3A_1138, 1 {pack_format = #tpu.pack_format<interleaved>} : vector<32xbf16> -> vector<16xf32>
        %parallel_loop3A_1141 = arith.addf %parallel_loop3A_1139, %parallel_loop3A_1140 : vector<16xf32>
        %parallel_loop3A_1142 = arith.addf %parallel_loop3A_1129, %parallel_loop3A_1141 : vector<16xf32>
        %parallel_loop3A_1143 = arith.constant true
        %parallel_loop3A_1144 = vector.broadcast %parallel_loop3A_1143 : i1 to vector<16xi1>
        %parallel_loop3A_1145 = tpu.scan <sum>, %parallel_loop3A_1142 masked %parallel_loop3A_1144 : vector<16xf32>, vector<16xi1> -> vector<16xf32>
        %parallel_loop3A_1146 = vector.extract %parallel_loop3A_1145[15] : f32 from vector<16xf32>
        %parallel_loop3A_1147 = tpu.iota {dimensions = array<i32: 0>} : vector<16xi32>
        %parallel_loop3A_1148 = arith.constant 14 : i32
        %parallel_loop3A_1149 = vector.broadcast %parallel_loop3A_1148 : i32 to vector<16xi32>
        %parallel_loop3A_1150 = arith.cmpi eq, %parallel_loop3A_1147, %parallel_loop3A_1149 : vector<16xi32>
        %parallel_loop3A_1151 = arith.extui %parallel_loop3A_1150 : vector<16xi1> to vector<16xi32>
        %parallel_loop3A_1152 = arith.sitofp %parallel_loop3A_1151 : vector<16xi32> to vector<16xf32>
        %parallel_loop3A_1153 = vector.broadcast %parallel_loop3A_1146 : f32 to vector<16xf32>
        %parallel_loop3A_1154 = arith.mulf %parallel_loop3A_1153, %parallel_loop3A_1152 : vector<16xf32>
        %parallel_loop3A_1155 = arith.addf %parallel_loop3A_1087, %parallel_loop3A_1154 : vector<16xf32>
        %parallel_loop3A_1156 = arith.constant 16 : i32
        %parallel_loop3A_1157 = arith.muli %parallel_loop3A_133, %parallel_loop3A_1156 : i32
        %parallel_loop3A_1158 = arith.constant 15 : i32
        %parallel_loop3A_1159 = arith.addi %parallel_loop3A_1157, %parallel_loop3A_1158 : i32
        %parallel_loop3A_1160 = arith.index_cast %parallel_loop3A_1159 : i32 to index
        %parallel_loop3A_1161 = arith.constant 0 : index
        %parallel_loop3A_1162 = tpu.vector_load %arg9[%parallel_loop3A_1160, %parallel_loop3A_1161] {strides = array<i32>} : memref<128x64xi32, #tpu.memory_space<vmem>>, vector<16xi32>,
        %parallel_loop3A_1163 = vector.bitcast %parallel_loop3A_1162 : vector<16xi32> to vector<32xbf16>
        %parallel_loop3A_1164 = arith.index_cast %parallel_loop3A_1159 : i32 to index
        %parallel_loop3A_1165 = arith.constant 0 : index
        %parallel_loop3A_1166 = tpu.vector_load %arg11[%parallel_loop3A_1164, %parallel_loop3A_1165] {strides = array<i32>} : memref<128x64xi32, #tpu.memory_space<vmem>>, vector<16xi32>,
        %parallel_loop3A_1167 = vector.bitcast %parallel_loop3A_1166 : vector<16xi32> to vector<32xbf16>
        %parallel_loop3A_1168 = arith.mulf %parallel_loop3A_1163, %parallel_loop3A_1167 : vector<32xbf16>
        %parallel_loop3A_1169 = tpu.unpack_subelements %parallel_loop3A_1168, 0 {pack_format = #tpu.pack_format<interleaved>} : vector<32xbf16> -> vector<16xf32>
        %parallel_loop3A_1170 = tpu.unpack_subelements %parallel_loop3A_1168, 1 {pack_format = #tpu.pack_format<interleaved>} : vector<32xbf16> -> vector<16xf32>
        %parallel_loop3A_1171 = arith.addf %parallel_loop3A_1169, %parallel_loop3A_1170 : vector<16xf32>
        %parallel_loop3A_1172 = arith.index_cast %parallel_loop3A_1159 : i32 to index
        %parallel_loop3A_1173 = arith.constant 16 : index
        %parallel_loop3A_1174 = tpu.vector_load %arg9[%parallel_loop3A_1172, %parallel_loop3A_1173] {strides = array<i32>} : memref<128x64xi32, #tpu.memory_space<vmem>>, vector<16xi32>,
        %parallel_loop3A_1175 = vector.bitcast %parallel_loop3A_1174 : vector<16xi32> to vector<32xbf16>
        %parallel_loop3A_1176 = arith.index_cast %parallel_loop3A_1159 : i32 to index
        %parallel_loop3A_1177 = arith.constant 16 : index
        %parallel_loop3A_1178 = tpu.vector_load %arg11[%parallel_loop3A_1176, %parallel_loop3A_1177] {strides = array<i32>} : memref<128x64xi32, #tpu.memory_space<vmem>>, vector<16xi32>,
        %parallel_loop3A_1179 = vector.bitcast %parallel_loop3A_1178 : vector<16xi32> to vector<32xbf16>
        %parallel_loop3A_1180 = arith.mulf %parallel_loop3A_1175, %parallel_loop3A_1179 : vector<32xbf16>
        %parallel_loop3A_1181 = tpu.unpack_subelements %parallel_loop3A_1180, 0 {pack_format = #tpu.pack_format<interleaved>} : vector<32xbf16> -> vector<16xf32>
        %parallel_loop3A_1182 = tpu.unpack_subelements %parallel_loop3A_1180, 1 {pack_format = #tpu.pack_format<interleaved>} : vector<32xbf16> -> vector<16xf32>
        %parallel_loop3A_1183 = arith.addf %parallel_loop3A_1181, %parallel_loop3A_1182 : vector<16xf32>
        %parallel_loop3A_1184 = arith.addf %parallel_loop3A_1171, %parallel_loop3A_1183 : vector<16xf32>
        %parallel_loop3A_1185 = arith.index_cast %parallel_loop3A_1159 : i32 to index
        %parallel_loop3A_1186 = arith.constant 32 : index
        %parallel_loop3A_1187 = tpu.vector_load %arg9[%parallel_loop3A_1185, %parallel_loop3A_1186] {strides = array<i32>} : memref<128x64xi32, #tpu.memory_space<vmem>>, vector<16xi32>,
        %parallel_loop3A_1188 = vector.bitcast %parallel_loop3A_1187 : vector<16xi32> to vector<32xbf16>
        %parallel_loop3A_1189 = arith.index_cast %parallel_loop3A_1159 : i32 to index
        %parallel_loop3A_1190 = arith.constant 32 : index
        %parallel_loop3A_1191 = tpu.vector_load %arg11[%parallel_loop3A_1189, %parallel_loop3A_1190] {strides = array<i32>} : memref<128x64xi32, #tpu.memory_space<vmem>>, vector<16xi32>,
        %parallel_loop3A_1192 = vector.bitcast %parallel_loop3A_1191 : vector<16xi32> to vector<32xbf16>
        %parallel_loop3A_1193 = arith.mulf %parallel_loop3A_1188, %parallel_loop3A_1192 : vector<32xbf16>
        %parallel_loop3A_1194 = tpu.unpack_subelements %parallel_loop3A_1193, 0 {pack_format = #tpu.pack_format<interleaved>} : vector<32xbf16> -> vector<16xf32>
        %parallel_loop3A_1195 = tpu.unpack_subelements %parallel_loop3A_1193, 1 {pack_format = #tpu.pack_format<interleaved>} : vector<32xbf16> -> vector<16xf32>
        %parallel_loop3A_1196 = arith.addf %parallel_loop3A_1194, %parallel_loop3A_1195 : vector<16xf32>
        %parallel_loop3A_1197 = arith.addf %parallel_loop3A_1184, %parallel_loop3A_1196 : vector<16xf32>
        %parallel_loop3A_1198 = arith.index_cast %parallel_loop3A_1159 : i32 to index
        %parallel_loop3A_1199 = arith.constant 48 : index
        %parallel_loop3A_1200 = tpu.vector_load %arg9[%parallel_loop3A_1198, %parallel_loop3A_1199] {strides = array<i32>} : memref<128x64xi32, #tpu.memory_space<vmem>>, vector<16xi32>,
        %parallel_loop3A_1201 = vector.bitcast %parallel_loop3A_1200 : vector<16xi32> to vector<32xbf16>
        %parallel_loop3A_1202 = arith.index_cast %parallel_loop3A_1159 : i32 to index
        %parallel_loop3A_1203 = arith.constant 48 : index
        %parallel_loop3A_1204 = tpu.vector_load %arg11[%parallel_loop3A_1202, %parallel_loop3A_1203] {strides = array<i32>} : memref<128x64xi32, #tpu.memory_space<vmem>>, vector<16xi32>,
        %parallel_loop3A_1205 = vector.bitcast %parallel_loop3A_1204 : vector<16xi32> to vector<32xbf16>
        %parallel_loop3A_1206 = arith.mulf %parallel_loop3A_1201, %parallel_loop3A_1205 : vector<32xbf16>
        %parallel_loop3A_1207 = tpu.unpack_subelements %parallel_loop3A_1206, 0 {pack_format = #tpu.pack_format<interleaved>} : vector<32xbf16> -> vector<16xf32>
        %parallel_loop3A_1208 = tpu.unpack_subelements %parallel_loop3A_1206, 1 {pack_format = #tpu.pack_format<interleaved>} : vector<32xbf16> -> vector<16xf32>
        %parallel_loop3A_1209 = arith.addf %parallel_loop3A_1207, %parallel_loop3A_1208 : vector<16xf32>
        %parallel_loop3A_1210 = arith.addf %parallel_loop3A_1197, %parallel_loop3A_1209 : vector<16xf32>
        %parallel_loop3A_1211 = arith.constant true
        %parallel_loop3A_1212 = vector.broadcast %parallel_loop3A_1211 : i1 to vector<16xi1>
        %parallel_loop3A_1213 = tpu.scan <sum>, %parallel_loop3A_1210 masked %parallel_loop3A_1212 : vector<16xf32>, vector<16xi1> -> vector<16xf32>
        %parallel_loop3A_1214 = vector.extract %parallel_loop3A_1213[15] : f32 from vector<16xf32>
        %parallel_loop3A_1215 = tpu.iota {dimensions = array<i32: 0>} : vector<16xi32>
        %parallel_loop3A_1216 = arith.constant 15 : i32
        %parallel_loop3A_1217 = vector.broadcast %parallel_loop3A_1216 : i32 to vector<16xi32>
        %parallel_loop3A_1218 = arith.cmpi eq, %parallel_loop3A_1215, %parallel_loop3A_1217 : vector<16xi32>
        %parallel_loop3A_1219 = arith.extui %parallel_loop3A_1218 : vector<16xi1> to vector<16xi32>
        %parallel_loop3A_1220 = arith.sitofp %parallel_loop3A_1219 : vector<16xi32> to vector<16xf32>
        %parallel_loop3A_1221 = vector.broadcast %parallel_loop3A_1214 : f32 to vector<16xf32>
        %parallel_loop3A_1222 = arith.mulf %parallel_loop3A_1221, %parallel_loop3A_1220 : vector<16xf32>
        %parallel_loop3A_1223 = arith.addf %parallel_loop3A_1155, %parallel_loop3A_1222 : vector<16xf32>
        %parallel_loop3A_1224 = arith.constant 16 : i32
        %parallel_loop3A_1225 = arith.muli %parallel_loop3A_133, %parallel_loop3A_1224 : i32
        %parallel_loop3A_1226 = arith.index_cast %parallel_loop3A_1225 : i32 to index
        %parallel_loop3A_1227 = tpu.vector_load %arg12[%parallel_loop3A_1226] {strides = array<i32>} : memref<128xf32, #tpu.memory_space<vmem>>, vector<16xf32>,
        tpu.vector_store %arg12[%parallel_loop3A_1226], %parallel_loop3A_1223 {strides = array<i32>} : memref<128xf32, #tpu.memory_space<vmem>>, vector<16xf32>,
      } {sc.loop_unroll_factor = 2 : i64, sc.parallel_access}
      %mul3A_114 = arith.constant 128 : i32
      %mul3A_115 = arith.muli %add3A_98, %mul3A_114 : i32
      %add3A_116 = arith.addi %mul3A_2, %mul3A_115 : i32
      "tpu.region"() ({
        %run_scoped3A = tpu.sem_alloc : memref<!tpu.dma_semaphore, #tpu.memory_space<semaphore_mem>>
        %dma_start3A_133 = tpu.memref_slice %arg5[%add3A_116] : memref<327680xf32, #tpu.memory_space<hbm>> -> memref<128xf32, #tpu.memory_space<hbm>>
        %dma_start3A_134 = tpu.memref_slice %arg5[%add3A_116] : memref<327680xf32, #tpu.memory_space<hbm>> -> memref<128xf32, #tpu.memory_space<hbm>>
        tpu.enqueue_dma source(%arg12 : memref<128xf32, #tpu.memory_space<vmem>>) target(%dma_start3A_134 : memref<128xf32, #tpu.memory_space<hbm>>) target_semaphore(%run_scoped3A : memref<!tpu.dma_semaphore, #tpu.memory_space<semaphore_mem>>)
        %dma_wait3A_135 = tpu.memref_slice %arg5[%add3A_116] : memref<327680xf32, #tpu.memory_space<hbm>> -> memref<128xf32, #tpu.memory_space<hbm>>
        %dma_wait3A_136 = tpu.memref_slice %arg5[%add3A_116] : memref<327680xf32, #tpu.memory_space<hbm>> -> memref<128xf32, #tpu.memory_space<hbm>>
        tpu.wait_dma2 semaphore(%run_scoped3A : memref<!tpu.dma_semaphore, #tpu.memory_space<semaphore_mem>>) src(%arg12 : memref<128xf32, #tpu.memory_space<vmem>>) dst(%dma_wait3A_136 : memref<128xf32, #tpu.memory_space<hbm>>)
        tpu.yield
      }) : () -> ()
      %add3A_117 = arith.constant 2 : i32
      %add3A_118 = arith.addi %add3A_98, %add3A_117 : i32
      %min3A_119 = arith.constant 79 : i32
      %min3A_120 = arith.minsi %add3A_118, %min3A_119 : i32
      %dma_start3A_121 = arith.constant 0 : i32
      %dma_start3A_122 = tpu.memref_slice %arg6[%min3A_120, %dma_start3A_121] : memref<80x128xi32, #tpu.memory_space<vmem>> -> memref<1x128xi32, #tpu.memory_space<vmem>>
      %dma_start3A_123 = tpu.memref_squeeze %dma_start3A_122 : memref<1x128xi32, #tpu.memory_space<vmem>> -> memref<128xi32, #tpu.memory_space<vmem>>
      %dma_start3A_124 = arith.constant 0 : i32
      %dma_start3A_125 = arith.constant 0 : i32
      %dma_start3A_126 = tpu.memref_slice %arg4[%dma_start3A_124, %dma_start3A_125] : memref<10240x64xi32, #tpu.memory_space<hbm>> -> memref<10240x64xi32, #tpu.memory_space<hbm>>
      tpu.enqueue_indirect_dma source(%dma_start3A_126 : memref<10240x64xi32, #tpu.memory_space<hbm>>) target(%arg9 : memref<128x64xi32, #tpu.memory_space<vmem>>) offsets(%dma_start3A_123 : memref<128xi32, #tpu.memory_space<vmem>>) semaphore(%arg14 : memref<!tpu.dma_semaphore, #tpu.memory_space<semaphore_mem>>)
      %dma_start3A_127 = arith.constant 0 : i32
      %dma_start3A_128 = tpu.memref_slice %arg7[%min3A_120, %dma_start3A_127] : memref<80x128xi32, #tpu.memory_space<vmem>> -> memref<1x128xi32, #tpu.memory_space<vmem>>
      %dma_start3A_129 = tpu.memref_squeeze %dma_start3A_128 : memref<1x128xi32, #tpu.memory_space<vmem>> -> memref<128xi32, #tpu.memory_space<vmem>>
      %dma_start3A_130 = arith.constant 0 : i32
      %dma_start3A_131 = arith.constant 0 : i32
      %dma_start3A_132 = tpu.memref_slice %arg4[%dma_start3A_130, %dma_start3A_131] : memref<10240x64xi32, #tpu.memory_space<hbm>> -> memref<10240x64xi32, #tpu.memory_space<hbm>>
      tpu.enqueue_indirect_dma source(%dma_start3A_132 : memref<10240x64xi32, #tpu.memory_space<hbm>>) target(%arg11 : memref<128x64xi32, #tpu.memory_space<vmem>>) offsets(%dma_start3A_129 : memref<128xi32, #tpu.memory_space<vmem>>) semaphore(%arg14 : memref<!tpu.dma_semaphore, #tpu.memory_space<semaphore_mem>>)
    }
    %scan3A_34 = arith.constant 40 : i32
    %dma_wait3A = arith.constant 0 : i32
    %dma_wait3A_35 = arith.constant 0 : i32
    %dma_wait3A_36 = tpu.memref_slice %arg4[%dma_wait3A, %dma_wait3A_35] : memref<10240x64xi32, #tpu.memory_space<hbm>> -> memref<128x64xi32, #tpu.memory_space<hbm>>
    %dma_wait3A_37 = arith.constant 0 : i32
    %dma_wait3A_38 = arith.constant 0 : i32
    %dma_wait3A_39 = tpu.memref_slice %arg4[%dma_wait3A_37, %dma_wait3A_38] : memref<10240x64xi32, #tpu.memory_space<hbm>> -> memref<128x64xi32, #tpu.memory_space<hbm>>
    tpu.wait_dma2 semaphore(%arg13 : memref<!tpu.dma_semaphore, #tpu.memory_space<semaphore_mem>>) src(%dma_wait3A_39 : memref<128x64xi32, #tpu.memory_space<hbm>>) dst(%arg8 : memref<128x64xi32, #tpu.memory_space<vmem>>)
    %dma_wait3A_40 = arith.constant 0 : i32
    %dma_wait3A_41 = arith.constant 0 : i32
    %dma_wait3A_42 = tpu.memref_slice %arg4[%dma_wait3A_40, %dma_wait3A_41] : memref<10240x64xi32, #tpu.memory_space<hbm>> -> memref<128x64xi32, #tpu.memory_space<hbm>>
    %dma_wait3A_43 = arith.constant 0 : i32
    %dma_wait3A_44 = arith.constant 0 : i32
    %dma_wait3A_45 = tpu.memref_slice %arg4[%dma_wait3A_43, %dma_wait3A_44] : memref<10240x64xi32, #tpu.memory_space<hbm>> -> memref<128x64xi32, #tpu.memory_space<hbm>>
    tpu.wait_dma2 semaphore(%arg13 : memref<!tpu.dma_semaphore, #tpu.memory_space<semaphore_mem>>) src(%dma_wait3A_45 : memref<128x64xi32, #tpu.memory_space<hbm>>) dst(%arg10 : memref<128x64xi32, #tpu.memory_space<vmem>>)
    %dma_wait3A_46 = arith.constant 0 : i32
    %dma_wait3A_47 = arith.constant 0 : i32
    %dma_wait3A_48 = tpu.memref_slice %arg4[%dma_wait3A_46, %dma_wait3A_47] : memref<10240x64xi32, #tpu.memory_space<hbm>> -> memref<128x64xi32, #tpu.memory_space<hbm>>
    %dma_wait3A_49 = arith.constant 0 : i32
    %dma_wait3A_50 = arith.constant 0 : i32
    %dma_wait3A_51 = tpu.memref_slice %arg4[%dma_wait3A_49, %dma_wait3A_50] : memref<10240x64xi32, #tpu.memory_space<hbm>> -> memref<128x64xi32, #tpu.memory_space<hbm>>
    tpu.wait_dma2 semaphore(%arg14 : memref<!tpu.dma_semaphore, #tpu.memory_space<semaphore_mem>>) src(%dma_wait3A_51 : memref<128x64xi32, #tpu.memory_space<hbm>>) dst(%arg9 : memref<128x64xi32, #tpu.memory_space<vmem>>)
    %dma_wait3A_52 = arith.constant 0 : i32
    %dma_wait3A_53 = arith.constant 0 : i32
    %dma_wait3A_54 = tpu.memref_slice %arg4[%dma_wait3A_52, %dma_wait3A_53] : memref<10240x64xi32, #tpu.memory_space<hbm>> -> memref<128x64xi32, #tpu.memory_space<hbm>>
    %dma_wait3A_55 = arith.constant 0 : i32
    %dma_wait3A_56 = arith.constant 0 : i32
    %dma_wait3A_57 = tpu.memref_slice %arg4[%dma_wait3A_55, %dma_wait3A_56] : memref<10240x64xi32, #tpu.memory_space<hbm>> -> memref<128x64xi32, #tpu.memory_space<hbm>>
    tpu.wait_dma2 semaphore(%arg14 : memref<!tpu.dma_semaphore, #tpu.memory_space<semaphore_mem>>) src(%dma_wait3A_57 : memref<128x64xi32, #tpu.memory_space<hbm>>) dst(%arg11 : memref<128x64xi32, #tpu.memory_space<vmem>>)
    return
  }
}

#map = affine_map<(d0, d1) -> (0, 0, 0)>
#map1 = affine_map<(d0, d1) -> (0, 0)>
module attributes {stable_mosaic.version = 14 : i64} {
  func.func @_segment_sum(%arg0: i32, %arg1: i32, %arg2: memref<32x128x80xi32, #tpu.memory_space<hbm>>, %arg3: memref<32x128x80xi32, #tpu.memory_space<hbm>>, %arg4: memref<10240x128xf32, #tpu.memory_space<hbm>>, %arg5: memref<640x128xf32, #tpu.memory_space<hbm>>, %arg6: memref<2x10240x128xf32, #tpu.memory_space<hbm>>, %arg7: memref<32x80xi32, #tpu.memory_space<vmem>>, %arg8: memref<32x80xi32, #tpu.memory_space<vmem>>, %arg9: memref<80x128xf32, #tpu.memory_space<vmem>>, %arg10: memref<80x128xf32, #tpu.memory_space<vmem>>, %arg11: memref<80x128xf32, #tpu.memory_space<vmem>>, %arg12: memref<80x128xf32, #tpu.memory_space<vmem>>, %arg13: memref<10240x128xf32, #tpu.memory_space<vmem_shared>>, %arg14: memref<!tpu.dma_semaphore, #tpu.memory_space<semaphore_mem>>, %arg15: memref<!tpu.dma_semaphore, #tpu.memory_space<semaphore_mem>>, %arg16: memref<!tpu.dma_semaphore, #tpu.memory_space<semaphore_mem>>, %arg17: memref<!tpu.dma_semaphore, #tpu.memory_space<semaphore_mem>>) attributes {dimension_semantics = [#tpu.dimension_semantics<core_parallel>, #tpu.dimension_semantics<subcore_parallel>], iteration_bounds = array<i64: 2, 16>, scalar_prefetch = 0 : i64, scratch_operands = 11 : i64, tpu.core_type = #tpu.core_type<sc_vector_subcore>, window_params = [{transform_indices = #map}, {transform_indices = #map}, {transform_indices = #map1}, {transform_indices = #map1}, {transform_indices = #map}]} {
    %mul3A = arith.constant 16 : i32
    %mul3A_0 = arith.muli %arg0, %mul3A : i32
    %add3A = arith.addi %mul3A_0, %arg1 : i32
    %mul3A_1 = arith.constant 640 : i32
    %mul3A_2 = arith.muli %arg1, %mul3A_1 : i32
    "tpu.region"() ({
      %run_scoped3A = tpu.sem_alloc : memref<!tpu.dma_semaphore, #tpu.memory_space<semaphore_mem>>
      %dma_start3A_237 = arith.constant 0 : i32
      %dma_start3A_238 = tpu.memref_slice %arg13[%mul3A_2, %dma_start3A_237] : memref<10240x128xf32, #tpu.memory_space<vmem_shared>> -> memref<640x128xf32, #tpu.memory_space<vmem_shared>>
      tpu.enqueue_dma source(%arg5 : memref<640x128xf32, #tpu.memory_space<hbm>>) target(%dma_start3A_238 : memref<640x128xf32, #tpu.memory_space<vmem_shared>>) target_semaphore(%run_scoped3A : memref<!tpu.dma_semaphore, #tpu.memory_space<semaphore_mem>>)
      %dma_wait3A_239 = arith.constant 0 : i32
      %dma_wait3A_240 = tpu.memref_slice %arg13[%mul3A_2, %dma_wait3A_239] : memref<10240x128xf32, #tpu.memory_space<vmem_shared>> -> memref<640x128xf32, #tpu.memory_space<vmem_shared>>
      tpu.wait_dma2 semaphore(%run_scoped3A : memref<!tpu.dma_semaphore, #tpu.memory_space<semaphore_mem>>) src(%arg5 : memref<640x128xf32, #tpu.memory_space<hbm>>) dst(%dma_wait3A_240 : memref<640x128xf32, #tpu.memory_space<vmem_shared>>)
      tpu.yield
    }) : () -> ()
    %barrier3A = arith.constant 0 : index
    tpu.barrier barrier_id(%barrier3A)
    "tpu.region"() ({
      %run_scoped3A = tpu.sem_alloc : memref<!tpu.dma_semaphore, #tpu.memory_space<semaphore_mem>>
      %dma_start3A_237 = arith.constant 0 : i32
      %dma_start3A_238 = arith.constant 0 : i32
      %dma_start3A_239 = tpu.memref_slice %arg2[%add3A, %dma_start3A_237, %dma_start3A_238] : memref<32x128x80xi32, #tpu.memory_space<hbm>> -> memref<1x32x80xi32, #tpu.memory_space<hbm>>
      %dma_start3A_240 = tpu.memref_squeeze %dma_start3A_239 : memref<1x32x80xi32, #tpu.memory_space<hbm>> -> memref<32x80xi32, #tpu.memory_space<hbm>>
      %dma_start3A_241 = arith.constant 0 : i32
      %dma_start3A_242 = arith.constant 0 : i32
      %dma_start3A_243 = tpu.memref_slice %arg2[%add3A, %dma_start3A_241, %dma_start3A_242] : memref<32x128x80xi32, #tpu.memory_space<hbm>> -> memref<1x32x80xi32, #tpu.memory_space<hbm>>
      %dma_start3A_244 = tpu.memref_squeeze %dma_start3A_243 : memref<1x32x80xi32, #tpu.memory_space<hbm>> -> memref<32x80xi32, #tpu.memory_space<hbm>>
      tpu.enqueue_dma source(%dma_start3A_244 : memref<32x80xi32, #tpu.memory_space<hbm>>) target(%arg7 : memref<32x80xi32, #tpu.memory_space<vmem>>) target_semaphore(%run_scoped3A : memref<!tpu.dma_semaphore, #tpu.memory_space<semaphore_mem>>)
      %dma_wait3A_245 = arith.constant 0 : i32
      %dma_wait3A_246 = arith.constant 0 : i32
      %dma_wait3A_247 = tpu.memref_slice %arg2[%add3A, %dma_wait3A_245, %dma_wait3A_246] : memref<32x128x80xi32, #tpu.memory_space<hbm>> -> memref<1x32x80xi32, #tpu.memory_space<hbm>>
      %dma_wait3A_248 = tpu.memref_squeeze %dma_wait3A_247 : memref<1x32x80xi32, #tpu.memory_space<hbm>> -> memref<32x80xi32, #tpu.memory_space<hbm>>
      %dma_wait3A_249 = arith.constant 0 : i32
      %dma_wait3A_250 = arith.constant 0 : i32
      %dma_wait3A_251 = tpu.memref_slice %arg2[%add3A, %dma_wait3A_249, %dma_wait3A_250] : memref<32x128x80xi32, #tpu.memory_space<hbm>> -> memref<1x32x80xi32, #tpu.memory_space<hbm>>
      %dma_wait3A_252 = tpu.memref_squeeze %dma_wait3A_251 : memref<1x32x80xi32, #tpu.memory_space<hbm>> -> memref<32x80xi32, #tpu.memory_space<hbm>>
      tpu.wait_dma2 semaphore(%run_scoped3A : memref<!tpu.dma_semaphore, #tpu.memory_space<semaphore_mem>>) src(%dma_wait3A_252 : memref<32x80xi32, #tpu.memory_space<hbm>>) dst(%arg7 : memref<32x80xi32, #tpu.memory_space<vmem>>)
      tpu.yield
    }) : () -> ()
    "tpu.region"() ({
      %run_scoped3A = tpu.sem_alloc : memref<!tpu.dma_semaphore, #tpu.memory_space<semaphore_mem>>
      %dma_start3A_237 = arith.constant 0 : i32
      %dma_start3A_238 = arith.constant 0 : i32
      %dma_start3A_239 = tpu.memref_slice %arg3[%add3A, %dma_start3A_237, %dma_start3A_238] : memref<32x128x80xi32, #tpu.memory_space<hbm>> -> memref<1x32x80xi32, #tpu.memory_space<hbm>>
      %dma_start3A_240 = tpu.memref_squeeze %dma_start3A_239 : memref<1x32x80xi32, #tpu.memory_space<hbm>> -> memref<32x80xi32, #tpu.memory_space<hbm>>
      %dma_start3A_241 = arith.constant 0 : i32
      %dma_start3A_242 = arith.constant 0 : i32
      %dma_start3A_243 = tpu.memref_slice %arg3[%add3A, %dma_start3A_241, %dma_start3A_242] : memref<32x128x80xi32, #tpu.memory_space<hbm>> -> memref<1x32x80xi32, #tpu.memory_space<hbm>>
      %dma_start3A_244 = tpu.memref_squeeze %dma_start3A_243 : memref<1x32x80xi32, #tpu.memory_space<hbm>> -> memref<32x80xi32, #tpu.memory_space<hbm>>
      tpu.enqueue_dma source(%dma_start3A_244 : memref<32x80xi32, #tpu.memory_space<hbm>>) target(%arg8 : memref<32x80xi32, #tpu.memory_space<vmem>>) target_semaphore(%run_scoped3A : memref<!tpu.dma_semaphore, #tpu.memory_space<semaphore_mem>>)
      %dma_wait3A_245 = arith.constant 0 : i32
      %dma_wait3A_246 = arith.constant 0 : i32
      %dma_wait3A_247 = tpu.memref_slice %arg3[%add3A, %dma_wait3A_245, %dma_wait3A_246] : memref<32x128x80xi32, #tpu.memory_space<hbm>> -> memref<1x32x80xi32, #tpu.memory_space<hbm>>
      %dma_wait3A_248 = tpu.memref_squeeze %dma_wait3A_247 : memref<1x32x80xi32, #tpu.memory_space<hbm>> -> memref<32x80xi32, #tpu.memory_space<hbm>>
      %dma_wait3A_249 = arith.constant 0 : i32
      %dma_wait3A_250 = arith.constant 0 : i32
      %dma_wait3A_251 = tpu.memref_slice %arg3[%add3A, %dma_wait3A_249, %dma_wait3A_250] : memref<32x128x80xi32, #tpu.memory_space<hbm>> -> memref<1x32x80xi32, #tpu.memory_space<hbm>>
      %dma_wait3A_252 = tpu.memref_squeeze %dma_wait3A_251 : memref<1x32x80xi32, #tpu.memory_space<hbm>> -> memref<32x80xi32, #tpu.memory_space<hbm>>
      tpu.wait_dma2 semaphore(%run_scoped3A : memref<!tpu.dma_semaphore, #tpu.memory_space<semaphore_mem>>) src(%dma_wait3A_252 : memref<32x80xi32, #tpu.memory_space<hbm>>) dst(%arg8 : memref<32x80xi32, #tpu.memory_space<vmem>>)
      tpu.yield
    }) : () -> ()
    %dma_start3A = arith.constant 0 : i32
    %dma_start3A_3 = arith.constant 0 : i32
    %dma_start3A_4 = tpu.memref_slice %arg7[%dma_start3A, %dma_start3A_3] : memref<32x80xi32, #tpu.memory_space<vmem>> -> memref<1x80xi32, #tpu.memory_space<vmem>>
    %dma_start3A_5 = tpu.memref_squeeze %dma_start3A_4 : memref<1x80xi32, #tpu.memory_space<vmem>> -> memref<80xi32, #tpu.memory_space<vmem>>
    %dma_start3A_6 = arith.constant 0 : i32
    %dma_start3A_7 = arith.constant 0 : i32
    %dma_start3A_8 = tpu.memref_slice %arg4[%dma_start3A_6, %dma_start3A_7] : memref<10240x128xf32, #tpu.memory_space<hbm>> -> memref<10240x128xf32, #tpu.memory_space<hbm>>
    tpu.enqueue_indirect_dma source(%dma_start3A_8 : memref<10240x128xf32, #tpu.memory_space<hbm>>) target(%arg9 : memref<80x128xf32, #tpu.memory_space<vmem>>) offsets(%dma_start3A_5 : memref<80xi32, #tpu.memory_space<vmem>>) semaphore(%arg14 : memref<!tpu.dma_semaphore, #tpu.memory_space<semaphore_mem>>)
    %dma_start3A_9 = arith.constant 1 : i32
    %dma_start3A_10 = arith.constant 0 : i32
    %dma_start3A_11 = tpu.memref_slice %arg7[%dma_start3A_9, %dma_start3A_10] : memref<32x80xi32, #tpu.memory_space<vmem>> -> memref<1x80xi32, #tpu.memory_space<vmem>>
    %dma_start3A_12 = tpu.memref_squeeze %dma_start3A_11 : memref<1x80xi32, #tpu.memory_space<vmem>> -> memref<80xi32, #tpu.memory_space<vmem>>
    %dma_start3A_13 = arith.constant 0 : i32
    %dma_start3A_14 = arith.constant 0 : i32
    %dma_start3A_15 = tpu.memref_slice %arg4[%dma_start3A_13, %dma_start3A_14] : memref<10240x128xf32, #tpu.memory_space<hbm>> -> memref<10240x128xf32, #tpu.memory_space<hbm>>
    tpu.enqueue_indirect_dma source(%dma_start3A_15 : memref<10240x128xf32, #tpu.memory_space<hbm>>) target(%arg10 : memref<80x128xf32, #tpu.memory_space<vmem>>) offsets(%dma_start3A_12 : memref<80xi32, #tpu.memory_space<vmem>>) semaphore(%arg15 : memref<!tpu.dma_semaphore, #tpu.memory_space<semaphore_mem>>)
    %dma_start3A_16 = arith.constant 2 : i32
    %dma_start3A_17 = arith.constant 0 : i32
    %dma_start3A_18 = tpu.memref_slice %arg7[%dma_start3A_16, %dma_start3A_17] : memref<32x80xi32, #tpu.memory_space<vmem>> -> memref<1x80xi32, #tpu.memory_space<vmem>>
    %dma_start3A_19 = tpu.memref_squeeze %dma_start3A_18 : memref<1x80xi32, #tpu.memory_space<vmem>> -> memref<80xi32, #tpu.memory_space<vmem>>
    %dma_start3A_20 = arith.constant 0 : i32
    %dma_start3A_21 = arith.constant 0 : i32
    %dma_start3A_22 = tpu.memref_slice %arg4[%dma_start3A_20, %dma_start3A_21] : memref<10240x128xf32, #tpu.memory_space<hbm>> -> memref<10240x128xf32, #tpu.memory_space<hbm>>
    tpu.enqueue_indirect_dma source(%dma_start3A_22 : memref<10240x128xf32, #tpu.memory_space<hbm>>) target(%arg11 : memref<80x128xf32, #tpu.memory_space<vmem>>) offsets(%dma_start3A_19 : memref<80xi32, #tpu.memory_space<vmem>>) semaphore(%arg16 : memref<!tpu.dma_semaphore, #tpu.memory_space<semaphore_mem>>)
    %dma_start3A_23 = arith.constant 3 : i32
    %dma_start3A_24 = arith.constant 0 : i32
    %dma_start3A_25 = tpu.memref_slice %arg7[%dma_start3A_23, %dma_start3A_24] : memref<32x80xi32, #tpu.memory_space<vmem>> -> memref<1x80xi32, #tpu.memory_space<vmem>>
    %dma_start3A_26 = tpu.memref_squeeze %dma_start3A_25 : memref<1x80xi32, #tpu.memory_space<vmem>> -> memref<80xi32, #tpu.memory_space<vmem>>
    %dma_start3A_27 = arith.constant 0 : i32
    %dma_start3A_28 = arith.constant 0 : i32
    %dma_start3A_29 = tpu.memref_slice %arg4[%dma_start3A_27, %dma_start3A_28] : memref<10240x128xf32, #tpu.memory_space<hbm>> -> memref<10240x128xf32, #tpu.memory_space<hbm>>
    tpu.enqueue_indirect_dma source(%dma_start3A_29 : memref<10240x128xf32, #tpu.memory_space<hbm>>) target(%arg12 : memref<80x128xf32, #tpu.memory_space<vmem>>) offsets(%dma_start3A_26 : memref<80xi32, #tpu.memory_space<vmem>>) semaphore(%arg17 : memref<!tpu.dma_semaphore, #tpu.memory_space<semaphore_mem>>)
    %scan3A = arith.constant 0 : i32
    %scan3A_30 = arith.constant 0 : i32
    %scan3A_31 = arith.constant 8 : i32
    %scan3A_32 = arith.addi %scan3A_30, %scan3A_31 : i32
    %scan3A_33 = arith.constant 1 : i32
    scf.for %scan3A_237 = %scan3A_30 to %scan3A_32 step %scan3A_33  : i32 {
      %mul3A_238 = arith.constant 4 : i32
      %mul3A_239 = arith.muli %scan3A_237, %mul3A_238 : i32
      %add3A_240 = arith.constant 0 : i32
      %add3A_241 = arith.addi %mul3A_239, %add3A_240 : i32
      %dma_wait3A_242 = arith.constant 0 : i32
      %dma_wait3A_243 = arith.constant 0 : i32
      %dma_wait3A_244 = tpu.memref_slice %arg4[%dma_wait3A_242, %dma_wait3A_243] : memref<10240x128xf32, #tpu.memory_space<hbm>> -> memref<80x128xf32, #tpu.memory_space<hbm>>
      %dma_wait3A_245 = arith.constant 0 : i32
      %dma_wait3A_246 = arith.constant 0 : i32
      %dma_wait3A_247 = tpu.memref_slice %arg4[%dma_wait3A_245, %dma_wait3A_246] : memref<10240x128xf32, #tpu.memory_space<hbm>> -> memref<80x128xf32, #tpu.memory_space<hbm>>
      tpu.wait_dma2 semaphore(%arg14 : memref<!tpu.dma_semaphore, #tpu.memory_space<semaphore_mem>>) src(%dma_wait3A_247 : memref<80x128xf32, #tpu.memory_space<hbm>>) dst(%arg9 : memref<80x128xf32, #tpu.memory_space<vmem>>)
      "tpu.region"() ({
        %run_scoped3A = tpu.sem_alloc : memref<!tpu.dma_semaphore, #tpu.memory_space<semaphore_mem>>
        %dma_start3A_317 = arith.constant 0 : i32
        %dma_start3A_318 = tpu.memref_slice %arg8[%add3A_241, %dma_start3A_317] : memref<32x80xi32, #tpu.memory_space<vmem>> -> memref<1x80xi32, #tpu.memory_space<vmem>>
        %dma_start3A_319 = tpu.memref_squeeze %dma_start3A_318 : memref<1x80xi32, #tpu.memory_space<vmem>> -> memref<80xi32, #tpu.memory_space<vmem>>
        %dma_start3A_320 = arith.constant 0 : i32
        %dma_start3A_321 = arith.constant 0 : i32
        %dma_start3A_322 = tpu.memref_slice %arg13[%dma_start3A_320, %dma_start3A_321] : memref<10240x128xf32, #tpu.memory_space<vmem_shared>> -> memref<10240x128xf32, #tpu.memory_space<vmem_shared>>
        tpu.enqueue_indirect_dma source(%arg9 : memref<80x128xf32, #tpu.memory_space<vmem>>) target(%dma_start3A_322 : memref<10240x128xf32, #tpu.memory_space<vmem_shared>>) offsets(%dma_start3A_319 : memref<80xi32, #tpu.memory_space<vmem>>) semaphore(%run_scoped3A : memref<!tpu.dma_semaphore, #tpu.memory_space<semaphore_mem>>) {add = true}
        %dma_wait3A_323 = arith.constant 0 : i32
        %dma_wait3A_324 = tpu.memref_slice %arg8[%add3A_241, %dma_wait3A_323] : memref<32x80xi32, #tpu.memory_space<vmem>> -> memref<1x80xi32, #tpu.memory_space<vmem>>
        %dma_wait3A_325 = tpu.memref_squeeze %dma_wait3A_324 : memref<1x80xi32, #tpu.memory_space<vmem>> -> memref<80xi32, #tpu.memory_space<vmem>>
        %dma_wait3A_326 = arith.constant 0 : i32
        %dma_wait3A_327 = arith.constant 0 : i32
        %dma_wait3A_328 = tpu.memref_slice %arg13[%dma_wait3A_326, %dma_wait3A_327] : memref<10240x128xf32, #tpu.memory_space<vmem_shared>> -> memref<10240x128xf32, #tpu.memory_space<vmem_shared>>
        tpu.wait_indirect_dma semaphore(%run_scoped3A : memref<!tpu.dma_semaphore, #tpu.memory_space<semaphore_mem>>) src(%arg9 : memref<80x128xf32, #tpu.memory_space<vmem>>) dst(%dma_wait3A_328 : memref<10240x128xf32, #tpu.memory_space<vmem_shared>>)
        tpu.yield
      }) : () -> ()
      %add3A_248 = arith.constant 4 : i32
      %add3A_249 = arith.addi %add3A_241, %add3A_248 : i32
      %min3A = arith.constant 31 : i32
      %min3A_250 = arith.minsi %add3A_249, %min3A : i32
      %dma_start3A_251 = arith.constant 0 : i32
      %dma_start3A_252 = tpu.memref_slice %arg7[%min3A_250, %dma_start3A_251] : memref<32x80xi32, #tpu.memory_space<vmem>> -> memref<1x80xi32, #tpu.memory_space<vmem>>
      %dma_start3A_253 = tpu.memref_squeeze %dma_start3A_252 : memref<1x80xi32, #tpu.memory_space<vmem>> -> memref<80xi32, #tpu.memory_space<vmem>>
      %dma_start3A_254 = arith.constant 0 : i32
      %dma_start3A_255 = arith.constant 0 : i32
      %dma_start3A_256 = tpu.memref_slice %arg4[%dma_start3A_254, %dma_start3A_255] : memref<10240x128xf32, #tpu.memory_space<hbm>> -> memref<10240x128xf32, #tpu.memory_space<hbm>>
      tpu.enqueue_indirect_dma source(%dma_start3A_256 : memref<10240x128xf32, #tpu.memory_space<hbm>>) target(%arg9 : memref<80x128xf32, #tpu.memory_space<vmem>>) offsets(%dma_start3A_253 : memref<80xi32, #tpu.memory_space<vmem>>) semaphore(%arg14 : memref<!tpu.dma_semaphore, #tpu.memory_space<semaphore_mem>>)
      %mul3A_257 = arith.constant 4 : i32
      %mul3A_258 = arith.muli %scan3A_237, %mul3A_257 : i32
      %add3A_259 = arith.constant 1 : i32
      %add3A_260 = arith.addi %mul3A_258, %add3A_259 : i32
      %dma_wait3A_261 = arith.constant 0 : i32
      %dma_wait3A_262 = arith.constant 0 : i32
      %dma_wait3A_263 = tpu.memref_slice %arg4[%dma_wait3A_261, %dma_wait3A_262] : memref<10240x128xf32, #tpu.memory_space<hbm>> -> memref<80x128xf32, #tpu.memory_space<hbm>>
      %dma_wait3A_264 = arith.constant 0 : i32
      %dma_wait3A_265 = arith.constant 0 : i32
      %dma_wait3A_266 = tpu.memref_slice %arg4[%dma_wait3A_264, %dma_wait3A_265] : memref<10240x128xf32, #tpu.memory_space<hbm>> -> memref<80x128xf32, #tpu.memory_space<hbm>>
      tpu.wait_dma2 semaphore(%arg15 : memref<!tpu.dma_semaphore, #tpu.memory_space<semaphore_mem>>) src(%dma_wait3A_266 : memref<80x128xf32, #tpu.memory_space<hbm>>) dst(%arg10 : memref<80x128xf32, #tpu.memory_space<vmem>>)
      "tpu.region"() ({
        %run_scoped3A = tpu.sem_alloc : memref<!tpu.dma_semaphore, #tpu.memory_space<semaphore_mem>>
        %dma_start3A_317 = arith.constant 0 : i32
        %dma_start3A_318 = tpu.memref_slice %arg8[%add3A_260, %dma_start3A_317] : memref<32x80xi32, #tpu.memory_space<vmem>> -> memref<1x80xi32, #tpu.memory_space<vmem>>
        %dma_start3A_319 = tpu.memref_squeeze %dma_start3A_318 : memref<1x80xi32, #tpu.memory_space<vmem>> -> memref<80xi32, #tpu.memory_space<vmem>>
        %dma_start3A_320 = arith.constant 0 : i32
        %dma_start3A_321 = arith.constant 0 : i32
        %dma_start3A_322 = tpu.memref_slice %arg13[%dma_start3A_320, %dma_start3A_321] : memref<10240x128xf32, #tpu.memory_space<vmem_shared>> -> memref<10240x128xf32, #tpu.memory_space<vmem_shared>>
        tpu.enqueue_indirect_dma source(%arg10 : memref<80x128xf32, #tpu.memory_space<vmem>>) target(%dma_start3A_322 : memref<10240x128xf32, #tpu.memory_space<vmem_shared>>) offsets(%dma_start3A_319 : memref<80xi32, #tpu.memory_space<vmem>>) semaphore(%run_scoped3A : memref<!tpu.dma_semaphore, #tpu.memory_space<semaphore_mem>>) {add = true}
        %dma_wait3A_323 = arith.constant 0 : i32
        %dma_wait3A_324 = tpu.memref_slice %arg8[%add3A_260, %dma_wait3A_323] : memref<32x80xi32, #tpu.memory_space<vmem>> -> memref<1x80xi32, #tpu.memory_space<vmem>>
        %dma_wait3A_325 = tpu.memref_squeeze %dma_wait3A_324 : memref<1x80xi32, #tpu.memory_space<vmem>> -> memref<80xi32, #tpu.memory_space<vmem>>
        %dma_wait3A_326 = arith.constant 0 : i32
        %dma_wait3A_327 = arith.constant 0 : i32
        %dma_wait3A_328 = tpu.memref_slice %arg13[%dma_wait3A_326, %dma_wait3A_327] : memref<10240x128xf32, #tpu.memory_space<vmem_shared>> -> memref<10240x128xf32, #tpu.memory_space<vmem_shared>>
        tpu.wait_indirect_dma semaphore(%run_scoped3A : memref<!tpu.dma_semaphore, #tpu.memory_space<semaphore_mem>>) src(%arg10 : memref<80x128xf32, #tpu.memory_space<vmem>>) dst(%dma_wait3A_328 : memref<10240x128xf32, #tpu.memory_space<vmem_shared>>)
        tpu.yield
      }) : () -> ()
      %add3A_267 = arith.constant 4 : i32
      %add3A_268 = arith.addi %add3A_260, %add3A_267 : i32
      %min3A_269 = arith.constant 31 : i32
      %min3A_270 = arith.minsi %add3A_268, %min3A_269 : i32
      %dma_start3A_271 = arith.constant 0 : i32
      %dma_start3A_272 = tpu.memref_slice %arg7[%min3A_270, %dma_start3A_271] : memref<32x80xi32, #tpu.memory_space<vmem>> -> memref<1x80xi32, #tpu.memory_space<vmem>>
      %dma_start3A_273 = tpu.memref_squeeze %dma_start3A_272 : memref<1x80xi32, #tpu.memory_space<vmem>> -> memref<80xi32, #tpu.memory_space<vmem>>
      %dma_start3A_274 = arith.constant 0 : i32
      %dma_start3A_275 = arith.constant 0 : i32
      %dma_start3A_276 = tpu.memref_slice %arg4[%dma_start3A_274, %dma_start3A_275] : memref<10240x128xf32, #tpu.memory_space<hbm>> -> memref<10240x128xf32, #tpu.memory_space<hbm>>
      tpu.enqueue_indirect_dma source(%dma_start3A_276 : memref<10240x128xf32, #tpu.memory_space<hbm>>) target(%arg10 : memref<80x128xf32, #tpu.memory_space<vmem>>) offsets(%dma_start3A_273 : memref<80xi32, #tpu.memory_space<vmem>>) semaphore(%arg15 : memref<!tpu.dma_semaphore, #tpu.memory_space<semaphore_mem>>)
      %mul3A_277 = arith.constant 4 : i32
      %mul3A_278 = arith.muli %scan3A_237, %mul3A_277 : i32
      %add3A_279 = arith.constant 2 : i32
      %add3A_280 = arith.addi %mul3A_278, %add3A_279 : i32
      %dma_wait3A_281 = arith.constant 0 : i32
      %dma_wait3A_282 = arith.constant 0 : i32
      %dma_wait3A_283 = tpu.memref_slice %arg4[%dma_wait3A_281, %dma_wait3A_282] : memref<10240x128xf32, #tpu.memory_space<hbm>> -> memref<80x128xf32, #tpu.memory_space<hbm>>
      %dma_wait3A_284 = arith.constant 0 : i32
      %dma_wait3A_285 = arith.constant 0 : i32
      %dma_wait3A_286 = tpu.memref_slice %arg4[%dma_wait3A_284, %dma_wait3A_285] : memref<10240x128xf32, #tpu.memory_space<hbm>> -> memref<80x128xf32, #tpu.memory_space<hbm>>
      tpu.wait_dma2 semaphore(%arg16 : memref<!tpu.dma_semaphore, #tpu.memory_space<semaphore_mem>>) src(%dma_wait3A_286 : memref<80x128xf32, #tpu.memory_space<hbm>>) dst(%arg11 : memref<80x128xf32, #tpu.memory_space<vmem>>)
      "tpu.region"() ({
        %run_scoped3A = tpu.sem_alloc : memref<!tpu.dma_semaphore, #tpu.memory_space<semaphore_mem>>
        %dma_start3A_317 = arith.constant 0 : i32
        %dma_start3A_318 = tpu.memref_slice %arg8[%add3A_280, %dma_start3A_317] : memref<32x80xi32, #tpu.memory_space<vmem>> -> memref<1x80xi32, #tpu.memory_space<vmem>>
        %dma_start3A_319 = tpu.memref_squeeze %dma_start3A_318 : memref<1x80xi32, #tpu.memory_space<vmem>> -> memref<80xi32, #tpu.memory_space<vmem>>
        %dma_start3A_320 = arith.constant 0 : i32
        %dma_start3A_321 = arith.constant 0 : i32
        %dma_start3A_322 = tpu.memref_slice %arg13[%dma_start3A_320, %dma_start3A_321] : memref<10240x128xf32, #tpu.memory_space<vmem_shared>> -> memref<10240x128xf32, #tpu.memory_space<vmem_shared>>
        tpu.enqueue_indirect_dma source(%arg11 : memref<80x128xf32, #tpu.memory_space<vmem>>) target(%dma_start3A_322 : memref<10240x128xf32, #tpu.memory_space<vmem_shared>>) offsets(%dma_start3A_319 : memref<80xi32, #tpu.memory_space<vmem>>) semaphore(%run_scoped3A : memref<!tpu.dma_semaphore, #tpu.memory_space<semaphore_mem>>) {add = true}
        %dma_wait3A_323 = arith.constant 0 : i32
        %dma_wait3A_324 = tpu.memref_slice %arg8[%add3A_280, %dma_wait3A_323] : memref<32x80xi32, #tpu.memory_space<vmem>> -> memref<1x80xi32, #tpu.memory_space<vmem>>
        %dma_wait3A_325 = tpu.memref_squeeze %dma_wait3A_324 : memref<1x80xi32, #tpu.memory_space<vmem>> -> memref<80xi32, #tpu.memory_space<vmem>>
        %dma_wait3A_326 = arith.constant 0 : i32
        %dma_wait3A_327 = arith.constant 0 : i32
        %dma_wait3A_328 = tpu.memref_slice %arg13[%dma_wait3A_326, %dma_wait3A_327] : memref<10240x128xf32, #tpu.memory_space<vmem_shared>> -> memref<10240x128xf32, #tpu.memory_space<vmem_shared>>
        tpu.wait_indirect_dma semaphore(%run_scoped3A : memref<!tpu.dma_semaphore, #tpu.memory_space<semaphore_mem>>) src(%arg11 : memref<80x128xf32, #tpu.memory_space<vmem>>) dst(%dma_wait3A_328 : memref<10240x128xf32, #tpu.memory_space<vmem_shared>>)
        tpu.yield
      }) : () -> ()
      %add3A_287 = arith.constant 4 : i32
      %add3A_288 = arith.addi %add3A_280, %add3A_287 : i32
      %min3A_289 = arith.constant 31 : i32
      %min3A_290 = arith.minsi %add3A_288, %min3A_289 : i32
      %dma_start3A_291 = arith.constant 0 : i32
      %dma_start3A_292 = tpu.memref_slice %arg7[%min3A_290, %dma_start3A_291] : memref<32x80xi32, #tpu.memory_space<vmem>> -> memref<1x80xi32, #tpu.memory_space<vmem>>
      %dma_start3A_293 = tpu.memref_squeeze %dma_start3A_292 : memref<1x80xi32, #tpu.memory_space<vmem>> -> memref<80xi32, #tpu.memory_space<vmem>>
      %dma_start3A_294 = arith.constant 0 : i32
      %dma_start3A_295 = arith.constant 0 : i32
      %dma_start3A_296 = tpu.memref_slice %arg4[%dma_start3A_294, %dma_start3A_295] : memref<10240x128xf32, #tpu.memory_space<hbm>> -> memref<10240x128xf32, #tpu.memory_space<hbm>>
      tpu.enqueue_indirect_dma source(%dma_start3A_296 : memref<10240x128xf32, #tpu.memory_space<hbm>>) target(%arg11 : memref<80x128xf32, #tpu.memory_space<vmem>>) offsets(%dma_start3A_293 : memref<80xi32, #tpu.memory_space<vmem>>) semaphore(%arg16 : memref<!tpu.dma_semaphore, #tpu.memory_space<semaphore_mem>>)
      %mul3A_297 = arith.constant 4 : i32
      %mul3A_298 = arith.muli %scan3A_237, %mul3A_297 : i32
      %add3A_299 = arith.constant 3 : i32
      %add3A_300 = arith.addi %mul3A_298, %add3A_299 : i32
      %dma_wait3A_301 = arith.constant 0 : i32
      %dma_wait3A_302 = arith.constant 0 : i32
      %dma_wait3A_303 = tpu.memref_slice %arg4[%dma_wait3A_301, %dma_wait3A_302] : memref<10240x128xf32, #tpu.memory_space<hbm>> -> memref<80x128xf32, #tpu.memory_space<hbm>>
      %dma_wait3A_304 = arith.constant 0 : i32
      %dma_wait3A_305 = arith.constant 0 : i32
      %dma_wait3A_306 = tpu.memref_slice %arg4[%dma_wait3A_304, %dma_wait3A_305] : memref<10240x128xf32, #tpu.memory_space<hbm>> -> memref<80x128xf32, #tpu.memory_space<hbm>>
      tpu.wait_dma2 semaphore(%arg17 : memref<!tpu.dma_semaphore, #tpu.memory_space<semaphore_mem>>) src(%dma_wait3A_306 : memref<80x128xf32, #tpu.memory_space<hbm>>) dst(%arg12 : memref<80x128xf32, #tpu.memory_space<vmem>>)
      "tpu.region"() ({
        %run_scoped3A = tpu.sem_alloc : memref<!tpu.dma_semaphore, #tpu.memory_space<semaphore_mem>>
        %dma_start3A_317 = arith.constant 0 : i32
        %dma_start3A_318 = tpu.memref_slice %arg8[%add3A_300, %dma_start3A_317] : memref<32x80xi32, #tpu.memory_space<vmem>> -> memref<1x80xi32, #tpu.memory_space<vmem>>
        %dma_start3A_319 = tpu.memref_squeeze %dma_start3A_318 : memref<1x80xi32, #tpu.memory_space<vmem>> -> memref<80xi32, #tpu.memory_space<vmem>>
        %dma_start3A_320 = arith.constant 0 : i32
        %dma_start3A_321 = arith.constant 0 : i32
        %dma_start3A_322 = tpu.memref_slice %arg13[%dma_start3A_320, %dma_start3A_321] : memref<10240x128xf32, #tpu.memory_space<vmem_shared>> -> memref<10240x128xf32, #tpu.memory_space<vmem_shared>>
        tpu.enqueue_indirect_dma source(%arg12 : memref<80x128xf32, #tpu.memory_space<vmem>>) target(%dma_start3A_322 : memref<10240x128xf32, #tpu.memory_space<vmem_shared>>) offsets(%dma_start3A_319 : memref<80xi32, #tpu.memory_space<vmem>>) semaphore(%run_scoped3A : memref<!tpu.dma_semaphore, #tpu.memory_space<semaphore_mem>>) {add = true}
        %dma_wait3A_323 = arith.constant 0 : i32
        %dma_wait3A_324 = tpu.memref_slice %arg8[%add3A_300, %dma_wait3A_323] : memref<32x80xi32, #tpu.memory_space<vmem>> -> memref<1x80xi32, #tpu.memory_space<vmem>>
        %dma_wait3A_325 = tpu.memref_squeeze %dma_wait3A_324 : memref<1x80xi32, #tpu.memory_space<vmem>> -> memref<80xi32, #tpu.memory_space<vmem>>
        %dma_wait3A_326 = arith.constant 0 : i32
        %dma_wait3A_327 = arith.constant 0 : i32
        %dma_wait3A_328 = tpu.memref_slice %arg13[%dma_wait3A_326, %dma_wait3A_327] : memref<10240x128xf32, #tpu.memory_space<vmem_shared>> -> memref<10240x128xf32, #tpu.memory_space<vmem_shared>>
        tpu.wait_indirect_dma semaphore(%run_scoped3A : memref<!tpu.dma_semaphore, #tpu.memory_space<semaphore_mem>>) src(%arg12 : memref<80x128xf32, #tpu.memory_space<vmem>>) dst(%dma_wait3A_328 : memref<10240x128xf32, #tpu.memory_space<vmem_shared>>)
        tpu.yield
      }) : () -> ()
      %add3A_307 = arith.constant 4 : i32
      %add3A_308 = arith.addi %add3A_300, %add3A_307 : i32
      %min3A_309 = arith.constant 31 : i32
      %min3A_310 = arith.minsi %add3A_308, %min3A_309 : i32
      %dma_start3A_311 = arith.constant 0 : i32
      %dma_start3A_312 = tpu.memref_slice %arg7[%min3A_310, %dma_start3A_311] : memref<32x80xi32, #tpu.memory_space<vmem>> -> memref<1x80xi32, #tpu.memory_space<vmem>>
      %dma_start3A_313 = tpu.memref_squeeze %dma_start3A_312 : memref<1x80xi32, #tpu.memory_space<vmem>> -> memref<80xi32, #tpu.memory_space<vmem>>
      %dma_start3A_314 = arith.constant 0 : i32
      %dma_start3A_315 = arith.constant 0 : i32
      %dma_start3A_316 = tpu.memref_slice %arg4[%dma_start3A_314, %dma_start3A_315] : memref<10240x128xf32, #tpu.memory_space<hbm>> -> memref<10240x128xf32, #tpu.memory_space<hbm>>
      tpu.enqueue_indirect_dma source(%dma_start3A_316 : memref<10240x128xf32, #tpu.memory_space<hbm>>) target(%arg12 : memref<80x128xf32, #tpu.memory_space<vmem>>) offsets(%dma_start3A_313 : memref<80xi32, #tpu.memory_space<vmem>>) semaphore(%arg17 : memref<!tpu.dma_semaphore, #tpu.memory_space<semaphore_mem>>)
    }
    %scan3A_34 = arith.constant 8 : i32
    %dma_wait3A = arith.constant 0 : i32
    %dma_wait3A_35 = arith.constant 0 : i32
    %dma_wait3A_36 = tpu.memref_slice %arg4[%dma_wait3A, %dma_wait3A_35] : memref<10240x128xf32, #tpu.memory_space<hbm>> -> memref<80x128xf32, #tpu.memory_space<hbm>>
    %dma_wait3A_37 = arith.constant 0 : i32
    %dma_wait3A_38 = arith.constant 0 : i32
    %dma_wait3A_39 = tpu.memref_slice %arg4[%dma_wait3A_37, %dma_wait3A_38] : memref<10240x128xf32, #tpu.memory_space<hbm>> -> memref<80x128xf32, #tpu.memory_space<hbm>>
    tpu.wait_dma2 semaphore(%arg14 : memref<!tpu.dma_semaphore, #tpu.memory_space<semaphore_mem>>) src(%dma_wait3A_39 : memref<80x128xf32, #tpu.memory_space<hbm>>) dst(%arg9 : memref<80x128xf32, #tpu.memory_space<vmem>>)
    %dma_wait3A_40 = arith.constant 0 : i32
    %dma_wait3A_41 = arith.constant 0 : i32
    %dma_wait3A_42 = tpu.memref_slice %arg4[%dma_wait3A_40, %dma_wait3A_41] : memref<10240x128xf32, #tpu.memory_space<hbm>> -> memref<80x128xf32, #tpu.memory_space<hbm>>
    %dma_wait3A_43 = arith.constant 0 : i32
    %dma_wait3A_44 = arith.constant 0 : i32
    %dma_wait3A_45 = tpu.memref_slice %arg4[%dma_wait3A_43, %dma_wait3A_44] : memref<10240x128xf32, #tpu.memory_space<hbm>> -> memref<80x128xf32, #tpu.memory_space<hbm>>
    tpu.wait_dma2 semaphore(%arg15 : memref<!tpu.dma_semaphore, #tpu.memory_space<semaphore_mem>>) src(%dma_wait3A_45 : memref<80x128xf32, #tpu.memory_space<hbm>>) dst(%arg10 : memref<80x128xf32, #tpu.memory_space<vmem>>)
    %dma_wait3A_46 = arith.constant 0 : i32
    %dma_wait3A_47 = arith.constant 0 : i32
    %dma_wait3A_48 = tpu.memref_slice %arg4[%dma_wait3A_46, %dma_wait3A_47] : memref<10240x128xf32, #tpu.memory_space<hbm>> -> memref<80x128xf32, #tpu.memory_space<hbm>>
    %dma_wait3A_49 = arith.constant 0 : i32
    %dma_wait3A_50 = arith.constant 0 : i32
    %dma_wait3A_51 = tpu.memref_slice %arg4[%dma_wait3A_49, %dma_wait3A_50] : memref<10240x128xf32, #tpu.memory_space<hbm>> -> memref<80x128xf32, #tpu.memory_space<hbm>>
    tpu.wait_dma2 semaphore(%arg16 : memref<!tpu.dma_semaphore, #tpu.memory_space<semaphore_mem>>) src(%dma_wait3A_51 : memref<80x128xf32, #tpu.memory_space<hbm>>) dst(%arg11 : memref<80x128xf32, #tpu.memory_space<vmem>>)
    %dma_wait3A_52 = arith.constant 0 : i32
    %dma_wait3A_53 = arith.constant 0 : i32
    %dma_wait3A_54 = tpu.memref_slice %arg4[%dma_wait3A_52, %dma_wait3A_53] : memref<10240x128xf32, #tpu.memory_space<hbm>> -> memref<80x128xf32, #tpu.memory_space<hbm>>
    %dma_wait3A_55 = arith.constant 0 : i32
    %dma_wait3A_56 = arith.constant 0 : i32
    %dma_wait3A_57 = tpu.memref_slice %arg4[%dma_wait3A_55, %dma_wait3A_56] : memref<10240x128xf32, #tpu.memory_space<hbm>> -> memref<80x128xf32, #tpu.memory_space<hbm>>
    tpu.wait_dma2 semaphore(%arg17 : memref<!tpu.dma_semaphore, #tpu.memory_space<semaphore_mem>>) src(%dma_wait3A_57 : memref<80x128xf32, #tpu.memory_space<hbm>>) dst(%arg12 : memref<80x128xf32, #tpu.memory_space<vmem>>)
    "tpu.region"() ({
      %run_scoped3A = tpu.sem_alloc : memref<!tpu.dma_semaphore, #tpu.memory_space<semaphore_mem>>
      %dma_start3A_237 = arith.constant 32 : i32
      %dma_start3A_238 = arith.constant 0 : i32
      %dma_start3A_239 = tpu.memref_slice %arg2[%add3A, %dma_start3A_237, %dma_start3A_238] : memref<32x128x80xi32, #tpu.memory_space<hbm>> -> memref<1x32x80xi32, #tpu.memory_space<hbm>>
      %dma_start3A_240 = tpu.memref_squeeze %dma_start3A_239 : memref<1x32x80xi32, #tpu.memory_space<hbm>> -> memref<32x80xi32, #tpu.memory_space<hbm>>
      %dma_start3A_241 = arith.constant 32 : i32
      %dma_start3A_242 = arith.constant 0 : i32
      %dma_start3A_243 = tpu.memref_slice %arg2[%add3A, %dma_start3A_241, %dma_start3A_242] : memref<32x128x80xi32, #tpu.memory_space<hbm>> -> memref<1x32x80xi32, #tpu.memory_space<hbm>>
      %dma_start3A_244 = tpu.memref_squeeze %dma_start3A_243 : memref<1x32x80xi32, #tpu.memory_space<hbm>> -> memref<32x80xi32, #tpu.memory_space<hbm>>
      tpu.enqueue_dma source(%dma_start3A_244 : memref<32x80xi32, #tpu.memory_space<hbm>>) target(%arg7 : memref<32x80xi32, #tpu.memory_space<vmem>>) target_semaphore(%run_scoped3A : memref<!tpu.dma_semaphore, #tpu.memory_space<semaphore_mem>>)
      %dma_wait3A_245 = arith.constant 32 : i32
      %dma_wait3A_246 = arith.constant 0 : i32
      %dma_wait3A_247 = tpu.memref_slice %arg2[%add3A, %dma_wait3A_245, %dma_wait3A_246] : memref<32x128x80xi32, #tpu.memory_space<hbm>> -> memref<1x32x80xi32, #tpu.memory_space<hbm>>
      %dma_wait3A_248 = tpu.memref_squeeze %dma_wait3A_247 : memref<1x32x80xi32, #tpu.memory_space<hbm>> -> memref<32x80xi32, #tpu.memory_space<hbm>>
      %dma_wait3A_249 = arith.constant 32 : i32
      %dma_wait3A_250 = arith.constant 0 : i32
      %dma_wait3A_251 = tpu.memref_slice %arg2[%add3A, %dma_wait3A_249, %dma_wait3A_250] : memref<32x128x80xi32, #tpu.memory_space<hbm>> -> memref<1x32x80xi32, #tpu.memory_space<hbm>>
      %dma_wait3A_252 = tpu.memref_squeeze %dma_wait3A_251 : memref<1x32x80xi32, #tpu.memory_space<hbm>> -> memref<32x80xi32, #tpu.memory_space<hbm>>
      tpu.wait_dma2 semaphore(%run_scoped3A : memref<!tpu.dma_semaphore, #tpu.memory_space<semaphore_mem>>) src(%dma_wait3A_252 : memref<32x80xi32, #tpu.memory_space<hbm>>) dst(%arg7 : memref<32x80xi32, #tpu.memory_space<vmem>>)
      tpu.yield
    }) : () -> ()
    "tpu.region"() ({
      %run_scoped3A = tpu.sem_alloc : memref<!tpu.dma_semaphore, #tpu.memory_space<semaphore_mem>>
      %dma_start3A_237 = arith.constant 32 : i32
      %dma_start3A_238 = arith.constant 0 : i32
      %dma_start3A_239 = tpu.memref_slice %arg3[%add3A, %dma_start3A_237, %dma_start3A_238] : memref<32x128x80xi32, #tpu.memory_space<hbm>> -> memref<1x32x80xi32, #tpu.memory_space<hbm>>
      %dma_start3A_240 = tpu.memref_squeeze %dma_start3A_239 : memref<1x32x80xi32, #tpu.memory_space<hbm>> -> memref<32x80xi32, #tpu.memory_space<hbm>>
      %dma_start3A_241 = arith.constant 32 : i32
      %dma_start3A_242 = arith.constant 0 : i32
      %dma_start3A_243 = tpu.memref_slice %arg3[%add3A, %dma_start3A_241, %dma_start3A_242] : memref<32x128x80xi32, #tpu.memory_space<hbm>> -> memref<1x32x80xi32, #tpu.memory_space<hbm>>
      %dma_start3A_244 = tpu.memref_squeeze %dma_start3A_243 : memref<1x32x80xi32, #tpu.memory_space<hbm>> -> memref<32x80xi32, #tpu.memory_space<hbm>>
      tpu.enqueue_dma source(%dma_start3A_244 : memref<32x80xi32, #tpu.memory_space<hbm>>) target(%arg8 : memref<32x80xi32, #tpu.memory_space<vmem>>) target_semaphore(%run_scoped3A : memref<!tpu.dma_semaphore, #tpu.memory_space<semaphore_mem>>)
      %dma_wait3A_245 = arith.constant 32 : i32
      %dma_wait3A_246 = arith.constant 0 : i32
      %dma_wait3A_247 = tpu.memref_slice %arg3[%add3A, %dma_wait3A_245, %dma_wait3A_246] : memref<32x128x80xi32, #tpu.memory_space<hbm>> -> memref<1x32x80xi32, #tpu.memory_space<hbm>>
      %dma_wait3A_248 = tpu.memref_squeeze %dma_wait3A_247 : memref<1x32x80xi32, #tpu.memory_space<hbm>> -> memref<32x80xi32, #tpu.memory_space<hbm>>
      %dma_wait3A_249 = arith.constant 32 : i32
      %dma_wait3A_250 = arith.constant 0 : i32
      %dma_wait3A_251 = tpu.memref_slice %arg3[%add3A, %dma_wait3A_249, %dma_wait3A_250] : memref<32x128x80xi32, #tpu.memory_space<hbm>> -> memref<1x32x80xi32, #tpu.memory_space<hbm>>
      %dma_wait3A_252 = tpu.memref_squeeze %dma_wait3A_251 : memref<1x32x80xi32, #tpu.memory_space<hbm>> -> memref<32x80xi32, #tpu.memory_space<hbm>>
      tpu.wait_dma2 semaphore(%run_scoped3A : memref<!tpu.dma_semaphore, #tpu.memory_space<semaphore_mem>>) src(%dma_wait3A_252 : memref<32x80xi32, #tpu.memory_space<hbm>>) dst(%arg8 : memref<32x80xi32, #tpu.memory_space<vmem>>)
      tpu.yield
    }) : () -> ()
    %dma_start3A_58 = arith.constant 0 : i32
    %dma_start3A_59 = arith.constant 0 : i32
    %dma_start3A_60 = tpu.memref_slice %arg7[%dma_start3A_58, %dma_start3A_59] : memref<32x80xi32, #tpu.memory_space<vmem>> -> memref<1x80xi32, #tpu.memory_space<vmem>>
    %dma_start3A_61 = tpu.memref_squeeze %dma_start3A_60 : memref<1x80xi32, #tpu.memory_space<vmem>> -> memref<80xi32, #tpu.memory_space<vmem>>
    %dma_start3A_62 = arith.constant 0 : i32
    %dma_start3A_63 = arith.constant 0 : i32
    %dma_start3A_64 = tpu.memref_slice %arg4[%dma_start3A_62, %dma_start3A_63] : memref<10240x128xf32, #tpu.memory_space<hbm>> -> memref<10240x128xf32, #tpu.memory_space<hbm>>
    tpu.enqueue_indirect_dma source(%dma_start3A_64 : memref<10240x128xf32, #tpu.memory_space<hbm>>) target(%arg9 : memref<80x128xf32, #tpu.memory_space<vmem>>) offsets(%dma_start3A_61 : memref<80xi32, #tpu.memory_space<vmem>>) semaphore(%arg14 : memref<!tpu.dma_semaphore, #tpu.memory_space<semaphore_mem>>)
    %dma_start3A_65 = arith.constant 1 : i32
    %dma_start3A_66 = arith.constant 0 : i32
    %dma_start3A_67 = tpu.memref_slice %arg7[%dma_start3A_65, %dma_start3A_66] : memref<32x80xi32, #tpu.memory_space<vmem>> -> memref<1x80xi32, #tpu.memory_space<vmem>>
    %dma_start3A_68 = tpu.memref_squeeze %dma_start3A_67 : memref<1x80xi32, #tpu.memory_space<vmem>> -> memref<80xi32, #tpu.memory_space<vmem>>
    %dma_start3A_69 = arith.constant 0 : i32
    %dma_start3A_70 = arith.constant 0 : i32
    %dma_start3A_71 = tpu.memref_slice %arg4[%dma_start3A_69, %dma_start3A_70] : memref<10240x128xf32, #tpu.memory_space<hbm>> -> memref<10240x128xf32, #tpu.memory_space<hbm>>
    tpu.enqueue_indirect_dma source(%dma_start3A_71 : memref<10240x128xf32, #tpu.memory_space<hbm>>) target(%arg10 : memref<80x128xf32, #tpu.memory_space<vmem>>) offsets(%dma_start3A_68 : memref<80xi32, #tpu.memory_space<vmem>>) semaphore(%arg15 : memref<!tpu.dma_semaphore, #tpu.memory_space<semaphore_mem>>)
    %dma_start3A_72 = arith.constant 2 : i32
    %dma_start3A_73 = arith.constant 0 : i32
    %dma_start3A_74 = tpu.memref_slice %arg7[%dma_start3A_72, %dma_start3A_73] : memref<32x80xi32, #tpu.memory_space<vmem>> -> memref<1x80xi32, #tpu.memory_space<vmem>>
    %dma_start3A_75 = tpu.memref_squeeze %dma_start3A_74 : memref<1x80xi32, #tpu.memory_space<vmem>> -> memref<80xi32, #tpu.memory_space<vmem>>
    %dma_start3A_76 = arith.constant 0 : i32
    %dma_start3A_77 = arith.constant 0 : i32
    %dma_start3A_78 = tpu.memref_slice %arg4[%dma_start3A_76, %dma_start3A_77] : memref<10240x128xf32, #tpu.memory_space<hbm>> -> memref<10240x128xf32, #tpu.memory_space<hbm>>
    tpu.enqueue_indirect_dma source(%dma_start3A_78 : memref<10240x128xf32, #tpu.memory_space<hbm>>) target(%arg11 : memref<80x128xf32, #tpu.memory_space<vmem>>) offsets(%dma_start3A_75 : memref<80xi32, #tpu.memory_space<vmem>>) semaphore(%arg16 : memref<!tpu.dma_semaphore, #tpu.memory_space<semaphore_mem>>)
    %dma_start3A_79 = arith.constant 3 : i32
    %dma_start3A_80 = arith.constant 0 : i32
    %dma_start3A_81 = tpu.memref_slice %arg7[%dma_start3A_79, %dma_start3A_80] : memref<32x80xi32, #tpu.memory_space<vmem>> -> memref<1x80xi32, #tpu.memory_space<vmem>>
    %dma_start3A_82 = tpu.memref_squeeze %dma_start3A_81 : memref<1x80xi32, #tpu.memory_space<vmem>> -> memref<80xi32, #tpu.memory_space<vmem>>
    %dma_start3A_83 = arith.constant 0 : i32
    %dma_start3A_84 = arith.constant 0 : i32
    %dma_start3A_85 = tpu.memref_slice %arg4[%dma_start3A_83, %dma_start3A_84] : memref<10240x128xf32, #tpu.memory_space<hbm>> -> memref<10240x128xf32, #tpu.memory_space<hbm>>
    tpu.enqueue_indirect_dma source(%dma_start3A_85 : memref<10240x128xf32, #tpu.memory_space<hbm>>) target(%arg12 : memref<80x128xf32, #tpu.memory_space<vmem>>) offsets(%dma_start3A_82 : memref<80xi32, #tpu.memory_space<vmem>>) semaphore(%arg17 : memref<!tpu.dma_semaphore, #tpu.memory_space<semaphore_mem>>)
    %scan3A_86 = arith.constant 0 : i32
    %scan3A_87 = arith.constant 0 : i32
    %scan3A_88 = arith.constant 8 : i32
    %scan3A_89 = arith.addi %scan3A_87, %scan3A_88 : i32
    %scan3A_90 = arith.constant 1 : i32
    scf.for %scan3A_237 = %scan3A_87 to %scan3A_89 step %scan3A_90  : i32 {
      %mul3A_238 = arith.constant 4 : i32
      %mul3A_239 = arith.muli %scan3A_237, %mul3A_238 : i32
      %add3A_240 = arith.constant 0 : i32
      %add3A_241 = arith.addi %mul3A_239, %add3A_240 : i32
      %dma_wait3A_242 = arith.constant 0 : i32
      %dma_wait3A_243 = arith.constant 0 : i32
      %dma_wait3A_244 = tpu.memref_slice %arg4[%dma_wait3A_242, %dma_wait3A_243] : memref<10240x128xf32, #tpu.memory_space<hbm>> -> memref<80x128xf32, #tpu.memory_space<hbm>>
      %dma_wait3A_245 = arith.constant 0 : i32
      %dma_wait3A_246 = arith.constant 0 : i32
      %dma_wait3A_247 = tpu.memref_slice %arg4[%dma_wait3A_245, %dma_wait3A_246] : memref<10240x128xf32, #tpu.memory_space<hbm>> -> memref<80x128xf32, #tpu.memory_space<hbm>>
      tpu.wait_dma2 semaphore(%arg14 : memref<!tpu.dma_semaphore, #tpu.memory_space<semaphore_mem>>) src(%dma_wait3A_247 : memref<80x128xf32, #tpu.memory_space<hbm>>) dst(%arg9 : memref<80x128xf32, #tpu.memory_space<vmem>>)
      "tpu.region"() ({
        %run_scoped3A = tpu.sem_alloc : memref<!tpu.dma_semaphore, #tpu.memory_space<semaphore_mem>>
        %dma_start3A_317 = arith.constant 0 : i32
        %dma_start3A_318 = tpu.memref_slice %arg8[%add3A_241, %dma_start3A_317] : memref<32x80xi32, #tpu.memory_space<vmem>> -> memref<1x80xi32, #tpu.memory_space<vmem>>
        %dma_start3A_319 = tpu.memref_squeeze %dma_start3A_318 : memref<1x80xi32, #tpu.memory_space<vmem>> -> memref<80xi32, #tpu.memory_space<vmem>>
        %dma_start3A_320 = arith.constant 0 : i32
        %dma_start3A_321 = arith.constant 0 : i32
        %dma_start3A_322 = tpu.memref_slice %arg13[%dma_start3A_320, %dma_start3A_321] : memref<10240x128xf32, #tpu.memory_space<vmem_shared>> -> memref<10240x128xf32, #tpu.memory_space<vmem_shared>>
        tpu.enqueue_indirect_dma source(%arg9 : memref<80x128xf32, #tpu.memory_space<vmem>>) target(%dma_start3A_322 : memref<10240x128xf32, #tpu.memory_space<vmem_shared>>) offsets(%dma_start3A_319 : memref<80xi32, #tpu.memory_space<vmem>>) semaphore(%run_scoped3A : memref<!tpu.dma_semaphore, #tpu.memory_space<semaphore_mem>>) {add = true}
        %dma_wait3A_323 = arith.constant 0 : i32
        %dma_wait3A_324 = tpu.memref_slice %arg8[%add3A_241, %dma_wait3A_323] : memref<32x80xi32, #tpu.memory_space<vmem>> -> memref<1x80xi32, #tpu.memory_space<vmem>>
        %dma_wait3A_325 = tpu.memref_squeeze %dma_wait3A_324 : memref<1x80xi32, #tpu.memory_space<vmem>> -> memref<80xi32, #tpu.memory_space<vmem>>
        %dma_wait3A_326 = arith.constant 0 : i32
        %dma_wait3A_327 = arith.constant 0 : i32
        %dma_wait3A_328 = tpu.memref_slice %arg13[%dma_wait3A_326, %dma_wait3A_327] : memref<10240x128xf32, #tpu.memory_space<vmem_shared>> -> memref<10240x128xf32, #tpu.memory_space<vmem_shared>>
        tpu.wait_indirect_dma semaphore(%run_scoped3A : memref<!tpu.dma_semaphore, #tpu.memory_space<semaphore_mem>>) src(%arg9 : memref<80x128xf32, #tpu.memory_space<vmem>>) dst(%dma_wait3A_328 : memref<10240x128xf32, #tpu.memory_space<vmem_shared>>)
        tpu.yield
      }) : () -> ()
      %add3A_248 = arith.constant 4 : i32
      %add3A_249 = arith.addi %add3A_241, %add3A_248 : i32
      %min3A = arith.constant 31 : i32
      %min3A_250 = arith.minsi %add3A_249, %min3A : i32
      %dma_start3A_251 = arith.constant 0 : i32
      %dma_start3A_252 = tpu.memref_slice %arg7[%min3A_250, %dma_start3A_251] : memref<32x80xi32, #tpu.memory_space<vmem>> -> memref<1x80xi32, #tpu.memory_space<vmem>>
      %dma_start3A_253 = tpu.memref_squeeze %dma_start3A_252 : memref<1x80xi32, #tpu.memory_space<vmem>> -> memref<80xi32, #tpu.memory_space<vmem>>
      %dma_start3A_254 = arith.constant 0 : i32
      %dma_start3A_255 = arith.constant 0 : i32
      %dma_start3A_256 = tpu.memref_slice %arg4[%dma_start3A_254, %dma_start3A_255] : memref<10240x128xf32, #tpu.memory_space<hbm>> -> memref<10240x128xf32, #tpu.memory_space<hbm>>
      tpu.enqueue_indirect_dma source(%dma_start3A_256 : memref<10240x128xf32, #tpu.memory_space<hbm>>) target(%arg9 : memref<80x128xf32, #tpu.memory_space<vmem>>) offsets(%dma_start3A_253 : memref<80xi32, #tpu.memory_space<vmem>>) semaphore(%arg14 : memref<!tpu.dma_semaphore, #tpu.memory_space<semaphore_mem>>)
      %mul3A_257 = arith.constant 4 : i32
      %mul3A_258 = arith.muli %scan3A_237, %mul3A_257 : i32
      %add3A_259 = arith.constant 1 : i32
      %add3A_260 = arith.addi %mul3A_258, %add3A_259 : i32
      %dma_wait3A_261 = arith.constant 0 : i32
      %dma_wait3A_262 = arith.constant 0 : i32
      %dma_wait3A_263 = tpu.memref_slice %arg4[%dma_wait3A_261, %dma_wait3A_262] : memref<10240x128xf32, #tpu.memory_space<hbm>> -> memref<80x128xf32, #tpu.memory_space<hbm>>
      %dma_wait3A_264 = arith.constant 0 : i32
      %dma_wait3A_265 = arith.constant 0 : i32
      %dma_wait3A_266 = tpu.memref_slice %arg4[%dma_wait3A_264, %dma_wait3A_265] : memref<10240x128xf32, #tpu.memory_space<hbm>> -> memref<80x128xf32, #tpu.memory_space<hbm>>
      tpu.wait_dma2 semaphore(%arg15 : memref<!tpu.dma_semaphore, #tpu.memory_space<semaphore_mem>>) src(%dma_wait3A_266 : memref<80x128xf32, #tpu.memory_space<hbm>>) dst(%arg10 : memref<80x128xf32, #tpu.memory_space<vmem>>)
      "tpu.region"() ({
        %run_scoped3A = tpu.sem_alloc : memref<!tpu.dma_semaphore, #tpu.memory_space<semaphore_mem>>
        %dma_start3A_317 = arith.constant 0 : i32
        %dma_start3A_318 = tpu.memref_slice %arg8[%add3A_260, %dma_start3A_317] : memref<32x80xi32, #tpu.memory_space<vmem>> -> memref<1x80xi32, #tpu.memory_space<vmem>>
        %dma_start3A_319 = tpu.memref_squeeze %dma_start3A_318 : memref<1x80xi32, #tpu.memory_space<vmem>> -> memref<80xi32, #tpu.memory_space<vmem>>
        %dma_start3A_320 = arith.constant 0 : i32
        %dma_start3A_321 = arith.constant 0 : i32
        %dma_start3A_322 = tpu.memref_slice %arg13[%dma_start3A_320, %dma_start3A_321] : memref<10240x128xf32, #tpu.memory_space<vmem_shared>> -> memref<10240x128xf32, #tpu.memory_space<vmem_shared>>
        tpu.enqueue_indirect_dma source(%arg10 : memref<80x128xf32, #tpu.memory_space<vmem>>) target(%dma_start3A_322 : memref<10240x128xf32, #tpu.memory_space<vmem_shared>>) offsets(%dma_start3A_319 : memref<80xi32, #tpu.memory_space<vmem>>) semaphore(%run_scoped3A : memref<!tpu.dma_semaphore, #tpu.memory_space<semaphore_mem>>) {add = true}
        %dma_wait3A_323 = arith.constant 0 : i32
        %dma_wait3A_324 = tpu.memref_slice %arg8[%add3A_260, %dma_wait3A_323] : memref<32x80xi32, #tpu.memory_space<vmem>> -> memref<1x80xi32, #tpu.memory_space<vmem>>
        %dma_wait3A_325 = tpu.memref_squeeze %dma_wait3A_324 : memref<1x80xi32, #tpu.memory_space<vmem>> -> memref<80xi32, #tpu.memory_space<vmem>>
        %dma_wait3A_326 = arith.constant 0 : i32
        %dma_wait3A_327 = arith.constant 0 : i32
        %dma_wait3A_328 = tpu.memref_slice %arg13[%dma_wait3A_326, %dma_wait3A_327] : memref<10240x128xf32, #tpu.memory_space<vmem_shared>> -> memref<10240x128xf32, #tpu.memory_space<vmem_shared>>
        tpu.wait_indirect_dma semaphore(%run_scoped3A : memref<!tpu.dma_semaphore, #tpu.memory_space<semaphore_mem>>) src(%arg10 : memref<80x128xf32, #tpu.memory_space<vmem>>) dst(%dma_wait3A_328 : memref<10240x128xf32, #tpu.memory_space<vmem_shared>>)
        tpu.yield
      }) : () -> ()
      %add3A_267 = arith.constant 4 : i32
      %add3A_268 = arith.addi %add3A_260, %add3A_267 : i32
      %min3A_269 = arith.constant 31 : i32
      %min3A_270 = arith.minsi %add3A_268, %min3A_269 : i32
      %dma_start3A_271 = arith.constant 0 : i32
      %dma_start3A_272 = tpu.memref_slice %arg7[%min3A_270, %dma_start3A_271] : memref<32x80xi32, #tpu.memory_space<vmem>> -> memref<1x80xi32, #tpu.memory_space<vmem>>
      %dma_start3A_273 = tpu.memref_squeeze %dma_start3A_272 : memref<1x80xi32, #tpu.memory_space<vmem>> -> memref<80xi32, #tpu.memory_space<vmem>>
      %dma_start3A_274 = arith.constant 0 : i32
      %dma_start3A_275 = arith.constant 0 : i32
      %dma_start3A_276 = tpu.memref_slice %arg4[%dma_start3A_274, %dma_start3A_275] : memref<10240x128xf32, #tpu.memory_space<hbm>> -> memref<10240x128xf32, #tpu.memory_space<hbm>>
      tpu.enqueue_indirect_dma source(%dma_start3A_276 : memref<10240x128xf32, #tpu.memory_space<hbm>>) target(%arg10 : memref<80x128xf32, #tpu.memory_space<vmem>>) offsets(%dma_start3A_273 : memref<80xi32, #tpu.memory_space<vmem>>) semaphore(%arg15 : memref<!tpu.dma_semaphore, #tpu.memory_space<semaphore_mem>>)
      %mul3A_277 = arith.constant 4 : i32
      %mul3A_278 = arith.muli %scan3A_237, %mul3A_277 : i32
      %add3A_279 = arith.constant 2 : i32
      %add3A_280 = arith.addi %mul3A_278, %add3A_279 : i32
      %dma_wait3A_281 = arith.constant 0 : i32
      %dma_wait3A_282 = arith.constant 0 : i32
      %dma_wait3A_283 = tpu.memref_slice %arg4[%dma_wait3A_281, %dma_wait3A_282] : memref<10240x128xf32, #tpu.memory_space<hbm>> -> memref<80x128xf32, #tpu.memory_space<hbm>>
      %dma_wait3A_284 = arith.constant 0 : i32
      %dma_wait3A_285 = arith.constant 0 : i32
      %dma_wait3A_286 = tpu.memref_slice %arg4[%dma_wait3A_284, %dma_wait3A_285] : memref<10240x128xf32, #tpu.memory_space<hbm>> -> memref<80x128xf32, #tpu.memory_space<hbm>>
      tpu.wait_dma2 semaphore(%arg16 : memref<!tpu.dma_semaphore, #tpu.memory_space<semaphore_mem>>) src(%dma_wait3A_286 : memref<80x128xf32, #tpu.memory_space<hbm>>) dst(%arg11 : memref<80x128xf32, #tpu.memory_space<vmem>>)
      "tpu.region"() ({
        %run_scoped3A = tpu.sem_alloc : memref<!tpu.dma_semaphore, #tpu.memory_space<semaphore_mem>>
        %dma_start3A_317 = arith.constant 0 : i32
        %dma_start3A_318 = tpu.memref_slice %arg8[%add3A_280, %dma_start3A_317] : memref<32x80xi32, #tpu.memory_space<vmem>> -> memref<1x80xi32, #tpu.memory_space<vmem>>
        %dma_start3A_319 = tpu.memref_squeeze %dma_start3A_318 : memref<1x80xi32, #tpu.memory_space<vmem>> -> memref<80xi32, #tpu.memory_space<vmem>>
        %dma_start3A_320 = arith.constant 0 : i32
        %dma_start3A_321 = arith.constant 0 : i32
        %dma_start3A_322 = tpu.memref_slice %arg13[%dma_start3A_320, %dma_start3A_321] : memref<10240x128xf32, #tpu.memory_space<vmem_shared>> -> memref<10240x128xf32, #tpu.memory_space<vmem_shared>>
        tpu.enqueue_indirect_dma source(%arg11 : memref<80x128xf32, #tpu.memory_space<vmem>>) target(%dma_start3A_322 : memref<10240x128xf32, #tpu.memory_space<vmem_shared>>) offsets(%dma_start3A_319 : memref<80xi32, #tpu.memory_space<vmem>>) semaphore(%run_scoped3A : memref<!tpu.dma_semaphore, #tpu.memory_space<semaphore_mem>>) {add = true}
        %dma_wait3A_323 = arith.constant 0 : i32
        %dma_wait3A_324 = tpu.memref_slice %arg8[%add3A_280, %dma_wait3A_323] : memref<32x80xi32, #tpu.memory_space<vmem>> -> memref<1x80xi32, #tpu.memory_space<vmem>>
        %dma_wait3A_325 = tpu.memref_squeeze %dma_wait3A_324 : memref<1x80xi32, #tpu.memory_space<vmem>> -> memref<80xi32, #tpu.memory_space<vmem>>
        %dma_wait3A_326 = arith.constant 0 : i32
        %dma_wait3A_327 = arith.constant 0 : i32
        %dma_wait3A_328 = tpu.memref_slice %arg13[%dma_wait3A_326, %dma_wait3A_327] : memref<10240x128xf32, #tpu.memory_space<vmem_shared>> -> memref<10240x128xf32, #tpu.memory_space<vmem_shared>>
        tpu.wait_indirect_dma semaphore(%run_scoped3A : memref<!tpu.dma_semaphore, #tpu.memory_space<semaphore_mem>>) src(%arg11 : memref<80x128xf32, #tpu.memory_space<vmem>>) dst(%dma_wait3A_328 : memref<10240x128xf32, #tpu.memory_space<vmem_shared>>)
        tpu.yield
      }) : () -> ()
      %add3A_287 = arith.constant 4 : i32
      %add3A_288 = arith.addi %add3A_280, %add3A_287 : i32
      %min3A_289 = arith.constant 31 : i32
      %min3A_290 = arith.minsi %add3A_288, %min3A_289 : i32
      %dma_start3A_291 = arith.constant 0 : i32
      %dma_start3A_292 = tpu.memref_slice %arg7[%min3A_290, %dma_start3A_291] : memref<32x80xi32, #tpu.memory_space<vmem>> -> memref<1x80xi32, #tpu.memory_space<vmem>>
      %dma_start3A_293 = tpu.memref_squeeze %dma_start3A_292 : memref<1x80xi32, #tpu.memory_space<vmem>> -> memref<80xi32, #tpu.memory_space<vmem>>
      %dma_start3A_294 = arith.constant 0 : i32
      %dma_start3A_295 = arith.constant 0 : i32
      %dma_start3A_296 = tpu.memref_slice %arg4[%dma_start3A_294, %dma_start3A_295] : memref<10240x128xf32, #tpu.memory_space<hbm>> -> memref<10240x128xf32, #tpu.memory_space<hbm>>
      tpu.enqueue_indirect_dma source(%dma_start3A_296 : memref<10240x128xf32, #tpu.memory_space<hbm>>) target(%arg11 : memref<80x128xf32, #tpu.memory_space<vmem>>) offsets(%dma_start3A_293 : memref<80xi32, #tpu.memory_space<vmem>>) semaphore(%arg16 : memref<!tpu.dma_semaphore, #tpu.memory_space<semaphore_mem>>)
      %mul3A_297 = arith.constant 4 : i32
      %mul3A_298 = arith.muli %scan3A_237, %mul3A_297 : i32
      %add3A_299 = arith.constant 3 : i32
      %add3A_300 = arith.addi %mul3A_298, %add3A_299 : i32
      %dma_wait3A_301 = arith.constant 0 : i32
      %dma_wait3A_302 = arith.constant 0 : i32
      %dma_wait3A_303 = tpu.memref_slice %arg4[%dma_wait3A_301, %dma_wait3A_302] : memref<10240x128xf32, #tpu.memory_space<hbm>> -> memref<80x128xf32, #tpu.memory_space<hbm>>
      %dma_wait3A_304 = arith.constant 0 : i32
      %dma_wait3A_305 = arith.constant 0 : i32
      %dma_wait3A_306 = tpu.memref_slice %arg4[%dma_wait3A_304, %dma_wait3A_305] : memref<10240x128xf32, #tpu.memory_space<hbm>> -> memref<80x128xf32, #tpu.memory_space<hbm>>
      tpu.wait_dma2 semaphore(%arg17 : memref<!tpu.dma_semaphore, #tpu.memory_space<semaphore_mem>>) src(%dma_wait3A_306 : memref<80x128xf32, #tpu.memory_space<hbm>>) dst(%arg12 : memref<80x128xf32, #tpu.memory_space<vmem>>)
      "tpu.region"() ({
        %run_scoped3A = tpu.sem_alloc : memref<!tpu.dma_semaphore, #tpu.memory_space<semaphore_mem>>
        %dma_start3A_317 = arith.constant 0 : i32
        %dma_start3A_318 = tpu.memref_slice %arg8[%add3A_300, %dma_start3A_317] : memref<32x80xi32, #tpu.memory_space<vmem>> -> memref<1x80xi32, #tpu.memory_space<vmem>>
        %dma_start3A_319 = tpu.memref_squeeze %dma_start3A_318 : memref<1x80xi32, #tpu.memory_space<vmem>> -> memref<80xi32, #tpu.memory_space<vmem>>
        %dma_start3A_320 = arith.constant 0 : i32
        %dma_start3A_321 = arith.constant 0 : i32
        %dma_start3A_322 = tpu.memref_slice %arg13[%dma_start3A_320, %dma_start3A_321] : memref<10240x128xf32, #tpu.memory_space<vmem_shared>> -> memref<10240x128xf32, #tpu.memory_space<vmem_shared>>
        tpu.enqueue_indirect_dma source(%arg12 : memref<80x128xf32, #tpu.memory_space<vmem>>) target(%dma_start3A_322 : memref<10240x128xf32, #tpu.memory_space<vmem_shared>>) offsets(%dma_start3A_319 : memref<80xi32, #tpu.memory_space<vmem>>) semaphore(%run_scoped3A : memref<!tpu.dma_semaphore, #tpu.memory_space<semaphore_mem>>) {add = true}
        %dma_wait3A_323 = arith.constant 0 : i32
        %dma_wait3A_324 = tpu.memref_slice %arg8[%add3A_300, %dma_wait3A_323] : memref<32x80xi32, #tpu.memory_space<vmem>> -> memref<1x80xi32, #tpu.memory_space<vmem>>
        %dma_wait3A_325 = tpu.memref_squeeze %dma_wait3A_324 : memref<1x80xi32, #tpu.memory_space<vmem>> -> memref<80xi32, #tpu.memory_space<vmem>>
        %dma_wait3A_326 = arith.constant 0 : i32
        %dma_wait3A_327 = arith.constant 0 : i32
        %dma_wait3A_328 = tpu.memref_slice %arg13[%dma_wait3A_326, %dma_wait3A_327] : memref<10240x128xf32, #tpu.memory_space<vmem_shared>> -> memref<10240x128xf32, #tpu.memory_space<vmem_shared>>
        tpu.wait_indirect_dma semaphore(%run_scoped3A : memref<!tpu.dma_semaphore, #tpu.memory_space<semaphore_mem>>) src(%arg12 : memref<80x128xf32, #tpu.memory_space<vmem>>) dst(%dma_wait3A_328 : memref<10240x128xf32, #tpu.memory_space<vmem_shared>>)
        tpu.yield
      }) : () -> ()
      %add3A_307 = arith.constant 4 : i32
      %add3A_308 = arith.addi %add3A_300, %add3A_307 : i32
      %min3A_309 = arith.constant 31 : i32
      %min3A_310 = arith.minsi %add3A_308, %min3A_309 : i32
      %dma_start3A_311 = arith.constant 0 : i32
      %dma_start3A_312 = tpu.memref_slice %arg7[%min3A_310, %dma_start3A_311] : memref<32x80xi32, #tpu.memory_space<vmem>> -> memref<1x80xi32, #tpu.memory_space<vmem>>
      %dma_start3A_313 = tpu.memref_squeeze %dma_start3A_312 : memref<1x80xi32, #tpu.memory_space<vmem>> -> memref<80xi32, #tpu.memory_space<vmem>>
      %dma_start3A_314 = arith.constant 0 : i32
      %dma_start3A_315 = arith.constant 0 : i32
      %dma_start3A_316 = tpu.memref_slice %arg4[%dma_start3A_314, %dma_start3A_315] : memref<10240x128xf32, #tpu.memory_space<hbm>> -> memref<10240x128xf32, #tpu.memory_space<hbm>>
      tpu.enqueue_indirect_dma source(%dma_start3A_316 : memref<10240x128xf32, #tpu.memory_space<hbm>>) target(%arg12 : memref<80x128xf32, #tpu.memory_space<vmem>>) offsets(%dma_start3A_313 : memref<80xi32, #tpu.memory_space<vmem>>) semaphore(%arg17 : memref<!tpu.dma_semaphore, #tpu.memory_space<semaphore_mem>>)
    }
    %scan3A_91 = arith.constant 8 : i32
    %dma_wait3A_92 = arith.constant 0 : i32
    %dma_wait3A_93 = arith.constant 0 : i32
    %dma_wait3A_94 = tpu.memref_slice %arg4[%dma_wait3A_92, %dma_wait3A_93] : memref<10240x128xf32, #tpu.memory_space<hbm>> -> memref<80x128xf32, #tpu.memory_space<hbm>>
    %dma_wait3A_95 = arith.constant 0 : i32
    %dma_wait3A_96 = arith.constant 0 : i32
    %dma_wait3A_97 = tpu.memref_slice %arg4[%dma_wait3A_95, %dma_wait3A_96] : memref<10240x128xf32, #tpu.memory_space<hbm>> -> memref<80x128xf32, #tpu.memory_space<hbm>>
    tpu.wait_dma2 semaphore(%arg14 : memref<!tpu.dma_semaphore, #tpu.memory_space<semaphore_mem>>) src(%dma_wait3A_97 : memref<80x128xf32, #tpu.memory_space<hbm>>) dst(%arg9 : memref<80x128xf32, #tpu.memory_space<vmem>>)
    %dma_wait3A_98 = arith.constant 0 : i32
    %dma_wait3A_99 = arith.constant 0 : i32
    %dma_wait3A_100 = tpu.memref_slice %arg4[%dma_wait3A_98, %dma_wait3A_99] : memref<10240x128xf32, #tpu.memory_space<hbm>> -> memref<80x128xf32, #tpu.memory_space<hbm>>
    %dma_wait3A_101 = arith.constant 0 : i32
    %dma_wait3A_102 = arith.constant 0 : i32
    %dma_wait3A_103 = tpu.memref_slice %arg4[%dma_wait3A_101, %dma_wait3A_102] : memref<10240x128xf32, #tpu.memory_space<hbm>> -> memref<80x128xf32, #tpu.memory_space<hbm>>
    tpu.wait_dma2 semaphore(%arg15 : memref<!tpu.dma_semaphore, #tpu.memory_space<semaphore_mem>>) src(%dma_wait3A_103 : memref<80x128xf32, #tpu.memory_space<hbm>>) dst(%arg10 : memref<80x128xf32, #tpu.memory_space<vmem>>)
    %dma_wait3A_104 = arith.constant 0 : i32
    %dma_wait3A_105 = arith.constant 0 : i32
    %dma_wait3A_106 = tpu.memref_slice %arg4[%dma_wait3A_104, %dma_wait3A_105] : memref<10240x128xf32, #tpu.memory_space<hbm>> -> memref<80x128xf32, #tpu.memory_space<hbm>>
    %dma_wait3A_107 = arith.constant 0 : i32
    %dma_wait3A_108 = arith.constant 0 : i32
    %dma_wait3A_109 = tpu.memref_slice %arg4[%dma_wait3A_107, %dma_wait3A_108] : memref<10240x128xf32, #tpu.memory_space<hbm>> -> memref<80x128xf32, #tpu.memory_space<hbm>>
    tpu.wait_dma2 semaphore(%arg16 : memref<!tpu.dma_semaphore, #tpu.memory_space<semaphore_mem>>) src(%dma_wait3A_109 : memref<80x128xf32, #tpu.memory_space<hbm>>) dst(%arg11 : memref<80x128xf32, #tpu.memory_space<vmem>>)
    %dma_wait3A_110 = arith.constant 0 : i32
    %dma_wait3A_111 = arith.constant 0 : i32
    %dma_wait3A_112 = tpu.memref_slice %arg4[%dma_wait3A_110, %dma_wait3A_111] : memref<10240x128xf32, #tpu.memory_space<hbm>> -> memref<80x128xf32, #tpu.memory_space<hbm>>
    %dma_wait3A_113 = arith.constant 0 : i32
    %dma_wait3A_114 = arith.constant 0 : i32
    %dma_wait3A_115 = tpu.memref_slice %arg4[%dma_wait3A_113, %dma_wait3A_114] : memref<10240x128xf32, #tpu.memory_space<hbm>> -> memref<80x128xf32, #tpu.memory_space<hbm>>
    tpu.wait_dma2 semaphore(%arg17 : memref<!tpu.dma_semaphore, #tpu.memory_space<semaphore_mem>>) src(%dma_wait3A_115 : memref<80x128xf32, #tpu.memory_space<hbm>>) dst(%arg12 : memref<80x128xf32, #tpu.memory_space<vmem>>)
    "tpu.region"() ({
      %run_scoped3A = tpu.sem_alloc : memref<!tpu.dma_semaphore, #tpu.memory_space<semaphore_mem>>
      %dma_start3A_237 = arith.constant 64 : i32
      %dma_start3A_238 = arith.constant 0 : i32
      %dma_start3A_239 = tpu.memref_slice %arg2[%add3A, %dma_start3A_237, %dma_start3A_238] : memref<32x128x80xi32, #tpu.memory_space<hbm>> -> memref<1x32x80xi32, #tpu.memory_space<hbm>>
      %dma_start3A_240 = tpu.memref_squeeze %dma_start3A_239 : memref<1x32x80xi32, #tpu.memory_space<hbm>> -> memref<32x80xi32, #tpu.memory_space<hbm>>
      %dma_start3A_241 = arith.constant 64 : i32
      %dma_start3A_242 = arith.constant 0 : i32
      %dma_start3A_243 = tpu.memref_slice %arg2[%add3A, %dma_start3A_241, %dma_start3A_242] : memref<32x128x80xi32, #tpu.memory_space<hbm>> -> memref<1x32x80xi32, #tpu.memory_space<hbm>>
      %dma_start3A_244 = tpu.memref_squeeze %dma_start3A_243 : memref<1x32x80xi32, #tpu.memory_space<hbm>> -> memref<32x80xi32, #tpu.memory_space<hbm>>
      tpu.enqueue_dma source(%dma_start3A_244 : memref<32x80xi32, #tpu.memory_space<hbm>>) target(%arg7 : memref<32x80xi32, #tpu.memory_space<vmem>>) target_semaphore(%run_scoped3A : memref<!tpu.dma_semaphore, #tpu.memory_space<semaphore_mem>>)
      %dma_wait3A_245 = arith.constant 64 : i32
      %dma_wait3A_246 = arith.constant 0 : i32
      %dma_wait3A_247 = tpu.memref_slice %arg2[%add3A, %dma_wait3A_245, %dma_wait3A_246] : memref<32x128x80xi32, #tpu.memory_space<hbm>> -> memref<1x32x80xi32, #tpu.memory_space<hbm>>
      %dma_wait3A_248 = tpu.memref_squeeze %dma_wait3A_247 : memref<1x32x80xi32, #tpu.memory_space<hbm>> -> memref<32x80xi32, #tpu.memory_space<hbm>>
      %dma_wait3A_249 = arith.constant 64 : i32
      %dma_wait3A_250 = arith.constant 0 : i32
      %dma_wait3A_251 = tpu.memref_slice %arg2[%add3A, %dma_wait3A_249, %dma_wait3A_250] : memref<32x128x80xi32, #tpu.memory_space<hbm>> -> memref<1x32x80xi32, #tpu.memory_space<hbm>>
      %dma_wait3A_252 = tpu.memref_squeeze %dma_wait3A_251 : memref<1x32x80xi32, #tpu.memory_space<hbm>> -> memref<32x80xi32, #tpu.memory_space<hbm>>
      tpu.wait_dma2 semaphore(%run_scoped3A : memref<!tpu.dma_semaphore, #tpu.memory_space<semaphore_mem>>) src(%dma_wait3A_252 : memref<32x80xi32, #tpu.memory_space<hbm>>) dst(%arg7 : memref<32x80xi32, #tpu.memory_space<vmem>>)
      tpu.yield
    }) : () -> ()
    "tpu.region"() ({
      %run_scoped3A = tpu.sem_alloc : memref<!tpu.dma_semaphore, #tpu.memory_space<semaphore_mem>>
      %dma_start3A_237 = arith.constant 64 : i32
      %dma_start3A_238 = arith.constant 0 : i32
      %dma_start3A_239 = tpu.memref_slice %arg3[%add3A, %dma_start3A_237, %dma_start3A_238] : memref<32x128x80xi32, #tpu.memory_space<hbm>> -> memref<1x32x80xi32, #tpu.memory_space<hbm>>
      %dma_start3A_240 = tpu.memref_squeeze %dma_start3A_239 : memref<1x32x80xi32, #tpu.memory_space<hbm>> -> memref<32x80xi32, #tpu.memory_space<hbm>>
      %dma_start3A_241 = arith.constant 64 : i32
      %dma_start3A_242 = arith.constant 0 : i32
      %dma_start3A_243 = tpu.memref_slice %arg3[%add3A, %dma_start3A_241, %dma_start3A_242] : memref<32x128x80xi32, #tpu.memory_space<hbm>> -> memref<1x32x80xi32, #tpu.memory_space<hbm>>
      %dma_start3A_244 = tpu.memref_squeeze %dma_start3A_243 : memref<1x32x80xi32, #tpu.memory_space<hbm>> -> memref<32x80xi32, #tpu.memory_space<hbm>>
      tpu.enqueue_dma source(%dma_start3A_244 : memref<32x80xi32, #tpu.memory_space<hbm>>) target(%arg8 : memref<32x80xi32, #tpu.memory_space<vmem>>) target_semaphore(%run_scoped3A : memref<!tpu.dma_semaphore, #tpu.memory_space<semaphore_mem>>)
      %dma_wait3A_245 = arith.constant 64 : i32
      %dma_wait3A_246 = arith.constant 0 : i32
      %dma_wait3A_247 = tpu.memref_slice %arg3[%add3A, %dma_wait3A_245, %dma_wait3A_246] : memref<32x128x80xi32, #tpu.memory_space<hbm>> -> memref<1x32x80xi32, #tpu.memory_space<hbm>>
      %dma_wait3A_248 = tpu.memref_squeeze %dma_wait3A_247 : memref<1x32x80xi32, #tpu.memory_space<hbm>> -> memref<32x80xi32, #tpu.memory_space<hbm>>
      %dma_wait3A_249 = arith.constant 64 : i32
      %dma_wait3A_250 = arith.constant 0 : i32
      %dma_wait3A_251 = tpu.memref_slice %arg3[%add3A, %dma_wait3A_249, %dma_wait3A_250] : memref<32x128x80xi32, #tpu.memory_space<hbm>> -> memref<1x32x80xi32, #tpu.memory_space<hbm>>
      %dma_wait3A_252 = tpu.memref_squeeze %dma_wait3A_251 : memref<1x32x80xi32, #tpu.memory_space<hbm>> -> memref<32x80xi32, #tpu.memory_space<hbm>>
      tpu.wait_dma2 semaphore(%run_scoped3A : memref<!tpu.dma_semaphore, #tpu.memory_space<semaphore_mem>>) src(%dma_wait3A_252 : memref<32x80xi32, #tpu.memory_space<hbm>>) dst(%arg8 : memref<32x80xi32, #tpu.memory_space<vmem>>)
      tpu.yield
    }) : () -> ()
    %dma_start3A_116 = arith.constant 0 : i32
    %dma_start3A_117 = arith.constant 0 : i32
    %dma_start3A_118 = tpu.memref_slice %arg7[%dma_start3A_116, %dma_start3A_117] : memref<32x80xi32, #tpu.memory_space<vmem>> -> memref<1x80xi32, #tpu.memory_space<vmem>>
    %dma_start3A_119 = tpu.memref_squeeze %dma_start3A_118 : memref<1x80xi32, #tpu.memory_space<vmem>> -> memref<80xi32, #tpu.memory_space<vmem>>
    %dma_start3A_120 = arith.constant 0 : i32
    %dma_start3A_121 = arith.constant 0 : i32
    %dma_start3A_122 = tpu.memref_slice %arg4[%dma_start3A_120, %dma_start3A_121] : memref<10240x128xf32, #tpu.memory_space<hbm>> -> memref<10240x128xf32, #tpu.memory_space<hbm>>
    tpu.enqueue_indirect_dma source(%dma_start3A_122 : memref<10240x128xf32, #tpu.memory_space<hbm>>) target(%arg9 : memref<80x128xf32, #tpu.memory_space<vmem>>) offsets(%dma_start3A_119 : memref<80xi32, #tpu.memory_space<vmem>>) semaphore(%arg14 : memref<!tpu.dma_semaphore, #tpu.memory_space<semaphore_mem>>)
    %dma_start3A_123 = arith.constant 1 : i32
    %dma_start3A_124 = arith.constant 0 : i32
    %dma_start3A_125 = tpu.memref_slice %arg7[%dma_start3A_123, %dma_start3A_124] : memref<32x80xi32, #tpu.memory_space<vmem>> -> memref<1x80xi32, #tpu.memory_space<vmem>>
    %dma_start3A_126 = tpu.memref_squeeze %dma_start3A_125 : memref<1x80xi32, #tpu.memory_space<vmem>> -> memref<80xi32, #tpu.memory_space<vmem>>
    %dma_start3A_127 = arith.constant 0 : i32
    %dma_start3A_128 = arith.constant 0 : i32
    %dma_start3A_129 = tpu.memref_slice %arg4[%dma_start3A_127, %dma_start3A_128] : memref<10240x128xf32, #tpu.memory_space<hbm>> -> memref<10240x128xf32, #tpu.memory_space<hbm>>
    tpu.enqueue_indirect_dma source(%dma_start3A_129 : memref<10240x128xf32, #tpu.memory_space<hbm>>) target(%arg10 : memref<80x128xf32, #tpu.memory_space<vmem>>) offsets(%dma_start3A_126 : memref<80xi32, #tpu.memory_space<vmem>>) semaphore(%arg15 : memref<!tpu.dma_semaphore, #tpu.memory_space<semaphore_mem>>)
    %dma_start3A_130 = arith.constant 2 : i32
    %dma_start3A_131 = arith.constant 0 : i32
    %dma_start3A_132 = tpu.memref_slice %arg7[%dma_start3A_130, %dma_start3A_131] : memref<32x80xi32, #tpu.memory_space<vmem>> -> memref<1x80xi32, #tpu.memory_space<vmem>>
    %dma_start3A_133 = tpu.memref_squeeze %dma_start3A_132 : memref<1x80xi32, #tpu.memory_space<vmem>> -> memref<80xi32, #tpu.memory_space<vmem>>
    %dma_start3A_134 = arith.constant 0 : i32
    %dma_start3A_135 = arith.constant 0 : i32
    %dma_start3A_136 = tpu.memref_slice %arg4[%dma_start3A_134, %dma_start3A_135] : memref<10240x128xf32, #tpu.memory_space<hbm>> -> memref<10240x128xf32, #tpu.memory_space<hbm>>
    tpu.enqueue_indirect_dma source(%dma_start3A_136 : memref<10240x128xf32, #tpu.memory_space<hbm>>) target(%arg11 : memref<80x128xf32, #tpu.memory_space<vmem>>) offsets(%dma_start3A_133 : memref<80xi32, #tpu.memory_space<vmem>>) semaphore(%arg16 : memref<!tpu.dma_semaphore, #tpu.memory_space<semaphore_mem>>)
    %dma_start3A_137 = arith.constant 3 : i32
    %dma_start3A_138 = arith.constant 0 : i32
    %dma_start3A_139 = tpu.memref_slice %arg7[%dma_start3A_137, %dma_start3A_138] : memref<32x80xi32, #tpu.memory_space<vmem>> -> memref<1x80xi32, #tpu.memory_space<vmem>>
    %dma_start3A_140 = tpu.memref_squeeze %dma_start3A_139 : memref<1x80xi32, #tpu.memory_space<vmem>> -> memref<80xi32, #tpu.memory_space<vmem>>
    %dma_start3A_141 = arith.constant 0 : i32
    %dma_start3A_142 = arith.constant 0 : i32
    %dma_start3A_143 = tpu.memref_slice %arg4[%dma_start3A_141, %dma_start3A_142] : memref<10240x128xf32, #tpu.memory_space<hbm>> -> memref<10240x128xf32, #tpu.memory_space<hbm>>
    tpu.enqueue_indirect_dma source(%dma_start3A_143 : memref<10240x128xf32, #tpu.memory_space<hbm>>) target(%arg12 : memref<80x128xf32, #tpu.memory_space<vmem>>) offsets(%dma_start3A_140 : memref<80xi32, #tpu.memory_space<vmem>>) semaphore(%arg17 : memref<!tpu.dma_semaphore, #tpu.memory_space<semaphore_mem>>)
    %scan3A_144 = arith.constant 0 : i32
    %scan3A_145 = arith.constant 0 : i32
    %scan3A_146 = arith.constant 8 : i32
    %scan3A_147 = arith.addi %scan3A_145, %scan3A_146 : i32
    %scan3A_148 = arith.constant 1 : i32
    scf.for %scan3A_237 = %scan3A_145 to %scan3A_147 step %scan3A_148  : i32 {
      %mul3A_238 = arith.constant 4 : i32
      %mul3A_239 = arith.muli %scan3A_237, %mul3A_238 : i32
      %add3A_240 = arith.constant 0 : i32
      %add3A_241 = arith.addi %mul3A_239, %add3A_240 : i32
      %dma_wait3A_242 = arith.constant 0 : i32
      %dma_wait3A_243 = arith.constant 0 : i32
      %dma_wait3A_244 = tpu.memref_slice %arg4[%dma_wait3A_242, %dma_wait3A_243] : memref<10240x128xf32, #tpu.memory_space<hbm>> -> memref<80x128xf32, #tpu.memory_space<hbm>>
      %dma_wait3A_245 = arith.constant 0 : i32
      %dma_wait3A_246 = arith.constant 0 : i32
      %dma_wait3A_247 = tpu.memref_slice %arg4[%dma_wait3A_245, %dma_wait3A_246] : memref<10240x128xf32, #tpu.memory_space<hbm>> -> memref<80x128xf32, #tpu.memory_space<hbm>>
      tpu.wait_dma2 semaphore(%arg14 : memref<!tpu.dma_semaphore, #tpu.memory_space<semaphore_mem>>) src(%dma_wait3A_247 : memref<80x128xf32, #tpu.memory_space<hbm>>) dst(%arg9 : memref<80x128xf32, #tpu.memory_space<vmem>>)
      "tpu.region"() ({
        %run_scoped3A = tpu.sem_alloc : memref<!tpu.dma_semaphore, #tpu.memory_space<semaphore_mem>>
        %dma_start3A_317 = arith.constant 0 : i32
        %dma_start3A_318 = tpu.memref_slice %arg8[%add3A_241, %dma_start3A_317] : memref<32x80xi32, #tpu.memory_space<vmem>> -> memref<1x80xi32, #tpu.memory_space<vmem>>
        %dma_start3A_319 = tpu.memref_squeeze %dma_start3A_318 : memref<1x80xi32, #tpu.memory_space<vmem>> -> memref<80xi32, #tpu.memory_space<vmem>>
        %dma_start3A_320 = arith.constant 0 : i32
        %dma_start3A_321 = arith.constant 0 : i32
        %dma_start3A_322 = tpu.memref_slice %arg13[%dma_start3A_320, %dma_start3A_321] : memref<10240x128xf32, #tpu.memory_space<vmem_shared>> -> memref<10240x128xf32, #tpu.memory_space<vmem_shared>>
        tpu.enqueue_indirect_dma source(%arg9 : memref<80x128xf32, #tpu.memory_space<vmem>>) target(%dma_start3A_322 : memref<10240x128xf32, #tpu.memory_space<vmem_shared>>) offsets(%dma_start3A_319 : memref<80xi32, #tpu.memory_space<vmem>>) semaphore(%run_scoped3A : memref<!tpu.dma_semaphore, #tpu.memory_space<semaphore_mem>>) {add = true}
        %dma_wait3A_323 = arith.constant 0 : i32
        %dma_wait3A_324 = tpu.memref_slice %arg8[%add3A_241, %dma_wait3A_323] : memref<32x80xi32, #tpu.memory_space<vmem>> -> memref<1x80xi32, #tpu.memory_space<vmem>>
        %dma_wait3A_325 = tpu.memref_squeeze %dma_wait3A_324 : memref<1x80xi32, #tpu.memory_space<vmem>> -> memref<80xi32, #tpu.memory_space<vmem>>
        %dma_wait3A_326 = arith.constant 0 : i32
        %dma_wait3A_327 = arith.constant 0 : i32
        %dma_wait3A_328 = tpu.memref_slice %arg13[%dma_wait3A_326, %dma_wait3A_327] : memref<10240x128xf32, #tpu.memory_space<vmem_shared>> -> memref<10240x128xf32, #tpu.memory_space<vmem_shared>>
        tpu.wait_indirect_dma semaphore(%run_scoped3A : memref<!tpu.dma_semaphore, #tpu.memory_space<semaphore_mem>>) src(%arg9 : memref<80x128xf32, #tpu.memory_space<vmem>>) dst(%dma_wait3A_328 : memref<10240x128xf32, #tpu.memory_space<vmem_shared>>)
        tpu.yield
      }) : () -> ()
      %add3A_248 = arith.constant 4 : i32
      %add3A_249 = arith.addi %add3A_241, %add3A_248 : i32
      %min3A = arith.constant 31 : i32
      %min3A_250 = arith.minsi %add3A_249, %min3A : i32
      %dma_start3A_251 = arith.constant 0 : i32
      %dma_start3A_252 = tpu.memref_slice %arg7[%min3A_250, %dma_start3A_251] : memref<32x80xi32, #tpu.memory_space<vmem>> -> memref<1x80xi32, #tpu.memory_space<vmem>>
      %dma_start3A_253 = tpu.memref_squeeze %dma_start3A_252 : memref<1x80xi32, #tpu.memory_space<vmem>> -> memref<80xi32, #tpu.memory_space<vmem>>
      %dma_start3A_254 = arith.constant 0 : i32
      %dma_start3A_255 = arith.constant 0 : i32
      %dma_start3A_256 = tpu.memref_slice %arg4[%dma_start3A_254, %dma_start3A_255] : memref<10240x128xf32, #tpu.memory_space<hbm>> -> memref<10240x128xf32, #tpu.memory_space<hbm>>
      tpu.enqueue_indirect_dma source(%dma_start3A_256 : memref<10240x128xf32, #tpu.memory_space<hbm>>) target(%arg9 : memref<80x128xf32, #tpu.memory_space<vmem>>) offsets(%dma_start3A_253 : memref<80xi32, #tpu.memory_space<vmem>>) semaphore(%arg14 : memref<!tpu.dma_semaphore, #tpu.memory_space<semaphore_mem>>)
      %mul3A_257 = arith.constant 4 : i32
      %mul3A_258 = arith.muli %scan3A_237, %mul3A_257 : i32
      %add3A_259 = arith.constant 1 : i32
      %add3A_260 = arith.addi %mul3A_258, %add3A_259 : i32
      %dma_wait3A_261 = arith.constant 0 : i32
      %dma_wait3A_262 = arith.constant 0 : i32
      %dma_wait3A_263 = tpu.memref_slice %arg4[%dma_wait3A_261, %dma_wait3A_262] : memref<10240x128xf32, #tpu.memory_space<hbm>> -> memref<80x128xf32, #tpu.memory_space<hbm>>
      %dma_wait3A_264 = arith.constant 0 : i32
      %dma_wait3A_265 = arith.constant 0 : i32
      %dma_wait3A_266 = tpu.memref_slice %arg4[%dma_wait3A_264, %dma_wait3A_265] : memref<10240x128xf32, #tpu.memory_space<hbm>> -> memref<80x128xf32, #tpu.memory_space<hbm>>
      tpu.wait_dma2 semaphore(%arg15 : memref<!tpu.dma_semaphore, #tpu.memory_space<semaphore_mem>>) src(%dma_wait3A_266 : memref<80x128xf32, #tpu.memory_space<hbm>>) dst(%arg10 : memref<80x128xf32, #tpu.memory_space<vmem>>)
      "tpu.region"() ({
        %run_scoped3A = tpu.sem_alloc : memref<!tpu.dma_semaphore, #tpu.memory_space<semaphore_mem>>
        %dma_start3A_317 = arith.constant 0 : i32
        %dma_start3A_318 = tpu.memref_slice %arg8[%add3A_260, %dma_start3A_317] : memref<32x80xi32, #tpu.memory_space<vmem>> -> memref<1x80xi32, #tpu.memory_space<vmem>>
        %dma_start3A_319 = tpu.memref_squeeze %dma_start3A_318 : memref<1x80xi32, #tpu.memory_space<vmem>> -> memref<80xi32, #tpu.memory_space<vmem>>
        %dma_start3A_320 = arith.constant 0 : i32
        %dma_start3A_321 = arith.constant 0 : i32
        %dma_start3A_322 = tpu.memref_slice %arg13[%dma_start3A_320, %dma_start3A_321] : memref<10240x128xf32, #tpu.memory_space<vmem_shared>> -> memref<10240x128xf32, #tpu.memory_space<vmem_shared>>
        tpu.enqueue_indirect_dma source(%arg10 : memref<80x128xf32, #tpu.memory_space<vmem>>) target(%dma_start3A_322 : memref<10240x128xf32, #tpu.memory_space<vmem_shared>>) offsets(%dma_start3A_319 : memref<80xi32, #tpu.memory_space<vmem>>) semaphore(%run_scoped3A : memref<!tpu.dma_semaphore, #tpu.memory_space<semaphore_mem>>) {add = true}
        %dma_wait3A_323 = arith.constant 0 : i32
        %dma_wait3A_324 = tpu.memref_slice %arg8[%add3A_260, %dma_wait3A_323] : memref<32x80xi32, #tpu.memory_space<vmem>> -> memref<1x80xi32, #tpu.memory_space<vmem>>
        %dma_wait3A_325 = tpu.memref_squeeze %dma_wait3A_324 : memref<1x80xi32, #tpu.memory_space<vmem>> -> memref<80xi32, #tpu.memory_space<vmem>>
        %dma_wait3A_326 = arith.constant 0 : i32
        %dma_wait3A_327 = arith.constant 0 : i32
        %dma_wait3A_328 = tpu.memref_slice %arg13[%dma_wait3A_326, %dma_wait3A_327] : memref<10240x128xf32, #tpu.memory_space<vmem_shared>> -> memref<10240x128xf32, #tpu.memory_space<vmem_shared>>
        tpu.wait_indirect_dma semaphore(%run_scoped3A : memref<!tpu.dma_semaphore, #tpu.memory_space<semaphore_mem>>) src(%arg10 : memref<80x128xf32, #tpu.memory_space<vmem>>) dst(%dma_wait3A_328 : memref<10240x128xf32, #tpu.memory_space<vmem_shared>>)
        tpu.yield
      }) : () -> ()
      %add3A_267 = arith.constant 4 : i32
      %add3A_268 = arith.addi %add3A_260, %add3A_267 : i32
      %min3A_269 = arith.constant 31 : i32
      %min3A_270 = arith.minsi %add3A_268, %min3A_269 : i32
      %dma_start3A_271 = arith.constant 0 : i32
      %dma_start3A_272 = tpu.memref_slice %arg7[%min3A_270, %dma_start3A_271] : memref<32x80xi32, #tpu.memory_space<vmem>> -> memref<1x80xi32, #tpu.memory_space<vmem>>
      %dma_start3A_273 = tpu.memref_squeeze %dma_start3A_272 : memref<1x80xi32, #tpu.memory_space<vmem>> -> memref<80xi32, #tpu.memory_space<vmem>>
      %dma_start3A_274 = arith.constant 0 : i32
      %dma_start3A_275 = arith.constant 0 : i32
      %dma_start3A_276 = tpu.memref_slice %arg4[%dma_start3A_274, %dma_start3A_275] : memref<10240x128xf32, #tpu.memory_space<hbm>> -> memref<10240x128xf32, #tpu.memory_space<hbm>>
      tpu.enqueue_indirect_dma source(%dma_start3A_276 : memref<10240x128xf32, #tpu.memory_space<hbm>>) target(%arg10 : memref<80x128xf32, #tpu.memory_space<vmem>>) offsets(%dma_start3A_273 : memref<80xi32, #tpu.memory_space<vmem>>) semaphore(%arg15 : memref<!tpu.dma_semaphore, #tpu.memory_space<semaphore_mem>>)
      %mul3A_277 = arith.constant 4 : i32
      %mul3A_278 = arith.muli %scan3A_237, %mul3A_277 : i32
      %add3A_279 = arith.constant 2 : i32
      %add3A_280 = arith.addi %mul3A_278, %add3A_279 : i32
      %dma_wait3A_281 = arith.constant 0 : i32
      %dma_wait3A_282 = arith.constant 0 : i32
      %dma_wait3A_283 = tpu.memref_slice %arg4[%dma_wait3A_281, %dma_wait3A_282] : memref<10240x128xf32, #tpu.memory_space<hbm>> -> memref<80x128xf32, #tpu.memory_space<hbm>>
      %dma_wait3A_284 = arith.constant 0 : i32
      %dma_wait3A_285 = arith.constant 0 : i32
      %dma_wait3A_286 = tpu.memref_slice %arg4[%dma_wait3A_284, %dma_wait3A_285] : memref<10240x128xf32, #tpu.memory_space<hbm>> -> memref<80x128xf32, #tpu.memory_space<hbm>>
      tpu.wait_dma2 semaphore(%arg16 : memref<!tpu.dma_semaphore, #tpu.memory_space<semaphore_mem>>) src(%dma_wait3A_286 : memref<80x128xf32, #tpu.memory_space<hbm>>) dst(%arg11 : memref<80x128xf32, #tpu.memory_space<vmem>>)
      "tpu.region"() ({
        %run_scoped3A = tpu.sem_alloc : memref<!tpu.dma_semaphore, #tpu.memory_space<semaphore_mem>>
        %dma_start3A_317 = arith.constant 0 : i32
        %dma_start3A_318 = tpu.memref_slice %arg8[%add3A_280, %dma_start3A_317] : memref<32x80xi32, #tpu.memory_space<vmem>> -> memref<1x80xi32, #tpu.memory_space<vmem>>
        %dma_start3A_319 = tpu.memref_squeeze %dma_start3A_318 : memref<1x80xi32, #tpu.memory_space<vmem>> -> memref<80xi32, #tpu.memory_space<vmem>>
        %dma_start3A_320 = arith.constant 0 : i32
        %dma_start3A_321 = arith.constant 0 : i32
        %dma_start3A_322 = tpu.memref_slice %arg13[%dma_start3A_320, %dma_start3A_321] : memref<10240x128xf32, #tpu.memory_space<vmem_shared>> -> memref<10240x128xf32, #tpu.memory_space<vmem_shared>>
        tpu.enqueue_indirect_dma source(%arg11 : memref<80x128xf32, #tpu.memory_space<vmem>>) target(%dma_start3A_322 : memref<10240x128xf32, #tpu.memory_space<vmem_shared>>) offsets(%dma_start3A_319 : memref<80xi32, #tpu.memory_space<vmem>>) semaphore(%run_scoped3A : memref<!tpu.dma_semaphore, #tpu.memory_space<semaphore_mem>>) {add = true}
        %dma_wait3A_323 = arith.constant 0 : i32
        %dma_wait3A_324 = tpu.memref_slice %arg8[%add3A_280, %dma_wait3A_323] : memref<32x80xi32, #tpu.memory_space<vmem>> -> memref<1x80xi32, #tpu.memory_space<vmem>>
        %dma_wait3A_325 = tpu.memref_squeeze %dma_wait3A_324 : memref<1x80xi32, #tpu.memory_space<vmem>> -> memref<80xi32, #tpu.memory_space<vmem>>
        %dma_wait3A_326 = arith.constant 0 : i32
        %dma_wait3A_327 = arith.constant 0 : i32
        %dma_wait3A_328 = tpu.memref_slice %arg13[%dma_wait3A_326, %dma_wait3A_327] : memref<10240x128xf32, #tpu.memory_space<vmem_shared>> -> memref<10240x128xf32, #tpu.memory_space<vmem_shared>>
        tpu.wait_indirect_dma semaphore(%run_scoped3A : memref<!tpu.dma_semaphore, #tpu.memory_space<semaphore_mem>>) src(%arg11 : memref<80x128xf32, #tpu.memory_space<vmem>>) dst(%dma_wait3A_328 : memref<10240x128xf32, #tpu.memory_space<vmem_shared>>)
        tpu.yield
      }) : () -> ()
      %add3A_287 = arith.constant 4 : i32
      %add3A_288 = arith.addi %add3A_280, %add3A_287 : i32
      %min3A_289 = arith.constant 31 : i32
      %min3A_290 = arith.minsi %add3A_288, %min3A_289 : i32
      %dma_start3A_291 = arith.constant 0 : i32
      %dma_start3A_292 = tpu.memref_slice %arg7[%min3A_290, %dma_start3A_291] : memref<32x80xi32, #tpu.memory_space<vmem>> -> memref<1x80xi32, #tpu.memory_space<vmem>>
      %dma_start3A_293 = tpu.memref_squeeze %dma_start3A_292 : memref<1x80xi32, #tpu.memory_space<vmem>> -> memref<80xi32, #tpu.memory_space<vmem>>
      %dma_start3A_294 = arith.constant 0 : i32
      %dma_start3A_295 = arith.constant 0 : i32
      %dma_start3A_296 = tpu.memref_slice %arg4[%dma_start3A_294, %dma_start3A_295] : memref<10240x128xf32, #tpu.memory_space<hbm>> -> memref<10240x128xf32, #tpu.memory_space<hbm>>
      tpu.enqueue_indirect_dma source(%dma_start3A_296 : memref<10240x128xf32, #tpu.memory_space<hbm>>) target(%arg11 : memref<80x128xf32, #tpu.memory_space<vmem>>) offsets(%dma_start3A_293 : memref<80xi32, #tpu.memory_space<vmem>>) semaphore(%arg16 : memref<!tpu.dma_semaphore, #tpu.memory_space<semaphore_mem>>)
      %mul3A_297 = arith.constant 4 : i32
      %mul3A_298 = arith.muli %scan3A_237, %mul3A_297 : i32
      %add3A_299 = arith.constant 3 : i32
      %add3A_300 = arith.addi %mul3A_298, %add3A_299 : i32
      %dma_wait3A_301 = arith.constant 0 : i32
      %dma_wait3A_302 = arith.constant 0 : i32
      %dma_wait3A_303 = tpu.memref_slice %arg4[%dma_wait3A_301, %dma_wait3A_302] : memref<10240x128xf32, #tpu.memory_space<hbm>> -> memref<80x128xf32, #tpu.memory_space<hbm>>
      %dma_wait3A_304 = arith.constant 0 : i32
      %dma_wait3A_305 = arith.constant 0 : i32
      %dma_wait3A_306 = tpu.memref_slice %arg4[%dma_wait3A_304, %dma_wait3A_305] : memref<10240x128xf32, #tpu.memory_space<hbm>> -> memref<80x128xf32, #tpu.memory_space<hbm>>
      tpu.wait_dma2 semaphore(%arg17 : memref<!tpu.dma_semaphore, #tpu.memory_space<semaphore_mem>>) src(%dma_wait3A_306 : memref<80x128xf32, #tpu.memory_space<hbm>>) dst(%arg12 : memref<80x128xf32, #tpu.memory_space<vmem>>)
      "tpu.region"() ({
        %run_scoped3A = tpu.sem_alloc : memref<!tpu.dma_semaphore, #tpu.memory_space<semaphore_mem>>
        %dma_start3A_317 = arith.constant 0 : i32
        %dma_start3A_318 = tpu.memref_slice %arg8[%add3A_300, %dma_start3A_317] : memref<32x80xi32, #tpu.memory_space<vmem>> -> memref<1x80xi32, #tpu.memory_space<vmem>>
        %dma_start3A_319 = tpu.memref_squeeze %dma_start3A_318 : memref<1x80xi32, #tpu.memory_space<vmem>> -> memref<80xi32, #tpu.memory_space<vmem>>
        %dma_start3A_320 = arith.constant 0 : i32
        %dma_start3A_321 = arith.constant 0 : i32
        %dma_start3A_322 = tpu.memref_slice %arg13[%dma_start3A_320, %dma_start3A_321] : memref<10240x128xf32, #tpu.memory_space<vmem_shared>> -> memref<10240x128xf32, #tpu.memory_space<vmem_shared>>
        tpu.enqueue_indirect_dma source(%arg12 : memref<80x128xf32, #tpu.memory_space<vmem>>) target(%dma_start3A_322 : memref<10240x128xf32, #tpu.memory_space<vmem_shared>>) offsets(%dma_start3A_319 : memref<80xi32, #tpu.memory_space<vmem>>) semaphore(%run_scoped3A : memref<!tpu.dma_semaphore, #tpu.memory_space<semaphore_mem>>) {add = true}
        %dma_wait3A_323 = arith.constant 0 : i32
        %dma_wait3A_324 = tpu.memref_slice %arg8[%add3A_300, %dma_wait3A_323] : memref<32x80xi32, #tpu.memory_space<vmem>> -> memref<1x80xi32, #tpu.memory_space<vmem>>
        %dma_wait3A_325 = tpu.memref_squeeze %dma_wait3A_324 : memref<1x80xi32, #tpu.memory_space<vmem>> -> memref<80xi32, #tpu.memory_space<vmem>>
        %dma_wait3A_326 = arith.constant 0 : i32
        %dma_wait3A_327 = arith.constant 0 : i32
        %dma_wait3A_328 = tpu.memref_slice %arg13[%dma_wait3A_326, %dma_wait3A_327] : memref<10240x128xf32, #tpu.memory_space<vmem_shared>> -> memref<10240x128xf32, #tpu.memory_space<vmem_shared>>
        tpu.wait_indirect_dma semaphore(%run_scoped3A : memref<!tpu.dma_semaphore, #tpu.memory_space<semaphore_mem>>) src(%arg12 : memref<80x128xf32, #tpu.memory_space<vmem>>) dst(%dma_wait3A_328 : memref<10240x128xf32, #tpu.memory_space<vmem_shared>>)
        tpu.yield
      }) : () -> ()
      %add3A_307 = arith.constant 4 : i32
      %add3A_308 = arith.addi %add3A_300, %add3A_307 : i32
      %min3A_309 = arith.constant 31 : i32
      %min3A_310 = arith.minsi %add3A_308, %min3A_309 : i32
      %dma_start3A_311 = arith.constant 0 : i32
      %dma_start3A_312 = tpu.memref_slice %arg7[%min3A_310, %dma_start3A_311] : memref<32x80xi32, #tpu.memory_space<vmem>> -> memref<1x80xi32, #tpu.memory_space<vmem>>
      %dma_start3A_313 = tpu.memref_squeeze %dma_start3A_312 : memref<1x80xi32, #tpu.memory_space<vmem>> -> memref<80xi32, #tpu.memory_space<vmem>>
      %dma_start3A_314 = arith.constant 0 : i32
      %dma_start3A_315 = arith.constant 0 : i32
      %dma_start3A_316 = tpu.memref_slice %arg4[%dma_start3A_314, %dma_start3A_315] : memref<10240x128xf32, #tpu.memory_space<hbm>> -> memref<10240x128xf32, #tpu.memory_space<hbm>>
      tpu.enqueue_indirect_dma source(%dma_start3A_316 : memref<10240x128xf32, #tpu.memory_space<hbm>>) target(%arg12 : memref<80x128xf32, #tpu.memory_space<vmem>>) offsets(%dma_start3A_313 : memref<80xi32, #tpu.memory_space<vmem>>) semaphore(%arg17 : memref<!tpu.dma_semaphore, #tpu.memory_space<semaphore_mem>>)
    }
    %scan3A_149 = arith.constant 8 : i32
    %dma_wait3A_150 = arith.constant 0 : i32
    %dma_wait3A_151 = arith.constant 0 : i32
    %dma_wait3A_152 = tpu.memref_slice %arg4[%dma_wait3A_150, %dma_wait3A_151] : memref<10240x128xf32, #tpu.memory_space<hbm>> -> memref<80x128xf32, #tpu.memory_space<hbm>>
    %dma_wait3A_153 = arith.constant 0 : i32
    %dma_wait3A_154 = arith.constant 0 : i32
    %dma_wait3A_155 = tpu.memref_slice %arg4[%dma_wait3A_153, %dma_wait3A_154] : memref<10240x128xf32, #tpu.memory_space<hbm>> -> memref<80x128xf32, #tpu.memory_space<hbm>>
    tpu.wait_dma2 semaphore(%arg14 : memref<!tpu.dma_semaphore, #tpu.memory_space<semaphore_mem>>) src(%dma_wait3A_155 : memref<80x128xf32, #tpu.memory_space<hbm>>) dst(%arg9 : memref<80x128xf32, #tpu.memory_space<vmem>>)
    %dma_wait3A_156 = arith.constant 0 : i32
    %dma_wait3A_157 = arith.constant 0 : i32
    %dma_wait3A_158 = tpu.memref_slice %arg4[%dma_wait3A_156, %dma_wait3A_157] : memref<10240x128xf32, #tpu.memory_space<hbm>> -> memref<80x128xf32, #tpu.memory_space<hbm>>
    %dma_wait3A_159 = arith.constant 0 : i32
    %dma_wait3A_160 = arith.constant 0 : i32
    %dma_wait3A_161 = tpu.memref_slice %arg4[%dma_wait3A_159, %dma_wait3A_160] : memref<10240x128xf32, #tpu.memory_space<hbm>> -> memref<80x128xf32, #tpu.memory_space<hbm>>
    tpu.wait_dma2 semaphore(%arg15 : memref<!tpu.dma_semaphore, #tpu.memory_space<semaphore_mem>>) src(%dma_wait3A_161 : memref<80x128xf32, #tpu.memory_space<hbm>>) dst(%arg10 : memref<80x128xf32, #tpu.memory_space<vmem>>)
    %dma_wait3A_162 = arith.constant 0 : i32
    %dma_wait3A_163 = arith.constant 0 : i32
    %dma_wait3A_164 = tpu.memref_slice %arg4[%dma_wait3A_162, %dma_wait3A_163] : memref<10240x128xf32, #tpu.memory_space<hbm>> -> memref<80x128xf32, #tpu.memory_space<hbm>>
    %dma_wait3A_165 = arith.constant 0 : i32
    %dma_wait3A_166 = arith.constant 0 : i32
    %dma_wait3A_167 = tpu.memref_slice %arg4[%dma_wait3A_165, %dma_wait3A_166] : memref<10240x128xf32, #tpu.memory_space<hbm>> -> memref<80x128xf32, #tpu.memory_space<hbm>>
    tpu.wait_dma2 semaphore(%arg16 : memref<!tpu.dma_semaphore, #tpu.memory_space<semaphore_mem>>) src(%dma_wait3A_167 : memref<80x128xf32, #tpu.memory_space<hbm>>) dst(%arg11 : memref<80x128xf32, #tpu.memory_space<vmem>>)
    %dma_wait3A_168 = arith.constant 0 : i32
    %dma_wait3A_169 = arith.constant 0 : i32
    %dma_wait3A_170 = tpu.memref_slice %arg4[%dma_wait3A_168, %dma_wait3A_169] : memref<10240x128xf32, #tpu.memory_space<hbm>> -> memref<80x128xf32, #tpu.memory_space<hbm>>
    %dma_wait3A_171 = arith.constant 0 : i32
    %dma_wait3A_172 = arith.constant 0 : i32
    %dma_wait3A_173 = tpu.memref_slice %arg4[%dma_wait3A_171, %dma_wait3A_172] : memref<10240x128xf32, #tpu.memory_space<hbm>> -> memref<80x128xf32, #tpu.memory_space<hbm>>
    tpu.wait_dma2 semaphore(%arg17 : memref<!tpu.dma_semaphore, #tpu.memory_space<semaphore_mem>>) src(%dma_wait3A_173 : memref<80x128xf32, #tpu.memory_space<hbm>>) dst(%arg12 : memref<80x128xf32, #tpu.memory_space<vmem>>)
    "tpu.region"() ({
      %run_scoped3A = tpu.sem_alloc : memref<!tpu.dma_semaphore, #tpu.memory_space<semaphore_mem>>
      %dma_start3A_237 = arith.constant 96 : i32
      %dma_start3A_238 = arith.constant 0 : i32
      %dma_start3A_239 = tpu.memref_slice %arg2[%add3A, %dma_start3A_237, %dma_start3A_238] : memref<32x128x80xi32, #tpu.memory_space<hbm>> -> memref<1x32x80xi32, #tpu.memory_space<hbm>>
      %dma_start3A_240 = tpu.memref_squeeze %dma_start3A_239 : memref<1x32x80xi32, #tpu.memory_space<hbm>> -> memref<32x80xi32, #tpu.memory_space<hbm>>
      %dma_start3A_241 = arith.constant 96 : i32
      %dma_start3A_242 = arith.constant 0 : i32
      %dma_start3A_243 = tpu.memref_slice %arg2[%add3A, %dma_start3A_241, %dma_start3A_242] : memref<32x128x80xi32, #tpu.memory_space<hbm>> -> memref<1x32x80xi32, #tpu.memory_space<hbm>>
      %dma_start3A_244 = tpu.memref_squeeze %dma_start3A_243 : memref<1x32x80xi32, #tpu.memory_space<hbm>> -> memref<32x80xi32, #tpu.memory_space<hbm>>
      tpu.enqueue_dma source(%dma_start3A_244 : memref<32x80xi32, #tpu.memory_space<hbm>>) target(%arg7 : memref<32x80xi32, #tpu.memory_space<vmem>>) target_semaphore(%run_scoped3A : memref<!tpu.dma_semaphore, #tpu.memory_space<semaphore_mem>>)
      %dma_wait3A_245 = arith.constant 96 : i32
      %dma_wait3A_246 = arith.constant 0 : i32
      %dma_wait3A_247 = tpu.memref_slice %arg2[%add3A, %dma_wait3A_245, %dma_wait3A_246] : memref<32x128x80xi32, #tpu.memory_space<hbm>> -> memref<1x32x80xi32, #tpu.memory_space<hbm>>
      %dma_wait3A_248 = tpu.memref_squeeze %dma_wait3A_247 : memref<1x32x80xi32, #tpu.memory_space<hbm>> -> memref<32x80xi32, #tpu.memory_space<hbm>>
      %dma_wait3A_249 = arith.constant 96 : i32
      %dma_wait3A_250 = arith.constant 0 : i32
      %dma_wait3A_251 = tpu.memref_slice %arg2[%add3A, %dma_wait3A_249, %dma_wait3A_250] : memref<32x128x80xi32, #tpu.memory_space<hbm>> -> memref<1x32x80xi32, #tpu.memory_space<hbm>>
      %dma_wait3A_252 = tpu.memref_squeeze %dma_wait3A_251 : memref<1x32x80xi32, #tpu.memory_space<hbm>> -> memref<32x80xi32, #tpu.memory_space<hbm>>
      tpu.wait_dma2 semaphore(%run_scoped3A : memref<!tpu.dma_semaphore, #tpu.memory_space<semaphore_mem>>) src(%dma_wait3A_252 : memref<32x80xi32, #tpu.memory_space<hbm>>) dst(%arg7 : memref<32x80xi32, #tpu.memory_space<vmem>>)
      tpu.yield
    }) : () -> ()
    "tpu.region"() ({
      %run_scoped3A = tpu.sem_alloc : memref<!tpu.dma_semaphore, #tpu.memory_space<semaphore_mem>>
      %dma_start3A_237 = arith.constant 96 : i32
      %dma_start3A_238 = arith.constant 0 : i32
      %dma_start3A_239 = tpu.memref_slice %arg3[%add3A, %dma_start3A_237, %dma_start3A_238] : memref<32x128x80xi32, #tpu.memory_space<hbm>> -> memref<1x32x80xi32, #tpu.memory_space<hbm>>
      %dma_start3A_240 = tpu.memref_squeeze %dma_start3A_239 : memref<1x32x80xi32, #tpu.memory_space<hbm>> -> memref<32x80xi32, #tpu.memory_space<hbm>>
      %dma_start3A_241 = arith.constant 96 : i32
      %dma_start3A_242 = arith.constant 0 : i32
      %dma_start3A_243 = tpu.memref_slice %arg3[%add3A, %dma_start3A_241, %dma_start3A_242] : memref<32x128x80xi32, #tpu.memory_space<hbm>> -> memref<1x32x80xi32, #tpu.memory_space<hbm>>
      %dma_start3A_244 = tpu.memref_squeeze %dma_start3A_243 : memref<1x32x80xi32, #tpu.memory_space<hbm>> -> memref<32x80xi32, #tpu.memory_space<hbm>>
      tpu.enqueue_dma source(%dma_start3A_244 : memref<32x80xi32, #tpu.memory_space<hbm>>) target(%arg8 : memref<32x80xi32, #tpu.memory_space<vmem>>) target_semaphore(%run_scoped3A : memref<!tpu.dma_semaphore, #tpu.memory_space<semaphore_mem>>)
      %dma_wait3A_245 = arith.constant 96 : i32
      %dma_wait3A_246 = arith.constant 0 : i32
      %dma_wait3A_247 = tpu.memref_slice %arg3[%add3A, %dma_wait3A_245, %dma_wait3A_246] : memref<32x128x80xi32, #tpu.memory_space<hbm>> -> memref<1x32x80xi32, #tpu.memory_space<hbm>>
      %dma_wait3A_248 = tpu.memref_squeeze %dma_wait3A_247 : memref<1x32x80xi32, #tpu.memory_space<hbm>> -> memref<32x80xi32, #tpu.memory_space<hbm>>
      %dma_wait3A_249 = arith.constant 96 : i32
      %dma_wait3A_250 = arith.constant 0 : i32
      %dma_wait3A_251 = tpu.memref_slice %arg3[%add3A, %dma_wait3A_249, %dma_wait3A_250] : memref<32x128x80xi32, #tpu.memory_space<hbm>> -> memref<1x32x80xi32, #tpu.memory_space<hbm>>
      %dma_wait3A_252 = tpu.memref_squeeze %dma_wait3A_251 : memref<1x32x80xi32, #tpu.memory_space<hbm>> -> memref<32x80xi32, #tpu.memory_space<hbm>>
      tpu.wait_dma2 semaphore(%run_scoped3A : memref<!tpu.dma_semaphore, #tpu.memory_space<semaphore_mem>>) src(%dma_wait3A_252 : memref<32x80xi32, #tpu.memory_space<hbm>>) dst(%arg8 : memref<32x80xi32, #tpu.memory_space<vmem>>)
      tpu.yield
    }) : () -> ()
    %dma_start3A_174 = arith.constant 0 : i32
    %dma_start3A_175 = arith.constant 0 : i32
    %dma_start3A_176 = tpu.memref_slice %arg7[%dma_start3A_174, %dma_start3A_175] : memref<32x80xi32, #tpu.memory_space<vmem>> -> memref<1x80xi32, #tpu.memory_space<vmem>>
    %dma_start3A_177 = tpu.memref_squeeze %dma_start3A_176 : memref<1x80xi32, #tpu.memory_space<vmem>> -> memref<80xi32, #tpu.memory_space<vmem>>
    %dma_start3A_178 = arith.constant 0 : i32
    %dma_start3A_179 = arith.constant 0 : i32
    %dma_start3A_180 = tpu.memref_slice %arg4[%dma_start3A_178, %dma_start3A_179] : memref<10240x128xf32, #tpu.memory_space<hbm>> -> memref<10240x128xf32, #tpu.memory_space<hbm>>
    tpu.enqueue_indirect_dma source(%dma_start3A_180 : memref<10240x128xf32, #tpu.memory_space<hbm>>) target(%arg9 : memref<80x128xf32, #tpu.memory_space<vmem>>) offsets(%dma_start3A_177 : memref<80xi32, #tpu.memory_space<vmem>>) semaphore(%arg14 : memref<!tpu.dma_semaphore, #tpu.memory_space<semaphore_mem>>)
    %dma_start3A_181 = arith.constant 1 : i32
    %dma_start3A_182 = arith.constant 0 : i32
    %dma_start3A_183 = tpu.memref_slice %arg7[%dma_start3A_181, %dma_start3A_182] : memref<32x80xi32, #tpu.memory_space<vmem>> -> memref<1x80xi32, #tpu.memory_space<vmem>>
    %dma_start3A_184 = tpu.memref_squeeze %dma_start3A_183 : memref<1x80xi32, #tpu.memory_space<vmem>> -> memref<80xi32, #tpu.memory_space<vmem>>
    %dma_start3A_185 = arith.constant 0 : i32
    %dma_start3A_186 = arith.constant 0 : i32
    %dma_start3A_187 = tpu.memref_slice %arg4[%dma_start3A_185, %dma_start3A_186] : memref<10240x128xf32, #tpu.memory_space<hbm>> -> memref<10240x128xf32, #tpu.memory_space<hbm>>
    tpu.enqueue_indirect_dma source(%dma_start3A_187 : memref<10240x128xf32, #tpu.memory_space<hbm>>) target(%arg10 : memref<80x128xf32, #tpu.memory_space<vmem>>) offsets(%dma_start3A_184 : memref<80xi32, #tpu.memory_space<vmem>>) semaphore(%arg15 : memref<!tpu.dma_semaphore, #tpu.memory_space<semaphore_mem>>)
    %dma_start3A_188 = arith.constant 2 : i32
    %dma_start3A_189 = arith.constant 0 : i32
    %dma_start3A_190 = tpu.memref_slice %arg7[%dma_start3A_188, %dma_start3A_189] : memref<32x80xi32, #tpu.memory_space<vmem>> -> memref<1x80xi32, #tpu.memory_space<vmem>>
    %dma_start3A_191 = tpu.memref_squeeze %dma_start3A_190 : memref<1x80xi32, #tpu.memory_space<vmem>> -> memref<80xi32, #tpu.memory_space<vmem>>
    %dma_start3A_192 = arith.constant 0 : i32
    %dma_start3A_193 = arith.constant 0 : i32
    %dma_start3A_194 = tpu.memref_slice %arg4[%dma_start3A_192, %dma_start3A_193] : memref<10240x128xf32, #tpu.memory_space<hbm>> -> memref<10240x128xf32, #tpu.memory_space<hbm>>
    tpu.enqueue_indirect_dma source(%dma_start3A_194 : memref<10240x128xf32, #tpu.memory_space<hbm>>) target(%arg11 : memref<80x128xf32, #tpu.memory_space<vmem>>) offsets(%dma_start3A_191 : memref<80xi32, #tpu.memory_space<vmem>>) semaphore(%arg16 : memref<!tpu.dma_semaphore, #tpu.memory_space<semaphore_mem>>)
    %dma_start3A_195 = arith.constant 3 : i32
    %dma_start3A_196 = arith.constant 0 : i32
    %dma_start3A_197 = tpu.memref_slice %arg7[%dma_start3A_195, %dma_start3A_196] : memref<32x80xi32, #tpu.memory_space<vmem>> -> memref<1x80xi32, #tpu.memory_space<vmem>>
    %dma_start3A_198 = tpu.memref_squeeze %dma_start3A_197 : memref<1x80xi32, #tpu.memory_space<vmem>> -> memref<80xi32, #tpu.memory_space<vmem>>
    %dma_start3A_199 = arith.constant 0 : i32
    %dma_start3A_200 = arith.constant 0 : i32
    %dma_start3A_201 = tpu.memref_slice %arg4[%dma_start3A_199, %dma_start3A_200] : memref<10240x128xf32, #tpu.memory_space<hbm>> -> memref<10240x128xf32, #tpu.memory_space<hbm>>
    tpu.enqueue_indirect_dma source(%dma_start3A_201 : memref<10240x128xf32, #tpu.memory_space<hbm>>) target(%arg12 : memref<80x128xf32, #tpu.memory_space<vmem>>) offsets(%dma_start3A_198 : memref<80xi32, #tpu.memory_space<vmem>>) semaphore(%arg17 : memref<!tpu.dma_semaphore, #tpu.memory_space<semaphore_mem>>)
    %scan3A_202 = arith.constant 0 : i32
    %scan3A_203 = arith.constant 0 : i32
    %scan3A_204 = arith.constant 8 : i32
    %scan3A_205 = arith.addi %scan3A_203, %scan3A_204 : i32
    %scan3A_206 = arith.constant 1 : i32
    scf.for %scan3A_237 = %scan3A_203 to %scan3A_205 step %scan3A_206  : i32 {
      %mul3A_238 = arith.constant 4 : i32
      %mul3A_239 = arith.muli %scan3A_237, %mul3A_238 : i32
      %add3A_240 = arith.constant 0 : i32
      %add3A_241 = arith.addi %mul3A_239, %add3A_240 : i32
      %dma_wait3A_242 = arith.constant 0 : i32
      %dma_wait3A_243 = arith.constant 0 : i32
      %dma_wait3A_244 = tpu.memref_slice %arg4[%dma_wait3A_242, %dma_wait3A_243] : memref<10240x128xf32, #tpu.memory_space<hbm>> -> memref<80x128xf32, #tpu.memory_space<hbm>>
      %dma_wait3A_245 = arith.constant 0 : i32
      %dma_wait3A_246 = arith.constant 0 : i32
      %dma_wait3A_247 = tpu.memref_slice %arg4[%dma_wait3A_245, %dma_wait3A_246] : memref<10240x128xf32, #tpu.memory_space<hbm>> -> memref<80x128xf32, #tpu.memory_space<hbm>>
      tpu.wait_dma2 semaphore(%arg14 : memref<!tpu.dma_semaphore, #tpu.memory_space<semaphore_mem>>) src(%dma_wait3A_247 : memref<80x128xf32, #tpu.memory_space<hbm>>) dst(%arg9 : memref<80x128xf32, #tpu.memory_space<vmem>>)
      "tpu.region"() ({
        %run_scoped3A = tpu.sem_alloc : memref<!tpu.dma_semaphore, #tpu.memory_space<semaphore_mem>>
        %dma_start3A_317 = arith.constant 0 : i32
        %dma_start3A_318 = tpu.memref_slice %arg8[%add3A_241, %dma_start3A_317] : memref<32x80xi32, #tpu.memory_space<vmem>> -> memref<1x80xi32, #tpu.memory_space<vmem>>
        %dma_start3A_319 = tpu.memref_squeeze %dma_start3A_318 : memref<1x80xi32, #tpu.memory_space<vmem>> -> memref<80xi32, #tpu.memory_space<vmem>>
        %dma_start3A_320 = arith.constant 0 : i32
        %dma_start3A_321 = arith.constant 0 : i32
        %dma_start3A_322 = tpu.memref_slice %arg13[%dma_start3A_320, %dma_start3A_321] : memref<10240x128xf32, #tpu.memory_space<vmem_shared>> -> memref<10240x128xf32, #tpu.memory_space<vmem_shared>>
        tpu.enqueue_indirect_dma source(%arg9 : memref<80x128xf32, #tpu.memory_space<vmem>>) target(%dma_start3A_322 : memref<10240x128xf32, #tpu.memory_space<vmem_shared>>) offsets(%dma_start3A_319 : memref<80xi32, #tpu.memory_space<vmem>>) semaphore(%run_scoped3A : memref<!tpu.dma_semaphore, #tpu.memory_space<semaphore_mem>>) {add = true}
        %dma_wait3A_323 = arith.constant 0 : i32
        %dma_wait3A_324 = tpu.memref_slice %arg8[%add3A_241, %dma_wait3A_323] : memref<32x80xi32, #tpu.memory_space<vmem>> -> memref<1x80xi32, #tpu.memory_space<vmem>>
        %dma_wait3A_325 = tpu.memref_squeeze %dma_wait3A_324 : memref<1x80xi32, #tpu.memory_space<vmem>> -> memref<80xi32, #tpu.memory_space<vmem>>
        %dma_wait3A_326 = arith.constant 0 : i32
        %dma_wait3A_327 = arith.constant 0 : i32
        %dma_wait3A_328 = tpu.memref_slice %arg13[%dma_wait3A_326, %dma_wait3A_327] : memref<10240x128xf32, #tpu.memory_space<vmem_shared>> -> memref<10240x128xf32, #tpu.memory_space<vmem_shared>>
        tpu.wait_indirect_dma semaphore(%run_scoped3A : memref<!tpu.dma_semaphore, #tpu.memory_space<semaphore_mem>>) src(%arg9 : memref<80x128xf32, #tpu.memory_space<vmem>>) dst(%dma_wait3A_328 : memref<10240x128xf32, #tpu.memory_space<vmem_shared>>)
        tpu.yield
      }) : () -> ()
      %add3A_248 = arith.constant 4 : i32
      %add3A_249 = arith.addi %add3A_241, %add3A_248 : i32
      %min3A = arith.constant 31 : i32
      %min3A_250 = arith.minsi %add3A_249, %min3A : i32
      %dma_start3A_251 = arith.constant 0 : i32
      %dma_start3A_252 = tpu.memref_slice %arg7[%min3A_250, %dma_start3A_251] : memref<32x80xi32, #tpu.memory_space<vmem>> -> memref<1x80xi32, #tpu.memory_space<vmem>>
      %dma_start3A_253 = tpu.memref_squeeze %dma_start3A_252 : memref<1x80xi32, #tpu.memory_space<vmem>> -> memref<80xi32, #tpu.memory_space<vmem>>
      %dma_start3A_254 = arith.constant 0 : i32
      %dma_start3A_255 = arith.constant 0 : i32
      %dma_start3A_256 = tpu.memref_slice %arg4[%dma_start3A_254, %dma_start3A_255] : memref<10240x128xf32, #tpu.memory_space<hbm>> -> memref<10240x128xf32, #tpu.memory_space<hbm>>
      tpu.enqueue_indirect_dma source(%dma_start3A_256 : memref<10240x128xf32, #tpu.memory_space<hbm>>) target(%arg9 : memref<80x128xf32, #tpu.memory_space<vmem>>) offsets(%dma_start3A_253 : memref<80xi32, #tpu.memory_space<vmem>>) semaphore(%arg14 : memref<!tpu.dma_semaphore, #tpu.memory_space<semaphore_mem>>)
      %mul3A_257 = arith.constant 4 : i32
      %mul3A_258 = arith.muli %scan3A_237, %mul3A_257 : i32
      %add3A_259 = arith.constant 1 : i32
      %add3A_260 = arith.addi %mul3A_258, %add3A_259 : i32
      %dma_wait3A_261 = arith.constant 0 : i32
      %dma_wait3A_262 = arith.constant 0 : i32
      %dma_wait3A_263 = tpu.memref_slice %arg4[%dma_wait3A_261, %dma_wait3A_262] : memref<10240x128xf32, #tpu.memory_space<hbm>> -> memref<80x128xf32, #tpu.memory_space<hbm>>
      %dma_wait3A_264 = arith.constant 0 : i32
      %dma_wait3A_265 = arith.constant 0 : i32
      %dma_wait3A_266 = tpu.memref_slice %arg4[%dma_wait3A_264, %dma_wait3A_265] : memref<10240x128xf32, #tpu.memory_space<hbm>> -> memref<80x128xf32, #tpu.memory_space<hbm>>
      tpu.wait_dma2 semaphore(%arg15 : memref<!tpu.dma_semaphore, #tpu.memory_space<semaphore_mem>>) src(%dma_wait3A_266 : memref<80x128xf32, #tpu.memory_space<hbm>>) dst(%arg10 : memref<80x128xf32, #tpu.memory_space<vmem>>)
      "tpu.region"() ({
        %run_scoped3A = tpu.sem_alloc : memref<!tpu.dma_semaphore, #tpu.memory_space<semaphore_mem>>
        %dma_start3A_317 = arith.constant 0 : i32
        %dma_start3A_318 = tpu.memref_slice %arg8[%add3A_260, %dma_start3A_317] : memref<32x80xi32, #tpu.memory_space<vmem>> -> memref<1x80xi32, #tpu.memory_space<vmem>>
        %dma_start3A_319 = tpu.memref_squeeze %dma_start3A_318 : memref<1x80xi32, #tpu.memory_space<vmem>> -> memref<80xi32, #tpu.memory_space<vmem>>
        %dma_start3A_320 = arith.constant 0 : i32
        %dma_start3A_321 = arith.constant 0 : i32
        %dma_start3A_322 = tpu.memref_slice %arg13[%dma_start3A_320, %dma_start3A_321] : memref<10240x128xf32, #tpu.memory_space<vmem_shared>> -> memref<10240x128xf32, #tpu.memory_space<vmem_shared>>
        tpu.enqueue_indirect_dma source(%arg10 : memref<80x128xf32, #tpu.memory_space<vmem>>) target(%dma_start3A_322 : memref<10240x128xf32, #tpu.memory_space<vmem_shared>>) offsets(%dma_start3A_319 : memref<80xi32, #tpu.memory_space<vmem>>) semaphore(%run_scoped3A : memref<!tpu.dma_semaphore, #tpu.memory_space<semaphore_mem>>) {add = true}
        %dma_wait3A_323 = arith.constant 0 : i32
        %dma_wait3A_324 = tpu.memref_slice %arg8[%add3A_260, %dma_wait3A_323] : memref<32x80xi32, #tpu.memory_space<vmem>> -> memref<1x80xi32, #tpu.memory_space<vmem>>
        %dma_wait3A_325 = tpu.memref_squeeze %dma_wait3A_324 : memref<1x80xi32, #tpu.memory_space<vmem>> -> memref<80xi32, #tpu.memory_space<vmem>>
        %dma_wait3A_326 = arith.constant 0 : i32
        %dma_wait3A_327 = arith.constant 0 : i32
        %dma_wait3A_328 = tpu.memref_slice %arg13[%dma_wait3A_326, %dma_wait3A_327] : memref<10240x128xf32, #tpu.memory_space<vmem_shared>> -> memref<10240x128xf32, #tpu.memory_space<vmem_shared>>
        tpu.wait_indirect_dma semaphore(%run_scoped3A : memref<!tpu.dma_semaphore, #tpu.memory_space<semaphore_mem>>) src(%arg10 : memref<80x128xf32, #tpu.memory_space<vmem>>) dst(%dma_wait3A_328 : memref<10240x128xf32, #tpu.memory_space<vmem_shared>>)
        tpu.yield
      }) : () -> ()
      %add3A_267 = arith.constant 4 : i32
      %add3A_268 = arith.addi %add3A_260, %add3A_267 : i32
      %min3A_269 = arith.constant 31 : i32
      %min3A_270 = arith.minsi %add3A_268, %min3A_269 : i32
      %dma_start3A_271 = arith.constant 0 : i32
      %dma_start3A_272 = tpu.memref_slice %arg7[%min3A_270, %dma_start3A_271] : memref<32x80xi32, #tpu.memory_space<vmem>> -> memref<1x80xi32, #tpu.memory_space<vmem>>
      %dma_start3A_273 = tpu.memref_squeeze %dma_start3A_272 : memref<1x80xi32, #tpu.memory_space<vmem>> -> memref<80xi32, #tpu.memory_space<vmem>>
      %dma_start3A_274 = arith.constant 0 : i32
      %dma_start3A_275 = arith.constant 0 : i32
      %dma_start3A_276 = tpu.memref_slice %arg4[%dma_start3A_274, %dma_start3A_275] : memref<10240x128xf32, #tpu.memory_space<hbm>> -> memref<10240x128xf32, #tpu.memory_space<hbm>>
      tpu.enqueue_indirect_dma source(%dma_start3A_276 : memref<10240x128xf32, #tpu.memory_space<hbm>>) target(%arg10 : memref<80x128xf32, #tpu.memory_space<vmem>>) offsets(%dma_start3A_273 : memref<80xi32, #tpu.memory_space<vmem>>) semaphore(%arg15 : memref<!tpu.dma_semaphore, #tpu.memory_space<semaphore_mem>>)
      %mul3A_277 = arith.constant 4 : i32
      %mul3A_278 = arith.muli %scan3A_237, %mul3A_277 : i32
      %add3A_279 = arith.constant 2 : i32
      %add3A_280 = arith.addi %mul3A_278, %add3A_279 : i32
      %dma_wait3A_281 = arith.constant 0 : i32
      %dma_wait3A_282 = arith.constant 0 : i32
      %dma_wait3A_283 = tpu.memref_slice %arg4[%dma_wait3A_281, %dma_wait3A_282] : memref<10240x128xf32, #tpu.memory_space<hbm>> -> memref<80x128xf32, #tpu.memory_space<hbm>>
      %dma_wait3A_284 = arith.constant 0 : i32
      %dma_wait3A_285 = arith.constant 0 : i32
      %dma_wait3A_286 = tpu.memref_slice %arg4[%dma_wait3A_284, %dma_wait3A_285] : memref<10240x128xf32, #tpu.memory_space<hbm>> -> memref<80x128xf32, #tpu.memory_space<hbm>>
      tpu.wait_dma2 semaphore(%arg16 : memref<!tpu.dma_semaphore, #tpu.memory_space<semaphore_mem>>) src(%dma_wait3A_286 : memref<80x128xf32, #tpu.memory_space<hbm>>) dst(%arg11 : memref<80x128xf32, #tpu.memory_space<vmem>>)
      "tpu.region"() ({
        %run_scoped3A = tpu.sem_alloc : memref<!tpu.dma_semaphore, #tpu.memory_space<semaphore_mem>>
        %dma_start3A_317 = arith.constant 0 : i32
        %dma_start3A_318 = tpu.memref_slice %arg8[%add3A_280, %dma_start3A_317] : memref<32x80xi32, #tpu.memory_space<vmem>> -> memref<1x80xi32, #tpu.memory_space<vmem>>
        %dma_start3A_319 = tpu.memref_squeeze %dma_start3A_318 : memref<1x80xi32, #tpu.memory_space<vmem>> -> memref<80xi32, #tpu.memory_space<vmem>>
        %dma_start3A_320 = arith.constant 0 : i32
        %dma_start3A_321 = arith.constant 0 : i32
        %dma_start3A_322 = tpu.memref_slice %arg13[%dma_start3A_320, %dma_start3A_321] : memref<10240x128xf32, #tpu.memory_space<vmem_shared>> -> memref<10240x128xf32, #tpu.memory_space<vmem_shared>>
        tpu.enqueue_indirect_dma source(%arg11 : memref<80x128xf32, #tpu.memory_space<vmem>>) target(%dma_start3A_322 : memref<10240x128xf32, #tpu.memory_space<vmem_shared>>) offsets(%dma_start3A_319 : memref<80xi32, #tpu.memory_space<vmem>>) semaphore(%run_scoped3A : memref<!tpu.dma_semaphore, #tpu.memory_space<semaphore_mem>>) {add = true}
        %dma_wait3A_323 = arith.constant 0 : i32
        %dma_wait3A_324 = tpu.memref_slice %arg8[%add3A_280, %dma_wait3A_323] : memref<32x80xi32, #tpu.memory_space<vmem>> -> memref<1x80xi32, #tpu.memory_space<vmem>>
        %dma_wait3A_325 = tpu.memref_squeeze %dma_wait3A_324 : memref<1x80xi32, #tpu.memory_space<vmem>> -> memref<80xi32, #tpu.memory_space<vmem>>
        %dma_wait3A_326 = arith.constant 0 : i32
        %dma_wait3A_327 = arith.constant 0 : i32
        %dma_wait3A_328 = tpu.memref_slice %arg13[%dma_wait3A_326, %dma_wait3A_327] : memref<10240x128xf32, #tpu.memory_space<vmem_shared>> -> memref<10240x128xf32, #tpu.memory_space<vmem_shared>>
        tpu.wait_indirect_dma semaphore(%run_scoped3A : memref<!tpu.dma_semaphore, #tpu.memory_space<semaphore_mem>>) src(%arg11 : memref<80x128xf32, #tpu.memory_space<vmem>>) dst(%dma_wait3A_328 : memref<10240x128xf32, #tpu.memory_space<vmem_shared>>)
        tpu.yield
      }) : () -> ()
      %add3A_287 = arith.constant 4 : i32
      %add3A_288 = arith.addi %add3A_280, %add3A_287 : i32
      %min3A_289 = arith.constant 31 : i32
      %min3A_290 = arith.minsi %add3A_288, %min3A_289 : i32
      %dma_start3A_291 = arith.constant 0 : i32
      %dma_start3A_292 = tpu.memref_slice %arg7[%min3A_290, %dma_start3A_291] : memref<32x80xi32, #tpu.memory_space<vmem>> -> memref<1x80xi32, #tpu.memory_space<vmem>>
      %dma_start3A_293 = tpu.memref_squeeze %dma_start3A_292 : memref<1x80xi32, #tpu.memory_space<vmem>> -> memref<80xi32, #tpu.memory_space<vmem>>
      %dma_start3A_294 = arith.constant 0 : i32
      %dma_start3A_295 = arith.constant 0 : i32
      %dma_start3A_296 = tpu.memref_slice %arg4[%dma_start3A_294, %dma_start3A_295] : memref<10240x128xf32, #tpu.memory_space<hbm>> -> memref<10240x128xf32, #tpu.memory_space<hbm>>
      tpu.enqueue_indirect_dma source(%dma_start3A_296 : memref<10240x128xf32, #tpu.memory_space<hbm>>) target(%arg11 : memref<80x128xf32, #tpu.memory_space<vmem>>) offsets(%dma_start3A_293 : memref<80xi32, #tpu.memory_space<vmem>>) semaphore(%arg16 : memref<!tpu.dma_semaphore, #tpu.memory_space<semaphore_mem>>)
      %mul3A_297 = arith.constant 4 : i32
      %mul3A_298 = arith.muli %scan3A_237, %mul3A_297 : i32
      %add3A_299 = arith.constant 3 : i32
      %add3A_300 = arith.addi %mul3A_298, %add3A_299 : i32
      %dma_wait3A_301 = arith.constant 0 : i32
      %dma_wait3A_302 = arith.constant 0 : i32
      %dma_wait3A_303 = tpu.memref_slice %arg4[%dma_wait3A_301, %dma_wait3A_302] : memref<10240x128xf32, #tpu.memory_space<hbm>> -> memref<80x128xf32, #tpu.memory_space<hbm>>
      %dma_wait3A_304 = arith.constant 0 : i32
      %dma_wait3A_305 = arith.constant 0 : i32
      %dma_wait3A_306 = tpu.memref_slice %arg4[%dma_wait3A_304, %dma_wait3A_305] : memref<10240x128xf32, #tpu.memory_space<hbm>> -> memref<80x128xf32, #tpu.memory_space<hbm>>
      tpu.wait_dma2 semaphore(%arg17 : memref<!tpu.dma_semaphore, #tpu.memory_space<semaphore_mem>>) src(%dma_wait3A_306 : memref<80x128xf32, #tpu.memory_space<hbm>>) dst(%arg12 : memref<80x128xf32, #tpu.memory_space<vmem>>)
      "tpu.region"() ({
        %run_scoped3A = tpu.sem_alloc : memref<!tpu.dma_semaphore, #tpu.memory_space<semaphore_mem>>
        %dma_start3A_317 = arith.constant 0 : i32
        %dma_start3A_318 = tpu.memref_slice %arg8[%add3A_300, %dma_start3A_317] : memref<32x80xi32, #tpu.memory_space<vmem>> -> memref<1x80xi32, #tpu.memory_space<vmem>>
        %dma_start3A_319 = tpu.memref_squeeze %dma_start3A_318 : memref<1x80xi32, #tpu.memory_space<vmem>> -> memref<80xi32, #tpu.memory_space<vmem>>
        %dma_start3A_320 = arith.constant 0 : i32
        %dma_start3A_321 = arith.constant 0 : i32
        %dma_start3A_322 = tpu.memref_slice %arg13[%dma_start3A_320, %dma_start3A_321] : memref<10240x128xf32, #tpu.memory_space<vmem_shared>> -> memref<10240x128xf32, #tpu.memory_space<vmem_shared>>
        tpu.enqueue_indirect_dma source(%arg12 : memref<80x128xf32, #tpu.memory_space<vmem>>) target(%dma_start3A_322 : memref<10240x128xf32, #tpu.memory_space<vmem_shared>>) offsets(%dma_start3A_319 : memref<80xi32, #tpu.memory_space<vmem>>) semaphore(%run_scoped3A : memref<!tpu.dma_semaphore, #tpu.memory_space<semaphore_mem>>) {add = true}
        %dma_wait3A_323 = arith.constant 0 : i32
        %dma_wait3A_324 = tpu.memref_slice %arg8[%add3A_300, %dma_wait3A_323] : memref<32x80xi32, #tpu.memory_space<vmem>> -> memref<1x80xi32, #tpu.memory_space<vmem>>
        %dma_wait3A_325 = tpu.memref_squeeze %dma_wait3A_324 : memref<1x80xi32, #tpu.memory_space<vmem>> -> memref<80xi32, #tpu.memory_space<vmem>>
        %dma_wait3A_326 = arith.constant 0 : i32
        %dma_wait3A_327 = arith.constant 0 : i32
        %dma_wait3A_328 = tpu.memref_slice %arg13[%dma_wait3A_326, %dma_wait3A_327] : memref<10240x128xf32, #tpu.memory_space<vmem_shared>> -> memref<10240x128xf32, #tpu.memory_space<vmem_shared>>
        tpu.wait_indirect_dma semaphore(%run_scoped3A : memref<!tpu.dma_semaphore, #tpu.memory_space<semaphore_mem>>) src(%arg12 : memref<80x128xf32, #tpu.memory_space<vmem>>) dst(%dma_wait3A_328 : memref<10240x128xf32, #tpu.memory_space<vmem_shared>>)
        tpu.yield
      }) : () -> ()
      %add3A_307 = arith.constant 4 : i32
      %add3A_308 = arith.addi %add3A_300, %add3A_307 : i32
      %min3A_309 = arith.constant 31 : i32
      %min3A_310 = arith.minsi %add3A_308, %min3A_309 : i32
      %dma_start3A_311 = arith.constant 0 : i32
      %dma_start3A_312 = tpu.memref_slice %arg7[%min3A_310, %dma_start3A_311] : memref<32x80xi32, #tpu.memory_space<vmem>> -> memref<1x80xi32, #tpu.memory_space<vmem>>
      %dma_start3A_313 = tpu.memref_squeeze %dma_start3A_312 : memref<1x80xi32, #tpu.memory_space<vmem>> -> memref<80xi32, #tpu.memory_space<vmem>>
      %dma_start3A_314 = arith.constant 0 : i32
      %dma_start3A_315 = arith.constant 0 : i32
      %dma_start3A_316 = tpu.memref_slice %arg4[%dma_start3A_314, %dma_start3A_315] : memref<10240x128xf32, #tpu.memory_space<hbm>> -> memref<10240x128xf32, #tpu.memory_space<hbm>>
      tpu.enqueue_indirect_dma source(%dma_start3A_316 : memref<10240x128xf32, #tpu.memory_space<hbm>>) target(%arg12 : memref<80x128xf32, #tpu.memory_space<vmem>>) offsets(%dma_start3A_313 : memref<80xi32, #tpu.memory_space<vmem>>) semaphore(%arg17 : memref<!tpu.dma_semaphore, #tpu.memory_space<semaphore_mem>>)
    }
    %scan3A_207 = arith.constant 8 : i32
    %dma_wait3A_208 = arith.constant 0 : i32
    %dma_wait3A_209 = arith.constant 0 : i32
    %dma_wait3A_210 = tpu.memref_slice %arg4[%dma_wait3A_208, %dma_wait3A_209] : memref<10240x128xf32, #tpu.memory_space<hbm>> -> memref<80x128xf32, #tpu.memory_space<hbm>>
    %dma_wait3A_211 = arith.constant 0 : i32
    %dma_wait3A_212 = arith.constant 0 : i32
    %dma_wait3A_213 = tpu.memref_slice %arg4[%dma_wait3A_211, %dma_wait3A_212] : memref<10240x128xf32, #tpu.memory_space<hbm>> -> memref<80x128xf32, #tpu.memory_space<hbm>>
    tpu.wait_dma2 semaphore(%arg14 : memref<!tpu.dma_semaphore, #tpu.memory_space<semaphore_mem>>) src(%dma_wait3A_213 : memref<80x128xf32, #tpu.memory_space<hbm>>) dst(%arg9 : memref<80x128xf32, #tpu.memory_space<vmem>>)
    %dma_wait3A_214 = arith.constant 0 : i32
    %dma_wait3A_215 = arith.constant 0 : i32
    %dma_wait3A_216 = tpu.memref_slice %arg4[%dma_wait3A_214, %dma_wait3A_215] : memref<10240x128xf32, #tpu.memory_space<hbm>> -> memref<80x128xf32, #tpu.memory_space<hbm>>
    %dma_wait3A_217 = arith.constant 0 : i32
    %dma_wait3A_218 = arith.constant 0 : i32
    %dma_wait3A_219 = tpu.memref_slice %arg4[%dma_wait3A_217, %dma_wait3A_218] : memref<10240x128xf32, #tpu.memory_space<hbm>> -> memref<80x128xf32, #tpu.memory_space<hbm>>
    tpu.wait_dma2 semaphore(%arg15 : memref<!tpu.dma_semaphore, #tpu.memory_space<semaphore_mem>>) src(%dma_wait3A_219 : memref<80x128xf32, #tpu.memory_space<hbm>>) dst(%arg10 : memref<80x128xf32, #tpu.memory_space<vmem>>)
    %dma_wait3A_220 = arith.constant 0 : i32
    %dma_wait3A_221 = arith.constant 0 : i32
    %dma_wait3A_222 = tpu.memref_slice %arg4[%dma_wait3A_220, %dma_wait3A_221] : memref<10240x128xf32, #tpu.memory_space<hbm>> -> memref<80x128xf32, #tpu.memory_space<hbm>>
    %dma_wait3A_223 = arith.constant 0 : i32
    %dma_wait3A_224 = arith.constant 0 : i32
    %dma_wait3A_225 = tpu.memref_slice %arg4[%dma_wait3A_223, %dma_wait3A_224] : memref<10240x128xf32, #tpu.memory_space<hbm>> -> memref<80x128xf32, #tpu.memory_space<hbm>>
    tpu.wait_dma2 semaphore(%arg16 : memref<!tpu.dma_semaphore, #tpu.memory_space<semaphore_mem>>) src(%dma_wait3A_225 : memref<80x128xf32, #tpu.memory_space<hbm>>) dst(%arg11 : memref<80x128xf32, #tpu.memory_space<vmem>>)
    %dma_wait3A_226 = arith.constant 0 : i32
    %dma_wait3A_227 = arith.constant 0 : i32
    %dma_wait3A_228 = tpu.memref_slice %arg4[%dma_wait3A_226, %dma_wait3A_227] : memref<10240x128xf32, #tpu.memory_space<hbm>> -> memref<80x128xf32, #tpu.memory_space<hbm>>
    %dma_wait3A_229 = arith.constant 0 : i32
    %dma_wait3A_230 = arith.constant 0 : i32
    %dma_wait3A_231 = tpu.memref_slice %arg4[%dma_wait3A_229, %dma_wait3A_230] : memref<10240x128xf32, #tpu.memory_space<hbm>> -> memref<80x128xf32, #tpu.memory_space<hbm>>
    tpu.wait_dma2 semaphore(%arg17 : memref<!tpu.dma_semaphore, #tpu.memory_space<semaphore_mem>>) src(%dma_wait3A_231 : memref<80x128xf32, #tpu.memory_space<hbm>>) dst(%arg12 : memref<80x128xf32, #tpu.memory_space<vmem>>)
    %barrier3A_232 = arith.constant 0 : index
    tpu.barrier barrier_id(%barrier3A_232)
    %mul3A_233 = arith.constant 640 : i32
    %mul3A_234 = arith.muli %arg1, %mul3A_233 : i32
    %mul3A_235 = arith.constant 640 : i32
    %mul3A_236 = arith.muli %arg1, %mul3A_235 : i32
    "tpu.region"() ({
      %run_scoped3A = tpu.sem_alloc : memref<!tpu.dma_semaphore, #tpu.memory_space<semaphore_mem>>
      %dma_start3A_237 = arith.constant 0 : i32
      %dma_start3A_238 = tpu.memref_slice %arg6[%arg0, %mul3A_236, %dma_start3A_237] : memref<2x10240x128xf32, #tpu.memory_space<hbm>> -> memref<1x640x128xf32, #tpu.memory_space<hbm>>
      %dma_start3A_239 = tpu.memref_squeeze %dma_start3A_238 : memref<1x640x128xf32, #tpu.memory_space<hbm>> -> memref<640x128xf32, #tpu.memory_space<hbm>>
      %dma_start3A_240 = arith.constant 0 : i32
      %dma_start3A_241 = tpu.memref_slice %arg13[%mul3A_234, %dma_start3A_240] : memref<10240x128xf32, #tpu.memory_space<vmem_shared>> -> memref<640x128xf32, #tpu.memory_space<vmem_shared>>
      tpu.enqueue_dma source(%dma_start3A_241 : memref<640x128xf32, #tpu.memory_space<vmem_shared>>) target(%dma_start3A_239 : memref<640x128xf32, #tpu.memory_space<hbm>>) target_semaphore(%run_scoped3A : memref<!tpu.dma_semaphore, #tpu.memory_space<semaphore_mem>>)
      %dma_wait3A_242 = arith.constant 0 : i32
      %dma_wait3A_243 = tpu.memref_slice %arg6[%arg0, %mul3A_236, %dma_wait3A_242] : memref<2x10240x128xf32, #tpu.memory_space<hbm>> -> memref<1x640x128xf32, #tpu.memory_space<hbm>>
      %dma_wait3A_244 = tpu.memref_squeeze %dma_wait3A_243 : memref<1x640x128xf32, #tpu.memory_space<hbm>> -> memref<640x128xf32, #tpu.memory_space<hbm>>
      %dma_wait3A_245 = arith.constant 0 : i32
      %dma_wait3A_246 = tpu.memref_slice %arg13[%mul3A_234, %dma_wait3A_245] : memref<10240x128xf32, #tpu.memory_space<vmem_shared>> -> memref<640x128xf32, #tpu.memory_space<vmem_shared>>
      tpu.wait_dma2 semaphore(%run_scoped3A : memref<!tpu.dma_semaphore, #tpu.memory_space<semaphore_mem>>) src(%dma_wait3A_246 : memref<640x128xf32, #tpu.memory_space<vmem_shared>>) dst(%dma_wait3A_244 : memref<640x128xf32, #tpu.memory_space<hbm>>)
      tpu.yield
    }) : () -> ()
    return
  }
}

module attributes {stable_mosaic.version = 14 : i64} {
  func.func @_encoder_body(%arg0: i32, %arg1: memref<2x1024x128xf32, #tpu.memory_space<vmem>>, %arg2: memref<1024x128xf32, #tpu.memory_space<vmem>>, %arg3: memref<128x128xf32, #tpu.memory_space<vmem>>, %arg4: memref<128x128xf32, #tpu.memory_space<vmem>>, %arg5: memref<1x128xf32, #tpu.memory_space<vmem>>, %arg6: memref<1024x128xbf16, #tpu.memory_space<vmem>>) attributes {dimension_semantics = [#tpu.dimension_semantics<arbitrary>], iteration_bounds = array<i64: 10>, scalar_prefetch = 0 : i64, scratch_operands = 0 : i64, tpu.core_type = #tpu.core_type<tc>, window_params = [{transform_indices = @transform_0, window_bounds = array<i64: 2, 1024, 128>}, {transform_indices = @transform_1, window_bounds = array<i64: 1024, 128>}, {pipeline_mode = #tpu.pipeline_mode<synchronous>, transform_indices = @transform_2, window_bounds = array<i64: 128, 128>}, {pipeline_mode = #tpu.pipeline_mode<synchronous>, transform_indices = @transform_3, window_bounds = array<i64: 128, 128>}, {pipeline_mode = #tpu.pipeline_mode<synchronous>, transform_indices = @transform_4, window_bounds = array<i64: 1, 128>}, {transform_indices = @transform_5, window_bounds = array<i64: 1024, 128>}]} {
    %get3A = arith.constant 0 : index
    %get3A_0 = arith.constant 0 : index
    %get3A_1 = arith.constant 0 : index
    %get3A_2 = vector.load %arg1[%get3A, %get3A_0, %get3A_1] : memref<2x1024x128xf32, #tpu.memory_space<vmem>>, vector<1x1024x128xf32>
    %get3A_3 = vector.shape_cast %get3A_2 : vector<1x1024x128xf32> to vector<1024x128xf32>
    %get3A_4 = arith.constant 1 : index
    %get3A_5 = arith.constant 0 : index
    %get3A_6 = arith.constant 0 : index
    %get3A_7 = vector.load %arg1[%get3A_4, %get3A_5, %get3A_6] : memref<2x1024x128xf32, #tpu.memory_space<vmem>>, vector<1x1024x128xf32>
    %get3A_8 = vector.shape_cast %get3A_7 : vector<1x1024x128xf32> to vector<1024x128xf32>
    %add3A = arith.addf %get3A_3, %get3A_8 : vector<1024x128xf32>
    %get3A_9 = arith.constant 0 : index
    %get3A_10 = arith.constant 0 : index
    %get3A_11 = vector.load %arg3[%get3A_9, %get3A_10] : memref<128x128xf32, #tpu.memory_space<vmem>>, vector<128x128xf32>
    %dot_general3A = arith.constant dense<0.000000e+00> : vector<1024x128xf32>
    %dot_general3A_12 = tpu.matmul %add3A, %get3A_11, %dot_general3A {dimension_numbers = #tpu.dot_dimension_numbers<[1], [0], [0], [1], [0, 0, 1, 1], [], []>, transpose_lhs_hint = false} : vector<1024x128xf32>, vector<128x128xf32>, vector<1024x128xf32> -> vector<1024x128xf32>
    %get3A_13 = arith.constant 0 : index
    %get3A_14 = arith.constant 0 : index
    %get3A_15 = vector.load %arg2[%get3A_13, %get3A_14] : memref<1024x128xf32, #tpu.memory_space<vmem>>, vector<1024x128xf32>
    %get3A_16 = arith.constant 0 : index
    %get3A_17 = arith.constant 0 : index
    %get3A_18 = vector.load %arg4[%get3A_16, %get3A_17] : memref<128x128xf32, #tpu.memory_space<vmem>>, vector<128x128xf32>
    %dot_general3A_19 = arith.constant dense<0.000000e+00> : vector<1024x128xf32>
    %dot_general3A_20 = tpu.matmul %get3A_15, %get3A_18, %dot_general3A_19 {dimension_numbers = #tpu.dot_dimension_numbers<[1], [0], [0], [1], [0, 0, 1, 1], [], []>, transpose_lhs_hint = false} : vector<1024x128xf32>, vector<128x128xf32>, vector<1024x128xf32> -> vector<1024x128xf32>
    %add3A_21 = arith.addf %dot_general3A_12, %dot_general3A_20 : vector<1024x128xf32>
    %get3A_22 = arith.constant 0 : index
    %get3A_23 = arith.constant 0 : index
    %get3A_24 = vector.load %arg5[%get3A_22, %get3A_23] : memref<1x128xf32, #tpu.memory_space<vmem>>, vector<1x128xf32>
    %add3A_25 = vector.broadcast %get3A_24 : vector<1x128xf32> to vector<1024x128xf32>
    %add3A_26 = arith.addf %add3A_21, %add3A_25 : vector<1024x128xf32>
    %max3A = arith.constant 0.000000e+00 : f32
    %max3A_27 = vector.broadcast %max3A : f32 to vector<1024x128xf32>
    %max3A_28 = arith.maximumf %add3A_26, %max3A_27 : vector<1024x128xf32>
    %convert_element_type3A = arith.truncf %max3A_28 : vector<1024x128xf32> to vector<1024x128xbf16>
    %swap3A = arith.constant 0 : index
    %swap3A_29 = arith.constant 0 : index
    %swap3A_30 = vector.load %arg6[%swap3A, %swap3A_29] : memref<1024x128xbf16, #tpu.memory_space<vmem>>, vector<1024x128xbf16>
    tpu.vector_store %arg6[%swap3A, %swap3A_29], %convert_element_type3A {strides = array<i32>} : memref<1024x128xbf16, #tpu.memory_space<vmem>>, vector<1024x128xbf16>,
    return
  }
  func.func @transform_0(%arg0: i32) -> (i32, i32, i32) {
    %c0_i32 = arith.constant 0 : i32
    %c0_i32_0 = arith.constant 0 : i32
    %c0_i32_1 = arith.constant 0 : i32
    return %c0_i32, %arg0, %c0_i32_0 : i32, i32, i32
  }
  func.func @transform_1(%arg0: i32) -> (i32, i32) {
    %c0_i32 = arith.constant 0 : i32
    %c0_i32_0 = arith.constant 0 : i32
    return %arg0, %c0_i32 : i32, i32
  }
  func.func @transform_2(%arg0: i32) -> (i32, i32) {
    %c0_i32 = arith.constant 0 : i32
    %c0_i32_0 = arith.constant 0 : i32
    %c0_i32_1 = arith.constant 0 : i32
    return %c0_i32, %c0_i32_0 : i32, i32
  }
  func.func @transform_3(%arg0: i32) -> (i32, i32) {
    %c0_i32 = arith.constant 0 : i32
    %c0_i32_0 = arith.constant 0 : i32
    %c0_i32_1 = arith.constant 0 : i32
    return %c0_i32, %c0_i32_0 : i32, i32
  }
  func.func @transform_4(%arg0: i32) -> (i32, i32) {
    %c0_i32 = arith.constant 0 : i32
    %c0_i32_0 = arith.constant 0 : i32
    %c0_i32_1 = arith.constant 0 : i32
    return %c0_i32, %c0_i32_0 : i32, i32
  }
  func.func @transform_5(%arg0: i32) -> (i32, i32) {
    %c0_i32 = arith.constant 0 : i32
    %c0_i32_0 = arith.constant 0 : i32
    return %arg0, %c0_i32 : i32, i32
  }
}

</mosaic_0001>

<sc_bundles>
// kernel: kernel.5.cloned.1.call-start
scs
__scs_entry_jumppad:
0x0: {  	(pc) =	sbr.rel $0x88, $3  }
0x1: {  	(tag) =	ssettag $0x0;
	lr =	simm.s32 $0x1  }
0x2: {  	[smem:$0x3F9C] =	sst lr;
	_ =	strace $0xD0000000  }
0x3: {  	_ = 	snop  }
0x4: {  	_ = 	snop  }
0x5: {  	_ = 	snop  }
0x6: {  	_ = 	snop  }
0x7: {  	_ = 	snop  }
__scs_overlays_trampoline_lowered:
0x8: {  	[smem:$0x3FAB] =	sst s0  }
0x9: {  	[smem:$0x3FAC] =	sst s1  }
0xa: {  	[smem:$0x3FAD] =	sst s2  }
0xb: {  	[smem:$0x3FAE] =	sst s3  }
0xc: {  	[smem:$0x3FAF] =	sst s4  }
0xd: {  	[smem:$0x3FB0] =	sst s5  }
0xe: {  	[smem:$0x3FB1] =	sst s6  }
0xf: {  	[smem:$0x3FB2] =	sst s7  }
0x10: {  	[smem:$0x3FB3] =	sst s8  }
0x11: {  	[smem:$0x3FB4] =	sst s9;
	s0 =	simm.s32 @!p0 $0x0  }
0x12: {  	s1 =	sld [smem:$0x3F9A];
	s0 =	simm.s32 @p0 $0x1  }
0x13: {  	[smem:$0x3FB5] =	sst s0;
	s0 =	simm.s32 @!p1 $0x0  }
0x14: {  	s2 =	sld [smem:$0x3F99];
	s0 =	simm.s32 @p1 $0x1  }
0x15: {  	[smem:$0x3FB6] =	sst s0;
	s0 =	simm.s32 @!p2 $0x0  }
0x16: {  	s3 =	sld [smem:$0x3FDB];
	s0 =	simm.s32 @p2 $0x1  }
0x17: {  	s4 =	simm.s32 $0x1BF5;
	[smem:$0x3FB8] =	sst s0  }
0x18: {  	s0 =	sld [smem:$0x3F9B];
	_ =	swait.ge [sflag:s4], $0x0  }
0x19: {  	s7 =	sld [smem:$0x3F9C]  }
0x1a: {  	s8 =	sadd.s32 $0xFFFFE003, lr  }
0x1b: {  	s9 =	sadd.s32 $0xFFFFFEF7, lr;
	s5 =	simm.s32 $0xFFFFFFFF;
	p2 =	slt.u32 s8, $0xFFFFF086  }
0x1c: {  	p1 =	slt.u32 s9, $0xF7A;
	s5 =	simm.s32 @!p2 $0x0  }
0x1d: {  	s5 =	simm.s32 @p1 $0x1;
	p0 =	seq.s32 s7, s2  }
0x1e: {  	s7 =	smul.u32 @!p0 $0xF7A, s2;
	p2 =	seq.s32 @!p0 s5, $0x0  }
0x1f: {  	s9 =	smul.u32 $0xF7A, s1;
	s8 =	simm.s32 @!p0 $0x1BF5;
	p2 =	por !p2, p0  }
0x20: {  	[sflag:s8] =	ssyncset.s32 @!p0 $0xFFFFF086;
	s6 =	sadd.s32 @!p0 s3, s7;
	s7 =	simm.s32 @!p0 $0x108  }
0x21: {  	s3 =	sadd.s32 s3, s9;
	s6 =	sadd.s32 @!p0 $0x88, s6;
	s7 =	simm.s32 @p2 $0x1082  }
0x22: {  	[simem:s7], [sflag:s8] =	dma.local @!p0 [hbm:s6], $0xF7A  }
0x23: {  	s9 =	sor.u32 $0xD0000000, s2;
	s6 =	simm.s32 $0x108;
	_ =	swait.ge @!p0 [sflag:s8], $0x0  }
0x24: {  	s3 =	sadd.s32 $0x88, s3;
	s6 =	simm.s32 @!p1 $0x1082;
	[sflag:s4] =	ssyncset.s32 $0xFFFFF086  }
0x25: {  	[simem:s6], [sflag:s4] =	dma.local [hbm:s3], $0xF7A  }
0x26: {  	[smem:$0x3F9C] =	sst s1;
	(tag) =	ssettag s2;
	_ =	strace s9  }
0x27: {  	s1 =	sld [smem:$0x3FAC]  }
0x28: {  	s2 =	sld [smem:$0x3FAD]  }
0x29: {  	s4 =	sld [smem:$0x3FAF]  }
0x2a: {  	p0 =	seq.s32 s5, $0x0;
	s5 =	sld [smem:$0x3FB0]  }
0x2b: {  	s6 =	sld [smem:$0x3FB1]  }
0x2c: {  	s7 =	sld [smem:$0x3FB2]  }
0x2d: {  	s3 =	simm.s32 $0x108;
	s8 =	sld [smem:$0x3FB3]  }
0x2e: {  	s3 =	simm.s32 @!p0 $0x1082;
	s9 =	sld [smem:$0x3FB4]  }
0x2f: {  	lr =	sadd.s32 s0, s3;
	s0 =	sld [smem:$0x3FAB]  }
0x30: {  	s3 =	sld [smem:$0x3FAE]  }
0x31: {  	[smem:$0x3FB7] =	sst s10  }
0x32: {  	s10 =	sld [smem:$0x3FB5];
	_ =	sdelay $0x3  }
0x33: {  	p0 =	seq.s32 s10, $0x1;
	s10 =	sld [smem:$0x3FB7];
	_ =	sdelay $0x3  }
0x34: {  	[smem:$0x3FB7] =	sst s10  }
0x35: {  	s10 =	sld [smem:$0x3FB6];
	_ =	sdelay $0x3  }
0x36: {  	p1 =	seq.s32 s10, $0x1;
	s10 =	sld [smem:$0x3FB7];
	_ =	sdelay $0x3  }
0x37: {  	[smem:$0x3FB7] =	sst s10  }
0x38: {  	s10 =	sld [smem:$0x3FB8]  }
0x39: {  	_ = 	snop;
	(pc) =	sbr.ind lr, $3  }
0x3a: {  	_ = 	snop  }
0x3b: {  	_ = 	snop  }
0x3c: {  	p2 =	seq.s32 s10, $0x1;
	s10 =	sld [smem:$0x3FB7]  }
0x3d: {  	_ =	shalt  }
0x3e: {  	_ =	shalt  }
0x3f: {  	_ =	shalt  }
0x40: {  	_ =	shalt  }
0x41: {  	_ =	shalt  }
0x42: {  	_ =	shalt  }
0x43: {  	_ =	shalt  }
0x44: {  	_ =	shalt  }
0x45: {  	_ =	shalt  }
0x46: {  	_ =	shalt  }
0x47: {  	_ =	shalt  }
0x48: {  	_ =	shalt  }
0x49: {  	_ =	shalt  }
0x4a: {  	_ =	shalt  }
0x4b: {  	_ =	shalt  }
0x4c: {  	_ =	shalt  }
0x4d: {  	_ =	shalt  }
0x4e: {  	_ =	shalt  }
0x4f: {  	_ =	shalt  }
0x50: {  	_ =	shalt  }
0x51: {  	_ =	shalt  }
0x52: {  	_ =	shalt  }
0x53: {  	_ =	shalt  }
0x54: {  	_ =	shalt  }
0x55: {  	_ =	shalt  }
0x56: {  	_ =	shalt  }
0x57: {  	_ =	shalt  }
0x58: {  	_ =	shalt  }
0x59: {  	_ =	shalt  }
0x5a: {  	_ =	shalt  }
0x5b: {  	_ =	shalt  }
0x5c: {  	_ =	shalt  }
0x5d: {  	_ =	shalt  }
0x5e: {  	_ =	shalt  }
0x5f: {  	_ =	shalt  }
0x60: {  	_ =	shalt  }
0x61: {  	_ =	shalt  }
0x62: {  	_ =	shalt  }
0x63: {  	_ =	shalt  }
0x64: {  	_ =	shalt  }
0x65: {  	_ =	shalt  }
0x66: {  	_ =	shalt  }
0x67: {  	_ =	shalt  }
0x68: {  	_ =	shalt  }
0x69: {  	_ =	shalt  }
0x6a: {  	_ =	shalt  }
0x6b: {  	_ =	shalt  }
0x6c: {  	_ =	shalt  }
0x6d: {  	_ =	shalt  }
0x6e: {  	_ =	shalt  }
0x6f: {  	_ =	shalt  }
0x70: {  	_ =	shalt  }
0x71: {  	_ =	shalt  }
0x72: {  	_ =	shalt  }
0x73: {  	_ =	shalt  }
0x74: {  	_ =	shalt  }
0x75: {  	_ =	shalt  }
0x76: {  	_ =	shalt  }
0x77: {  	_ =	shalt  }
0x78: {  	_ =	shalt  }
0x79: {  	_ =	shalt  }
0x7a: {  	_ =	shalt  }
0x7b: {  	_ =	shalt  }
0x7c: {  	_ =	shalt  }
0x7d: {  	_ =	shalt  }
0x7e: {  	_ =	shalt  }
0x7f: {  	_ =	shalt  }
0x80: {  	_ =	shalt  }
0x81: {  	_ =	shalt  }
0x82: {  	_ =	shalt  }
0x83: {  	_ =	shalt  }
0x84: {  	_ =	shalt  }
0x85: {  	_ =	shalt  }
0x86: {  	_ =	shalt  }
0x87: {  	_ =	shalt  }
.Lfunc_end0:
.L_simem_size_0:
called_computation_lowered:
.L_overlay_start_0:
0x88: {  	s2 =	sld [smem:$0x3FD9]  }
0x89: {  	s3 =	sld [smem:$0x3FFE];
	_ =	sdelay $0x1  }
0x8a: {  	s1 =	srdreg.scid  }
0x8b: {  	s0 =	sand.u32 $0x1, s1  }
0x8c: {  	s17 =	sshll.u32 s0, $0xA;
	s2 =	sadd.s32 s3, s2  }
0x8d: {  	s2 =	sadd.s32 s2, s17  }
0x8e: {  	[smem:$0x3FC3] =	sst s2  }
0x8f: {  	_ = 	snop  }
0x90: {  	s2 =	sld [smem:$0x3FD0];
	(tm) =	ssettm $0x1  }
0x91: {  	s18 =	sld [smem:$0x3FFB];
	_ =	sdelay $0x3  }
0x92: {  	_ =	strace s18  }
0x93: {  	s3 =	sld [smem:$0x3FFC];
	_ =	sdelay $0x3  }
0x94: {  	_ =	strace s3  }
0x95: {  	s3 =	sld [smem:$0x3FFD];
	_ =	sdelay $0x3  }
0x96: {  	_ =	strace s3  }
0x97: {  	_ =	strace $0x8FFFFFFF  }
0x98: {  	s19 =	sld [smem:$0x3FDB];
	_ =	sdelay $0x1  }
0x99: {  	s4 =	simm.s32 $_scs_section_size  }
0x9a: {  	s5 =	simm.s32 $_size__tile_overlayer_lowered;
	s6 =	simm.s32 $_tile_overlayer_lowered  }
0x9b: {  	s22 =	simm.s32 $0x1BFF;
	s21 =	sshll.u32 s6, $0x1;
	s3 =	sadd.s32 s4, s19  }
0x9c: {  	s7 =	simm.s32 $0x0;
	s20 =	sshll.u32 s5, $0x1;
	s5 =	sadd.s32 s21, s3  }
0x9d: {  	[timem:s7], [sflag:s22] =	dma.local [hbm:s5], s20  }
0x9e: {  	_ =	swait.ge [sflag:s22], s20  }
0x9f: {  	s4 =	ssub.s32 $0x0, s20;
	[sflag:s22] =	ssyncset.done $0x0  }
0xa0: {  	[sflag:s22] =	ssyncadd.s32 s4;
	_ =	sdelay $0x1  }
0xa1: {  	s23 =	simm.s32 $0x1B8B  }
0xa2: {  	_ =	swait.ge [sflag:s23], $0x1  }
0xa3: {  	[sflag:s23] =	ssyncset.done $0x0  }
0xa4: {  	s25 =	simm.s32 $0x1B8E;
	s24 =	sld [smem:$0x3FFE];
	[sflag:s23] =	ssyncadd.s32 $0xFFFFFFFF  }
0xa5: {  	s26 =	simm.s32 $execute0_lowered;
	[smem:$0x3FD2] =	sst s25  }
0xa6: {  	s5 =	sshll.u32 s26, $0x1;
	_ =	strace $0x80000046;
	[dreg:$0x1] =	wrdreg $0xFFFFFFFF  }
0xa7: {  	s28 =	simm.s32 $_size_execute0_lowered;
	s3 =	sadd.s32 s3, s5;
	[dreg:$0x0] =	wrdreg $0x0  }
0xa8: {  	s5 =	sshll.u32 s28, $0x1;
	[dreg:$0x2] =	wrdreg s3  }
0xa9: {  	[dreg:$0x3] =	wrdreg s5  }
0xaa: {  	[dreg:$0x4] =	wrdreg $0xC0  }
0xab: {  	_ =	task [dreg:s7], $0x5FFFF  }
0xac: {  	[dreg:$0x1] =	wrdreg $0xFFFFFFFF  }
0xad: {  	[dreg:$0x0] =	wrdreg $0x60  }
0xae: {  	[dreg:$0x2] =	wrdreg s24  }
0xaf: {  	[dreg:$0x3] =	wrdreg s2  }
0xb0: {  	[dreg:$0x4] =	wrdreg $0xC0000  }
0xb1: {  	[dreg:$0x5] =	wrdreg $0x9  }
0xb2: {  	_ =	task.clear_ibuf [dreg:s7], $0x6FFFF;
	_ =	strace $0x90000046  }
0xb3: {  	s29 =	simm.s32 $0x9;
	_ =	strace $0x80000048  }
0xb4: {  	_ =	swait.ge [sflag:s29], $0x1  }
0xb5: {  	[sflag:s29] =	ssyncadd.s32 $0xFFFFFFFF  }
0xb6: {  	_ =	strace $0x90000048  }
0xb7: {  	_ =	sfence  }
0xb8: {  	s30 =	sld [smem:$0x0];
	_ =	sdelay $0x2  }
0xb9: {  	s31 =	sshll.u32 s1, $0xD;
	s1 =	sshrl.u32 s1, $0x2  }
0xba: {  	s3 =	sand.u32 $0x4000, s31;
	s1 =	sadd.s32 s1, s30  }
0xbb: {  	s0 =	sor.u32 s3, s0;
	s1 =	sshll.u32 s1, $0x11  }
0xbc: {  	s0 =	sor.u32 s1, s0  }
0xbd: {  	s0 =	sadd.s32 $0x8F2B, s0  }
0xbe: {  	[sflag:s0] =	ssyncadd.remote.s32 $0x1  }
0xbf: {  	_ =	sfence.sel $0xFFFF  }
0xc0: {  	[dreg:$0x0] =	wrdreg $0xFFFFFFFF;
	(pc) =	sbr.abs _section_cstart, $3  }
0xc1: {  	[dreg:$0x1] =	wrdreg $0xFFFFFFFF  }
0xc2: {  	_ =	task.clear_ibuf [dreg:s7], $0x2FFFF;
	_ =	strace $0x9FFFFFFF  }
0xc3: {  	(tm) =	ssettm $0x7FFFFFFF  }
tec
execute0_lowered:
.L_overlay_start_1:
0x0: {  	(tag) =	ssettag $0x1  }
0x1: {  	s0 =	rddreg [dreg:$0x0]  }
0x2: {  	s2 =	rddreg [dreg:$0x2];
	s1 =	srdreg.scid  }
0x3: {  	s4 =	simm.s32 $0x0;
	s10 =	stileid.u32;
	s28 =	simm.s32 $0x9800  }
0x4: {  	s29 =	simm.s32 $0x1;
	s30 =	simm.s32 $0x2;
	s31 =	simm.s32 $0x3  }
0x5: {  	s11 =	simm.s32 $0x1D80;
	s12 =	simm.s32 $0xF80;
	s13 =	simm.s32 $0x1E00  }
0x6: {  	s1 =	sand.u32 $0x1, s1;
	[smem:$0x7FF] =	sst s4;
	s14 =	smul.u32 $0x14000, s10  }
0x7: {  	s6 =	sadd.s32 $0x15800, s0;
	s7 =	sadd.s32 $0x25800, s0;
	s9 =	smul.u32 $0x50000, s10  }
0x8: {  	s5 =	sadd.s32 $0x35800, s0;
	s18 =	sshll.u32 s10, $0xB;
	s19 =	sshll.u32 s10, $0x6  }
0x9: {  	s10 =	simm.s32 $0xF00;
	s3 =	smul.u32 $0x140000, s1;
	_ =	strace $0x80000047  }
0xa: {  	s15 =	ssub.s32 $0x2, s1;
	s1 =	sshll.u32 s1, $0xF;
	s19 =	sor.u32 $0x1C05, s19  }
0xb: {  	s8 =	sshrl.u32 s15, $0x1;
	s17 =	sshrl.u32 s9, $0x2;
	s1 =	sor.u32 s18, s1  }
0xc: {  	s18 =	simm.s32 $0x5;
	s9 =	simm.s32 $0x1D00;
	s3 =	sadd.s32 s14, s3  }
0xd: {  	s16 =	ssub.s32 s15, s8;
	s4 =	sadd.s32 s17, s2;
	s8 =	sadd.s32 s6, s1  }
0xe: {  	s20 =	sor.u32 $0x200, s1;
	s21 =	sadd.s32 s7, s1;
	s23 =	sor.u32 $0x400, s1  }
0xf: {  	s1 =	sor.u32 $0x600, s1;
	s14 =	simm.s32 $0x1E80;
	[dreg:$0x4] =	wrdreg s8  }
0x10: {  	s15 =	simm.s32 $0x1F00;
	[dreg:$0x5] =	wrdreg s21;
	s22 =	sadd.s32 s6, s20  }
0x11: {  	s3 =	sshrl.u32 s3, $0x3;
	s8 =	sadd.s32 s7, s20;
	[dreg:$0x6] =	wrdreg s22  }
0x12: {  	s24 =	sadd.s32 s6, s23;
	s25 =	sadd.s32 s7, s23;
	[dreg:$0x7] =	wrdreg s8  }
0x13: {  	s6 =	sadd.s32 s6, s1;
	s1 =	sadd.s32 s7, s1;
	[dreg:$0x8] =	wrdreg s24  }
0x14: {  	s26 =	smax.u32 s16, $0x1;
	s20 =	simm.s32 $0x50;
	[dreg:$0x9] =	wrdreg s25  }
0x15: {  	s21 =	simm.s32 $0x2000;
	s23 =	simm.s32 $0x4800;
	[dreg:$0xa] =	wrdreg s6  }
0x16: {  	s7 =	simm.s32 $0x1C80;
	s16 =	simm.s32 $0x1F80;
	[dreg:$0xb] =	wrdreg s1  }
0x17: {  	s0 =	sadd.s32 s3, s0;
	[dreg:$0xd] =	wrdreg s26;
	s22 =	sshrl.u32 s4, $0x3  }
0x18: {  	s25 =	simm.s32 $0x7000;
	s26 =	simm.s32 $0x180;
	s3 =	simm.s32 $0x1C00  }
0x19: {  	s1 =	simm.s32 $0xE00;
	s8 =	simm.s32 $0xE80;
	s0 =	sadd.s32 $0x5D800, s0  }
0x1a: {  	s4 =	simm.s32 $0x0;
	[dreg:$0xc] =	wrdreg s0;
	s0 =	simm.s32 $0x4  }
.LBB2_1:
0x1b: {  	s6 =	rddreg [dreg:$0x1]  }
0x1c: {  	[spmem:s22], [sflag:s19] =	dma.local [hbm:s6], $0x2800  }
0x1d: {  	_ =	swait.ge [sflag:s18], $0x2800  }
0x1e: {  	[sflag:s18] =	ssyncset.done $0x0  }
0x1f: {  	[sflag:s18] =	ssyncadd.s32 $0xFFFFD800  }
0x20: {  	[bflag:$0x0] =	sbarrier.arrive $0xFFFF  }
0x21: {  	s24 =	smov.u32 s22;
	s6 =	simm.s32 $0x0;
	s22 =	rddreg [dreg:$0x4]  }
0x22: {  	[tilespmem:s6], [sflag:$0x5] =	stream.linear.gather [hbm4b:s22+s6], $0x1000, $0x38;
	v63 =	vld [tilespmem:$0x0]  }
0x23: {  	_ =	swait.ge [sflag:s18], $0x1000  }
0x24: {  	s17 =	smov.u32 s19;
	[sflag:s18] =	ssyncset.done $0x0  }
0x25: {  	s22 =	simm.s32 $0x1000;
	s19 =	rddreg [dreg:$0x5];
	[sflag:s18] =	ssyncadd.s32 $0xFFFFF000  }
0x26: {  	[tilespmem:s22], [sflag:$0x5] =	stream.linear.gather [hbm4b:s19+s6], $0x1000, $0x38;
	v63 =	vld [tilespmem:$0x0]  }
0x27: {  	_ =	swait.ge [sflag:s18], $0x1000  }
0x28: {  	[sflag:s18] =	ssyncset.done $0x0  }
0x29: {  	[sflag:s18] =	ssyncadd.s32 $0xFFFFF000  }
0x2a: {  	[tilespmem:s21], [sflag:$0x1] =	stream.indirect.gather [hbm4b:s5+s20], $0x80, s6, s20, $0xb8;
	v63 =	vld [tilespmem:$0x0]  }
0x2b: {  	s22 =	simm.s32 $0x80  }
0x2c: {  	[tilespmem:s23], [sflag:$0x2] =	stream.indirect.gather [hbm4b:s5+s20], $0x80, s22, s20, $0xb8;
	v63 =	vld [tilespmem:$0x0]  }
0x2d: {  	s19 =	simm.s32 $0x100  }
0x2e: {  	[tilespmem:s25], [sflag:$0x3] =	stream.indirect.gather [hbm4b:s5+s20], $0x80, s19, s20, $0xb8;
	v63 =	vld [tilespmem:$0x0]  }
0x2f: {  	_ = 	snop  }
0x30: {  	[tilespmem:s28], [sflag:$0x4] =	stream.indirect.gather [hbm4b:s5+s20], $0x80, s26, s20, $0xb8;
	v63 =	vld [tilespmem:$0x0]  }
0x31: {  	_ =	swait.ge [sflag:s29], $0x2800  }
0x32: {  	[sflag:s29] =	ssyncset.done $0x0  }
0x33: {  	s22 =	simm.s32 $0x1000;
	[sflag:s29] =	ssyncadd.s32 $0xFFFFD800  }
0x34: {  	[spmem:s2] =	stream.indirect.scatter.add.f32 [tilespmem:s21], [sflag:$0x5], $0x80, s22, s20, $0xb8;
	v63 =	vld [tilespmem:$0x0]  }
0x35: {  	_ =	swait.ge [sflag:s18], $0x2800  }
0x36: {  	[sflag:s18] =	ssyncset.done $0x0  }
0x37: {  	s19 =	simm.s32 $0x200;
	[sflag:s18] =	ssyncadd.s32 $0xFFFFD800  }
0x38: {  	[tilespmem:s21], [sflag:$0x1] =	stream.indirect.gather [hbm4b:s5+s20], $0x80, s19, s20, $0xb8;
	v63 =	vld [tilespmem:$0x0]  }
0x39: {  	_ =	swait.ge [sflag:s30], $0x2800  }
0x3a: {  	[sflag:s30] =	ssyncset.done $0x0  }
0x3b: {  	s22 =	simm.s32 $0x1080;
	[sflag:s30] =	ssyncadd.s32 $0xFFFFD800  }
0x3c: {  	[spmem:s2] =	stream.indirect.scatter.add.f32 [tilespmem:s23], [sflag:$0x5], $0x80, s22, s20, $0xb8;
	v63 =	vld [tilespmem:$0x0]  }
0x3d: {  	_ =	swait.ge [sflag:s18], $0x2800  }
0x3e: {  	[sflag:s18] =	ssyncset.done $0x0  }
0x3f: {  	s19 =	simm.s32 $0x280;
	[sflag:s18] =	ssyncadd.s32 $0xFFFFD800  }
0x40: {  	[tilespmem:s23], [sflag:$0x2] =	stream.indirect.gather [hbm4b:s5+s20], $0x80, s19, s20, $0xb8;
	v63 =	vld [tilespmem:$0x0]  }
0x41: {  	_ =	swait.ge [sflag:s31], $0x2800  }
0x42: {  	[sflag:s31] =	ssyncset.done $0x0  }
0x43: {  	s22 =	simm.s32 $0x1100;
	[sflag:s31] =	ssyncadd.s32 $0xFFFFD800  }
0x44: {  	[spmem:s2] =	stream.indirect.scatter.add.f32 [tilespmem:s25], [sflag:$0x5], $0x80, s22, s20, $0xb8;
	v63 =	vld [tilespmem:$0x0]  }
0x45: {  	_ =	swait.ge [sflag:s18], $0x2800  }
0x46: {  	[sflag:s18] =	ssyncset.done $0x0  }
0x47: {  	s19 =	simm.s32 $0x300;
	[sflag:s18] =	ssyncadd.s32 $0xFFFFD800  }
0x48: {  	[tilespmem:s25], [sflag:$0x3] =	stream.indirect.gather [hbm4b:s5+s20], $0x80, s19, s20, $0xb8;
	v63 =	vld [tilespmem:$0x0]  }
0x49: {  	_ =	swait.ge [sflag:s0], $0x2800  }
0x4a: {  	[sflag:s0] =	ssyncset.done $0x0  }
0x4b: {  	s22 =	simm.s32 $0x1180;
	[sflag:s0] =	ssyncadd.s32 $0xFFFFD800  }
0x4c: {  	[spmem:s2] =	stream.indirect.scatter.add.f32 [tilespmem:s28], [sflag:$0x5], $0x80, s22, s20, $0xb8;
	v63 =	vld [tilespmem:$0x0]  }
0x4d: {  	_ =	swait.ge [sflag:s18], $0x2800  }
0x4e: {  	[sflag:s18] =	ssyncset.done $0x0  }
0x4f: {  	s6 =	simm.s32 $0x800;
	s19 =	simm.s32 $0x380;
	[sflag:s18] =	ssyncadd.s32 $0xFFFFD800  }
.LBB2_2:
0x50: {  	[tilespmem:s28], [sflag:$0x4] =	stream.indirect.gather [hbm4b:s5+s20], $0x80, s19, s20, $0xb8;
	v63 =	vld [tilespmem:$0x0]  }
0x51: {  	s19 =	smov.u32 s6  }
0x52: {  	p0 =	sne.s32 s6, $0x2800;
	s6 =	sadd.s32 $0x800, s6;
	_ =	swait.ge [sflag:s29], $0x2800  }
0x53: {  	s19 =	sshra.s32 s19, $0x2;
	[sflag:s29] =	ssyncset.done $0x0  }
0x54: {  	s22 =	sadd.s32 $0x1000, s19;
	[sflag:s29] =	ssyncadd.s32 $0xFFFFD800  }
0x55: {  	[spmem:s2] =	stream.indirect.scatter.add.f32 [tilespmem:s21], [sflag:$0x5], $0x80, s22, s20, $0xb8;
	v63 =	vld [tilespmem:$0x0]  }
0x56: {  	_ =	swait.ge [sflag:s18], $0x2800  }
0x57: {  	[sflag:s18] =	ssyncset.done $0x0  }
0x58: {  	s22 =	sadd.s32 $0x200, s19;
	[sflag:s18] =	ssyncadd.s32 $0xFFFFD800  }
0x59: {  	[tilespmem:s21], [sflag:$0x1] =	stream.indirect.gather [hbm4b:s5+s20], $0x80, s22, s20, $0xb8;
	v63 =	vld [tilespmem:$0x0]  }
0x5a: {  	_ =	swait.ge [sflag:s30], $0x2800  }
0x5b: {  	[sflag:s30] =	ssyncset.done $0x0  }
0x5c: {  	s22 =	sadd.s32 $0x1080, s19;
	[sflag:s30] =	ssyncadd.s32 $0xFFFFD800  }
0x5d: {  	[spmem:s2] =	stream.indirect.scatter.add.f32 [tilespmem:s23], [sflag:$0x5], $0x80, s22, s20, $0xb8;
	v63 =	vld [tilespmem:$0x0]  }
0x5e: {  	_ =	swait.ge [sflag:s18], $0x2800  }
0x5f: {  	[sflag:s18] =	ssyncset.done $0x0  }
0x60: {  	s22 =	sadd.s32 $0x280, s19;
	[sflag:s18] =	ssyncadd.s32 $0xFFFFD800  }
0x61: {  	[tilespmem:s23], [sflag:$0x2] =	stream.indirect.gather [hbm4b:s5+s20], $0x80, s22, s20, $0xb8;
	v63 =	vld [tilespmem:$0x0]  }
0x62: {  	_ =	swait.ge [sflag:s31], $0x2800  }
0x63: {  	[sflag:s31] =	ssyncset.done $0x0  }
0x64: {  	s22 =	sadd.s32 $0x1100, s19;
	[sflag:s31] =	ssyncadd.s32 $0xFFFFD800  }
0x65: {  	[spmem:s2] =	stream.indirect.scatter.add.f32 [tilespmem:s25], [sflag:$0x5], $0x80, s22, s20, $0xb8;
	v63 =	vld [tilespmem:$0x0]  }
0x66: {  	_ =	swait.ge [sflag:s18], $0x2800  }
0x67: {  	[sflag:s18] =	ssyncset.done $0x0  }
0x68: {  	s22 =	sadd.s32 $0x300, s19;
	[sflag:s18] =	ssyncadd.s32 $0xFFFFD800  }
0x69: {  	[tilespmem:s25], [sflag:$0x3] =	stream.indirect.gather [hbm4b:s5+s20], $0x80, s22, s20, $0xb8;
	v63 =	vld [tilespmem:$0x0]  }
0x6a: {  	_ =	swait.ge [sflag:s0], $0x2800  }
0x6b: {  	[sflag:s0] =	ssyncset.done $0x0  }
.Ltmp0:
0x6c: {  	s22 =	sadd.s32 $0x1180, s19;
	[sflag:s0] =	ssyncadd.s32 $0xFFFFD800;
	(pc) =	sbr.rel @p0 .LBB2_2-.Ltmp0, $4  }
0x6d: {  	[spmem:s2] =	stream.indirect.scatter.add.f32 [tilespmem:s28], [sflag:$0x5], $0x80, s22, s20, $0xb8;
	v63 =	vld [tilespmem:$0x0]  }
0x6e: {  	_ =	swait.ge [sflag:s18], $0x2800  }
0x6f: {  	[sflag:s18] =	ssyncset.done $0x0  }
0x70: {  	s19 =	sadd.s32 $0x380, s19;
	[sflag:s18] =	ssyncadd.s32 $0xFFFFD800  }
0x71: {  	[tilespmem:s28], [sflag:$0x4] =	stream.indirect.gather [hbm4b:s5+s20], $0x80, s19, s20, $0xb8;
	v63 =	vld [tilespmem:$0x0]  }
0x72: {  	_ =	swait.ge [sflag:s29], $0x2800  }
0x73: {  	[sflag:s29] =	ssyncset.done $0x0  }
0x74: {  	[sflag:s29] =	ssyncadd.s32 $0xFFFFD800  }
0x75: {  	[spmem:s2] =	stream.indirect.scatter.add.f32 [tilespmem:s21], [sflag:$0x5], $0x80, s3, s20, $0xb8;
	v63 =	vld [tilespmem:$0x0]  }
0x76: {  	_ =	swait.ge [sflag:s18], $0x2800  }
0x77: {  	[sflag:s18] =	ssyncset.done $0x0  }
0x78: {  	[sflag:s18] =	ssyncadd.s32 $0xFFFFD800  }
0x79: {  	[tilespmem:s21], [sflag:$0x1] =	stream.indirect.gather [hbm4b:s5+s20], $0x80, s1, s20, $0xb8;
	v63 =	vld [tilespmem:$0x0]  }
0x7a: {  	_ =	swait.ge [sflag:s30], $0x2800  }
0x7b: {  	[sflag:s30] =	ssyncset.done $0x0  }
0x7c: {  	[sflag:s30] =	ssyncadd.s32 $0xFFFFD800  }
0x7d: {  	[spmem:s2] =	stream.indirect.scatter.add.f32 [tilespmem:s23], [sflag:$0x5], $0x80, s7, s20, $0xb8;
	v63 =	vld [tilespmem:$0x0]  }
0x7e: {  	_ =	swait.ge [sflag:s18], $0x2800  }
0x7f: {  	[sflag:s18] =	ssyncset.done $0x0  }
0x80: {  	[sflag:s18] =	ssyncadd.s32 $0xFFFFD800  }
0x81: {  	[tilespmem:s23], [sflag:$0x2] =	stream.indirect.gather [hbm4b:s5+s20], $0x80, s8, s20, $0xb8;
	v63 =	vld [tilespmem:$0x0]  }
0x82: {  	_ =	swait.ge [sflag:s31], $0x2800  }
0x83: {  	[sflag:s31] =	ssyncset.done $0x0  }
0x84: {  	[sflag:s31] =	ssyncadd.s32 $0xFFFFD800  }
0x85: {  	[spmem:s2] =	stream.indirect.scatter.add.f32 [tilespmem:s25], [sflag:$0x5], $0x80, s9, s20, $0xb8;
	v63 =	vld [tilespmem:$0x0]  }
0x86: {  	_ =	swait.ge [sflag:s18], $0x2800  }
0x87: {  	[sflag:s18] =	ssyncset.done $0x0  }
0x88: {  	[sflag:s18] =	ssyncadd.s32 $0xFFFFD800  }
0x89: {  	[tilespmem:s25], [sflag:$0x3] =	stream.indirect.gather [hbm4b:s5+s20], $0x80, s10, s20, $0xb8;
	v63 =	vld [tilespmem:$0x0]  }
0x8a: {  	_ =	swait.ge [sflag:s0], $0x2800  }
0x8b: {  	[sflag:s0] =	ssyncset.done $0x0  }
0x8c: {  	[sflag:s0] =	ssyncadd.s32 $0xFFFFD800  }
0x8d: {  	[spmem:s2] =	stream.indirect.scatter.add.f32 [tilespmem:s28], [sflag:$0x5], $0x80, s11, s20, $0xb8;
	v63 =	vld [tilespmem:$0x0]  }
0x8e: {  	_ =	swait.ge [sflag:s18], $0x2800  }
0x8f: {  	[sflag:s18] =	ssyncset.done $0x0  }
0x90: {  	[sflag:s18] =	ssyncadd.s32 $0xFFFFD800  }
0x91: {  	[tilespmem:s28], [sflag:$0x4] =	stream.indirect.gather [hbm4b:s5+s20], $0x80, s12, s20, $0xb8;
	v63 =	vld [tilespmem:$0x0]  }
0x92: {  	_ =	swait.ge [sflag:s29], $0x2800  }
0x93: {  	[sflag:s29] =	ssyncset.done $0x0  }
0x94: {  	[sflag:s29] =	ssyncadd.s32 $0xFFFFD800  }
0x95: {  	[spmem:s2] =	stream.indirect.scatter.add.f32 [tilespmem:s21], [sflag:$0x5], $0x80, s13, s20, $0xb8;
	v63 =	vld [tilespmem:$0x0]  }
0x96: {  	_ =	swait.ge [sflag:s18], $0x2800  }
0x97: {  	[sflag:s18] =	ssyncset.done $0x0  }
0x98: {  	[sflag:s18] =	ssyncadd.s32 $0xFFFFD800  }
0x99: {  	[tilespmem:s21], [sflag:$0x1] =	stream.indirect.gather [hbm4b:s5+s20], $0x80, s12, s20, $0xb8;
	v63 =	vld [tilespmem:$0x0]  }
0x9a: {  	_ =	swait.ge [sflag:s30], $0x2800  }
0x9b: {  	[sflag:s30] =	ssyncset.done $0x0  }
0x9c: {  	[sflag:s30] =	ssyncadd.s32 $0xFFFFD800  }
0x9d: {  	[spmem:s2] =	stream.indirect.scatter.add.f32 [tilespmem:s23], [sflag:$0x5], $0x80, s14, s20, $0xb8;
	v63 =	vld [tilespmem:$0x0]  }
0x9e: {  	_ =	swait.ge [sflag:s18], $0x2800  }
0x9f: {  	[sflag:s18] =	ssyncset.done $0x0  }
0xa0: {  	[sflag:s18] =	ssyncadd.s32 $0xFFFFD800  }
0xa1: {  	[tilespmem:s23], [sflag:$0x2] =	stream.indirect.gather [hbm4b:s5+s20], $0x80, s12, s20, $0xb8;
	v63 =	vld [tilespmem:$0x0]  }
0xa2: {  	_ =	swait.ge [sflag:s31], $0x2800  }
0xa3: {  	[sflag:s31] =	ssyncset.done $0x0  }
0xa4: {  	[sflag:s31] =	ssyncadd.s32 $0xFFFFD800  }
0xa5: {  	[spmem:s2] =	stream.indirect.scatter.add.f32 [tilespmem:s25], [sflag:$0x5], $0x80, s15, s20, $0xb8;
	v63 =	vld [tilespmem:$0x0]  }
0xa6: {  	_ =	swait.ge [sflag:s18], $0x2800  }
0xa7: {  	[sflag:s18] =	ssyncset.done $0x0  }
0xa8: {  	[sflag:s18] =	ssyncadd.s32 $0xFFFFD800  }
0xa9: {  	[tilespmem:s25], [sflag:$0x3] =	stream.indirect.gather [hbm4b:s5+s20], $0x80, s12, s20, $0xb8;
	v63 =	vld [tilespmem:$0x0]  }
0xaa: {  	_ =	swait.ge [sflag:s0], $0x2800  }
0xab: {  	[sflag:s0] =	ssyncset.done $0x0  }
0xac: {  	[sflag:s0] =	ssyncadd.s32 $0xFFFFD800  }
0xad: {  	[spmem:s2] =	stream.indirect.scatter.add.f32 [tilespmem:s28], [sflag:$0x5], $0x80, s16, s20, $0xb8;
	v63 =	vld [tilespmem:$0x0]  }
0xae: {  	_ =	swait.ge [sflag:s18], $0x2800  }
0xaf: {  	[sflag:s18] =	ssyncset.done $0x0  }
0xb0: {  	[sflag:s18] =	ssyncadd.s32 $0xFFFFD800  }
0xb1: {  	[tilespmem:s28], [sflag:$0x4] =	stream.indirect.gather [hbm4b:s5+s20], $0x80, s12, s20, $0xb8;
	v63 =	vld [tilespmem:$0x0]  }
0xb2: {  	_ =	swait.ge [sflag:s29], $0x2800  }
0xb3: {  	[sflag:s29] =	ssyncset.done $0x0  }
0xb4: {  	[sflag:s29] =	ssyncadd.s32 $0xFFFFD800  }
0xb5: {  	_ =	swait.ge [sflag:s30], $0x2800  }
0xb6: {  	[sflag:s30] =	ssyncset.done $0x0  }
0xb7: {  	[sflag:s30] =	ssyncadd.s32 $0xFFFFD800  }
0xb8: {  	_ =	swait.ge [sflag:s31], $0x2800  }
0xb9: {  	[sflag:s31] =	ssyncset.done $0x0  }
0xba: {  	[sflag:s31] =	ssyncadd.s32 $0xFFFFD800  }
0xbb: {  	_ =	swait.ge [sflag:s0], $0x2800  }
0xbc: {  	[sflag:s0] =	ssyncset.done $0x0  }
0xbd: {  	s6 =	simm.s32 $0x0;
	s22 =	rddreg [dreg:$0x6];
	[sflag:s0] =	ssyncadd.s32 $0xFFFFD800  }
0xbe: {  	[tilespmem:s6], [sflag:$0x5] =	stream.linear.gather [hbm4b:s22+s6], $0x1000, $0x38;
	v63 =	vld [tilespmem:$0x0]  }
0xbf: {  	_ =	swait.ge [sflag:s18], $0x1000  }
0xc0: {  	[sflag:s18] =	ssyncset.done $0x0  }
0xc1: {  	s22 =	simm.s32 $0x1000;
	s19 =	rddreg [dreg:$0x7];
	[sflag:s18] =	ssyncadd.s32 $0xFFFFF000  }
0xc2: {  	[tilespmem:s22], [sflag:$0x5] =	stream.linear.gather [hbm4b:s19+s6], $0x1000, $0x38;
	v63 =	vld [tilespmem:$0x0]  }
0xc3: {  	_ =	swait.ge [sflag:s18], $0x1000  }
0xc4: {  	[sflag:s18] =	ssyncset.done $0x0  }
0xc5: {  	[sflag:s18] =	ssyncadd.s32 $0xFFFFF000  }
0xc6: {  	[tilespmem:s21], [sflag:$0x1] =	stream.indirect.gather [hbm4b:s5+s20], $0x80, s6, s20, $0xb8;
	v63 =	vld [tilespmem:$0x0]  }
0xc7: {  	s22 =	simm.s32 $0x80  }
0xc8: {  	[tilespmem:s23], [sflag:$0x2] =	stream.indirect.gather [hbm4b:s5+s20], $0x80, s22, s20, $0xb8;
	v63 =	vld [tilespmem:$0x0]  }
0xc9: {  	s19 =	simm.s32 $0x100  }
0xca: {  	[tilespmem:s25], [sflag:$0x3] =	stream.indirect.gather [hbm4b:s5+s20], $0x80, s19, s20, $0xb8;
	v63 =	vld [tilespmem:$0x0]  }
0xcb: {  	_ = 	snop  }
0xcc: {  	[tilespmem:s28], [sflag:$0x4] =	stream.indirect.gather [hbm4b:s5+s20], $0x80, s26, s20, $0xb8;
	v63 =	vld [tilespmem:$0x0]  }
0xcd: {  	_ =	swait.ge [sflag:s29], $0x2800  }
0xce: {  	[sflag:s29] =	ssyncset.done $0x0  }
0xcf: {  	s22 =	simm.s32 $0x1000;
	[sflag:s29] =	ssyncadd.s32 $0xFFFFD800  }
0xd0: {  	[spmem:s2] =	stream.indirect.scatter.add.f32 [tilespmem:s21], [sflag:$0x5], $0x80, s22, s20, $0xb8;
	v63 =	vld [tilespmem:$0x0]  }
0xd1: {  	_ =	swait.ge [sflag:s18], $0x2800  }
0xd2: {  	[sflag:s18] =	ssyncset.done $0x0  }
0xd3: {  	s19 =	simm.s32 $0x200;
	[sflag:s18] =	ssyncadd.s32 $0xFFFFD800  }
0xd4: {  	[tilespmem:s21], [sflag:$0x1] =	stream.indirect.gather [hbm4b:s5+s20], $0x80, s19, s20, $0xb8;
	v63 =	vld [tilespmem:$0x0]  }
0xd5: {  	_ =	swait.ge [sflag:s30], $0x2800  }
0xd6: {  	[sflag:s30] =	ssyncset.done $0x0  }
0xd7: {  	s22 =	simm.s32 $0x1080;
	[sflag:s30] =	ssyncadd.s32 $0xFFFFD800  }
0xd8: {  	[spmem:s2] =	stream.indirect.scatter.add.f32 [tilespmem:s23], [sflag:$0x5], $0x80, s22, s20, $0xb8;
	v63 =	vld [tilespmem:$0x0]  }
0xd9: {  	_ =	swait.ge [sflag:s18], $0x2800  }
0xda: {  	[sflag:s18] =	ssyncset.done $0x0  }
0xdb: {  	s19 =	simm.s32 $0x280;
	[sflag:s18] =	ssyncadd.s32 $0xFFFFD800  }
0xdc: {  	[tilespmem:s23], [sflag:$0x2] =	stream.indirect.gather [hbm4b:s5+s20], $0x80, s19, s20, $0xb8;
	v63 =	vld [tilespmem:$0x0]  }
0xdd: {  	_ =	swait.ge [sflag:s31], $0x2800  }
0xde: {  	[sflag:s31] =	ssyncset.done $0x0  }
0xdf: {  	s22 =	simm.s32 $0x1100;
	[sflag:s31] =	ssyncadd.s32 $0xFFFFD800  }
0xe0: {  	[spmem:s2] =	stream.indirect.scatter.add.f32 [tilespmem:s25], [sflag:$0x5], $0x80, s22, s20, $0xb8;
	v63 =	vld [tilespmem:$0x0]  }
0xe1: {  	_ =	swait.ge [sflag:s18], $0x2800  }
0xe2: {  	[sflag:s18] =	ssyncset.done $0x0  }
0xe3: {  	s19 =	simm.s32 $0x300;
	[sflag:s18] =	ssyncadd.s32 $0xFFFFD800  }
0xe4: {  	[tilespmem:s25], [sflag:$0x3] =	stream.indirect.gather [hbm4b:s5+s20], $0x80, s19, s20, $0xb8;
	v63 =	vld [tilespmem:$0x0]  }
0xe5: {  	_ =	swait.ge [sflag:s0], $0x2800  }
0xe6: {  	[sflag:s0] =	ssyncset.done $0x0  }
0xe7: {  	s22 =	simm.s32 $0x1180;
	[sflag:s0] =	ssyncadd.s32 $0xFFFFD800  }
0xe8: {  	[spmem:s2] =	stream.indirect.scatter.add.f32 [tilespmem:s28], [sflag:$0x5], $0x80, s22, s20, $0xb8;
	v63 =	vld [tilespmem:$0x0]  }
0xe9: {  	_ =	swait.ge [sflag:s18], $0x2800  }
0xea: {  	[sflag:s18] =	ssyncset.done $0x0  }
0xeb: {  	s6 =	simm.s32 $0x800;
	s19 =	simm.s32 $0x380;
	[sflag:s18] =	ssyncadd.s32 $0xFFFFD800  }
.LBB2_4:
0xec: {  	[tilespmem:s28], [sflag:$0x4] =	stream.indirect.gather [hbm4b:s5+s20], $0x80, s19, s20, $0xb8;
	v63 =	vld [tilespmem:$0x0]  }
0xed: {  	s19 =	smov.u32 s6  }
0xee: {  	p0 =	sne.s32 s6, $0x2800;
	s6 =	sadd.s32 $0x800, s6;
	_ =	swait.ge [sflag:s29], $0x2800  }
0xef: {  	s19 =	sshra.s32 s19, $0x2;
	[sflag:s29] =	ssyncset.done $0x0  }
0xf0: {  	s22 =	sadd.s32 $0x1000, s19;
	[sflag:s29] =	ssyncadd.s32 $0xFFFFD800  }
0xf1: {  	[spmem:s2] =	stream.indirect.scatter.add.f32 [tilespmem:s21], [sflag:$0x5], $0x80, s22, s20, $0xb8;
	v63 =	vld [tilespmem:$0x0]  }
0xf2: {  	_ =	swait.ge [sflag:s18], $0x2800  }
0xf3: {  	[sflag:s18] =	ssyncset.done $0x0  }
0xf4: {  	s22 =	sadd.s32 $0x200, s19;
	[sflag:s18] =	ssyncadd.s32 $0xFFFFD800  }
0xf5: {  	[tilespmem:s21], [sflag:$0x1] =	stream.indirect.gather [hbm4b:s5+s20], $0x80, s22, s20, $0xb8;
	v63 =	vld [tilespmem:$0x0]  }
0xf6: {  	_ =	swait.ge [sflag:s30], $0x2800  }
0xf7: {  	[sflag:s30] =	ssyncset.done $0x0  }
0xf8: {  	s22 =	sadd.s32 $0x1080, s19;
	[sflag:s30] =	ssyncadd.s32 $0xFFFFD800  }
0xf9: {  	[spmem:s2] =	stream.indirect.scatter.add.f32 [tilespmem:s23], [sflag:$0x5], $0x80, s22, s20, $0xb8;
	v63 =	vld [tilespmem:$0x0]  }
0xfa: {  	_ =	swait.ge [sflag:s18], $0x2800  }
0xfb: {  	[sflag:s18] =	ssyncset.done $0x0  }
0xfc: {  	s22 =	sadd.s32 $0x280, s19;
	[sflag:s18] =	ssyncadd.s32 $0xFFFFD800  }
0xfd: {  	[tilespmem:s23], [sflag:$0x2] =	stream.indirect.gather [hbm4b:s5+s20], $0x80, s22, s20, $0xb8;
	v63 =	vld [tilespmem:$0x0]  }
0xfe: {  	_ =	swait.ge [sflag:s31], $0x2800  }
0xff: {  	[sflag:s31] =	ssyncset.done $0x0  }
0x100: {  	s22 =	sadd.s32 $0x1100, s19;
	[sflag:s31] =	ssyncadd.s32 $0xFFFFD800  }
0x101: {  	[spmem:s2] =	stream.indirect.scatter.add.f32 [tilespmem:s25], [sflag:$0x5], $0x80, s22, s20, $0xb8;
	v63 =	vld [tilespmem:$0x0]  }
0x102: {  	_ =	swait.ge [sflag:s18], $0x2800  }
0x103: {  	[sflag:s18] =	ssyncset.done $0x0  }
0x104: {  	s22 =	sadd.s32 $0x300, s19;
	[sflag:s18] =	ssyncadd.s32 $0xFFFFD800  }
0x105: {  	[tilespmem:s25], [sflag:$0x3] =	stream.indirect.gather [hbm4b:s5+s20], $0x80, s22, s20, $0xb8;
	v63 =	vld [tilespmem:$0x0]  }
0x106: {  	_ =	swait.ge [sflag:s0], $0x2800  }
0x107: {  	[sflag:s0] =	ssyncset.done $0x0  }
.Ltmp1:
0x108: {  	s22 =	sadd.s32 $0x1180, s19;
	[sflag:s0] =	ssyncadd.s32 $0xFFFFD800;
	(pc) =	sbr.rel @p0 .LBB2_4-.Ltmp1, $4  }
0x109: {  	[spmem:s2] =	stream.indirect.scatter.add.f32 [tilespmem:s28], [sflag:$0x5], $0x80, s22, s20, $0xb8;
	v63 =	vld [tilespmem:$0x0]  }
0x10a: {  	_ =	swait.ge [sflag:s18], $0x2800  }
0x10b: {  	[sflag:s18] =	ssyncset.done $0x0  }
0x10c: {  	s19 =	sadd.s32 $0x380, s19;
	[sflag:s18] =	ssyncadd.s32 $0xFFFFD800  }
0x10d: {  	[tilespmem:s28], [sflag:$0x4] =	stream.indirect.gather [hbm4b:s5+s20], $0x80, s19, s20, $0xb8;
	v63 =	vld [tilespmem:$0x0]  }
0x10e: {  	_ =	swait.ge [sflag:s29], $0x2800  }
0x10f: {  	[sflag:s29] =	ssyncset.done $0x0  }
0x110: {  	[sflag:s29] =	ssyncadd.s32 $0xFFFFD800  }
0x111: {  	[spmem:s2] =	stream.indirect.scatter.add.f32 [tilespmem:s21], [sflag:$0x5], $0x80, s3, s20, $0xb8;
	v63 =	vld [tilespmem:$0x0]  }
0x112: {  	_ =	swait.ge [sflag:s18], $0x2800  }
0x113: {  	[sflag:s18] =	ssyncset.done $0x0  }
0x114: {  	[sflag:s18] =	ssyncadd.s32 $0xFFFFD800  }
0x115: {  	[tilespmem:s21], [sflag:$0x1] =	stream.indirect.gather [hbm4b:s5+s20], $0x80, s1, s20, $0xb8;
	v63 =	vld [tilespmem:$0x0]  }
0x116: {  	_ =	swait.ge [sflag:s30], $0x2800  }
0x117: {  	[sflag:s30] =	ssyncset.done $0x0  }
0x118: {  	[sflag:s30] =	ssyncadd.s32 $0xFFFFD800  }
0x119: {  	[spmem:s2] =	stream.indirect.scatter.add.f32 [tilespmem:s23], [sflag:$0x5], $0x80, s7, s20, $0xb8;
	v63 =	vld [tilespmem:$0x0]  }
0x11a: {  	_ =	swait.ge [sflag:s18], $0x2800  }
0x11b: {  	[sflag:s18] =	ssyncset.done $0x0  }
0x11c: {  	[sflag:s18] =	ssyncadd.s32 $0xFFFFD800  }
0x11d: {  	[tilespmem:s23], [sflag:$0x2] =	stream.indirect.gather [hbm4b:s5+s20], $0x80, s8, s20, $0xb8;
	v63 =	vld [tilespmem:$0x0]  }
0x11e: {  	_ =	swait.ge [sflag:s31], $0x2800  }
0x11f: {  	[sflag:s31] =	ssyncset.done $0x0  }
0x120: {  	[sflag:s31] =	ssyncadd.s32 $0xFFFFD800  }
0x121: {  	[spmem:s2] =	stream.indirect.scatter.add.f32 [tilespmem:s25], [sflag:$0x5], $0x80, s9, s20, $0xb8;
	v63 =	vld [tilespmem:$0x0]  }
0x122: {  	_ =	swait.ge [sflag:s18], $0x2800  }
0x123: {  	[sflag:s18] =	ssyncset.done $0x0  }
0x124: {  	[sflag:s18] =	ssyncadd.s32 $0xFFFFD800  }
0x125: {  	[tilespmem:s25], [sflag:$0x3] =	stream.indirect.gather [hbm4b:s5+s20], $0x80, s10, s20, $0xb8;
	v63 =	vld [tilespmem:$0x0]  }
0x126: {  	_ =	swait.ge [sflag:s0], $0x2800  }
0x127: {  	[sflag:s0] =	ssyncset.done $0x0  }
0x128: {  	[sflag:s0] =	ssyncadd.s32 $0xFFFFD800  }
0x129: {  	[spmem:s2] =	stream.indirect.scatter.add.f32 [tilespmem:s28], [sflag:$0x5], $0x80, s11, s20, $0xb8;
	v63 =	vld [tilespmem:$0x0]  }
0x12a: {  	_ =	swait.ge [sflag:s18], $0x2800  }
0x12b: {  	[sflag:s18] =	ssyncset.done $0x0  }
0x12c: {  	[sflag:s18] =	ssyncadd.s32 $0xFFFFD800  }
0x12d: {  	[tilespmem:s28], [sflag:$0x4] =	stream.indirect.gather [hbm4b:s5+s20], $0x80, s12, s20, $0xb8;
	v63 =	vld [tilespmem:$0x0]  }
0x12e: {  	_ =	swait.ge [sflag:s29], $0x2800  }
0x12f: {  	[sflag:s29] =	ssyncset.done $0x0  }
0x130: {  	[sflag:s29] =	ssyncadd.s32 $0xFFFFD800  }
0x131: {  	[spmem:s2] =	stream.indirect.scatter.add.f32 [tilespmem:s21], [sflag:$0x5], $0x80, s13, s20, $0xb8;
	v63 =	vld [tilespmem:$0x0]  }
0x132: {  	_ =	swait.ge [sflag:s18], $0x2800  }
0x133: {  	[sflag:s18] =	ssyncset.done $0x0  }
0x134: {  	[sflag:s18] =	ssyncadd.s32 $0xFFFFD800  }
0x135: {  	[tilespmem:s21], [sflag:$0x1] =	stream.indirect.gather [hbm4b:s5+s20], $0x80, s12, s20, $0xb8;
	v63 =	vld [tilespmem:$0x0]  }
0x136: {  	_ =	swait.ge [sflag:s30], $0x2800  }
0x137: {  	[sflag:s30] =	ssyncset.done $0x0  }
0x138: {  	[sflag:s30] =	ssyncadd.s32 $0xFFFFD800  }
0x139: {  	[spmem:s2] =	stream.indirect.scatter.add.f32 [tilespmem:s23], [sflag:$0x5], $0x80, s14, s20, $0xb8;
	v63 =	vld [tilespmem:$0x0]  }
0x13a: {  	_ =	swait.ge [sflag:s18], $0x2800  }
0x13b: {  	[sflag:s18] =	ssyncset.done $0x0  }
0x13c: {  	[sflag:s18] =	ssyncadd.s32 $0xFFFFD800  }
0x13d: {  	[tilespmem:s23], [sflag:$0x2] =	stream.indirect.gather [hbm4b:s5+s20], $0x80, s12, s20, $0xb8;
	v63 =	vld [tilespmem:$0x0]  }
0x13e: {  	_ =	swait.ge [sflag:s31], $0x2800  }
0x13f: {  	[sflag:s31] =	ssyncset.done $0x0  }
0x140: {  	[sflag:s31] =	ssyncadd.s32 $0xFFFFD800  }
0x141: {  	[spmem:s2] =	stream.indirect.scatter.add.f32 [tilespmem:s25], [sflag:$0x5], $0x80, s15, s20, $0xb8;
	v63 =	vld [tilespmem:$0x0]  }
0x142: {  	_ =	swait.ge [sflag:s18], $0x2800  }
0x143: {  	[sflag:s18] =	ssyncset.done $0x0  }
0x144: {  	[sflag:s18] =	ssyncadd.s32 $0xFFFFD800  }
0x145: {  	[tilespmem:s25], [sflag:$0x3] =	stream.indirect.gather [hbm4b:s5+s20], $0x80, s12, s20, $0xb8;
	v63 =	vld [tilespmem:$0x0]  }
0x146: {  	_ =	swait.ge [sflag:s0], $0x2800  }
0x147: {  	[sflag:s0] =	ssyncset.done $0x0  }
0x148: {  	[sflag:s0] =	ssyncadd.s32 $0xFFFFD800  }
0x149: {  	[spmem:s2] =	stream.indirect.scatter.add.f32 [tilespmem:s28], [sflag:$0x5], $0x80, s16, s20, $0xb8;
	v63 =	vld [tilespmem:$0x0]  }
0x14a: {  	_ =	swait.ge [sflag:s18], $0x2800  }
0x14b: {  	[sflag:s18] =	ssyncset.done $0x0  }
0x14c: {  	[sflag:s18] =	ssyncadd.s32 $0xFFFFD800  }
0x14d: {  	[tilespmem:s28], [sflag:$0x4] =	stream.indirect.gather [hbm4b:s5+s20], $0x80, s12, s20, $0xb8;
	v63 =	vld [tilespmem:$0x0]  }
0x14e: {  	_ =	swait.ge [sflag:s29], $0x2800  }
0x14f: {  	[sflag:s29] =	ssyncset.done $0x0  }
0x150: {  	[sflag:s29] =	ssyncadd.s32 $0xFFFFD800  }
0x151: {  	_ =	swait.ge [sflag:s30], $0x2800  }
0x152: {  	[sflag:s30] =	ssyncset.done $0x0  }
0x153: {  	[sflag:s30] =	ssyncadd.s32 $0xFFFFD800  }
0x154: {  	_ =	swait.ge [sflag:s31], $0x2800  }
0x155: {  	[sflag:s31] =	ssyncset.done $0x0  }
0x156: {  	[sflag:s31] =	ssyncadd.s32 $0xFFFFD800  }
0x157: {  	_ =	swait.ge [sflag:s0], $0x2800  }
0x158: {  	[sflag:s0] =	ssyncset.done $0x0  }
0x159: {  	s6 =	simm.s32 $0x0;
	s22 =	rddreg [dreg:$0x8];
	[sflag:s0] =	ssyncadd.s32 $0xFFFFD800  }
0x15a: {  	[tilespmem:s6], [sflag:$0x5] =	stream.linear.gather [hbm4b:s22+s6], $0x1000, $0x38;
	v63 =	vld [tilespmem:$0x0]  }
0x15b: {  	_ =	swait.ge [sflag:s18], $0x1000  }
0x15c: {  	[sflag:s18] =	ssyncset.done $0x0  }
0x15d: {  	s22 =	simm.s32 $0x1000;
	s19 =	rddreg [dreg:$0x9];
	[sflag:s18] =	ssyncadd.s32 $0xFFFFF000  }
0x15e: {  	[tilespmem:s22], [sflag:$0x5] =	stream.linear.gather [hbm4b:s19+s6], $0x1000, $0x38;
	v63 =	vld [tilespmem:$0x0]  }
0x15f: {  	_ =	swait.ge [sflag:s18], $0x1000  }
0x160: {  	[sflag:s18] =	ssyncset.done $0x0  }
0x161: {  	[sflag:s18] =	ssyncadd.s32 $0xFFFFF000  }
0x162: {  	[tilespmem:s21], [sflag:$0x1] =	stream.indirect.gather [hbm4b:s5+s20], $0x80, s6, s20, $0xb8;
	v63 =	vld [tilespmem:$0x0]  }
0x163: {  	s22 =	simm.s32 $0x80  }
0x164: {  	[tilespmem:s23], [sflag:$0x2] =	stream.indirect.gather [hbm4b:s5+s20], $0x80, s22, s20, $0xb8;
	v63 =	vld [tilespmem:$0x0]  }
0x165: {  	s19 =	simm.s32 $0x100  }
0x166: {  	[tilespmem:s25], [sflag:$0x3] =	stream.indirect.gather [hbm4b:s5+s20], $0x80, s19, s20, $0xb8;
	v63 =	vld [tilespmem:$0x0]  }
0x167: {  	_ = 	snop  }
0x168: {  	[tilespmem:s28], [sflag:$0x4] =	stream.indirect.gather [hbm4b:s5+s20], $0x80, s26, s20, $0xb8;
	v63 =	vld [tilespmem:$0x0]  }
0x169: {  	_ =	swait.ge [sflag:s29], $0x2800  }
0x16a: {  	[sflag:s29] =	ssyncset.done $0x0  }
0x16b: {  	s22 =	simm.s32 $0x1000;
	[sflag:s29] =	ssyncadd.s32 $0xFFFFD800  }
0x16c: {  	[spmem:s2] =	stream.indirect.scatter.add.f32 [tilespmem:s21], [sflag:$0x5], $0x80, s22, s20, $0xb8;
	v63 =	vld [tilespmem:$0x0]  }
0x16d: {  	_ =	swait.ge [sflag:s18], $0x2800  }
0x16e: {  	[sflag:s18] =	ssyncset.done $0x0  }
0x16f: {  	s19 =	simm.s32 $0x200;
	[sflag:s18] =	ssyncadd.s32 $0xFFFFD800  }
0x170: {  	[tilespmem:s21], [sflag:$0x1] =	stream.indirect.gather [hbm4b:s5+s20], $0x80, s19, s20, $0xb8;
	v63 =	vld [tilespmem:$0x0]  }
0x171: {  	_ =	swait.ge [sflag:s30], $0x2800  }
0x172: {  	[sflag:s30] =	ssyncset.done $0x0  }
0x173: {  	s22 =	simm.s32 $0x1080;
	[sflag:s30] =	ssyncadd.s32 $0xFFFFD800  }
0x174: {  	[spmem:s2] =	stream.indirect.scatter.add.f32 [tilespmem:s23], [sflag:$0x5], $0x80, s22, s20, $0xb8;
	v63 =	vld [tilespmem:$0x0]  }
0x175: {  	_ =	swait.ge [sflag:s18], $0x2800  }
0x176: {  	[sflag:s18] =	ssyncset.done $0x0  }
0x177: {  	s19 =	simm.s32 $0x280;
	[sflag:s18] =	ssyncadd.s32 $0xFFFFD800  }
0x178: {  	[tilespmem:s23], [sflag:$0x2] =	stream.indirect.gather [hbm4b:s5+s20], $0x80, s19, s20, $0xb8;
	v63 =	vld [tilespmem:$0x0]  }
0x179: {  	_ =	swait.ge [sflag:s31], $0x2800  }
0x17a: {  	[sflag:s31] =	ssyncset.done $0x0  }
0x17b: {  	s22 =	simm.s32 $0x1100;
	[sflag:s31] =	ssyncadd.s32 $0xFFFFD800  }
0x17c: {  	[spmem:s2] =	stream.indirect.scatter.add.f32 [tilespmem:s25], [sflag:$0x5], $0x80, s22, s20, $0xb8;
	v63 =	vld [tilespmem:$0x0]  }
0x17d: {  	_ =	swait.ge [sflag:s18], $0x2800  }
0x17e: {  	[sflag:s18] =	ssyncset.done $0x0  }
0x17f: {  	s19 =	simm.s32 $0x300;
	[sflag:s18] =	ssyncadd.s32 $0xFFFFD800  }
0x180: {  	[tilespmem:s25], [sflag:$0x3] =	stream.indirect.gather [hbm4b:s5+s20], $0x80, s19, s20, $0xb8;
	v63 =	vld [tilespmem:$0x0]  }
0x181: {  	_ =	swait.ge [sflag:s0], $0x2800  }
0x182: {  	[sflag:s0] =	ssyncset.done $0x0  }
0x183: {  	s22 =	simm.s32 $0x1180;
	[sflag:s0] =	ssyncadd.s32 $0xFFFFD800  }
0x184: {  	[spmem:s2] =	stream.indirect.scatter.add.f32 [tilespmem:s28], [sflag:$0x5], $0x80, s22, s20, $0xb8;
	v63 =	vld [tilespmem:$0x0]  }
0x185: {  	_ =	swait.ge [sflag:s18], $0x2800  }
0x186: {  	[sflag:s18] =	ssyncset.done $0x0  }
0x187: {  	s6 =	simm.s32 $0x800;
	s19 =	simm.s32 $0x380;
	[sflag:s18] =	ssyncadd.s32 $0xFFFFD800  }
.LBB2_6:
0x188: {  	[tilespmem:s28], [sflag:$0x4] =	stream.indirect.gather [hbm4b:s5+s20], $0x80, s19, s20, $0xb8;
	v63 =	vld [tilespmem:$0x0]  }
0x189: {  	s19 =	smov.u32 s6  }
0x18a: {  	p0 =	sne.s32 s6, $0x2800;
	s6 =	sadd.s32 $0x800, s6;
	_ =	swait.ge [sflag:s29], $0x2800  }
0x18b: {  	s19 =	sshra.s32 s19, $0x2;
	[sflag:s29] =	ssyncset.done $0x0  }
0x18c: {  	s22 =	sadd.s32 $0x1000, s19;
	[sflag:s29] =	ssyncadd.s32 $0xFFFFD800  }
0x18d: {  	[spmem:s2] =	stream.indirect.scatter.add.f32 [tilespmem:s21], [sflag:$0x5], $0x80, s22, s20, $0xb8;
	v63 =	vld [tilespmem:$0x0]  }
0x18e: {  	_ =	swait.ge [sflag:s18], $0x2800  }
0x18f: {  	[sflag:s18] =	ssyncset.done $0x0  }
0x190: {  	s22 =	sadd.s32 $0x200, s19;
	[sflag:s18] =	ssyncadd.s32 $0xFFFFD800  }
0x191: {  	[tilespmem:s21], [sflag:$0x1] =	stream.indirect.gather [hbm4b:s5+s20], $0x80, s22, s20, $0xb8;
	v63 =	vld [tilespmem:$0x0]  }
0x192: {  	_ =	swait.ge [sflag:s30], $0x2800  }
0x193: {  	[sflag:s30] =	ssyncset.done $0x0  }
0x194: {  	s22 =	sadd.s32 $0x1080, s19;
	[sflag:s30] =	ssyncadd.s32 $0xFFFFD800  }
0x195: {  	[spmem:s2] =	stream.indirect.scatter.add.f32 [tilespmem:s23], [sflag:$0x5], $0x80, s22, s20, $0xb8;
	v63 =	vld [tilespmem:$0x0]  }
0x196: {  	_ =	swait.ge [sflag:s18], $0x2800  }
0x197: {  	[sflag:s18] =	ssyncset.done $0x0  }
0x198: {  	s22 =	sadd.s32 $0x280, s19;
	[sflag:s18] =	ssyncadd.s32 $0xFFFFD800  }
0x199: {  	[tilespmem:s23], [sflag:$0x2] =	stream.indirect.gather [hbm4b:s5+s20], $0x80, s22, s20, $0xb8;
	v63 =	vld [tilespmem:$0x0]  }
0x19a: {  	_ =	swait.ge [sflag:s31], $0x2800  }
0x19b: {  	[sflag:s31] =	ssyncset.done $0x0  }
0x19c: {  	s22 =	sadd.s32 $0x1100, s19;
	[sflag:s31] =	ssyncadd.s32 $0xFFFFD800  }
0x19d: {  	[spmem:s2] =	stream.indirect.scatter.add.f32 [tilespmem:s25], [sflag:$0x5], $0x80, s22, s20, $0xb8;
	v63 =	vld [tilespmem:$0x0]  }
0x19e: {  	_ =	swait.ge [sflag:s18], $0x2800  }
0x19f: {  	[sflag:s18] =	ssyncset.done $0x0  }
0x1a0: {  	s22 =	sadd.s32 $0x300, s19;
	[sflag:s18] =	ssyncadd.s32 $0xFFFFD800  }
0x1a1: {  	[tilespmem:s25], [sflag:$0x3] =	stream.indirect.gather [hbm4b:s5+s20], $0x80, s22, s20, $0xb8;
	v63 =	vld [tilespmem:$0x0]  }
0x1a2: {  	_ =	swait.ge [sflag:s0], $0x2800  }
0x1a3: {  	[sflag:s0] =	ssyncset.done $0x0  }
.Ltmp2:
0x1a4: {  	s22 =	sadd.s32 $0x1180, s19;
	[sflag:s0] =	ssyncadd.s32 $0xFFFFD800;
	(pc) =	sbr.rel @p0 .LBB2_6-.Ltmp2, $4  }
0x1a5: {  	[spmem:s2] =	stream.indirect.scatter.add.f32 [tilespmem:s28], [sflag:$0x5], $0x80, s22, s20, $0xb8;
	v63 =	vld [tilespmem:$0x0]  }
0x1a6: {  	_ =	swait.ge [sflag:s18], $0x2800  }
0x1a7: {  	[sflag:s18] =	ssyncset.done $0x0  }
0x1a8: {  	s19 =	sadd.s32 $0x380, s19;
	[sflag:s18] =	ssyncadd.s32 $0xFFFFD800  }
0x1a9: {  	[tilespmem:s28], [sflag:$0x4] =	stream.indirect.gather [hbm4b:s5+s20], $0x80, s19, s20, $0xb8;
	v63 =	vld [tilespmem:$0x0]  }
0x1aa: {  	_ =	swait.ge [sflag:s29], $0x2800  }
0x1ab: {  	[sflag:s29] =	ssyncset.done $0x0  }
0x1ac: {  	[sflag:s29] =	ssyncadd.s32 $0xFFFFD800  }
0x1ad: {  	[spmem:s2] =	stream.indirect.scatter.add.f32 [tilespmem:s21], [sflag:$0x5], $0x80, s3, s20, $0xb8;
	v63 =	vld [tilespmem:$0x0]  }
0x1ae: {  	_ =	swait.ge [sflag:s18], $0x2800  }
0x1af: {  	[sflag:s18] =	ssyncset.done $0x0  }
0x1b0: {  	[sflag:s18] =	ssyncadd.s32 $0xFFFFD800  }
0x1b1: {  	[tilespmem:s21], [sflag:$0x1] =	stream.indirect.gather [hbm4b:s5+s20], $0x80, s1, s20, $0xb8;
	v63 =	vld [tilespmem:$0x0]  }
0x1b2: {  	_ =	swait.ge [sflag:s30], $0x2800  }
0x1b3: {  	[sflag:s30] =	ssyncset.done $0x0  }
0x1b4: {  	[sflag:s30] =	ssyncadd.s32 $0xFFFFD800  }
0x1b5: {  	[spmem:s2] =	stream.indirect.scatter.add.f32 [tilespmem:s23], [sflag:$0x5], $0x80, s7, s20, $0xb8;
	v63 =	vld [tilespmem:$0x0]  }
0x1b6: {  	_ =	swait.ge [sflag:s18], $0x2800  }
0x1b7: {  	[sflag:s18] =	ssyncset.done $0x0  }
0x1b8: {  	[sflag:s18] =	ssyncadd.s32 $0xFFFFD800  }
0x1b9: {  	[tilespmem:s23], [sflag:$0x2] =	stream.indirect.gather [hbm4b:s5+s20], $0x80, s8, s20, $0xb8;
	v63 =	vld [tilespmem:$0x0]  }
0x1ba: {  	_ =	swait.ge [sflag:s31], $0x2800  }
0x1bb: {  	[sflag:s31] =	ssyncset.done $0x0  }
0x1bc: {  	[sflag:s31] =	ssyncadd.s32 $0xFFFFD800  }
0x1bd: {  	[spmem:s2] =	stream.indirect.scatter.add.f32 [tilespmem:s25], [sflag:$0x5], $0x80, s9, s20, $0xb8;
	v63 =	vld [tilespmem:$0x0]  }
0x1be: {  	_ =	swait.ge [sflag:s18], $0x2800  }
0x1bf: {  	[sflag:s18] =	ssyncset.done $0x0  }
0x1c0: {  	[sflag:s18] =	ssyncadd.s32 $0xFFFFD800  }
0x1c1: {  	[tilespmem:s25], [sflag:$0x3] =	stream.indirect.gather [hbm4b:s5+s20], $0x80, s10, s20, $0xb8;
	v63 =	vld [tilespmem:$0x0]  }
0x1c2: {  	_ =	swait.ge [sflag:s0], $0x2800  }
0x1c3: {  	[sflag:s0] =	ssyncset.done $0x0  }
0x1c4: {  	[sflag:s0] =	ssyncadd.s32 $0xFFFFD800  }
0x1c5: {  	[spmem:s2] =	stream.indirect.scatter.add.f32 [tilespmem:s28], [sflag:$0x5], $0x80, s11, s20, $0xb8;
	v63 =	vld [tilespmem:$0x0]  }
0x1c6: {  	_ =	swait.ge [sflag:s18], $0x2800  }
0x1c7: {  	[sflag:s18] =	ssyncset.done $0x0  }
0x1c8: {  	[sflag:s18] =	ssyncadd.s32 $0xFFFFD800  }
0x1c9: {  	[tilespmem:s28], [sflag:$0x4] =	stream.indirect.gather [hbm4b:s5+s20], $0x80, s12, s20, $0xb8;
	v63 =	vld [tilespmem:$0x0]  }
0x1ca: {  	_ =	swait.ge [sflag:s29], $0x2800  }
0x1cb: {  	[sflag:s29] =	ssyncset.done $0x0  }
0x1cc: {  	[sflag:s29] =	ssyncadd.s32 $0xFFFFD800  }
0x1cd: {  	[spmem:s2] =	stream.indirect.scatter.add.f32 [tilespmem:s21], [sflag:$0x5], $0x80, s13, s20, $0xb8;
	v63 =	vld [tilespmem:$0x0]  }
0x1ce: {  	_ =	swait.ge [sflag:s18], $0x2800  }
0x1cf: {  	[sflag:s18] =	ssyncset.done $0x0  }
0x1d0: {  	[sflag:s18] =	ssyncadd.s32 $0xFFFFD800  }
0x1d1: {  	[tilespmem:s21], [sflag:$0x1] =	stream.indirect.gather [hbm4b:s5+s20], $0x80, s12, s20, $0xb8;
	v63 =	vld [tilespmem:$0x0]  }
0x1d2: {  	_ =	swait.ge [sflag:s30], $0x2800  }
0x1d3: {  	[sflag:s30] =	ssyncset.done $0x0  }
0x1d4: {  	[sflag:s30] =	ssyncadd.s32 $0xFFFFD800  }
0x1d5: {  	[spmem:s2] =	stream.indirect.scatter.add.f32 [tilespmem:s23], [sflag:$0x5], $0x80, s14, s20, $0xb8;
	v63 =	vld [tilespmem:$0x0]  }
0x1d6: {  	_ =	swait.ge [sflag:s18], $0x2800  }
0x1d7: {  	[sflag:s18] =	ssyncset.done $0x0  }
0x1d8: {  	[sflag:s18] =	ssyncadd.s32 $0xFFFFD800  }
0x1d9: {  	[tilespmem:s23], [sflag:$0x2] =	stream.indirect.gather [hbm4b:s5+s20], $0x80, s12, s20, $0xb8;
	v63 =	vld [tilespmem:$0x0]  }
0x1da: {  	_ =	swait.ge [sflag:s31], $0x2800  }
0x1db: {  	[sflag:s31] =	ssyncset.done $0x0  }
0x1dc: {  	[sflag:s31] =	ssyncadd.s32 $0xFFFFD800  }
0x1dd: {  	[spmem:s2] =	stream.indirect.scatter.add.f32 [tilespmem:s25], [sflag:$0x5], $0x80, s15, s20, $0xb8;
	v63 =	vld [tilespmem:$0x0]  }
0x1de: {  	_ =	swait.ge [sflag:s18], $0x2800  }
0x1df: {  	[sflag:s18] =	ssyncset.done $0x0  }
0x1e0: {  	[sflag:s18] =	ssyncadd.s32 $0xFFFFD800  }
0x1e1: {  	[tilespmem:s25], [sflag:$0x3] =	stream.indirect.gather [hbm4b:s5+s20], $0x80, s12, s20, $0xb8;
	v63 =	vld [tilespmem:$0x0]  }
0x1e2: {  	_ =	swait.ge [sflag:s0], $0x2800  }
0x1e3: {  	[sflag:s0] =	ssyncset.done $0x0  }
0x1e4: {  	[sflag:s0] =	ssyncadd.s32 $0xFFFFD800  }
0x1e5: {  	[spmem:s2] =	stream.indirect.scatter.add.f32 [tilespmem:s28], [sflag:$0x5], $0x80, s16, s20, $0xb8;
	v63 =	vld [tilespmem:$0x0]  }
0x1e6: {  	_ =	swait.ge [sflag:s18], $0x2800  }
0x1e7: {  	[sflag:s18] =	ssyncset.done $0x0  }
0x1e8: {  	[sflag:s18] =	ssyncadd.s32 $0xFFFFD800  }
0x1e9: {  	[tilespmem:s28], [sflag:$0x4] =	stream.indirect.gather [hbm4b:s5+s20], $0x80, s12, s20, $0xb8;
	v63 =	vld [tilespmem:$0x0]  }
0x1ea: {  	_ =	swait.ge [sflag:s29], $0x2800  }
0x1eb: {  	[sflag:s29] =	ssyncset.done $0x0  }
0x1ec: {  	[sflag:s29] =	ssyncadd.s32 $0xFFFFD800  }
0x1ed: {  	_ =	swait.ge [sflag:s30], $0x2800  }
0x1ee: {  	[sflag:s30] =	ssyncset.done $0x0  }
0x1ef: {  	[sflag:s30] =	ssyncadd.s32 $0xFFFFD800  }
0x1f0: {  	_ =	swait.ge [sflag:s31], $0x2800  }
0x1f1: {  	[sflag:s31] =	ssyncset.done $0x0  }
0x1f2: {  	[sflag:s31] =	ssyncadd.s32 $0xFFFFD800  }
0x1f3: {  	_ =	swait.ge [sflag:s0], $0x2800  }
0x1f4: {  	[sflag:s0] =	ssyncset.done $0x0  }
0x1f5: {  	s6 =	simm.s32 $0x0;
	s22 =	rddreg [dreg:$0xa];
	[sflag:s0] =	ssyncadd.s32 $0xFFFFD800  }
0x1f6: {  	[tilespmem:s6], [sflag:$0x5] =	stream.linear.gather [hbm4b:s22+s6], $0x1000, $0x38;
	v63 =	vld [tilespmem:$0x0]  }
0x1f7: {  	_ =	swait.ge [sflag:s18], $0x1000  }
0x1f8: {  	[sflag:s18] =	ssyncset.done $0x0  }
0x1f9: {  	s22 =	simm.s32 $0x1000;
	s19 =	rddreg [dreg:$0xb];
	[sflag:s18] =	ssyncadd.s32 $0xFFFFF000  }
0x1fa: {  	[tilespmem:s22], [sflag:$0x5] =	stream.linear.gather [hbm4b:s19+s6], $0x1000, $0x38;
	v63 =	vld [tilespmem:$0x0]  }
0x1fb: {  	_ =	swait.ge [sflag:s18], $0x1000  }
0x1fc: {  	[sflag:s18] =	ssyncset.done $0x0  }
0x1fd: {  	[sflag:s18] =	ssyncadd.s32 $0xFFFFF000  }
0x1fe: {  	[tilespmem:s21], [sflag:$0x1] =	stream.indirect.gather [hbm4b:s5+s20], $0x80, s6, s20, $0xb8;
	v63 =	vld [tilespmem:$0x0]  }
0x1ff: {  	s22 =	simm.s32 $0x80  }
0x200: {  	[tilespmem:s23], [sflag:$0x2] =	stream.indirect.gather [hbm4b:s5+s20], $0x80, s22, s20, $0xb8;
	v63 =	vld [tilespmem:$0x0]  }
0x201: {  	s19 =	simm.s32 $0x100  }
0x202: {  	[tilespmem:s25], [sflag:$0x3] =	stream.indirect.gather [hbm4b:s5+s20], $0x80, s19, s20, $0xb8;
	v63 =	vld [tilespmem:$0x0]  }
0x203: {  	_ = 	snop  }
0x204: {  	[tilespmem:s28], [sflag:$0x4] =	stream.indirect.gather [hbm4b:s5+s20], $0x80, s26, s20, $0xb8;
	v63 =	vld [tilespmem:$0x0]  }
0x205: {  	_ =	swait.ge [sflag:s29], $0x2800  }
0x206: {  	[sflag:s29] =	ssyncset.done $0x0  }
0x207: {  	s22 =	simm.s32 $0x1000;
	[sflag:s29] =	ssyncadd.s32 $0xFFFFD800  }
0x208: {  	[spmem:s2] =	stream.indirect.scatter.add.f32 [tilespmem:s21], [sflag:$0x5], $0x80, s22, s20, $0xb8;
	v63 =	vld [tilespmem:$0x0]  }
0x209: {  	_ =	swait.ge [sflag:s18], $0x2800  }
0x20a: {  	[sflag:s18] =	ssyncset.done $0x0  }
0x20b: {  	s19 =	simm.s32 $0x200;
	[sflag:s18] =	ssyncadd.s32 $0xFFFFD800  }
0x20c: {  	[tilespmem:s21], [sflag:$0x1] =	stream.indirect.gather [hbm4b:s5+s20], $0x80, s19, s20, $0xb8;
	v63 =	vld [tilespmem:$0x0]  }
0x20d: {  	_ =	swait.ge [sflag:s30], $0x2800  }
0x20e: {  	[sflag:s30] =	ssyncset.done $0x0  }
0x20f: {  	s22 =	simm.s32 $0x1080;
	[sflag:s30] =	ssyncadd.s32 $0xFFFFD800  }
0x210: {  	[spmem:s2] =	stream.indirect.scatter.add.f32 [tilespmem:s23], [sflag:$0x5], $0x80, s22, s20, $0xb8;
	v63 =	vld [tilespmem:$0x0]  }
0x211: {  	_ =	swait.ge [sflag:s18], $0x2800  }
0x212: {  	[sflag:s18] =	ssyncset.done $0x0  }
0x213: {  	s19 =	simm.s32 $0x280;
	[sflag:s18] =	ssyncadd.s32 $0xFFFFD800  }
0x214: {  	[tilespmem:s23], [sflag:$0x2] =	stream.indirect.gather [hbm4b:s5+s20], $0x80, s19, s20, $0xb8;
	v63 =	vld [tilespmem:$0x0]  }
0x215: {  	_ =	swait.ge [sflag:s31], $0x2800  }
0x216: {  	[sflag:s31] =	ssyncset.done $0x0  }
0x217: {  	s22 =	simm.s32 $0x1100;
	[sflag:s31] =	ssyncadd.s32 $0xFFFFD800  }
0x218: {  	[spmem:s2] =	stream.indirect.scatter.add.f32 [tilespmem:s25], [sflag:$0x5], $0x80, s22, s20, $0xb8;
	v63 =	vld [tilespmem:$0x0]  }
0x219: {  	_ =	swait.ge [sflag:s18], $0x2800  }
0x21a: {  	[sflag:s18] =	ssyncset.done $0x0  }
0x21b: {  	s19 =	simm.s32 $0x300;
	[sflag:s18] =	ssyncadd.s32 $0xFFFFD800  }
0x21c: {  	[tilespmem:s25], [sflag:$0x3] =	stream.indirect.gather [hbm4b:s5+s20], $0x80, s19, s20, $0xb8;
	v63 =	vld [tilespmem:$0x0]  }
0x21d: {  	_ =	swait.ge [sflag:s0], $0x2800  }
0x21e: {  	[sflag:s0] =	ssyncset.done $0x0  }
0x21f: {  	s22 =	simm.s32 $0x1180;
	[sflag:s0] =	ssyncadd.s32 $0xFFFFD800  }
0x220: {  	[spmem:s2] =	stream.indirect.scatter.add.f32 [tilespmem:s28], [sflag:$0x5], $0x80, s22, s20, $0xb8;
	v63 =	vld [tilespmem:$0x0]  }
0x221: {  	_ =	swait.ge [sflag:s18], $0x2800  }
0x222: {  	[sflag:s18] =	ssyncset.done $0x0  }
0x223: {  	s6 =	simm.s32 $0x800;
	s19 =	simm.s32 $0x380;
	[sflag:s18] =	ssyncadd.s32 $0xFFFFD800  }
.LBB2_8:
0x224: {  	[tilespmem:s28], [sflag:$0x4] =	stream.indirect.gather [hbm4b:s5+s20], $0x80, s19, s20, $0xb8;
	v63 =	vld [tilespmem:$0x0]  }
0x225: {  	s19 =	smov.u32 s6  }
0x226: {  	p0 =	sne.s32 s6, $0x2800;
	s6 =	sadd.s32 $0x800, s6;
	_ =	swait.ge [sflag:s29], $0x2800  }
0x227: {  	s19 =	sshra.s32 s19, $0x2;
	[sflag:s29] =	ssyncset.done $0x0  }
0x228: {  	s22 =	sadd.s32 $0x1000, s19;
	[sflag:s29] =	ssyncadd.s32 $0xFFFFD800  }
0x229: {  	[spmem:s2] =	stream.indirect.scatter.add.f32 [tilespmem:s21], [sflag:$0x5], $0x80, s22, s20, $0xb8;
	v63 =	vld [tilespmem:$0x0]  }
0x22a: {  	_ =	swait.ge [sflag:s18], $0x2800  }
0x22b: {  	[sflag:s18] =	ssyncset.done $0x0  }
0x22c: {  	s22 =	sadd.s32 $0x200, s19;
	[sflag:s18] =	ssyncadd.s32 $0xFFFFD800  }
0x22d: {  	[tilespmem:s21], [sflag:$0x1] =	stream.indirect.gather [hbm4b:s5+s20], $0x80, s22, s20, $0xb8;
	v63 =	vld [tilespmem:$0x0]  }
0x22e: {  	_ =	swait.ge [sflag:s30], $0x2800  }
0x22f: {  	[sflag:s30] =	ssyncset.done $0x0  }
0x230: {  	s22 =	sadd.s32 $0x1080, s19;
	[sflag:s30] =	ssyncadd.s32 $0xFFFFD800  }
0x231: {  	[spmem:s2] =	stream.indirect.scatter.add.f32 [tilespmem:s23], [sflag:$0x5], $0x80, s22, s20, $0xb8;
	v63 =	vld [tilespmem:$0x0]  }
0x232: {  	_ =	swait.ge [sflag:s18], $0x2800  }
0x233: {  	[sflag:s18] =	ssyncset.done $0x0  }
0x234: {  	s22 =	sadd.s32 $0x280, s19;
	[sflag:s18] =	ssyncadd.s32 $0xFFFFD800  }
0x235: {  	[tilespmem:s23], [sflag:$0x2] =	stream.indirect.gather [hbm4b:s5+s20], $0x80, s22, s20, $0xb8;
	v63 =	vld [tilespmem:$0x0]  }
0x236: {  	_ =	swait.ge [sflag:s31], $0x2800  }
0x237: {  	[sflag:s31] =	ssyncset.done $0x0  }
0x238: {  	s22 =	sadd.s32 $0x1100, s19;
	[sflag:s31] =	ssyncadd.s32 $0xFFFFD800  }
0x239: {  	[spmem:s2] =	stream.indirect.scatter.add.f32 [tilespmem:s25], [sflag:$0x5], $0x80, s22, s20, $0xb8;
	v63 =	vld [tilespmem:$0x0]  }
0x23a: {  	_ =	swait.ge [sflag:s18], $0x2800  }
0x23b: {  	[sflag:s18] =	ssyncset.done $0x0  }
0x23c: {  	s22 =	sadd.s32 $0x300, s19;
	[sflag:s18] =	ssyncadd.s32 $0xFFFFD800  }
0x23d: {  	[tilespmem:s25], [sflag:$0x3] =	stream.indirect.gather [hbm4b:s5+s20], $0x80, s22, s20, $0xb8;
	v63 =	vld [tilespmem:$0x0]  }
0x23e: {  	_ =	swait.ge [sflag:s0], $0x2800  }
0x23f: {  	[sflag:s0] =	ssyncset.done $0x0  }
.Ltmp3:
0x240: {  	s22 =	sadd.s32 $0x1180, s19;
	[sflag:s0] =	ssyncadd.s32 $0xFFFFD800;
	(pc) =	sbr.rel @p0 .LBB2_8-.Ltmp3, $4  }
0x241: {  	[spmem:s2] =	stream.indirect.scatter.add.f32 [tilespmem:s28], [sflag:$0x5], $0x80, s22, s20, $0xb8;
	v63 =	vld [tilespmem:$0x0]  }
0x242: {  	_ =	swait.ge [sflag:s18], $0x2800  }
0x243: {  	[sflag:s18] =	ssyncset.done $0x0  }
0x244: {  	s19 =	sadd.s32 $0x380, s19;
	[sflag:s18] =	ssyncadd.s32 $0xFFFFD800  }
0x245: {  	[tilespmem:s28], [sflag:$0x4] =	stream.indirect.gather [hbm4b:s5+s20], $0x80, s19, s20, $0xb8;
	v63 =	vld [tilespmem:$0x0]  }
0x246: {  	_ =	swait.ge [sflag:s29], $0x2800  }
0x247: {  	[sflag:s29] =	ssyncset.done $0x0  }
0x248: {  	[sflag:s29] =	ssyncadd.s32 $0xFFFFD800  }
0x249: {  	[spmem:s2] =	stream.indirect.scatter.add.f32 [tilespmem:s21], [sflag:$0x5], $0x80, s3, s20, $0xb8;
	v63 =	vld [tilespmem:$0x0]  }
0x24a: {  	_ =	swait.ge [sflag:s18], $0x2800  }
0x24b: {  	[sflag:s18] =	ssyncset.done $0x0  }
0x24c: {  	[sflag:s18] =	ssyncadd.s32 $0xFFFFD800  }
0x24d: {  	[tilespmem:s21], [sflag:$0x1] =	stream.indirect.gather [hbm4b:s5+s20], $0x80, s1, s20, $0xb8;
	v63 =	vld [tilespmem:$0x0]  }
0x24e: {  	_ =	swait.ge [sflag:s30], $0x2800  }
0x24f: {  	[sflag:s30] =	ssyncset.done $0x0  }
0x250: {  	[sflag:s30] =	ssyncadd.s32 $0xFFFFD800  }
0x251: {  	[spmem:s2] =	stream.indirect.scatter.add.f32 [tilespmem:s23], [sflag:$0x5], $0x80, s7, s20, $0xb8;
	v63 =	vld [tilespmem:$0x0]  }
0x252: {  	_ =	swait.ge [sflag:s18], $0x2800  }
0x253: {  	[sflag:s18] =	ssyncset.done $0x0  }
0x254: {  	[sflag:s18] =	ssyncadd.s32 $0xFFFFD800  }
0x255: {  	[tilespmem:s23], [sflag:$0x2] =	stream.indirect.gather [hbm4b:s5+s20], $0x80, s8, s20, $0xb8;
	v63 =	vld [tilespmem:$0x0]  }
0x256: {  	_ =	swait.ge [sflag:s31], $0x2800  }
0x257: {  	[sflag:s31] =	ssyncset.done $0x0  }
0x258: {  	[sflag:s31] =	ssyncadd.s32 $0xFFFFD800  }
0x259: {  	[spmem:s2] =	stream.indirect.scatter.add.f32 [tilespmem:s25], [sflag:$0x5], $0x80, s9, s20, $0xb8;
	v63 =	vld [tilespmem:$0x0]  }
0x25a: {  	_ =	swait.ge [sflag:s18], $0x2800  }
0x25b: {  	[sflag:s18] =	ssyncset.done $0x0  }
0x25c: {  	[sflag:s18] =	ssyncadd.s32 $0xFFFFD800  }
0x25d: {  	[tilespmem:s25], [sflag:$0x3] =	stream.indirect.gather [hbm4b:s5+s20], $0x80, s10, s20, $0xb8;
	v63 =	vld [tilespmem:$0x0]  }
0x25e: {  	_ =	swait.ge [sflag:s0], $0x2800  }
0x25f: {  	[sflag:s0] =	ssyncset.done $0x0  }
0x260: {  	[sflag:s0] =	ssyncadd.s32 $0xFFFFD800  }
0x261: {  	[spmem:s2] =	stream.indirect.scatter.add.f32 [tilespmem:s28], [sflag:$0x5], $0x80, s11, s20, $0xb8;
	v63 =	vld [tilespmem:$0x0]  }
0x262: {  	_ =	swait.ge [sflag:s18], $0x2800  }
0x263: {  	[sflag:s18] =	ssyncset.done $0x0  }
0x264: {  	[sflag:s18] =	ssyncadd.s32 $0xFFFFD800  }
0x265: {  	[tilespmem:s28], [sflag:$0x4] =	stream.indirect.gather [hbm4b:s5+s20], $0x80, s12, s20, $0xb8;
	v63 =	vld [tilespmem:$0x0]  }
0x266: {  	_ =	swait.ge [sflag:s29], $0x2800  }
0x267: {  	[sflag:s29] =	ssyncset.done $0x0  }
0x268: {  	[sflag:s29] =	ssyncadd.s32 $0xFFFFD800  }
0x269: {  	[spmem:s2] =	stream.indirect.scatter.add.f32 [tilespmem:s21], [sflag:$0x5], $0x80, s13, s20, $0xb8;
	v63 =	vld [tilespmem:$0x0]  }
0x26a: {  	_ =	swait.ge [sflag:s18], $0x2800  }
0x26b: {  	[sflag:s18] =	ssyncset.done $0x0  }
0x26c: {  	[sflag:s18] =	ssyncadd.s32 $0xFFFFD800  }
0x26d: {  	[tilespmem:s21], [sflag:$0x1] =	stream.indirect.gather [hbm4b:s5+s20], $0x80, s12, s20, $0xb8;
	v63 =	vld [tilespmem:$0x0]  }
0x26e: {  	_ =	swait.ge [sflag:s30], $0x2800  }
0x26f: {  	[sflag:s30] =	ssyncset.done $0x0  }
0x270: {  	[sflag:s30] =	ssyncadd.s32 $0xFFFFD800  }
0x271: {  	[spmem:s2] =	stream.indirect.scatter.add.f32 [tilespmem:s23], [sflag:$0x5], $0x80, s14, s20, $0xb8;
	v63 =	vld [tilespmem:$0x0]  }
0x272: {  	_ =	swait.ge [sflag:s18], $0x2800  }
0x273: {  	[sflag:s18] =	ssyncset.done $0x0  }
0x274: {  	[sflag:s18] =	ssyncadd.s32 $0xFFFFD800  }
0x275: {  	[tilespmem:s23], [sflag:$0x2] =	stream.indirect.gather [hbm4b:s5+s20], $0x80, s12, s20, $0xb8;
	v63 =	vld [tilespmem:$0x0]  }
0x276: {  	_ =	swait.ge [sflag:s31], $0x2800  }
0x277: {  	[sflag:s31] =	ssyncset.done $0x0  }
0x278: {  	[sflag:s31] =	ssyncadd.s32 $0xFFFFD800  }
0x279: {  	[spmem:s2] =	stream.indirect.scatter.add.f32 [tilespmem:s25], [sflag:$0x5], $0x80, s15, s20, $0xb8;
	v63 =	vld [tilespmem:$0x0]  }
0x27a: {  	_ =	swait.ge [sflag:s18], $0x2800  }
0x27b: {  	[sflag:s18] =	ssyncset.done $0x0  }
0x27c: {  	[sflag:s18] =	ssyncadd.s32 $0xFFFFD800  }
0x27d: {  	[tilespmem:s25], [sflag:$0x3] =	stream.indirect.gather [hbm4b:s5+s20], $0x80, s12, s20, $0xb8;
	v63 =	vld [tilespmem:$0x0]  }
0x27e: {  	_ =	swait.ge [sflag:s0], $0x2800  }
0x27f: {  	[sflag:s0] =	ssyncset.done $0x0  }
0x280: {  	[sflag:s0] =	ssyncadd.s32 $0xFFFFD800  }
0x281: {  	[spmem:s2] =	stream.indirect.scatter.add.f32 [tilespmem:s28], [sflag:$0x5], $0x80, s16, s20, $0xb8;
	v63 =	vld [tilespmem:$0x0]  }
0x282: {  	_ =	swait.ge [sflag:s18], $0x2800  }
0x283: {  	[sflag:s18] =	ssyncset.done $0x0  }
0x284: {  	[sflag:s18] =	ssyncadd.s32 $0xFFFFD800  }
0x285: {  	[tilespmem:s28], [sflag:$0x4] =	stream.indirect.gather [hbm4b:s5+s20], $0x80, s12, s20, $0xb8;
	v63 =	vld [tilespmem:$0x0]  }
0x286: {  	_ =	swait.ge [sflag:s29], $0x2800  }
0x287: {  	[sflag:s29] =	ssyncset.done $0x0  }
0x288: {  	[sflag:s29] =	ssyncadd.s32 $0xFFFFD800  }
0x289: {  	_ =	swait.ge [sflag:s30], $0x2800  }
0x28a: {  	[sflag:s30] =	ssyncset.done $0x0  }
0x28b: {  	[sflag:s30] =	ssyncadd.s32 $0xFFFFD800  }
0x28c: {  	_ =	swait.ge [sflag:s31], $0x2800  }
0x28d: {  	[sflag:s31] =	ssyncset.done $0x0  }
0x28e: {  	[sflag:s31] =	ssyncadd.s32 $0xFFFFD800  }
0x28f: {  	_ =	swait.ge [sflag:s0], $0x2800  }
0x290: {  	[sflag:s0] =	ssyncset.done $0x0  }
0x291: {  	[sflag:s0] =	ssyncadd.s32 $0xFFFFD800  }
0x292: {  	[bflag:$0x0] =	sbarrier.arrive $0xFFFF  }
0x293: {  	s6 =	rddreg [dreg:$0xc]  }
0x294: {  	[hbm:s6], [sflag:s17] =	dma.local [spmem:s24], $0x2800  }
0x295: {  	_ =	swait.ge [sflag:s18], $0x2800  }
0x296: {  	s22 =	smov.u32 s24;
	s4 =	sadd.s32 $0x1, s4;
	s24 =	rddreg [dreg:$0xd]  }
0x297: {  	p0 =	sne.s32 s4, s24  }
.Ltmp4:
0x298: {  	_ = 	snop;
	(pc) =	sbr.rel @p0 .LBB2_1-.Ltmp4, $3  }
0x299: {  	_ =	sdelay $0x1  }
0x29a: {  	[sflag:s18] =	ssyncset.done $0x0  }
0x29b: {  	s19 =	smov.u32 s17;
	[sflag:s18] =	ssyncadd.s32 $0xFFFFD800  }
0x29c: {  	_ =	sfence.sel $0x180000  }
0x29d: {  	[bflag:$0x0] =	sbarrier.arrive $0xFFFF  }
0x29e: {  	_ =	strace $0x90000047  }
0x29f: {  	s0 =	stileid.u32;
	[bflag:$0x2] =	sbarrier.arrive $0xFFFF  }
0x2a0: {  	p0 =	sne.s32 s0, $0x0;
	s0 =	rddreg [dreg:$0x3]  }
0x2a1: {  	s0 =	sadd.s32 @!p0 $0x100000, s0  }
0x2a2: {  	[sflag:s0] =	ssyncadd.tile.s32 @!p0 $0x1;
	_ =	shalt  }
.Lfunc_end2:
_tile_overlayer_lowered:
.L_overlay_start_2:
0x2a3: {  	(tag) =	ssettag $0x2  }
0x2a4: {  	s0 =	rddreg [dreg:$0x0];
	s2 =	stileid.u32  }
0x2a5: {  	s1 =	rddreg [dreg:$0x1];
	p0 =	sne.s32 s2, $0x0  }
0x2a6: {  	s3 =	rddreg [dreg:$0x2];
	[bflag:$0x3] =	sbarrier.arrive $0xFFFF;
	s2 =	simm.s32 @!p0 $0x1C05  }
0x2a7: {  	[timem:s3], [sflag:s2] =	dma.local @!p0 [hbm:s0], s1  }
0x2a8: {  	s0 =	simm.s32 @!p0 $0x5  }
0x2a9: {  	_ =	swait.ge @!p0 [sflag:s0], s1  }
0x2aa: {  	s1 =	ssub.s32 @!p0 $0x0, s1;
	[sflag:s0] =	ssyncset.done @!p0 $0x0  }
0x2ab: {  	[sflag:s0] =	ssyncadd.s32 @!p0 s1  }
0x2ac: {  	[bflag:$0x3] =	sbarrier.arrive $0xFFFF  }
0x2ad: {  	_ =	shalt  }

// kernel: kernel.8.cloned.1.call-start
scs
__scs_entry_jumppad:
0x0: {  	(pc) =	sbr.rel $0x88, $3  }
0x1: {  	(tag) =	ssettag $0x0;
	lr =	simm.s32 $0x1  }
0x2: {  	[smem:$0x3F9C] =	sst lr;
	_ =	strace $0xD0000000  }
0x3: {  	_ = 	snop  }
0x4: {  	_ = 	snop  }
0x5: {  	_ = 	snop  }
0x6: {  	_ = 	snop  }
0x7: {  	_ = 	snop  }
__scs_overlays_trampoline_lowered:
0x8: {  	[smem:$0x3FAB] =	sst s0  }
0x9: {  	[smem:$0x3FAC] =	sst s1  }
0xa: {  	[smem:$0x3FAD] =	sst s2  }
0xb: {  	[smem:$0x3FAE] =	sst s3  }
0xc: {  	[smem:$0x3FAF] =	sst s4  }
0xd: {  	[smem:$0x3FB0] =	sst s5  }
0xe: {  	[smem:$0x3FB1] =	sst s6  }
0xf: {  	[smem:$0x3FB2] =	sst s7  }
0x10: {  	[smem:$0x3FB3] =	sst s8  }
0x11: {  	[smem:$0x3FB4] =	sst s9;
	s0 =	simm.s32 @!p0 $0x0  }
0x12: {  	s1 =	sld [smem:$0x3F9A];
	s0 =	simm.s32 @p0 $0x1  }
0x13: {  	[smem:$0x3FB5] =	sst s0;
	s0 =	simm.s32 @!p1 $0x0  }
0x14: {  	s2 =	sld [smem:$0x3F99];
	s0 =	simm.s32 @p1 $0x1  }
0x15: {  	[smem:$0x3FB6] =	sst s0;
	s0 =	simm.s32 @!p2 $0x0  }
0x16: {  	s3 =	sld [smem:$0x3FDB];
	s0 =	simm.s32 @p2 $0x1  }
0x17: {  	s4 =	simm.s32 $0x1BF5;
	[smem:$0x3FB8] =	sst s0  }
0x18: {  	s0 =	sld [smem:$0x3F9B];
	_ =	swait.ge [sflag:s4], $0x0  }
0x19: {  	s7 =	sld [smem:$0x3F9C]  }
0x1a: {  	s8 =	sadd.s32 $0xFFFFE003, lr  }
0x1b: {  	s9 =	sadd.s32 $0xFFFFFEF7, lr;
	s5 =	simm.s32 $0xFFFFFFFF;
	p2 =	slt.u32 s8, $0xFFFFF086  }
0x1c: {  	p1 =	slt.u32 s9, $0xF7A;
	s5 =	simm.s32 @!p2 $0x0  }
0x1d: {  	s5 =	simm.s32 @p1 $0x1;
	p0 =	seq.s32 s7, s2  }
0x1e: {  	s7 =	smul.u32 @!p0 $0xF7A, s2;
	p2 =	seq.s32 @!p0 s5, $0x0  }
0x1f: {  	s9 =	smul.u32 $0xF7A, s1;
	s8 =	simm.s32 @!p0 $0x1BF5;
	p2 =	por !p2, p0  }
0x20: {  	[sflag:s8] =	ssyncset.s32 @!p0 $0xFFFFF086;
	s6 =	sadd.s32 @!p0 s3, s7;
	s7 =	simm.s32 @!p0 $0x108  }
0x21: {  	s3 =	sadd.s32 s3, s9;
	s6 =	sadd.s32 @!p0 $0x88, s6;
	s7 =	simm.s32 @p2 $0x1082  }
0x22: {  	[simem:s7], [sflag:s8] =	dma.local @!p0 [hbm:s6], $0xF7A  }
0x23: {  	s9 =	sor.u32 $0xD0000000, s2;
	s6 =	simm.s32 $0x108;
	_ =	swait.ge @!p0 [sflag:s8], $0x0  }
0x24: {  	s3 =	sadd.s32 $0x88, s3;
	s6 =	simm.s32 @!p1 $0x1082;
	[sflag:s4] =	ssyncset.s32 $0xFFFFF086  }
0x25: {  	[simem:s6], [sflag:s4] =	dma.local [hbm:s3], $0xF7A  }
0x26: {  	[smem:$0x3F9C] =	sst s1;
	(tag) =	ssettag s2;
	_ =	strace s9  }
0x27: {  	s1 =	sld [smem:$0x3FAC]  }
0x28: {  	s2 =	sld [smem:$0x3FAD]  }
0x29: {  	s4 =	sld [smem:$0x3FAF]  }
0x2a: {  	p0 =	seq.s32 s5, $0x0;
	s5 =	sld [smem:$0x3FB0]  }
0x2b: {  	s6 =	sld [smem:$0x3FB1]  }
0x2c: {  	s7 =	sld [smem:$0x3FB2]  }
0x2d: {  	s3 =	simm.s32 $0x108;
	s8 =	sld [smem:$0x3FB3]  }
0x2e: {  	s3 =	simm.s32 @!p0 $0x1082;
	s9 =	sld [smem:$0x3FB4]  }
0x2f: {  	lr =	sadd.s32 s0, s3;
	s0 =	sld [smem:$0x3FAB]  }
0x30: {  	s3 =	sld [smem:$0x3FAE]  }
0x31: {  	[smem:$0x3FB7] =	sst s10  }
0x32: {  	s10 =	sld [smem:$0x3FB5];
	_ =	sdelay $0x3  }
0x33: {  	p0 =	seq.s32 s10, $0x1;
	s10 =	sld [smem:$0x3FB7];
	_ =	sdelay $0x3  }
0x34: {  	[smem:$0x3FB7] =	sst s10  }
0x35: {  	s10 =	sld [smem:$0x3FB6];
	_ =	sdelay $0x3  }
0x36: {  	p1 =	seq.s32 s10, $0x1;
	s10 =	sld [smem:$0x3FB7];
	_ =	sdelay $0x3  }
0x37: {  	[smem:$0x3FB7] =	sst s10  }
0x38: {  	s10 =	sld [smem:$0x3FB8]  }
0x39: {  	_ = 	snop;
	(pc) =	sbr.ind lr, $3  }
0x3a: {  	_ = 	snop  }
0x3b: {  	_ = 	snop  }
0x3c: {  	p2 =	seq.s32 s10, $0x1;
	s10 =	sld [smem:$0x3FB7]  }
0x3d: {  	_ =	shalt  }
0x3e: {  	_ =	shalt  }
0x3f: {  	_ =	shalt  }
0x40: {  	_ =	shalt  }
0x41: {  	_ =	shalt  }
0x42: {  	_ =	shalt  }
0x43: {  	_ =	shalt  }
0x44: {  	_ =	shalt  }
0x45: {  	_ =	shalt  }
0x46: {  	_ =	shalt  }
0x47: {  	_ =	shalt  }
0x48: {  	_ =	shalt  }
0x49: {  	_ =	shalt  }
0x4a: {  	_ =	shalt  }
0x4b: {  	_ =	shalt  }
0x4c: {  	_ =	shalt  }
0x4d: {  	_ =	shalt  }
0x4e: {  	_ =	shalt  }
0x4f: {  	_ =	shalt  }
0x50: {  	_ =	shalt  }
0x51: {  	_ =	shalt  }
0x52: {  	_ =	shalt  }
0x53: {  	_ =	shalt  }
0x54: {  	_ =	shalt  }
0x55: {  	_ =	shalt  }
0x56: {  	_ =	shalt  }
0x57: {  	_ =	shalt  }
0x58: {  	_ =	shalt  }
0x59: {  	_ =	shalt  }
0x5a: {  	_ =	shalt  }
0x5b: {  	_ =	shalt  }
0x5c: {  	_ =	shalt  }
0x5d: {  	_ =	shalt  }
0x5e: {  	_ =	shalt  }
0x5f: {  	_ =	shalt  }
0x60: {  	_ =	shalt  }
0x61: {  	_ =	shalt  }
0x62: {  	_ =	shalt  }
0x63: {  	_ =	shalt  }
0x64: {  	_ =	shalt  }
0x65: {  	_ =	shalt  }
0x66: {  	_ =	shalt  }
0x67: {  	_ =	shalt  }
0x68: {  	_ =	shalt  }
0x69: {  	_ =	shalt  }
0x6a: {  	_ =	shalt  }
0x6b: {  	_ =	shalt  }
0x6c: {  	_ =	shalt  }
0x6d: {  	_ =	shalt  }
0x6e: {  	_ =	shalt  }
0x6f: {  	_ =	shalt  }
0x70: {  	_ =	shalt  }
0x71: {  	_ =	shalt  }
0x72: {  	_ =	shalt  }
0x73: {  	_ =	shalt  }
0x74: {  	_ =	shalt  }
0x75: {  	_ =	shalt  }
0x76: {  	_ =	shalt  }
0x77: {  	_ =	shalt  }
0x78: {  	_ =	shalt  }
0x79: {  	_ =	shalt  }
0x7a: {  	_ =	shalt  }
0x7b: {  	_ =	shalt  }
0x7c: {  	_ =	shalt  }
0x7d: {  	_ =	shalt  }
0x7e: {  	_ =	shalt  }
0x7f: {  	_ =	shalt  }
0x80: {  	_ =	shalt  }
0x81: {  	_ =	shalt  }
0x82: {  	_ =	shalt  }
0x83: {  	_ =	shalt  }
0x84: {  	_ =	shalt  }
0x85: {  	_ =	shalt  }
0x86: {  	_ =	shalt  }
0x87: {  	_ =	shalt  }
.Lfunc_end0:
.L_simem_size_0:
called_computation.1_lowered:
.L_overlay_start_0:
0x88: {  	s2 =	sld [smem:$0x3FD9]  }
0x89: {  	s3 =	sld [smem:$0x3FFE];
	_ =	sdelay $0x1  }
0x8a: {  	s1 =	srdreg.scid  }
0x8b: {  	s0 =	sand.u32 $0x1, s1  }
0x8c: {  	s16 =	sshll.u32 s0, $0xA;
	s2 =	sadd.s32 s3, s2  }
0x8d: {  	s2 =	sadd.s32 s2, s16  }
0x8e: {  	[smem:$0x3FC3] =	sst s2  }
0x8f: {  	_ = 	snop  }
0x90: {  	(tm) =	ssettm $0x1  }
0x91: {  	s17 =	sld [smem:$0x3FFB];
	_ =	sdelay $0x3  }
0x92: {  	_ =	strace s17  }
0x93: {  	s2 =	sld [smem:$0x3FFC];
	_ =	sdelay $0x3  }
0x94: {  	_ =	strace s2  }
0x95: {  	s2 =	sld [smem:$0x3FFD];
	_ =	sdelay $0x3  }
0x96: {  	_ =	strace s2  }
0x97: {  	_ =	strace $0x8FFFFFFF  }
0x98: {  	s18 =	sld [smem:$0x3FDB];
	_ =	sdelay $0x1  }
0x99: {  	s19 =	simm.s32 $_scs_section_size  }
0x9a: {  	s4 =	simm.s32 $_size__tile_overlayer_lowered;
	s5 =	simm.s32 $_tile_overlayer_lowered  }
0x9b: {  	s22 =	simm.s32 $0x1BFF;
	s21 =	sshll.u32 s5, $0x1;
	s2 =	sadd.s32 s19, s18  }
0x9c: {  	s6 =	simm.s32 $0x0;
	s20 =	sshll.u32 s4, $0x1;
	s4 =	sadd.s32 s21, s2  }
0x9d: {  	[timem:s6], [sflag:s22] =	dma.local [hbm:s4], s20  }
0x9e: {  	_ =	swait.ge [sflag:s22], s20  }
0x9f: {  	s3 =	ssub.s32 $0x0, s20;
	[sflag:s22] =	ssyncset.done $0x0  }
0xa0: {  	[sflag:s22] =	ssyncadd.s32 s3;
	_ =	sdelay $0x1  }
0xa1: {  	s23 =	simm.s32 $0x1B8B  }
0xa2: {  	_ =	swait.ge [sflag:s23], $0x1  }
0xa3: {  	[sflag:s23] =	ssyncset.done $0x0  }
0xa4: {  	s25 =	simm.s32 $0x1B8E;
	s24 =	sld [smem:$0x3FFE];
	[sflag:s23] =	ssyncadd.s32 $0xFFFFFFFF  }
0xa5: {  	s26 =	simm.s32 $execute0_lowered;
	[smem:$0x3FD2] =	sst s25  }
0xa6: {  	s4 =	sshll.u32 s26, $0x1;
	_ =	strace $0x80000049;
	[dreg:$0x1] =	wrdreg $0xFFFFFFFF  }
0xa7: {  	s28 =	simm.s32 $_size_execute0_lowered;
	s2 =	sadd.s32 s2, s4;
	[dreg:$0x0] =	wrdreg $0x0  }
0xa8: {  	s4 =	sshll.u32 s28, $0x1;
	[dreg:$0x2] =	wrdreg s2  }
0xa9: {  	[dreg:$0x3] =	wrdreg s4  }
0xaa: {  	[dreg:$0x4] =	wrdreg $0xC0  }
0xab: {  	_ =	task [dreg:s6], $0x5FFFF  }
0xac: {  	[dreg:$0x1] =	wrdreg $0xFFFFFFFF  }
0xad: {  	[dreg:$0x0] =	wrdreg $0x60  }
0xae: {  	[dreg:$0x2] =	wrdreg s24  }
0xaf: {  	[dreg:$0x3] =	wrdreg $0x9  }
0xb0: {  	_ =	task.clear_ibuf [dreg:s6], $0x4FFFF;
	_ =	strace $0x90000049  }
0xb1: {  	s29 =	simm.s32 $0x9;
	_ =	strace $0x8000004B  }
0xb2: {  	_ =	swait.ge [sflag:s29], $0x1  }
0xb3: {  	[sflag:s29] =	ssyncadd.s32 $0xFFFFFFFF  }
0xb4: {  	_ =	strace $0x9000004B  }
0xb5: {  	_ =	sfence  }
0xb6: {  	s30 =	sld [smem:$0x0];
	_ =	sdelay $0x2  }
0xb7: {  	s31 =	sshll.u32 s1, $0xD;
	s1 =	sshrl.u32 s1, $0x2  }
0xb8: {  	s3 =	sand.u32 $0x4000, s31;
	s1 =	sadd.s32 s1, s30  }
0xb9: {  	s0 =	sor.u32 s3, s0;
	s1 =	sshll.u32 s1, $0x11  }
0xba: {  	s0 =	sor.u32 s1, s0  }
0xbb: {  	s0 =	sadd.s32 $0x8F2B, s0  }
0xbc: {  	[sflag:s0] =	ssyncadd.remote.s32 $0x1  }
0xbd: {  	_ =	sfence.sel $0xFFFF  }
0xbe: {  	[dreg:$0x0] =	wrdreg $0xFFFFFFFF;
	(pc) =	sbr.abs _section_cstart, $3  }
0xbf: {  	[dreg:$0x1] =	wrdreg $0xFFFFFFFF  }
0xc0: {  	_ =	task.clear_ibuf [dreg:s6], $0x2FFFF;
	_ =	strace $0x9FFFFFFF  }
0xc1: {  	(tm) =	ssettm $0x7FFFFFFF  }
tec
execute0_lowered:
.L_overlay_start_1:
0x0: {  	(tag) =	ssettag $0x1  }
0x1: {  	s0 =	srdreg.scid;
	vm0 =	vcmask $0x300  }
0x2: {  	v14 =	vimm.f32 $0.0e+00;
	s5 =	rddreg [dreg:$0x0];
	vm15 =	vcmask $0x704;
	s2 =	simm.s32 $0x0;
	vm4 =	vcmask $0xB08;
	s10 =	simm.s32 $0x3  }
0x3: {  	vm1 =	vcmask $0xF0C;
	vm5 =	vcmask $0x1310;
	vm6 =	vcmask $0x1714;
	s11 =	simm.s32 $0x2800;
	s12 =	simm.s32 $0x80;
	s13 =	simm.s32 $0x5000  }
0x4: {  	vm7 =	vcmask $0x1B18;
	vm8 =	vcmask $0x1F1C;
	vm9 =	vcmask $0x2320;
	s14 =	simm.s32 $0x9000;
	s15 =	simm.s32 $0x7000;
	s16 =	simm.s32 $0x2880  }
0x5: {  	vm10 =	vcmask $0x2724;
	vm11 =	vcmask $0x2B28;
	vm12 =	vcmask $0x2F2C;
	s17 =	simm.s32 $0xB000;
	s18 =	simm.s32 $0x1;
	s4 =	sand.u32 $0x1, s0  }
0x6: {  	vm13 =	vcmask $0x3330;
	vm14 =	vcmask $0x3734;
	v15 =	vimm.f32 $1.000000000e+00;
	s19 =	simm.s32 $0xD000;
	s0 =	stileid.u32;
	s1 =	sshll.u32 s4, $0x4  }
0x7: {  	vm2 =	vcmask $0x3B00;
	s20 =	simm.s32 $0x2;
	s21 =	simm.s32 $0x0;
	v0 =	vsel vm0, $0x3F800000, v14;
	v1 =	vsel vm15, $0x3F800000, v14;
	s3 =	sor.u32 s0, s1  }
0x8: {  	[smem:$0x7FF] =	sst s2;
	v2 =	vsel vm4, $0x3F800000, v14;
	v3 =	vsel vm1, $0x3F800000, v14;
	v4 =	vsel vm5, $0x3F800000, v14;
	s7 =	ssub.s32 $0x2, s4;
	s3 =	smul.u32 $0x2800, s3  }
0x9: {  	v5 =	vsel vm6, $0x3F800000, v14;
	v6 =	vsel vm7, $0x3F800000, v14;
	v7 =	vsel vm8, $0x3F800000, v14;
	s4 =	sadd.s32 $0x15800, s5;
	s1 =	rddreg [dreg:$0x1];
	s31 =	sshrl.u32 s7, $0x1  }
0xa: {  	v8 =	vsel vm9, $0x3F800000, v14;
	v9 =	vsel vm10, $0x3F800000, v14;
	v10 =	vsel vm11, $0x3F800000, v14;
	_ =	strace $0x8000004A;
	s9 =	ssub.s32 s7, s31;
	s6 =	sshrl.u32 s3, $0x3  }
0xb: {  	v11 =	vsel vm12, $0x3F800000, v14;
	v12 =	vsel vm13, $0x3F800000, v14;
	vm15 =	vcmask $0x3B38;
	s9 =	smax.u32 s9, $0x1;
	s8 =	sadd.s32 s6, s5;
	s5 =	sadd.s32 $0x29800, s5  }
0xc: {  	v13 =	vsel vm14, $0x3F800000, v14;
	v15 =	vsel vm2, $0x0, v15;
	v14 =	vsel vm15, $0x3F800000, v14;
	s6 =	sadd.s32 $0x1800, s8;
	s7 =	sadd.s32 $0xB800, s8;
	s8 =	sor.u32 $0x80, s3  }
.LBB2_1:
0xd: {  	[tilespmem:s2], [sflag:$0x3] =	stream.linear.gather [hbm4b:s6+s2], $0x2800, $0x38;
	[tilespmem:$0xD080] =	vst v63  }
0xe: {  	_ =	swait.ge [sflag:s10], $0x2800  }
0xf: {  	[sflag:s10] =	ssyncset.done $0x0  }
0x10: {  	[sflag:s10] =	ssyncadd.s32 $0xFFFFD800  }
0x11: {  	[tilespmem:s11], [sflag:$0x3] =	stream.linear.gather [hbm4b:s7+s2], $0x2800, $0x38;
	[tilespmem:$0xD080] =	vst v63  }
0x12: {  	_ =	swait.ge [sflag:s10], $0x2800  }
0x13: {  	[sflag:s10] =	ssyncset.done $0x0  }
0x14: {  	[sflag:s10] =	ssyncadd.s32 $0xFFFFD800  }
0x15: {  	[tilespmem:s13], [sflag:$0x1] =	stream.indirect.gather [hbm4b:s4+s12], $0x40, s2, s12, $0xb8;
	[tilespmem:$0xD080] =	vst v63  }
0x16: {  	_ = 	snop  }
0x17: {  	[tilespmem:s14], [sflag:$0x1] =	stream.indirect.gather [hbm4b:s4+s12], $0x40, s11, s12, $0xb8;
	[tilespmem:$0xD080] =	vst v63  }
0x18: {  	_ = 	snop  }
0x19: {  	[tilespmem:s15], [sflag:$0x2] =	stream.indirect.gather [hbm4b:s4+s12], $0x40, s12, s12, $0xb8;
	[tilespmem:$0xD080] =	vst v63  }
0x1a: {  	s22 =	simm.s32 $0x0  }
0x1b: {  	[tilespmem:s17], [sflag:$0x2] =	stream.indirect.gather [hbm4b:s4+s12], $0x40, s16, s12, $0xb8;
	[tilespmem:$0xD080] =	vst v63  }
.LBB2_2:
0x1c: {  	_ =	swait.ge [sflag:s18], $0x2000  }
0x1d: {  	[sflag:s18] =	ssyncset.done $0x0  }
0x1e: {  	[sflag:s18] =	ssyncadd.s32 $0xFFFFE000  }
0x1f: {  	_ =	swait.ge [sflag:s18], $0x2000  }
0x20: {  	[sflag:s18] =	ssyncset.done $0x0  }
0x21: {  	s23 =	simm.s32 $0x0;
	[sflag:s18] =	ssyncadd.s32 $0xFFFFE000  }
.LBB2_3:
0x22: {  	s24 =	sshll.u32 s23, $0xA  }
0x23: {  	v16 =	vld [tilespmem:s24+$0x5000]  }
0x24: {  	v17 =	vld [tilespmem:s24+$0x9000]  }
0x25: {  	v18 =	vld [tilespmem:s24+$0x5010]  }
0x26: {  	v19 =	vld [tilespmem:s24+$0x9010]  }
0x27: {  	v20 =	vld [tilespmem:s24+$0x5020]  }
0x28: {  	v21 =	vld [tilespmem:s24+$0x9020]  }
0x29: {  	v22 =	vld [tilespmem:s24+$0x5030]  }
0x2a: {  	v23 =	vld [tilespmem:s24+$0x9030]  }
0x2b: {  	v24 =	vld [tilespmem:s24+$0x5040]  }
0x2c: {  	v25 =	vld [tilespmem:s24+$0x9040]  }
0x2d: {  	v26 =	vld [tilespmem:s24+$0x5050]  }
0x2e: {  	v27 =	vld [tilespmem:s24+$0x9050]  }
0x2f: {  	v28 =	vld [tilespmem:s24+$0x5060]  }
0x30: {  	v29 =	vld [tilespmem:s24+$0x9060]  }
0x31: {  	v30 =	vld [tilespmem:s24+$0x5070]  }
0x32: {  	v31 =	vld [tilespmem:s24+$0x9070]  }
0x33: {  	v32 =	vld [tilespmem:s24+$0x5080]  }
0x34: {  	v33 =	vld [tilespmem:s24+$0x9080]  }
0x35: {  	v34 =	vld [tilespmem:s24+$0x5090]  }
0x36: {  	v35 =	vld [tilespmem:s24+$0x9090]  }
0x37: {  	v36 =	vld [tilespmem:s24+$0x50A0]  }
0x38: {  	v37 =	vld [tilespmem:s24+$0x90A0]  }
0x39: {  	v38 =	vld [tilespmem:s24+$0x50B0]  }
0x3a: {  	v39 =	vld [tilespmem:s24+$0x90B0]  }
0x3b: {  	v40 =	vld [tilespmem:s24+$0x50C0]  }
0x3c: {  	v41 =	vld [tilespmem:s24+$0x90C0]  }
0x3d: {  	v42 =	vld [tilespmem:s24+$0x50D0]  }
0x3e: {  	v43 =	vld [tilespmem:s24+$0x90D0]  }
0x3f: {  	v44 =	vld [tilespmem:s24+$0x50E0]  }
0x40: {  	v45 =	vld [tilespmem:s24+$0x90E0]  }
0x41: {  	v46 =	vld [tilespmem:s24+$0x50F0]  }
0x42: {  	v47 =	vld [tilespmem:s24+$0x90F0]  }
0x43: {  	v48 =	vld [tilespmem:s24+$0x5100]  }
0x44: {  	v49 =	vld [tilespmem:s24+$0x9100]  }
0x45: {  	v50 =	vld [tilespmem:s24+$0x5110]  }
0x46: {  	v51 =	vld [tilespmem:s24+$0x9110]  }
0x47: {  	v52 =	vld [tilespmem:s24+$0x5120]  }
0x48: {  	v53 =	vld [tilespmem:s24+$0x5130]  }
0x49: {  	v55 =	vld [tilespmem:s24+$0x9160]  }
0x4a: {  	v16 =	vmul.bf16 v17, v16;
	v17 =	vmul.bf16 v19, v18;
	v19 =	vld [tilespmem:s24+$0x9120]  }
0x4b: {  	v20 =	vmul.bf16 v21, v20;
	v21 =	vld [tilespmem:s24+$0x9130]  }
0x4c: {  	v22 =	vmul.bf16 v23, v22;
	v23 =	vld [tilespmem:s24+$0x9140]  }
0x4d: {  	v62 =	vmul.bf16 v27, v26;
	v26 =	vld [tilespmem:s24+$0x9150]  }
0x4e: {  	v60 =	vmul.bf16 v25, v24;
	v24 =	vld [tilespmem:s24+$0x5160]  }
0x4f: {  	v57 =	vmul.bf16 v29, v28;
	v28 =	vld [tilespmem:s24+$0x9170]  }
0x50: {  	v36 =	vmul.bf16 v37, v36;
	v37 =	vld [tilespmem:s24+$0x9190]  }
0x51: {  	v30 =	vmul.bf16 v31, v30;
	v31 =	vld [tilespmem:s24+$0x51A0];
	v44 =	vmul.bf16 v45, v44  }
0x52: {  	v45 =	vld [tilespmem:s24+$0x51D0];
	v58 =	vunpack.i.u.bf16.f32 v16;
	v54 =	vunpack.i.u.bf16.f32 v17;
	v17 =	vunpack.i.l.bf16.f32 v17  }
0x53: {  	v27 =	vunpack.i.u.bf16.f32 v62;
	v25 =	vunpack.i.l.bf16.f32 v62;
	v17 =	vadd.f32 v17, v54;
	v54 =	vld [tilespmem:s24+$0x5140]  }
0x54: {  	v16 =	vunpack.i.l.bf16.f32 v16;
	v63 =	vunpack.i.u.bf16.f32 v60;
	v56 =	vadd.f32 v25, v27;
	v25 =	vld [tilespmem:s24+$0x5170]  }
0x55: {  	v18 =	vunpack.i.l.bf16.f32 v60;
	v16 =	vadd.f32 v16, v58;
	v58 =	vmul.bf16 v33, v32;
	v33 =	vld [tilespmem:s24+$0x9180]  }
0x56: {  	v29 =	vunpack.i.u.bf16.f32 v57;
	v27 =	vunpack.i.l.bf16.f32 v57;
	v57 =	vmul.bf16 v39, v38;
	v39 =	vld [tilespmem:s24+$0x91B0]  }
0x57: {  	v62 =	vunpack.i.u.bf16.f32 v36;
	v18 =	vadd.f32 v18, v63;
	v63 =	vunpack.i.l.bf16.f32 v36;
	v36 =	vld [tilespmem:s24+$0x51C0]  }
0x58: {  	v59 =	vunpack.i.u.bf16.f32 v20;
	v20 =	vunpack.i.l.bf16.f32 v20;
	v27 =	vadd.f32 v27, v29;
	v29 =	vld [tilespmem:s24+$0x51B0]  }
0x59: {  	v16 =	vadd.f32 v17, v16;
	v17 =	vadd.f32 v20, v59;
	v20 =	vld [tilespmem:s24+$0x5150]  }
0x5a: {  	v46 =	vmul.bf16 v47, v46;
	v61 =	vunpack.i.u.bf16.f32 v22;
	v59 =	vmul.bf16 v35, v34;
	v34 =	vld [tilespmem:s24+$0x5190]  }
0x5b: {  	v22 =	vunpack.i.l.bf16.f32 v22;
	v60 =	vunpack.i.u.bf16.f32 v58;
	v19 =	vmul.bf16 v19, v52;
	v52 =	vld [tilespmem:s24+$0x9230]  }
0x5c: {  	v21 =	vmul.bf16 v21, v53;
	v24 =	vmul.bf16 v55, v24;
	v55 =	vld [tilespmem:s24+$0x5270];
	v16 =	vadd.f32 v17, v16  }
0x5d: {  	v17 =	vadd.f32 v22, v61;
	v22 =	vld [tilespmem:s24+$0x5180];
	v35 =	vunpack.i.u.bf16.f32 v59;
	v32 =	vunpack.i.l.bf16.f32 v59  }
0x5e: {  	v59 =	vmul.bf16 v43, v42;
	v42 =	vld [tilespmem:s24+$0x91C0];
	v61 =	vadd.f32 v32, v35;
	v32 =	vunpack.i.l.bf16.f32 v57  }
0x5f: {  	v35 =	vld [tilespmem:s24+$0x91A0];
	v23 =	vmul.bf16 v23, v54;
	v25 =	vmul.bf16 v28, v25;
	v16 =	vadd.f32 v17, v16  }
0x60: {  	v54 =	vld [tilespmem:s24+$0x5240];
	v17 =	vadd.f32 v56, v18;
	v18 =	vunpack.i.l.bf16.f32 v58;
	v56 =	vunpack.i.u.bf16.f32 v30  }
0x61: {  	v28 =	vld [tilespmem:s24+$0x5250];
	v30 =	vunpack.i.l.bf16.f32 v30;
	v58 =	vmul.bf16 v41, v40;
	v43 =	vunpack.i.u.bf16.f32 v59  }
0x62: {  	v29 =	vmul.bf16 v39, v29;
	v39 =	vld [tilespmem:s24+$0x92A0];
	v18 =	vadd.f32 v18, v60;
	v30 =	vadd.f32 v30, v56  }
0x63: {  	v60 =	vunpack.i.u.bf16.f32 v57;
	v56 =	vmul.bf16 v51, v50;
	v50 =	vld [tilespmem:s24+$0x5200];
	v20 =	vmul.bf16 v26, v20  }
0x64: {  	v51 =	vld [tilespmem:s24+$0x5220];
	v34 =	vmul.bf16 v37, v34;
	v17 =	vadd.f32 v27, v17;
	v27 =	vadd.f32 v63, v62  }
0x65: {  	v26 =	vld [tilespmem:s24+$0x5230];
	v41 =	vunpack.i.u.bf16.f32 v58;
	v38 =	vunpack.i.l.bf16.f32 v58;
	v32 =	vadd.f32 v32, v60  }
0x66: {  	v37 =	vld [tilespmem:s24+$0x5260];
	v62 =	vunpack.i.l.bf16.f32 v44;
	v63 =	vmul.bf16 v49, v48;
	v60 =	vunpack.i.u.bf16.f32 v19  }
0x67: {  	v48 =	vld [tilespmem:s24+$0x91E0];
	v18 =	vadd.f32 v61, v18;
	v38 =	vadd.f32 v38, v41;
	v61 =	vunpack.i.u.bf16.f32 v44  }
0x68: {  	v49 =	vld [tilespmem:s24+$0x5210];
	v22 =	vmul.bf16 v33, v22;
	v40 =	vadd.f32 v62, v61;
	v57 =	vunpack.i.u.bf16.f32 v63  }
0x69: {  	v41 =	vld [tilespmem:s24+$0x91D0];
	v58 =	vunpack.i.l.bf16.f32 v63;
	v61 =	vunpack.i.u.bf16.f32 v46;
	v46 =	vunpack.i.l.bf16.f32 v46  }
0x6a: {  	v44 =	vld [tilespmem:s24+$0x51E0];
	v62 =	vunpack.i.u.bf16.f32 v21;
	v21 =	vunpack.i.l.bf16.f32 v21;
	v63 =	vunpack.i.u.bf16.f32 v23  }
0x6b: {  	v33 =	vld [tilespmem:s24+$0x9260];
	v23 =	vunpack.i.l.bf16.f32 v23;
	v31 =	vmul.bf16 v35, v31;
	v27 =	vadd.f32 v27, v18  }
0x6c: {  	v35 =	vld [tilespmem:s24+$0x9280];
	v18 =	vunpack.i.l.bf16.f32 v59;
	v46 =	vadd.f32 v46, v61;
	v47 =	vadd.f32 v21, v62  }
0x6d: {  	v59 =	vunpack.i.u.bf16.f32 v56;
	v21 =	vadd.f32 v23, v63;
	v23 =	vld [tilespmem:s24+$0x9240];
	v18 =	vadd.f32 v18, v43  }
0x6e: {  	v61 =	vunpack.i.u.bf16.f32 v22;
	v63 =	vunpack.i.u.bf16.f32 v34;
	v34 =	vunpack.i.l.bf16.f32 v34;
	v43 =	vld [tilespmem:s24+$0x91F0]  }
0x6f: {  	v62 =	vunpack.i.l.bf16.f32 v22;
	v22 =	vadd.f32 v34, v63;
	v34 =	vld [tilespmem:s24+$0x9270];
	v38 =	vadd.f32 v18, v38  }
0x70: {  	v18 =	vadd.f32 v30, v17;
	v17 =	vadd.f32 v32, v27;
	v30 =	vld [tilespmem:s24+$0x51F0];
	v27 =	vunpack.i.l.bf16.f32 v56  }
0x71: {  	v56 =	vadd.f32 v62, v61;
	v41 =	vmul.bf16 v41, v45;
	v45 =	vld [tilespmem:s24+$0x9290];
	v44 =	vmul.bf16 v48, v44  }
0x72: {  	v48 =	vld [tilespmem:s24+$0x52D0];
	v33 =	vmul.bf16 v33, v37;
	v27 =	vadd.f32 v27, v59;
	v32 =	vadd.f32 v40, v38  }
0x73: {  	v37 =	vld [tilespmem:s24+$0x9300];
	v38 =	vadd.f32 v58, v57;
	v57 =	vunpack.i.u.bf16.f32 v20;
	v20 =	vunpack.i.l.bf16.f32 v20  }
0x74: {  	v40 =	vld [tilespmem:s24+$0x9200];
	v58 =	vunpack.i.u.bf16.f32 v24;
	v24 =	vunpack.i.l.bf16.f32 v24;
	v22 =	vadd.f32 v22, v56  }
0x75: {  	v56 =	vunpack.i.u.bf16.f32 v41;
	v41 =	vunpack.i.l.bf16.f32 v41;
	v59 =	vadd.f32 v24, v58;
	v24 =	vld [tilespmem:s24+$0x9250]  }
0x76: {  	v19 =	vunpack.i.l.bf16.f32 v19;
	v20 =	vadd.f32 v20, v57;
	v57 =	vadd.f32 v41, v56;
	v41 =	vld [tilespmem:s24+$0x52C0]  }
0x77: {  	v19 =	vadd.f32 v19, v60;
	v27 =	vadd.f32 v27, v38;
	v38 =	vld [tilespmem:s24+$0x9210]  }
0x78: {  	v20 =	vadd.f32 v20, v21;
	v21 =	vadd.f32 v46, v32;
	v32 =	vld [tilespmem:s24+$0x5280]  }
0x79: {  	v60 =	vunpack.i.u.bf16.f32 v25;
	v25 =	vunpack.i.l.bf16.f32 v25;
	v46 =	vmul.bf16 v42, v36;
	v42 =	vld [tilespmem:s24+$0x5290]  }
0x7a: {  	v25 =	vadd.f32 v25, v60;
	v36 =	vld [tilespmem:s24+$0x92B0]  }
0x7b: {  	v60 =	vunpack.i.u.bf16.f32 v29;
	v30 =	vmul.bf16 v43, v30;
	v19 =	vadd.f32 v19, v27;
	v27 =	vld [tilespmem:s24+$0x9220]  }
0x7c: {  	v58 =	vunpack.i.u.bf16.f32 v44;
	v53 =	vadd.f32 v59, v20;
	v59 =	vunpack.i.l.bf16.f32 v44;
	v44 =	vld [tilespmem:s24+$0x52B0]  }
0x7d: {  	v40 =	vmul.bf16 v40, v50;
	v43 =	vunpack.i.u.bf16.f32 v30;
	v50 =	vld [tilespmem:s24+$0x92D0];
	v30 =	vunpack.i.l.bf16.f32 v30  }
0x7e: {  	v29 =	vunpack.i.l.bf16.f32 v29;
	v20 =	vadd.f32 v47, v19;
	v30 =	vadd.f32 v30, v43;
	v43 =	vld [tilespmem:s24+$0x52F0]  }
0x7f: {  	v47 =	vunpack.i.u.bf16.f32 v31;
	v31 =	vunpack.i.l.bf16.f32 v31;
	v24 =	vmul.bf16 v24, v28;
	v28 =	vld [tilespmem:s24+$0x92F0]  }
0x80: {  	v29 =	vadd.f32 v29, v60;
	v31 =	vadd.f32 v31, v47;
	v47 =	vld [tilespmem:s24+$0x52A0]  }
0x81: {  	v19 =	vadd.f32 v25, v53;
	v53 =	vunpack.i.u.bf16.f32 v46;
	v61 =	vmul.bf16 v38, v49;
	v38 =	vld [tilespmem:s24+$0x92C0]  }
0x82: {  	v25 =	vunpack.i.l.bf16.f32 v46;
	v62 =	vunpack.i.u.bf16.f32 v40;
	v40 =	vunpack.i.l.bf16.f32 v40;
	v46 =	vld [tilespmem:s24+$0x52E0]  }
0x83: {  	v25 =	vadd.f32 v25, v53;
	v40 =	vadd.f32 v40, v62;
	v60 =	vmul.bf16 v35, v32;
	v32 =	vld [tilespmem:s24+$0x5330]  }
0x84: {  	v56 =	vunpack.i.u.bf16.f32 v24;
	v24 =	vunpack.i.l.bf16.f32 v24;
	v62 =	vmul.bf16 v45, v42;
	v42 =	vld [tilespmem:s24+$0x9330]  }
0x85: {  	v45 =	vld [tilespmem:s24+$0x5340];
	v22 =	vadd.f32 v31, v22;
	v31 =	vadd.f32 v59, v58;
	v27 =	vmul.bf16 v27, v51  }
0x86: {  	v51 =	vmul.bf16 v23, v54;
	v24 =	vadd.f32 v24, v56;
	v36 =	vmul.bf16 v36, v44;
	v44 =	vld [tilespmem:s24+$0x9350]  }
0x87: {  	v25 =	vadd.f32 v57, v25;
	v57 =	vunpack.i.u.bf16.f32 v33;
	v48 =	vmul.bf16 v50, v48;
	v50 =	vld [tilespmem:s24+$0x9360]  }
0x88: {  	v33 =	vunpack.i.l.bf16.f32 v33;
	v56 =	vunpack.i.u.bf16.f32 v62;
	v23 =	vadd.f32 v29, v22;
	v29 =	vld [tilespmem:s24+$0x5310]  }
0x89: {  	v35 =	vunpack.i.l.bf16.f32 v62;
	v53 =	vunpack.i.u.bf16.f32 v51;
	v54 =	vunpack.i.l.bf16.f32 v51;
	v51 =	vld [tilespmem:s24+$0x9320]  }
0x8a: {  	v34 =	vmul.bf16 v34, v55;
	v58 =	vadd.f32 v33, v57;
	v57 =	vadd.f32 v35, v56;
	v35 =	vld [tilespmem:s24+$0x5350]  }
0x8b: {  	v49 =	vunpack.i.u.bf16.f32 v61;
	v63 =	vunpack.i.u.bf16.f32 v27;
	v39 =	vmul.bf16 v39, v47;
	v47 =	vld [tilespmem:s24+$0x9340]  }
0x8c: {  	v25 =	vadd.f32 v31, v25;
	v31 =	vunpack.i.l.bf16.f32 v61;
	v38 =	vmul.bf16 v38, v41;
	v41 =	vld [tilespmem:s24+$0x5370]  }
0x8d: {  	v61 =	vunpack.i.u.bf16.f32 v34;
	v34 =	vunpack.i.l.bf16.f32 v34;
	v31 =	vadd.f32 v31, v49;
	v49 =	vld [tilespmem:s24+$0x92E0]  }
0x8e: {  	v27 =	vunpack.i.l.bf16.f32 v27;
	v28 =	vmul.bf16 v28, v43;
	v33 =	vadd.f32 v34, v61;
	v34 =	vld [tilespmem:s24+$0x5390]  }
0x8f: {  	v27 =	vadd.f32 v27, v63;
	v32 =	vmul.bf16 v42, v32;
	v42 =	vld [tilespmem:s24+$0x93C0]  }
0x90: {  	v43 =	vunpack.i.u.bf16.f32 v28;
	v28 =	vunpack.i.l.bf16.f32 v28;
	v22 =	vadd.f32 v30, v25;
	v30 =	vld [tilespmem:s24+$0x5300]  }
0x91: {  	v28 =	vadd.f32 v28, v43;
	v43 =	vld [tilespmem:s24+$0x93F0];
	v31 =	vadd.f32 v31, v40  }
0x92: {  	v26 =	vmul.bf16 v52, v26;
	v40 =	vld [tilespmem:s24+$0x9310]  }
0x93: {  	v52 =	vmul.bf16 v44, v35;
	v35 =	vld [tilespmem:s24+$0x53D0];
	v25 =	vadd.f32 v27, v31;
	v27 =	vadd.f32 v54, v53  }
0x94: {  	v59 =	vunpack.i.u.bf16.f32 v26;
	v26 =	vunpack.i.l.bf16.f32 v26;
	v63 =	vunpack.i.u.bf16.f32 v60;
	v44 =	vld [tilespmem:s24+$0x93E0]  }
0x95: {  	v62 =	vunpack.i.u.bf16.f32 v38;
	v38 =	vunpack.i.l.bf16.f32 v38;
	v31 =	vld [tilespmem:s24+$0x5320];
	v24 =	vadd.f32 v24, v27  }
0x96: {  	v53 =	vld [tilespmem:s24+$0x9370];
	v27 =	vunpack.i.l.bf16.f32 v60;
	v60 =	vunpack.i.u.bf16.f32 v36;
	v36 =	vunpack.i.l.bf16.f32 v36  }
0x97: {  	v27 =	vadd.f32 v27, v63;
	v61 =	vadd.f32 v36, v60;
	v63 =	vunpack.i.u.bf16.f32 v48;
	v60 =	vld [tilespmem:s24+$0x9390]  }
0x98: {  	v48 =	vunpack.i.l.bf16.f32 v48;
	v36 =	vadd.f32 v38, v62;
	v38 =	vld [tilespmem:s24+$0x53A0];
	v24 =	vadd.f32 v58, v24  }
0x99: {  	v58 =	vunpack.i.u.bf16.f32 v39;
	v39 =	vunpack.i.l.bf16.f32 v39;
	v56 =	vadd.f32 v48, v63;
	v48 =	vld [tilespmem:s24+$0x5380]  }
0x9a: {  	v26 =	vadd.f32 v26, v59;
	v59 =	vadd.f32 v39, v58;
	v39 =	vld [tilespmem:s24+$0x5360]  }
0x9b: {  	v27 =	vadd.f32 v57, v27;
	v57 =	vmul.bf16 v49, v46;
	v46 =	vld [tilespmem:s24+$0x9380]  }
0x9c: {  	v54 =	vunpack.i.u.bf16.f32 v32;
	v32 =	vunpack.i.l.bf16.f32 v32;
	v29 =	vmul.bf16 v40, v29;
	v49 =	vld [tilespmem:s24+$0x93A0]  }
0x9d: {  	v32 =	vadd.f32 v32, v54;
	v31 =	vmul.bf16 v51, v31;
	v51 =	vmul.bf16 v47, v45;
	v45 =	vld [tilespmem:s24+$0x93D0]  }
0x9e: {  	v26 =	vadd.f32 v26, v25;
	v30 =	vmul.bf16 v37, v30;
	v40 =	vunpack.i.u.bf16.f32 v29;
	v47 =	vld [tilespmem:s24+$0x53F0]  }
0x9f: {  	v29 =	vunpack.i.l.bf16.f32 v29;
	v53 =	vmul.bf16 v53, v41;
	v41 =	vld [tilespmem:s24+$0x9450];
	v25 =	vadd.f32 v33, v24  }
0xa0: {  	v58 =	vadd.f32 v56, v36;
	v29 =	vadd.f32 v29, v40;
	v36 =	vld [tilespmem:s24+$0x53B0];
	v56 =	vunpack.i.u.bf16.f32 v52  }
0xa1: {  	v40 =	vld [tilespmem:s24+$0x93B0];
	v27 =	vadd.f32 v59, v27;
	v62 =	vunpack.i.u.bf16.f32 v31;
	v31 =	vunpack.i.l.bf16.f32 v31  }
0xa2: {  	v59 =	vunpack.i.u.bf16.f32 v57;
	v33 =	vunpack.i.l.bf16.f32 v57;
	v63 =	vadd.f32 v31, v62;
	v31 =	vld [tilespmem:s24+$0x53C0]  }
0xa3: {  	v33 =	vadd.f32 v33, v59;
	v24 =	vadd.f32 v61, v27;
	v39 =	vmul.bf16 v50, v39;
	v50 =	vld [tilespmem:s24+$0x53E0]  }
0xa4: {  	v61 =	vunpack.i.u.bf16.f32 v30;
	v30 =	vunpack.i.l.bf16.f32 v30;
	v59 =	vmul.bf16 v46, v48;
	v46 =	vld [tilespmem:s24+$0x5410]  }
0xa5: {  	v55 =	vunpack.i.u.bf16.f32 v51;
	v30 =	vadd.f32 v30, v61;
	v27 =	vadd.f32 v33, v58;
	v48 =	vld [tilespmem:s24+$0x5420]  }
0xa6: {  	v33 =	vunpack.i.l.bf16.f32 v51;
	v38 =	vmul.bf16 v49, v38;
	v43 =	vmul.bf16 v43, v47;
	v47 =	vld [tilespmem:s24+$0x5460]  }
0xa7: {  	v35 =	vmul.bf16 v45, v35;
	v45 =	vld [tilespmem:s24+$0x94A0];
	v33 =	vadd.f32 v33, v55;
	v36 =	vmul.bf16 v40, v36  }
0xa8: {  	v40 =	vld [tilespmem:s24+$0x5430];
	v29 =	vadd.f32 v29, v30;
	v30 =	vunpack.i.l.bf16.f32 v52;
	v57 =	vunpack.i.u.bf16.f32 v39  }
0xa9: {  	v39 =	vunpack.i.l.bf16.f32 v39;
	v61 =	vunpack.i.u.bf16.f32 v59;
	v62 =	vunpack.i.l.bf16.f32 v59;
	v52 =	vld [tilespmem:s24+$0x9410]  }
0xaa: {  	v54 =	vunpack.i.u.bf16.f32 v38;
	v38 =	vunpack.i.l.bf16.f32 v38;
	v59 =	vld [tilespmem:s24+$0x9440];
	v30 =	vadd.f32 v30, v56  }
0xab: {  	v60 =	vmul.bf16 v60, v34;
	v58 =	vadd.f32 v39, v57;
	v55 =	vadd.f32 v38, v54;
	v38 =	vld [tilespmem:s24+$0x9420]  }
0xac: {  	v56 =	vunpack.i.u.bf16.f32 v53;
	v39 =	vunpack.i.l.bf16.f32 v53;
	v31 =	vmul.bf16 v42, v31;
	v42 =	vld [tilespmem:s24+$0x5440]  }
0xad: {  	v53 =	vunpack.i.u.bf16.f32 v43;
	v43 =	vunpack.i.l.bf16.f32 v43;
	v29 =	vadd.f32 v63, v29;
	v63 =	vld [tilespmem:s24+$0x9400]  }
0xae: {  	v51 =	vunpack.i.u.bf16.f32 v60;
	v28 =	vadd.f32 v28, v27;
	v54 =	vadd.f32 v43, v53;
	v43 =	vld [tilespmem:s24+$0x9480]  }
0xaf: {  	v57 =	vunpack.i.u.bf16.f32 v36;
	v36 =	vunpack.i.l.bf16.f32 v36;
	v39 =	vadd.f32 v39, v56;
	v53 =	vld [tilespmem:s24+$0x54C0]  }
0xb0: {  	v36 =	vadd.f32 v36, v57;
	v30 =	vadd.f32 v30, v33;
	v44 =	vmul.bf16 v44, v50;
	v50 =	vld [tilespmem:s24+$0x5450]  }
0xb1: {  	v33 =	vadd.f32 v62, v61;
	v27 =	vadd.f32 v32, v29;
	v32 =	vld [tilespmem:s24+$0x5400];
	v29 =	vunpack.i.l.bf16.f32 v60  }
0xb2: {  	v60 =	vunpack.i.u.bf16.f32 v35;
	v35 =	vunpack.i.l.bf16.f32 v35;
	v34 =	vmul.bf16 v52, v46;
	v46 =	vld [tilespmem:s24+$0x5470]  }
0xb3: {  	v29 =	vadd.f32 v29, v51;
	v61 =	vunpack.i.u.bf16.f32 v44;
	v44 =	vunpack.i.l.bf16.f32 v44;
	v51 =	vld [tilespmem:s24+$0x5480]  }
0xb4: {  	v30 =	vadd.f32 v58, v30;
	v58 =	vunpack.i.u.bf16.f32 v31;
	v62 =	vadd.f32 v44, v61;
	v44 =	vld [tilespmem:s24+$0x9470]  }
0xb5: {  	v31 =	vunpack.i.l.bf16.f32 v31;
	v35 =	vadd.f32 v35, v60;
	v57 =	vmul.bf16 v38, v48;
	v38 =	vld [tilespmem:s24+$0x5490]  }
0xb6: {  	v31 =	vadd.f32 v31, v58;
	v58 =	vmul.bf16 v59, v42;
	v59 =	vld [tilespmem:s24+$0x9490];
	v29 =	vadd.f32 v29, v33  }
0xb7: {  	v42 =	vld [tilespmem:s24+$0x54A0];
	v56 =	vunpack.i.u.bf16.f32 v34;
	v34 =	vunpack.i.l.bf16.f32 v34;
	v30 =	vadd.f32 v39, v30  }
0xb8: {  	v33 =	vld [tilespmem:s24+$0x9430];
	v31 =	vadd.f32 v35, v31;
	v34 =	vadd.f32 v34, v56;
	v41 =	vmul.bf16 v41, v50  }
0xb9: {  	v48 =	vld [tilespmem:s24+$0x9530];
	v60 =	vunpack.i.u.bf16.f32 v57;
	v61 =	vunpack.i.u.bf16.f32 v58;
	v29 =	vadd.f32 v55, v29  }
0xba: {  	v32 =	vmul.bf16 v63, v32;
	v63 =	vld [tilespmem:s24+$0x9460];
	v31 =	vadd.f32 v62, v31;
	v62 =	vunpack.i.u.bf16.f32 v41  }
0xbb: {  	v43 =	vmul.bf16 v43, v51;
	v29 =	vadd.f32 v36, v29;
	v36 =	vunpack.i.l.bf16.f32 v57;
	v57 =	vld [tilespmem:s24+$0x54D0]  }
0xbc: {  	v55 =	vunpack.i.u.bf16.f32 v32;
	v32 =	vunpack.i.l.bf16.f32 v32;
	v42 =	vmul.bf16 v45, v42;
	v45 =	vld [tilespmem:s24+$0x5530]  }
0xbd: {  	v56 =	vmul.bf16 v44, v46;
	v32 =	vadd.f32 v32, v55;
	v33 =	vmul.bf16 v33, v40;
	v40 =	vld [tilespmem:s24+$0x94B0]  }
0xbe: {  	v36 =	vadd.f32 v36, v60;
	v55 =	vld [tilespmem:s24+$0x94C0];
	v60 =	vunpack.i.u.bf16.f32 v43;
	v43 =	vunpack.i.l.bf16.f32 v43  }
0xbf: {  	v41 =	vunpack.i.l.bf16.f32 v41;
	v35 =	vmul.bf16 v59, v38;
	v46 =	vadd.f32 v43, v60;
	v43 =	vld [tilespmem:s24+$0x54F0]  }
0xc0: {  	(xrf2) =	vadd.scan.msk.f32 $0xffff, v16;
	v31 =	vadd.f32 v54, v31;
	v59 =	vunpack.i.u.bf16.f32 v56;
	v16 =	vunpack.i.l.bf16.f32 v56;
	v56 =	vld [tilespmem:s24+$0x9500]  }
0xc1: {  	v50 =	vunpack.i.u.bf16.f32 v42;
	v51 =	vunpack.i.l.bf16.f32 v42;
	v42 =	vld [tilespmem:s24+$0x9560];
	v32 =	vadd.f32 v34, v32  }
0xc2: {  	v34 =	vunpack.i.l.bf16.f32 v58;
	v37 =	vmul.bf16 v63, v47;
	v47 =	vld [tilespmem:s24+$0x54B0];
	v63 =	vadd.f32 v41, v62  }
0xc3: {  	(xrf2) =	vadd.scan.msk.f32 $0xffff, v18;
	v54 =	vunpack.i.u.bf16.f32 v33;
	v33 =	vunpack.i.l.bf16.f32 v33;
	v58 =	vld [tilespmem:s24+$0x94D0];
	v62 =	vunpack.i.u.bf16.f32 v35  }
0xc4: {  	v35 =	vunpack.i.l.bf16.f32 v35;
	v16 =	vadd.f32 v16, v59;
	v59 =	vld [tilespmem:s24+$0x5510];
	v34 =	vadd.f32 v34, v61  }
0xc5: {  	(xrf2) =	vadd.scan.msk.f32 $0xffff, v17;
	v41 =	vld [tilespmem:s24+$0x9520];
	v33 =	vadd.f32 v33, v54;
	v35 =	vadd.f32 v35, v62  }
0xc6: {  	(xrf2) =	vadd.scan.msk.f32 $0xffff, v21;
	v54 =	vld [tilespmem:s24+$0x5500];
	v32 =	vadd.f32 v36, v32;
	v52 =	vunpack.i.u.bf16.f32 v37;
	v37 =	vunpack.i.l.bf16.f32 v37  }
0xc7: {  	(xrf2) =	vadd.scan.msk.f32 $0xffff, v20;
	v62 =	vld [tilespmem:s24+$0x9510];
	v34 =	vadd.f32 v63, v34;
	v36 =	vadd.f32 v37, v52  }
0xc8: {  	(xrf2) =	vadd.scan.msk.f32 $0xffff, v19;
	v18 =	vadd.f32 v51, v50;
	v50 =	vld [tilespmem:s24+$0x5540];
	v17 =	vadd.f32 v35, v46;
	v53 =	vmul.bf16 v55, v53  }
0xc9: {  	(xrf2) =	vadd.scan.msk.f32 $0xffff, v23;
	v61 =	vld [tilespmem:s24+$0x54E0];
	v23 =	vmul.bf16 v48, v45;
	v21 =	vadd.f32 v33, v32;
	v34 =	vadd.f32 v36, v34  }
0xca: {  	v63 =	vld [tilespmem:s24+$0x94E0];
	v55 =	vmul.bf16 v58, v57;
	v17 =	vadd.f32 v18, v17;
	v57 =	vunpack.i.u.bf16.f32 v53  }
0xcb: {  	(xrf2) =	vadd.scan.msk.f32 $0xffff, v22;
	v52 =	vld [tilespmem:s24+$0x94F0];
	v58 =	vunpack.i.l.bf16.f32 v53;
	v38 =	vmul.bf16 v40, v47;
	v33, _, _ =	vpop (xrf2);
	v47 =	vmul.bf16 v56, v54  }
0xcc: {  	(xrf2) =	vadd.scan.msk.f32 $0xffff, v26;
	v45 =	vld [tilespmem:s24+$0x5570];
	v18 =	vadd.f32 v58, v57;
	v49 =	vmul.bf16 v62, v59;
	v33 =	vbroadcast v33, $0xF  }
0xcd: {  	(xrf2) =	vadd.scan.msk.f32 $0xffff, v25;
	v53 =	vld [tilespmem:s24+$0x9540];
	v25, _, _ =	vpop (xrf2);
	v16 =	vadd.f32 v16, v34;
	v60 =	vunpack.i.u.bf16.f32 v55;
	v32 =	vunpack.i.l.bf16.f32 v55  }
0xce: {  	v36 =	vld [tilespmem:s24+$0x9580];
	v46 =	vunpack.i.u.bf16.f32 v38;
	v22 =	vunpack.i.l.bf16.f32 v38;
	v25 =	vbroadcast v25, $0xF  }
0xcf: {  	v56 =	vld [tilespmem:s24+$0x5550];
	v61 =	vmul.bf16 v63, v61;
	v19 =	vadd.f32 v32, v60;
	v22 =	vadd.f32 v22, v46  }
0xd0: {  	(xrf2) =	vadd.scan.msk.f32 $0xffff, v24;
	v59 =	vld [tilespmem:s24+$0x9550];
	v51 =	vmul.bf16 v52, v43;
	v52 =	vunpack.i.u.bf16.f32 v47;
	v26 =	vunpack.i.l.bf16.f32 v47  }
0xd1: {  	(xrf2) =	vadd.scan.msk.f32 $0xffff, v28;
	v62 =	vld [tilespmem:s24+$0x5560];
	v55 =	vunpack.i.u.bf16.f32 v49;
	v33 =	vmul.f32 v0, v33;
	v26 =	vadd.f32 v26, v52  }
0xd2: {  	v54, _, _ =	vpop (xrf2);
	(xrf2) =	vadd.scan.msk.f32 $0xffff, v27;
	v27 =	vld [tilespmem:s24+$0x5580];
	v25 =	vmul.f32 v1, v25;
	v39 =	vunpack.i.u.bf16.f32 v61;
	v40 =	vunpack.i.l.bf16.f32 v61  }
0xd3: {  	v63 =	vld [tilespmem:s24+$0x5520];
	v18 =	vadd.f32 v19, v18;
	v19 =	vunpack.i.l.bf16.f32 v49;
	v58 =	vunpack.i.u.bf16.f32 v51  }
0xd4: {  	v47 =	vld [tilespmem:s24+$0x9570];
	v28 =	vunpack.i.l.bf16.f32 v51;
	v24 =	vmul.bf16 v53, v50;
	v33 =	vadd.f32 $0.0e+00, v33  }
0xd5: {  	v57, _, _ =	vpop (xrf2);
	v32 =	vld [tilespmem:s24+$0x5590];
	v53 =	vbroadcast v54, $0xF;
	v44 =	vadd.f32 v40, v39;
	v19 =	vadd.f32 v19, v55  }
0xd6: {  	(xrf2) =	vadd.scan.msk.f32 $0xffff, v30;
	v30 =	vld [tilespmem:s24+$0x55A0];
	v60, _, _ =	vpop (xrf2);
	v43 =	vadd.f32 v28, v58;
	v48 =	vmul.bf16 v59, v56;
	v56 =	vbroadcast v57, $0xF  }
0xd7: {  	v40 =	vld [tilespmem:s24+$0x9590];
	v34 =	vbroadcast v60, $0xF;
	v50 =	vunpack.i.u.bf16.f32 v24;
	v24 =	vunpack.i.l.bf16.f32 v24  }
0xd8: {  	v39 =	vld [tilespmem:s24+$0x95F0];
	v25 =	vadd.f32 v25, v33;
	v55 =	vmul.f32 v2, v53;
	v27 =	vmul.bf16 v36, v27  }
0xd9: {  	v33 =	vld [tilespmem:s24+$0x5610];
	v18 =	vadd.f32 v44, v18;
	v20 =	vmul.bf16 v41, v63;
	v19 =	vadd.f32 v19, v26  }
0xda: {  	v36 =	vld [tilespmem:s24+$0x9620];
	v44 =	vunpack.i.u.bf16.f32 v23;
	v23 =	vunpack.i.l.bf16.f32 v23;
	v26 =	vmul.bf16 v42, v62  }
0xdb: {  	v24 =	vadd.f32 v24, v50;
	v28 =	vmul.bf16 v47, v45;
	v41 =	vld [tilespmem:s24+$0x95A0];
	v58 =	vmul.f32 v3, v56  }
0xdc: {  	(xrf2) =	vadd.scan.msk.f32 $0xffff, v29;
	v63, _, _ =	vpop (xrf2);
	v42 =	vld [tilespmem:s24+$0x55B0];
	v60 =	vmul.f32 v4, v34;
	v46 =	vadd.f32 v23, v44;
	v25 =	vadd.f32 v55, v25  }
0xdd: {  	(xrf2) =	vadd.scan.msk.f32 $0xffff, v31;
	v45 =	vld [tilespmem:s24+$0x55E0];
	v29, _, _ =	vpop (xrf2);
	v56 =	vunpack.i.u.bf16.f32 v27;
	v61 =	vunpack.i.u.bf16.f32 v20;
	v20 =	vunpack.i.l.bf16.f32 v20  }
0xde: {  	v47 =	vld [tilespmem:s24+$0x55F0];
	(xrf2) =	vadd.scan.msk.f32 $0xffff, v21;
	v31, _, _ =	vpop (xrf2);
	v51 =	vunpack.i.u.bf16.f32 v28;
	v28 =	vunpack.i.l.bf16.f32 v28;
	v20 =	vadd.f32 v20, v61  }
0xdf: {  	v27 =	vunpack.i.l.bf16.f32 v27;
	v23, _, _ =	vpop (xrf2);
	(xrf2) =	vadd.scan.msk.f32 $0xffff, v16;
	v16 =	vadd.f32 v22, v17;
	v52 =	vadd.f32 v28, v51;
	v28 =	vld [tilespmem:s24+$0x95B0]  }
0xe0: {  	v44 =	vld [tilespmem:s24+$0x55D0];
	v29 =	vbroadcast v29, $0xF;
	v17 =	vadd.f32 v43, v18;
	v19 =	vadd.f32 v20, v19  }
0xe1: {  	v18 =	vunpack.i.l.bf16.f32 v48;
	v43 =	vld [tilespmem:s24+$0x55C0];
	v25 =	vadd.f32 v58, v25;
	v22, _, _ =	vpop (xrf2);
	(xrf2) =	vadd.scan.msk.f32 $0xffff, v16;
	v16 =	vunpack.i.u.bf16.f32 v48  }
0xe2: {  	v61 =	vbroadcast v63, $0xF;
	v32 =	vmul.bf16 v40, v32;
	v40 =	vld [tilespmem:s24+$0x5640];
	v21, _, _ =	vpop (xrf2);
	v16 =	vadd.f32 v18, v16  }
0xe3: {  	v51 =	vld [tilespmem:s24+$0x9660];
	(xrf2) =	vadd.scan.msk.f32 $0xffff, v17;
	v17 =	vunpack.i.u.bf16.f32 v26;
	v26 =	vunpack.i.l.bf16.f32 v26;
	v49 =	vadd.f32 v46, v19;
	v20, _, _ =	vpop (xrf2)  }
0xe4: {  	v26 =	vadd.f32 v26, v17;
	v24 =	vadd.f32 v16, v24;
	v28 =	vmul.bf16 v28, v42;
	v42 =	vld [tilespmem:s24+$0x9640];
	v19, _, _ =	vpop (xrf2)  }
0xe5: {  	v27 =	vadd.f32 v27, v56;
	v31 =	vbroadcast v31, $0xF;
	v48 =	vld [tilespmem:s24+$0x5600];
	v30 =	vmul.bf16 v41, v30;
	v18, _, _ =	vpop (xrf2)  }
0xe6: {  	v29 =	vmul.f32 v6, v29;
	v25 =	vadd.f32 v60, v25;
	v24 =	vadd.f32 v26, v24;
	v26 =	vld [tilespmem:s24+$0x95C0];
	v17, _, _ =	vpop (xrf2)  }
0xe7: {  	v31 =	vmul.f32 v7, v31;
	v41 =	vld [tilespmem:s24+$0x9630];
	v39 =	vmul.bf16 v39, v47;
	v58 =	vunpack.i.u.bf16.f32 v30;
	v16, _, _ =	vpop (xrf2)  }
0xe8: {  	v47 =	vld [tilespmem:s24+$0x5730];
	v30 =	vunpack.i.l.bf16.f32 v30;
	(xrf2) =	vadd.scan.msk.f32 $0xffff, v49;
	v24 =	vadd.f32 v52, v24;
	v52 =	vmul.f32 v5, v61;
	v54, _, _ =	vpop (xrf2)  }
0xe9: {  	v46 =	vld [tilespmem:s24+$0x95E0];
	v30 =	vadd.f32 v30, v58;
	v58 =	vunpack.i.l.bf16.f32 v39;
	v40 =	vmul.bf16 v42, v40;
	v57, _, _ =	vpop (xrf2)  }
0xea: {  	v49 =	vld [tilespmem:s24+$0x5630];
	v37 =	vbroadcast v54, $0xF;
	v25 =	vadd.f32 v52, v25;
	v38 =	vbroadcast v57, $0xF  }
0xeb: {  	v42 =	vld [tilespmem:s24+$0x5700];
	v59, _, _ =	vpop (xrf2);
	v57 =	vunpack.i.u.bf16.f32 v32;
	v32 =	vunpack.i.l.bf16.f32 v32;
	v26 =	vmul.bf16 v26, v43  }
0xec: {  	(xrf2) =	vadd.scan.msk.f32 $0xffff, v24;
	v24 =	vld [tilespmem:s24+$0x95D0];
	v37 =	vmul.f32 v0, v37;
	v35 =	vbroadcast v59, $0xF;
	v25 =	vadd.f32 v29, v25  }
0xed: {  	v52 =	vld [tilespmem:s24+$0x5670];
	v62, _, _ =	vpop (xrf2);
	v32 =	vadd.f32 v32, v57;
	v59 =	vunpack.i.u.bf16.f32 v28;
	v28 =	vunpack.i.l.bf16.f32 v28  }
0xee: {  	v43 =	vld [tilespmem:s24+$0x5660];
	v57 =	vunpack.i.u.bf16.f32 v39;
	v38 =	vmul.f32 v1, v38;
	v63 =	vbroadcast v62, $0xF  }
0xef: {  	v29 =	vld [tilespmem:s24+$0x5620];
	v28 =	vadd.f32 v28, v59;
	v60 =	vunpack.i.u.bf16.f32 v26;
	v26 =	vunpack.i.l.bf16.f32 v26  }
0xf0: {  	v62 =	vmul.bf16 v46, v45;
	v45 =	vld [tilespmem:s24+$0x96A0];
	v59 =	vmul.bf16 v41, v49;
	v37 =	vadd.f32 $0.0e+00, v37  }
0xf1: {  	v41 =	vld [tilespmem:s24+$0x96B0];
	v35 =	vmul.f32 v2, v35;
	v27 =	vadd.f32 v32, v27;
	v54 =	vmul.f32 v3, v63  }
0xf2: {  	v46 =	vld [tilespmem:s24+$0x96C0];
	v53, _, _ =	vpop (xrf2);
	v24 =	vmul.bf16 v24, v44;
	v39 =	vunpack.i.l.bf16.f32 v59;
	v37 =	vadd.f32 v38, v37  }
0xf3: {  	v32 =	vld [tilespmem:s24+$0x5650];
	v34 =	vbroadcast v53, $0xF;
	v27 =	vadd.f32 v30, v27;
	v30 =	vadd.f32 v26, v60  }
0xf4: {  	v44 =	vld [tilespmem:s24+$0x9650];
	v53 =	vunpack.i.u.bf16.f32 v62;
	v43 =	vmul.bf16 v51, v43;
	v61 =	vunpack.i.u.bf16.f32 v24  }
0xf5: {  	v38 =	vld [tilespmem:s24+$0x9600];
	v24 =	vunpack.i.l.bf16.f32 v24;
	v29 =	vmul.bf16 v36, v29;
	v35 =	vadd.f32 v35, v37  }
0xf6: {  	v36 =	vld [tilespmem:s24+$0x9690];
	v34 =	vmul.f32 v4, v34;
	v50 =	vadd.f32 v24, v61;
	v24 =	vadd.f32 v31, v25  }
0xf7: {  	v37 =	vld [tilespmem:s24+$0x9610];
	v26 =	vadd.f32 v28, v27;
	v31 =	vunpack.i.l.bf16.f32 v62;
	v61 =	vunpack.i.u.bf16.f32 v59  }
0xf8: {  	v62 =	vunpack.i.u.bf16.f32 v40;
	v40 =	vunpack.i.l.bf16.f32 v40;
	v31 =	vadd.f32 v31, v53;
	v53 =	vld [tilespmem:s24+$0x96D0]  }
0xf9: {  	v56 =	vunpack.i.u.bf16.f32 v29;
	v40 =	vadd.f32 v40, v62;
	v39 =	vadd.f32 v39, v61;
	v62 =	vld [tilespmem:s24+$0x5710]  }
0xfa: {  	v29 =	vunpack.i.l.bf16.f32 v29;
	v35 =	vadd.f32 v54, v35;
	v63 =	vadd.f32 v50, v30;
	v30 =	vld [tilespmem:s24+$0x5680]  }
0xfb: {  	v55, _, _ =	vpop (xrf2);
	v29 =	vadd.f32 v29, v56;
	v60 =	vmul.bf16 v44, v32;
	v32 =	vld [tilespmem:s24+$0x56C0];
	v50 =	vmul.bf16 v38, v48  }
0xfc: {  	v48 =	vld [tilespmem:s24+$0x56D0];
	v34 =	vadd.f32 v34, v35;
	v35 =	vbroadcast v55, $0xF;
	v27 =	vadd.f32 v31, v63  }
0xfd: {  	v31 =	vld [tilespmem:s24+$0x56B0];
	v33 =	vmul.bf16 v37, v33;
	v54 =	vunpack.i.u.bf16.f32 v50;
	v28 =	vunpack.i.l.bf16.f32 v50  }
0xfe: {  	v63 =	vunpack.i.u.bf16.f32 v60;
	v37 =	vld [tilespmem:s24+$0x9680];
	v35 =	vmul.f32 v5, v35;
	v28 =	vadd.f32 v28, v54  }
0xff: {  	v38 =	vld [tilespmem:s24+$0x5690];
	v54 =	vunpack.i.u.bf16.f32 v43;
	v43 =	vunpack.i.l.bf16.f32 v43;
	v55 =	vunpack.i.u.bf16.f32 v33  }
0x100: {  	v50 =	vld [tilespmem:s24+$0x97A0];
	v33 =	vunpack.i.l.bf16.f32 v33;
	v56 =	vadd.f32 v43, v54;
	v32 =	vmul.bf16 v46, v32  }
0x101: {  	v54 =	vld [tilespmem:s24+$0x9720];
	v25 =	vadd.f32 v35, v34;
	v33 =	vadd.f32 v33, v55;
	v44 =	vmul.bf16 v53, v48  }
0x102: {  	v43 =	vld [tilespmem:s24+$0x5760];
	v53 =	vunpack.i.u.bf16.f32 v32;
	v32 =	vunpack.i.l.bf16.f32 v32;
	v31 =	vmul.bf16 v41, v31  }
0x103: {  	v34 =	vld [tilespmem:s24+$0x9670];
	v28 =	vadd.f32 v33, v28;
	v33 =	vadd.f32 v58, v57;
	v30 =	vmul.bf16 v37, v30  }
0x104: {  	v35 =	vld [tilespmem:s24+$0x56A0];
	v58 =	vmul.bf16 v36, v38;
	v48 =	vunpack.i.u.bf16.f32 v44;
	v44 =	vunpack.i.l.bf16.f32 v44  }
0x105: {  	v55 =	vld [tilespmem:s24+$0x56E0];
	v32 =	vadd.f32 v32, v53;
	v28 =	vadd.f32 v29, v28;
	v29 =	vunpack.i.l.bf16.f32 v60  }
0x106: {  	v57 =	vld [tilespmem:s24+$0x96E0];
	v27 =	vadd.f32 v33, v27;
	v59 =	vunpack.i.u.bf16.f32 v30;
	v30 =	vunpack.i.l.bf16.f32 v30  }
0x107: {  	v36 =	vld [tilespmem:s24+$0x56F0];
	v60 =	vunpack.i.u.bf16.f32 v58;
	v33 =	vunpack.i.l.bf16.f32 v58;
	v29 =	vadd.f32 v29, v63  }
0x108: {  	v38 =	vld [tilespmem:s24+$0x9700];
	v34 =	vmul.bf16 v34, v52;
	v30 =	vadd.f32 v30, v59;
	v33 =	vadd.f32 v33, v60  }
0x109: {  	v58 =	vld [tilespmem:s24+$0x5740];
	v59 =	vunpack.i.u.bf16.f32 v31;
	v31 =	vunpack.i.l.bf16.f32 v31;
	v28 =	vadd.f32 v39, v28  }
0x10a: {  	v35 =	vmul.bf16 v45, v35;
	v63 =	vld [tilespmem:s24+$0x9710];
	v31 =	vadd.f32 v31, v59;
	v29 =	vadd.f32 v29, v40  }
0x10b: {  	v52 =	vld [tilespmem:s24+$0x5720];
	v61 =	vunpack.i.u.bf16.f32 v34;
	v34 =	vunpack.i.l.bf16.f32 v34;
	v30 =	vadd.f32 v33, v30  }
0x10c: {  	v60 =	vld [tilespmem:s24+$0x9740];
	v51 =	vunpack.i.u.bf16.f32 v35;
	v35 =	vunpack.i.l.bf16.f32 v35;
	v37 =	vmul.bf16 v57, v55  }
0x10d: {  	v39 =	vld [tilespmem:s24+$0x96F0];
	v55 =	vadd.f32 v44, v48;
	v38 =	vmul.bf16 v38, v42;
	v34 =	vadd.f32 v34, v61  }
0x10e: {  	v59 =	vld [tilespmem:s24+$0x5790];
	v35 =	vadd.f32 v35, v51;
	v29 =	vadd.f32 v56, v29;
	v57 =	vunpack.i.u.bf16.f32 v37  }
0x10f: {  	v48 =	vld [tilespmem:s24+$0x9770];
	v37 =	vunpack.i.l.bf16.f32 v37;
	v32 =	vadd.f32 v55, v32;
	v42 =	vunpack.i.u.bf16.f32 v38  }
0x110: {  	v56 =	vld [tilespmem:s24+$0x9730];
	v38 =	vunpack.i.l.bf16.f32 v38;
	v30 =	vadd.f32 v35, v30;
	v35 =	vadd.f32 v37, v57  }
0x111: {  	v55 =	vld [tilespmem:s24+$0x5780];
	v33 =	vmul.bf16 v63, v62;
	v45 =	vmul.bf16 v54, v52;
	v38 =	vadd.f32 v38, v42  }
0x112: {  	v52 =	vld [tilespmem:s24+$0x9760];
	v58 =	vmul.bf16 v60, v58;
	v36 =	vmul.bf16 v39, v36;
	v29 =	vadd.f32 v34, v29  }
0x113: {  	v57 =	vld [tilespmem:s24+$0x9780];
	v32 =	vadd.f32 v35, v32;
	v63 =	vunpack.i.u.bf16.f32 v33;
	v33 =	vunpack.i.l.bf16.f32 v33  }
0x114: {  	v61 =	vld [tilespmem:s24+$0x9750];
	v53 =	vunpack.i.u.bf16.f32 v45;
	v45 =	vunpack.i.l.bf16.f32 v45;
	v30 =	vadd.f32 v31, v30  }
0x115: {  	v39 =	vld [tilespmem:s24+$0x5750];
	v62 =	vunpack.i.u.bf16.f32 v36;
	v36 =	vunpack.i.l.bf16.f32 v36;
	v33 =	vadd.f32 v33, v63  }
0x116: {  	v42 =	vld [tilespmem:s24+$0x5770];
	v54 =	vadd.f32 v45, v53;
	v36 =	vadd.f32 v36, v62;
	v56 =	vmul.bf16 v56, v47  }
0x117: {  	(xrf2) =	vadd.scan.msk.f32 $0xffff, v26;
	v63 =	vld [tilespmem:s24+$0x57A0];
	v62 =	vunpack.i.u.bf16.f32 v58;
	v33 =	vadd.f32 v33, v38;
	v43 =	vmul.bf16 v52, v43  }
0x118: {  	v38 =	vld [tilespmem:s24+$0x57B0];
	v34 =	vmul.bf16 v57, v55;
	v32 =	vadd.f32 v36, v32;
	v60 =	vunpack.i.u.bf16.f32 v56  }
0x119: {  	v52 =	vld [tilespmem:s24+$0x57C0];
	v31 =	vunpack.i.l.bf16.f32 v56;
	v36 =	vunpack.i.l.bf16.f32 v58;
	v33 =	vadd.f32 v54, v33  }
0x11a: {  	v35 =	vmul.bf16 v61, v39;
	v61 =	vld [tilespmem:s24+$0x9790];
	v31 =	vadd.f32 v31, v60;
	v36 =	vadd.f32 v36, v62  }
0x11b: {  	v56 =	vld [tilespmem:s24+$0x57D0];
	v51 =	vunpack.i.u.bf16.f32 v43;
	v43 =	vunpack.i.l.bf16.f32 v43;
	v55 =	vunpack.i.u.bf16.f32 v34  }
0x11c: {  	v58 =	vld [tilespmem:s24+$0x97D0];
	v34 =	vunpack.i.l.bf16.f32 v34;
	v49 =	vunpack.i.u.bf16.f32 v35;
	v35 =	vunpack.i.l.bf16.f32 v35  }
0x11d: {  	v54 =	vld [tilespmem:s24+$0x97C0];
	v53 =	vadd.f32 v43, v51;
	v41 =	vmul.bf16 v50, v63;
	v35 =	vadd.f32 v35, v49  }
0x11e: {  	v57 =	vmul.bf16 v48, v42;
	v60 =	vld [tilespmem:s24+$0x97B0];
	v26 =	vadd.f32 v34, v55;
	v31 =	vadd.f32 v31, v33  }
0x11f: {  	(xrf2) =	vadd.scan.msk.f32 $0xffff, v27;
	v62 =	vunpack.i.u.bf16.f32 v41;
	v41 =	vunpack.i.l.bf16.f32 v41;
	v35 =	vadd.f32 v35, v36  }
0x120: {  	(xrf2) =	vadd.scan.msk.f32 $0xffff, v28;
	v63 =	vld [tilespmem:s24+$0x57E0];
	v37 =	vmul.bf16 v61, v59;
	v61 =	vunpack.i.u.bf16.f32 v57;
	v36 =	vunpack.i.l.bf16.f32 v57  }
0x121: {  	(xrf2) =	vadd.scan.msk.f32 $0xffff, v29;
	v50 =	vld [tilespmem:s24+$0x97E0];
	v48 =	vadd.f32 v41, v62;
	v34 =	vmul.bf16 v58, v56;
	v58, _, _ =	vpop (xrf2);
	v36 =	vadd.f32 v36, v61  }
0x122: {  	(xrf2) =	vadd.scan.msk.f32 $0xffff, v30;
	v49 =	vmul.bf16 v54, v52;
	v30 =	vbroadcast v58, $0xF;
	v35 =	vadd.f32 v53, v35  }
0x123: {  	v55 =	vld [tilespmem:s24+$0x97F0];
	v59 =	vunpack.i.u.bf16.f32 v37;
	v37 =	vunpack.i.l.bf16.f32 v37;
	v53 =	vmul.bf16 v60, v38  }
0x124: {  	v52 =	vld [tilespmem:s24+$0x57F0];
	v56 =	vunpack.i.u.bf16.f32 v34;
	v34 =	vunpack.i.l.bf16.f32 v34;
	v27 =	vadd.f32 v37, v59  }
0x125: {  	v54 =	vunpack.i.u.bf16.f32 v49;
	v28 =	vunpack.i.l.bf16.f32 v49;
	v57 =	vadd.f32 v34, v56  }
0x126: {  	v59 =	vmul.bf16 v50, v63;
	v30 =	vmul.f32 v6, v30;
	v51 =	vadd.f32 v36, v35  }
0x127: {  	v28 =	vadd.f32 v28, v54;
	v60 =	vunpack.i.u.bf16.f32 v53;
	v26 =	vadd.f32 v27, v26  }
0x128: {  	(xrf2) =	vadd.scan.msk.f32 $0xffff, v32;
	v27 =	vunpack.i.l.bf16.f32 v53;
	v63 =	vunpack.i.u.bf16.f32 v59;
	v34 =	vunpack.i.l.bf16.f32 v59  }
0x129: {  	v61, _, _ =	vpop (xrf2);
	v28 =	vadd.f32 v57, v28;
	v62 =	vmul.bf16 v55, v52;
	v36 =	vadd.f32 v34, v63  }
0x12a: {  	(xrf2) =	vadd.scan.msk.f32 $0xffff, v31;
	v29 =	vbroadcast v61, $0xF;
	v27 =	vadd.f32 v27, v60;
	v26 =	vadd.f32 v48, v26  }
0x12b: {  	v37 =	vunpack.i.u.bf16.f32 v62;
	v32 =	vunpack.i.l.bf16.f32 v62;
	v28 =	vadd.f32 v36, v28  }
0x12c: {  	v23 =	vbroadcast v23, $0xF;
	v38, _, _ =	vpop (xrf2);
	(xrf2) =	vadd.scan.msk.f32 $0xffff, v51;
	v26 =	vadd.f32 v27, v26;
	v27 =	vadd.f32 v32, v37  }
0x12d: {  	v25 =	vadd.f32 v30, v25;
	v39 =	vbroadcast v38, $0xF;
	v29 =	vmul.f32 v7, v29  }
0x12e: {  	v22 =	vbroadcast v22, $0xF;
	v23 =	vmul.f32 v8, v23;
	v40, _, _ =	vpop (xrf2);
	(xrf2) =	vadd.scan.msk.f32 $0xffff, v26;
	v41 =	vadd.f32 v27, v28  }
0x12f: {  	v43 =	vbroadcast v40, $0xF;
	v42 =	vmul.f32 v8, v39;
	v25 =	vadd.f32 v29, v25  }
0x130: {  	v21 =	vbroadcast v21, $0xF;
	v22 =	vmul.f32 v9, v22;
	v23 =	vadd.f32 v23, v24;
	v44, _, _ =	vpop (xrf2);
	(xrf2) =	vadd.scan.msk.f32 $0xffff, v41  }
0x131: {  	v24 =	vbroadcast v44, $0xF;
	v45 =	vmul.f32 v9, v43;
	v25 =	vadd.f32 v42, v25  }
0x132: {  	v21 =	vmul.f32 v10, v21;
	v20 =	vbroadcast v20, $0xF;
	v22 =	vadd.f32 v22, v23;
	v46, _, _ =	vpop (xrf2)  }
0x133: {  	v24 =	vmul.f32 v10, v24;
	v48 =	vbroadcast v46, $0xF;
	v47 =	vadd.f32 v45, v25  }
0x134: {  	v20 =	vmul.f32 v11, v20;
	v19 =	vbroadcast v19, $0xF;
	v21 =	vadd.f32 v21, v22;
	v49, _, _ =	vpop (xrf2)  }
0x135: {  	v51 =	vmul.f32 v11, v48;
	v50 =	vadd.f32 v24, v47;
	v52 =	vbroadcast v49, $0xF  }
0x136: {  	v18 =	vbroadcast v18, $0xF;
	v19 =	vmul.f32 v12, v19;
	v20 =	vadd.f32 v20, v21;
	v53, _, _ =	vpop (xrf2)  }
0x137: {  	v54 =	vadd.f32 v51, v50;
	v55 =	vmul.f32 v12, v52;
	v56 =	vbroadcast v53, $0xF  }
0x138: {  	v17 =	vbroadcast v17, $0xF;
	v18 =	vmul.f32 v13, v18;
	v19 =	vadd.f32 v19, v20;
	v57, _, _ =	vpop (xrf2)  }
0x139: {  	v58 =	vadd.f32 v55, v54;
	v59 =	vmul.f32 v13, v56;
	v60 =	vbroadcast v57, $0xF  }
0x13a: {  	v16 =	vbroadcast v16, $0xF;
	v17 =	vmul.f32 v14, v17;
	v18 =	vadd.f32 v18, v19;
	v61, _, _ =	vpop (xrf2)  }
0x13b: {  	v20 =	vadd.f32 v59, v58;
	v62 =	vmul.f32 v14, v60;
	v19 =	vbroadcast v61, $0xF  }
0x13c: {  	p0 =	slt.u32 s23, $0x6;
	v16 =	vmul.f32 v15, v16;
	v17 =	vadd.f32 v17, v18  }
.Ltmp0:
0x13d: {  	v63 =	vadd.f32 v62, v20;
	v19 =	vmul.f32 v15, v19;
	(pc) =	sbr.rel @p0 .LBB2_3-.Ltmp0, $4  }
0x13e: {  	s30 =	sshll.u32 s23, $0x4;
	v16 =	vadd.f32 v16, v17  }
0x13f: {  	s25 =	sand.u32 $0x3FFFFFF0, s30;
	v17 =	vadd.f32 v19, v63  }
0x140: {  	s31 =	sadd.s32 $0x2, s23;
	[tilespmem:s25+$0xD000] =	vst v16  }
0x141: {  	s23 =	smov.u32 s31;
	[tilespmem:s30+$0xD010] =	vst v17  }
0x142: {  	s24 =	sshll.u32 s22, $0x8  }
0x143: {  	s23 =	sadd.s32 s3, s24  }
0x144: {  	s25 =	sshrl.u32 s23, $0x3  }
0x145: {  	s23 =	sshll.u32 s22, $0x1;
	s26 =	sadd.s32 s5, s25;
	s25 =	simm.s32 $0x0  }
0x146: {  	[hbm4b:s26+s25] =	stream.linear.scatter [tilespmem:s19], [sflag:$0x3], $0x80, $0x38;
	[tilespmem:$0xD080] =	vst v63  }
0x147: {  	s31 =	smin.u32 s23, $0x4D;
	_ =	swait.ge [sflag:s10], $0x80  }
0x148: {  	s26 =	sshll.u32 s31, $0x7;
	[sflag:s10] =	ssyncset.done $0x0  }
0x149: {  	s28 =	sadd.s32 $0x100, s26;
	[sflag:s10] =	ssyncadd.s32 $0xFFFFFF80  }
0x14a: {  	[tilespmem:s13], [sflag:$0x1] =	stream.indirect.gather [hbm4b:s4+s12], $0x40, s28, s12, $0xb8;
	[tilespmem:$0xD080] =	vst v63  }
0x14b: {  	s26 =	sadd.s32 $0x2900, s26  }
0x14c: {  	[tilespmem:s14], [sflag:$0x1] =	stream.indirect.gather [hbm4b:s4+s12], $0x40, s26, s12, $0xb8;
	[tilespmem:$0xD080] =	vst v63  }
0x14d: {  	_ =	swait.ge [sflag:s20], $0x2000  }
0x14e: {  	[sflag:s20] =	ssyncset.done $0x0  }
0x14f: {  	[sflag:s20] =	ssyncadd.s32 $0xFFFFE000  }
0x150: {  	_ =	swait.ge [sflag:s20], $0x2000  }
0x151: {  	[sflag:s20] =	ssyncset.done $0x0  }
0x152: {  	[sflag:s20] =	ssyncadd.s32 $0xFFFFE000  }
.LBB2_5:
0x153: {  	s26 =	sshll.u32 s25, $0xA  }
0x154: {  	v16 =	vld [tilespmem:s26+$0x7000]  }
0x155: {  	v17 =	vld [tilespmem:s26+$0xB000]  }
0x156: {  	v18 =	vld [tilespmem:s26+$0x7010]  }
0x157: {  	v19 =	vld [tilespmem:s26+$0xB010]  }
0x158: {  	v20 =	vld [tilespmem:s26+$0x7020]  }
0x159: {  	v21 =	vld [tilespmem:s26+$0xB020]  }
0x15a: {  	v22 =	vld [tilespmem:s26+$0x7030]  }
0x15b: {  	v23 =	vld [tilespmem:s26+$0xB030]  }
0x15c: {  	v24 =	vld [tilespmem:s26+$0x7040]  }
0x15d: {  	v25 =	vld [tilespmem:s26+$0xB040]  }
0x15e: {  	v26 =	vld [tilespmem:s26+$0x7050]  }
0x15f: {  	v27 =	vld [tilespmem:s26+$0xB050]  }
0x160: {  	v28 =	vld [tilespmem:s26+$0x7060]  }
0x161: {  	v29 =	vld [tilespmem:s26+$0xB060]  }
0x162: {  	v30 =	vld [tilespmem:s26+$0x7070]  }
0x163: {  	v31 =	vld [tilespmem:s26+$0xB070]  }
0x164: {  	v32 =	vld [tilespmem:s26+$0x7080]  }
0x165: {  	v33 =	vld [tilespmem:s26+$0xB080]  }
0x166: {  	v34 =	vld [tilespmem:s26+$0x7090]  }
0x167: {  	v35 =	vld [tilespmem:s26+$0xB090]  }
0x168: {  	v36 =	vld [tilespmem:s26+$0x70A0]  }
0x169: {  	v37 =	vld [tilespmem:s26+$0xB0A0]  }
0x16a: {  	v38 =	vld [tilespmem:s26+$0x70B0]  }
0x16b: {  	v39 =	vld [tilespmem:s26+$0xB0B0]  }
0x16c: {  	v40 =	vld [tilespmem:s26+$0x70C0]  }
0x16d: {  	v41 =	vld [tilespmem:s26+$0xB0C0]  }
0x16e: {  	v42 =	vld [tilespmem:s26+$0x70D0]  }
0x16f: {  	v43 =	vld [tilespmem:s26+$0xB0D0]  }
0x170: {  	v44 =	vld [tilespmem:s26+$0x70E0]  }
0x171: {  	v45 =	vld [tilespmem:s26+$0xB0E0]  }
0x172: {  	v46 =	vld [tilespmem:s26+$0x70F0]  }
0x173: {  	v47 =	vld [tilespmem:s26+$0xB0F0]  }
0x174: {  	v48 =	vld [tilespmem:s26+$0x7100]  }
0x175: {  	v49 =	vld [tilespmem:s26+$0xB100]  }
0x176: {  	v50 =	vld [tilespmem:s26+$0x7110]  }
0x177: {  	v51 =	vld [tilespmem:s26+$0xB110]  }
0x178: {  	v52 =	vld [tilespmem:s26+$0x7120]  }
0x179: {  	v53 =	vld [tilespmem:s26+$0x7130]  }
0x17a: {  	v55 =	vld [tilespmem:s26+$0xB160]  }
0x17b: {  	v16 =	vmul.bf16 v17, v16;
	v17 =	vmul.bf16 v19, v18;
	v19 =	vld [tilespmem:s26+$0xB120]  }
0x17c: {  	v20 =	vmul.bf16 v21, v20;
	v21 =	vld [tilespmem:s26+$0xB130]  }
0x17d: {  	v22 =	vmul.bf16 v23, v22;
	v23 =	vld [tilespmem:s26+$0xB140]  }
0x17e: {  	v62 =	vmul.bf16 v27, v26;
	v26 =	vld [tilespmem:s26+$0xB150]  }
0x17f: {  	v60 =	vmul.bf16 v25, v24;
	v24 =	vld [tilespmem:s26+$0x7160]  }
0x180: {  	v57 =	vmul.bf16 v29, v28;
	v28 =	vld [tilespmem:s26+$0xB170]  }
0x181: {  	v36 =	vmul.bf16 v37, v36;
	v37 =	vld [tilespmem:s26+$0xB190]  }
0x182: {  	v30 =	vmul.bf16 v31, v30;
	v31 =	vld [tilespmem:s26+$0x71A0];
	v44 =	vmul.bf16 v45, v44  }
0x183: {  	v45 =	vld [tilespmem:s26+$0x71D0];
	v58 =	vunpack.i.u.bf16.f32 v16;
	v54 =	vunpack.i.u.bf16.f32 v17;
	v17 =	vunpack.i.l.bf16.f32 v17  }
0x184: {  	v27 =	vunpack.i.u.bf16.f32 v62;
	v25 =	vunpack.i.l.bf16.f32 v62;
	v17 =	vadd.f32 v17, v54;
	v54 =	vld [tilespmem:s26+$0x7140]  }
0x185: {  	v16 =	vunpack.i.l.bf16.f32 v16;
	v63 =	vunpack.i.u.bf16.f32 v60;
	v56 =	vadd.f32 v25, v27;
	v25 =	vld [tilespmem:s26+$0x7170]  }
0x186: {  	v18 =	vunpack.i.l.bf16.f32 v60;
	v16 =	vadd.f32 v16, v58;
	v58 =	vmul.bf16 v33, v32;
	v33 =	vld [tilespmem:s26+$0xB180]  }
0x187: {  	v29 =	vunpack.i.u.bf16.f32 v57;
	v27 =	vunpack.i.l.bf16.f32 v57;
	v57 =	vmul.bf16 v39, v38;
	v39 =	vld [tilespmem:s26+$0xB1B0]  }
0x188: {  	v62 =	vunpack.i.u.bf16.f32 v36;
	v18 =	vadd.f32 v18, v63;
	v63 =	vunpack.i.l.bf16.f32 v36;
	v36 =	vld [tilespmem:s26+$0x71C0]  }
0x189: {  	v59 =	vunpack.i.u.bf16.f32 v20;
	v20 =	vunpack.i.l.bf16.f32 v20;
	v27 =	vadd.f32 v27, v29;
	v29 =	vld [tilespmem:s26+$0x71B0]  }
0x18a: {  	v16 =	vadd.f32 v17, v16;
	v17 =	vadd.f32 v20, v59;
	v20 =	vld [tilespmem:s26+$0x7150]  }
0x18b: {  	v46 =	vmul.bf16 v47, v46;
	v61 =	vunpack.i.u.bf16.f32 v22;
	v59 =	vmul.bf16 v35, v34;
	v34 =	vld [tilespmem:s26+$0x7190]  }
0x18c: {  	v22 =	vunpack.i.l.bf16.f32 v22;
	v60 =	vunpack.i.u.bf16.f32 v58;
	v19 =	vmul.bf16 v19, v52;
	v52 =	vld [tilespmem:s26+$0xB230]  }
0x18d: {  	v21 =	vmul.bf16 v21, v53;
	v24 =	vmul.bf16 v55, v24;
	v55 =	vld [tilespmem:s26+$0x7270];
	v16 =	vadd.f32 v17, v16  }
0x18e: {  	v17 =	vadd.f32 v22, v61;
	v22 =	vld [tilespmem:s26+$0x7180];
	v35 =	vunpack.i.u.bf16.f32 v59;
	v32 =	vunpack.i.l.bf16.f32 v59  }
0x18f: {  	v59 =	vmul.bf16 v43, v42;
	v42 =	vld [tilespmem:s26+$0xB1C0];
	v61 =	vadd.f32 v32, v35;
	v32 =	vunpack.i.l.bf16.f32 v57  }
0x190: {  	v35 =	vld [tilespmem:s26+$0xB1A0];
	v23 =	vmul.bf16 v23, v54;
	v25 =	vmul.bf16 v28, v25;
	v16 =	vadd.f32 v17, v16  }
0x191: {  	v54 =	vld [tilespmem:s26+$0x7240];
	v17 =	vadd.f32 v56, v18;
	v18 =	vunpack.i.l.bf16.f32 v58;
	v56 =	vunpack.i.u.bf16.f32 v30  }
0x192: {  	v28 =	vld [tilespmem:s26+$0x7250];
	v30 =	vunpack.i.l.bf16.f32 v30;
	v58 =	vmul.bf16 v41, v40;
	v43 =	vunpack.i.u.bf16.f32 v59  }
0x193: {  	v29 =	vmul.bf16 v39, v29;
	v39 =	vld [tilespmem:s26+$0xB2A0];
	v18 =	vadd.f32 v18, v60;
	v30 =	vadd.f32 v30, v56  }
0x194: {  	v60 =	vunpack.i.u.bf16.f32 v57;
	v56 =	vmul.bf16 v51, v50;
	v50 =	vld [tilespmem:s26+$0x7200];
	v20 =	vmul.bf16 v26, v20  }
0x195: {  	v51 =	vld [tilespmem:s26+$0x7220];
	v34 =	vmul.bf16 v37, v34;
	v17 =	vadd.f32 v27, v17;
	v27 =	vadd.f32 v63, v62  }
0x196: {  	v26 =	vld [tilespmem:s26+$0x7230];
	v41 =	vunpack.i.u.bf16.f32 v58;
	v38 =	vunpack.i.l.bf16.f32 v58;
	v32 =	vadd.f32 v32, v60  }
0x197: {  	v37 =	vld [tilespmem:s26+$0x7260];
	v62 =	vunpack.i.l.bf16.f32 v44;
	v63 =	vmul.bf16 v49, v48;
	v60 =	vunpack.i.u.bf16.f32 v19  }
0x198: {  	v48 =	vld [tilespmem:s26+$0xB1E0];
	v18 =	vadd.f32 v61, v18;
	v38 =	vadd.f32 v38, v41;
	v61 =	vunpack.i.u.bf16.f32 v44  }
0x199: {  	v49 =	vld [tilespmem:s26+$0x7210];
	v22 =	vmul.bf16 v33, v22;
	v40 =	vadd.f32 v62, v61;
	v57 =	vunpack.i.u.bf16.f32 v63  }
0x19a: {  	v41 =	vld [tilespmem:s26+$0xB1D0];
	v58 =	vunpack.i.l.bf16.f32 v63;
	v61 =	vunpack.i.u.bf16.f32 v46;
	v46 =	vunpack.i.l.bf16.f32 v46  }
0x19b: {  	v44 =	vld [tilespmem:s26+$0x71E0];
	v62 =	vunpack.i.u.bf16.f32 v21;
	v21 =	vunpack.i.l.bf16.f32 v21;
	v63 =	vunpack.i.u.bf16.f32 v23  }
0x19c: {  	v33 =	vld [tilespmem:s26+$0xB260];
	v23 =	vunpack.i.l.bf16.f32 v23;
	v31 =	vmul.bf16 v35, v31;
	v27 =	vadd.f32 v27, v18  }
0x19d: {  	v35 =	vld [tilespmem:s26+$0xB280];
	v18 =	vunpack.i.l.bf16.f32 v59;
	v46 =	vadd.f32 v46, v61;
	v47 =	vadd.f32 v21, v62  }
0x19e: {  	v59 =	vunpack.i.u.bf16.f32 v56;
	v21 =	vadd.f32 v23, v63;
	v23 =	vld [tilespmem:s26+$0xB240];
	v18 =	vadd.f32 v18, v43  }
0x19f: {  	v61 =	vunpack.i.u.bf16.f32 v22;
	v63 =	vunpack.i.u.bf16.f32 v34;
	v34 =	vunpack.i.l.bf16.f32 v34;
	v43 =	vld [tilespmem:s26+$0xB1F0]  }
0x1a0: {  	v62 =	vunpack.i.l.bf16.f32 v22;
	v22 =	vadd.f32 v34, v63;
	v34 =	vld [tilespmem:s26+$0xB270];
	v38 =	vadd.f32 v18, v38  }
0x1a1: {  	v18 =	vadd.f32 v30, v17;
	v17 =	vadd.f32 v32, v27;
	v30 =	vld [tilespmem:s26+$0x71F0];
	v27 =	vunpack.i.l.bf16.f32 v56  }
0x1a2: {  	v56 =	vadd.f32 v62, v61;
	v41 =	vmul.bf16 v41, v45;
	v45 =	vld [tilespmem:s26+$0xB290];
	v44 =	vmul.bf16 v48, v44  }
0x1a3: {  	v48 =	vld [tilespmem:s26+$0x72D0];
	v33 =	vmul.bf16 v33, v37;
	v27 =	vadd.f32 v27, v59;
	v32 =	vadd.f32 v40, v38  }
0x1a4: {  	v37 =	vld [tilespmem:s26+$0xB300];
	v38 =	vadd.f32 v58, v57;
	v57 =	vunpack.i.u.bf16.f32 v20;
	v20 =	vunpack.i.l.bf16.f32 v20  }
0x1a5: {  	v40 =	vld [tilespmem:s26+$0xB200];
	v58 =	vunpack.i.u.bf16.f32 v24;
	v24 =	vunpack.i.l.bf16.f32 v24;
	v22 =	vadd.f32 v22, v56  }
0x1a6: {  	v56 =	vunpack.i.u.bf16.f32 v41;
	v41 =	vunpack.i.l.bf16.f32 v41;
	v59 =	vadd.f32 v24, v58;
	v24 =	vld [tilespmem:s26+$0xB250]  }
0x1a7: {  	v19 =	vunpack.i.l.bf16.f32 v19;
	v20 =	vadd.f32 v20, v57;
	v57 =	vadd.f32 v41, v56;
	v41 =	vld [tilespmem:s26+$0x72C0]  }
0x1a8: {  	v19 =	vadd.f32 v19, v60;
	v27 =	vadd.f32 v27, v38;
	v38 =	vld [tilespmem:s26+$0xB210]  }
0x1a9: {  	v20 =	vadd.f32 v20, v21;
	v21 =	vadd.f32 v46, v32;
	v32 =	vld [tilespmem:s26+$0x7280]  }
0x1aa: {  	v60 =	vunpack.i.u.bf16.f32 v25;
	v25 =	vunpack.i.l.bf16.f32 v25;
	v46 =	vmul.bf16 v42, v36;
	v42 =	vld [tilespmem:s26+$0x7290]  }
0x1ab: {  	v25 =	vadd.f32 v25, v60;
	v36 =	vld [tilespmem:s26+$0xB2B0]  }
0x1ac: {  	v60 =	vunpack.i.u.bf16.f32 v29;
	v30 =	vmul.bf16 v43, v30;
	v19 =	vadd.f32 v19, v27;
	v27 =	vld [tilespmem:s26+$0xB220]  }
0x1ad: {  	v58 =	vunpack.i.u.bf16.f32 v44;
	v53 =	vadd.f32 v59, v20;
	v59 =	vunpack.i.l.bf16.f32 v44;
	v44 =	vld [tilespmem:s26+$0x72B0]  }
0x1ae: {  	v40 =	vmul.bf16 v40, v50;
	v43 =	vunpack.i.u.bf16.f32 v30;
	v50 =	vld [tilespmem:s26+$0xB2D0];
	v30 =	vunpack.i.l.bf16.f32 v30  }
0x1af: {  	v29 =	vunpack.i.l.bf16.f32 v29;
	v20 =	vadd.f32 v47, v19;
	v30 =	vadd.f32 v30, v43;
	v43 =	vld [tilespmem:s26+$0x72F0]  }
0x1b0: {  	v47 =	vunpack.i.u.bf16.f32 v31;
	v31 =	vunpack.i.l.bf16.f32 v31;
	v24 =	vmul.bf16 v24, v28;
	v28 =	vld [tilespmem:s26+$0xB2F0]  }
0x1b1: {  	v29 =	vadd.f32 v29, v60;
	v31 =	vadd.f32 v31, v47;
	v47 =	vld [tilespmem:s26+$0x72A0]  }
0x1b2: {  	v19 =	vadd.f32 v25, v53;
	v53 =	vunpack.i.u.bf16.f32 v46;
	v61 =	vmul.bf16 v38, v49;
	v38 =	vld [tilespmem:s26+$0xB2C0]  }
0x1b3: {  	v25 =	vunpack.i.l.bf16.f32 v46;
	v62 =	vunpack.i.u.bf16.f32 v40;
	v40 =	vunpack.i.l.bf16.f32 v40;
	v46 =	vld [tilespmem:s26+$0x72E0]  }
0x1b4: {  	v25 =	vadd.f32 v25, v53;
	v40 =	vadd.f32 v40, v62;
	v60 =	vmul.bf16 v35, v32;
	v32 =	vld [tilespmem:s26+$0x7330]  }
0x1b5: {  	v56 =	vunpack.i.u.bf16.f32 v24;
	v24 =	vunpack.i.l.bf16.f32 v24;
	v62 =	vmul.bf16 v45, v42;
	v42 =	vld [tilespmem:s26+$0xB330]  }
0x1b6: {  	v45 =	vld [tilespmem:s26+$0x7340];
	v22 =	vadd.f32 v31, v22;
	v31 =	vadd.f32 v59, v58;
	v27 =	vmul.bf16 v27, v51  }
0x1b7: {  	v51 =	vmul.bf16 v23, v54;
	v24 =	vadd.f32 v24, v56;
	v36 =	vmul.bf16 v36, v44;
	v44 =	vld [tilespmem:s26+$0xB350]  }
0x1b8: {  	v25 =	vadd.f32 v57, v25;
	v57 =	vunpack.i.u.bf16.f32 v33;
	v48 =	vmul.bf16 v50, v48;
	v50 =	vld [tilespmem:s26+$0xB360]  }
0x1b9: {  	v33 =	vunpack.i.l.bf16.f32 v33;
	v56 =	vunpack.i.u.bf16.f32 v62;
	v23 =	vadd.f32 v29, v22;
	v29 =	vld [tilespmem:s26+$0x7310]  }
0x1ba: {  	v35 =	vunpack.i.l.bf16.f32 v62;
	v53 =	vunpack.i.u.bf16.f32 v51;
	v54 =	vunpack.i.l.bf16.f32 v51;
	v51 =	vld [tilespmem:s26+$0xB320]  }
0x1bb: {  	v34 =	vmul.bf16 v34, v55;
	v58 =	vadd.f32 v33, v57;
	v57 =	vadd.f32 v35, v56;
	v35 =	vld [tilespmem:s26+$0x7350]  }
0x1bc: {  	v49 =	vunpack.i.u.bf16.f32 v61;
	v63 =	vunpack.i.u.bf16.f32 v27;
	v39 =	vmul.bf16 v39, v47;
	v47 =	vld [tilespmem:s26+$0xB340]  }
0x1bd: {  	v25 =	vadd.f32 v31, v25;
	v31 =	vunpack.i.l.bf16.f32 v61;
	v38 =	vmul.bf16 v38, v41;
	v41 =	vld [tilespmem:s26+$0x7370]  }
0x1be: {  	v61 =	vunpack.i.u.bf16.f32 v34;
	v34 =	vunpack.i.l.bf16.f32 v34;
	v31 =	vadd.f32 v31, v49;
	v49 =	vld [tilespmem:s26+$0xB2E0]  }
0x1bf: {  	v27 =	vunpack.i.l.bf16.f32 v27;
	v28 =	vmul.bf16 v28, v43;
	v33 =	vadd.f32 v34, v61;
	v34 =	vld [tilespmem:s26+$0x7390]  }
0x1c0: {  	v27 =	vadd.f32 v27, v63;
	v32 =	vmul.bf16 v42, v32;
	v42 =	vld [tilespmem:s26+$0xB3C0]  }
0x1c1: {  	v43 =	vunpack.i.u.bf16.f32 v28;
	v28 =	vunpack.i.l.bf16.f32 v28;
	v22 =	vadd.f32 v30, v25;
	v30 =	vld [tilespmem:s26+$0x7300]  }
0x1c2: {  	v28 =	vadd.f32 v28, v43;
	v43 =	vld [tilespmem:s26+$0xB3F0];
	v31 =	vadd.f32 v31, v40  }
0x1c3: {  	v26 =	vmul.bf16 v52, v26;
	v40 =	vld [tilespmem:s26+$0xB310]  }
0x1c4: {  	v52 =	vmul.bf16 v44, v35;
	v35 =	vld [tilespmem:s26+$0x73D0];
	v25 =	vadd.f32 v27, v31;
	v27 =	vadd.f32 v54, v53  }
0x1c5: {  	v59 =	vunpack.i.u.bf16.f32 v26;
	v26 =	vunpack.i.l.bf16.f32 v26;
	v63 =	vunpack.i.u.bf16.f32 v60;
	v44 =	vld [tilespmem:s26+$0xB3E0]  }
0x1c6: {  	v62 =	vunpack.i.u.bf16.f32 v38;
	v38 =	vunpack.i.l.bf16.f32 v38;
	v31 =	vld [tilespmem:s26+$0x7320];
	v24 =	vadd.f32 v24, v27  }
0x1c7: {  	v53 =	vld [tilespmem:s26+$0xB370];
	v27 =	vunpack.i.l.bf16.f32 v60;
	v60 =	vunpack.i.u.bf16.f32 v36;
	v36 =	vunpack.i.l.bf16.f32 v36  }
0x1c8: {  	v27 =	vadd.f32 v27, v63;
	v61 =	vadd.f32 v36, v60;
	v63 =	vunpack.i.u.bf16.f32 v48;
	v60 =	vld [tilespmem:s26+$0xB390]  }
0x1c9: {  	v48 =	vunpack.i.l.bf16.f32 v48;
	v36 =	vadd.f32 v38, v62;
	v38 =	vld [tilespmem:s26+$0x73A0];
	v24 =	vadd.f32 v58, v24  }
0x1ca: {  	v58 =	vunpack.i.u.bf16.f32 v39;
	v39 =	vunpack.i.l.bf16.f32 v39;
	v56 =	vadd.f32 v48, v63;
	v48 =	vld [tilespmem:s26+$0x7380]  }
0x1cb: {  	v26 =	vadd.f32 v26, v59;
	v59 =	vadd.f32 v39, v58;
	v39 =	vld [tilespmem:s26+$0x7360]  }
0x1cc: {  	v27 =	vadd.f32 v57, v27;
	v57 =	vmul.bf16 v49, v46;
	v46 =	vld [tilespmem:s26+$0xB380]  }
0x1cd: {  	v54 =	vunpack.i.u.bf16.f32 v32;
	v32 =	vunpack.i.l.bf16.f32 v32;
	v29 =	vmul.bf16 v40, v29;
	v49 =	vld [tilespmem:s26+$0xB3A0]  }
0x1ce: {  	v32 =	vadd.f32 v32, v54;
	v31 =	vmul.bf16 v51, v31;
	v51 =	vmul.bf16 v47, v45;
	v45 =	vld [tilespmem:s26+$0xB3D0]  }
0x1cf: {  	v26 =	vadd.f32 v26, v25;
	v30 =	vmul.bf16 v37, v30;
	v40 =	vunpack.i.u.bf16.f32 v29;
	v47 =	vld [tilespmem:s26+$0x73F0]  }
0x1d0: {  	v29 =	vunpack.i.l.bf16.f32 v29;
	v53 =	vmul.bf16 v53, v41;
	v41 =	vld [tilespmem:s26+$0xB450];
	v25 =	vadd.f32 v33, v24  }
0x1d1: {  	v58 =	vadd.f32 v56, v36;
	v29 =	vadd.f32 v29, v40;
	v36 =	vld [tilespmem:s26+$0x73B0];
	v56 =	vunpack.i.u.bf16.f32 v52  }
0x1d2: {  	v40 =	vld [tilespmem:s26+$0xB3B0];
	v27 =	vadd.f32 v59, v27;
	v62 =	vunpack.i.u.bf16.f32 v31;
	v31 =	vunpack.i.l.bf16.f32 v31  }
0x1d3: {  	v59 =	vunpack.i.u.bf16.f32 v57;
	v33 =	vunpack.i.l.bf16.f32 v57;
	v63 =	vadd.f32 v31, v62;
	v31 =	vld [tilespmem:s26+$0x73C0]  }
0x1d4: {  	v33 =	vadd.f32 v33, v59;
	v24 =	vadd.f32 v61, v27;
	v39 =	vmul.bf16 v50, v39;
	v50 =	vld [tilespmem:s26+$0x73E0]  }
0x1d5: {  	v61 =	vunpack.i.u.bf16.f32 v30;
	v30 =	vunpack.i.l.bf16.f32 v30;
	v59 =	vmul.bf16 v46, v48;
	v46 =	vld [tilespmem:s26+$0x7410]  }
0x1d6: {  	v55 =	vunpack.i.u.bf16.f32 v51;
	v30 =	vadd.f32 v30, v61;
	v27 =	vadd.f32 v33, v58;
	v48 =	vld [tilespmem:s26+$0x7420]  }
0x1d7: {  	v33 =	vunpack.i.l.bf16.f32 v51;
	v38 =	vmul.bf16 v49, v38;
	v43 =	vmul.bf16 v43, v47;
	v47 =	vld [tilespmem:s26+$0x7460]  }
0x1d8: {  	v35 =	vmul.bf16 v45, v35;
	v45 =	vld [tilespmem:s26+$0xB4A0];
	v33 =	vadd.f32 v33, v55;
	v36 =	vmul.bf16 v40, v36  }
0x1d9: {  	v40 =	vld [tilespmem:s26+$0x7430];
	v29 =	vadd.f32 v29, v30;
	v30 =	vunpack.i.l.bf16.f32 v52;
	v57 =	vunpack.i.u.bf16.f32 v39  }
0x1da: {  	v39 =	vunpack.i.l.bf16.f32 v39;
	v61 =	vunpack.i.u.bf16.f32 v59;
	v62 =	vunpack.i.l.bf16.f32 v59;
	v52 =	vld [tilespmem:s26+$0xB410]  }
0x1db: {  	v54 =	vunpack.i.u.bf16.f32 v38;
	v38 =	vunpack.i.l.bf16.f32 v38;
	v59 =	vld [tilespmem:s26+$0xB440];
	v30 =	vadd.f32 v30, v56  }
0x1dc: {  	v60 =	vmul.bf16 v60, v34;
	v58 =	vadd.f32 v39, v57;
	v55 =	vadd.f32 v38, v54;
	v38 =	vld [tilespmem:s26+$0xB420]  }
0x1dd: {  	v56 =	vunpack.i.u.bf16.f32 v53;
	v39 =	vunpack.i.l.bf16.f32 v53;
	v31 =	vmul.bf16 v42, v31;
	v42 =	vld [tilespmem:s26+$0x7440]  }
0x1de: {  	v53 =	vunpack.i.u.bf16.f32 v43;
	v43 =	vunpack.i.l.bf16.f32 v43;
	v29 =	vadd.f32 v63, v29;
	v63 =	vld [tilespmem:s26+$0xB400]  }
0x1df: {  	v51 =	vunpack.i.u.bf16.f32 v60;
	v28 =	vadd.f32 v28, v27;
	v54 =	vadd.f32 v43, v53;
	v43 =	vld [tilespmem:s26+$0xB480]  }
0x1e0: {  	v57 =	vunpack.i.u.bf16.f32 v36;
	v36 =	vunpack.i.l.bf16.f32 v36;
	v39 =	vadd.f32 v39, v56;
	v53 =	vld [tilespmem:s26+$0x74C0]  }
0x1e1: {  	v36 =	vadd.f32 v36, v57;
	v30 =	vadd.f32 v30, v33;
	v44 =	vmul.bf16 v44, v50;
	v50 =	vld [tilespmem:s26+$0x7450]  }
0x1e2: {  	v33 =	vadd.f32 v62, v61;
	v27 =	vadd.f32 v32, v29;
	v32 =	vld [tilespmem:s26+$0x7400];
	v29 =	vunpack.i.l.bf16.f32 v60  }
0x1e3: {  	v60 =	vunpack.i.u.bf16.f32 v35;
	v35 =	vunpack.i.l.bf16.f32 v35;
	v34 =	vmul.bf16 v52, v46;
	v46 =	vld [tilespmem:s26+$0x7470]  }
0x1e4: {  	v29 =	vadd.f32 v29, v51;
	v61 =	vunpack.i.u.bf16.f32 v44;
	v44 =	vunpack.i.l.bf16.f32 v44;
	v51 =	vld [tilespmem:s26+$0x7480]  }
0x1e5: {  	v30 =	vadd.f32 v58, v30;
	v58 =	vunpack.i.u.bf16.f32 v31;
	v62 =	vadd.f32 v44, v61;
	v44 =	vld [tilespmem:s26+$0xB470]  }
0x1e6: {  	v31 =	vunpack.i.l.bf16.f32 v31;
	v35 =	vadd.f32 v35, v60;
	v57 =	vmul.bf16 v38, v48;
	v38 =	vld [tilespmem:s26+$0x7490]  }
0x1e7: {  	v31 =	vadd.f32 v31, v58;
	v58 =	vmul.bf16 v59, v42;
	v59 =	vld [tilespmem:s26+$0xB490];
	v29 =	vadd.f32 v29, v33  }
0x1e8: {  	v42 =	vld [tilespmem:s26+$0x74A0];
	v56 =	vunpack.i.u.bf16.f32 v34;
	v34 =	vunpack.i.l.bf16.f32 v34;
	v30 =	vadd.f32 v39, v30  }
0x1e9: {  	v33 =	vld [tilespmem:s26+$0xB430];
	v31 =	vadd.f32 v35, v31;
	v34 =	vadd.f32 v34, v56;
	v41 =	vmul.bf16 v41, v50  }
0x1ea: {  	v48 =	vld [tilespmem:s26+$0xB530];
	v60 =	vunpack.i.u.bf16.f32 v57;
	v61 =	vunpack.i.u.bf16.f32 v58;
	v29 =	vadd.f32 v55, v29  }
0x1eb: {  	v32 =	vmul.bf16 v63, v32;
	v63 =	vld [tilespmem:s26+$0xB460];
	v31 =	vadd.f32 v62, v31;
	v62 =	vunpack.i.u.bf16.f32 v41  }
0x1ec: {  	v43 =	vmul.bf16 v43, v51;
	v29 =	vadd.f32 v36, v29;
	v36 =	vunpack.i.l.bf16.f32 v57;
	v57 =	vld [tilespmem:s26+$0x74D0]  }
0x1ed: {  	v55 =	vunpack.i.u.bf16.f32 v32;
	v32 =	vunpack.i.l.bf16.f32 v32;
	v42 =	vmul.bf16 v45, v42;
	v45 =	vld [tilespmem:s26+$0x7530]  }
0x1ee: {  	v56 =	vmul.bf16 v44, v46;
	v32 =	vadd.f32 v32, v55;
	v33 =	vmul.bf16 v33, v40;
	v40 =	vld [tilespmem:s26+$0xB4B0]  }
0x1ef: {  	v36 =	vadd.f32 v36, v60;
	v55 =	vld [tilespmem:s26+$0xB4C0];
	v60 =	vunpack.i.u.bf16.f32 v43;
	v43 =	vunpack.i.l.bf16.f32 v43  }
0x1f0: {  	v41 =	vunpack.i.l.bf16.f32 v41;
	v35 =	vmul.bf16 v59, v38;
	v46 =	vadd.f32 v43, v60;
	v43 =	vld [tilespmem:s26+$0x74F0]  }
0x1f1: {  	(xrf2) =	vadd.scan.msk.f32 $0xffff, v16;
	v31 =	vadd.f32 v54, v31;
	v59 =	vunpack.i.u.bf16.f32 v56;
	v16 =	vunpack.i.l.bf16.f32 v56;
	v56 =	vld [tilespmem:s26+$0xB500]  }
0x1f2: {  	v50 =	vunpack.i.u.bf16.f32 v42;
	v51 =	vunpack.i.l.bf16.f32 v42;
	v42 =	vld [tilespmem:s26+$0xB560];
	v32 =	vadd.f32 v34, v32  }
0x1f3: {  	v34 =	vunpack.i.l.bf16.f32 v58;
	v37 =	vmul.bf16 v63, v47;
	v47 =	vld [tilespmem:s26+$0x74B0];
	v63 =	vadd.f32 v41, v62  }
0x1f4: {  	(xrf2) =	vadd.scan.msk.f32 $0xffff, v18;
	v54 =	vunpack.i.u.bf16.f32 v33;
	v33 =	vunpack.i.l.bf16.f32 v33;
	v58 =	vld [tilespmem:s26+$0xB4D0];
	v62 =	vunpack.i.u.bf16.f32 v35  }
0x1f5: {  	v35 =	vunpack.i.l.bf16.f32 v35;
	v16 =	vadd.f32 v16, v59;
	v59 =	vld [tilespmem:s26+$0x7510];
	v34 =	vadd.f32 v34, v61  }
0x1f6: {  	(xrf2) =	vadd.scan.msk.f32 $0xffff, v17;
	v41 =	vld [tilespmem:s26+$0xB520];
	v33 =	vadd.f32 v33, v54;
	v35 =	vadd.f32 v35, v62  }
0x1f7: {  	(xrf2) =	vadd.scan.msk.f32 $0xffff, v21;
	v54 =	vld [tilespmem:s26+$0x7500];
	v32 =	vadd.f32 v36, v32;
	v52 =	vunpack.i.u.bf16.f32 v37;
	v37 =	vunpack.i.l.bf16.f32 v37  }
0x1f8: {  	(xrf2) =	vadd.scan.msk.f32 $0xffff, v20;
	v62 =	vld [tilespmem:s26+$0xB510];
	v34 =	vadd.f32 v63, v34;
	v36 =	vadd.f32 v37, v52  }
0x1f9: {  	(xrf2) =	vadd.scan.msk.f32 $0xffff, v19;
	v18 =	vadd.f32 v51, v50;
	v50 =	vld [tilespmem:s26+$0x7540];
	v17 =	vadd.f32 v35, v46;
	v53 =	vmul.bf16 v55, v53  }
0x1fa: {  	(xrf2) =	vadd.scan.msk.f32 $0xffff, v23;
	v61 =	vld [tilespmem:s26+$0x74E0];
	v23 =	vmul.bf16 v48, v45;
	v21 =	vadd.f32 v33, v32;
	v34 =	vadd.f32 v36, v34  }
0x1fb: {  	v63 =	vld [tilespmem:s26+$0xB4E0];
	v55 =	vmul.bf16 v58, v57;
	v17 =	vadd.f32 v18, v17;
	v57 =	vunpack.i.u.bf16.f32 v53  }
0x1fc: {  	(xrf2) =	vadd.scan.msk.f32 $0xffff, v22;
	v52 =	vld [tilespmem:s26+$0xB4F0];
	v58 =	vunpack.i.l.bf16.f32 v53;
	v38 =	vmul.bf16 v40, v47;
	v33, _, _ =	vpop (xrf2);
	v47 =	vmul.bf16 v56, v54  }
0x1fd: {  	(xrf2) =	vadd.scan.msk.f32 $0xffff, v26;
	v45 =	vld [tilespmem:s26+$0x7570];
	v18 =	vadd.f32 v58, v57;
	v49 =	vmul.bf16 v62, v59;
	v33 =	vbroadcast v33, $0xF  }
0x1fe: {  	(xrf2) =	vadd.scan.msk.f32 $0xffff, v25;
	v53 =	vld [tilespmem:s26+$0xB540];
	v25, _, _ =	vpop (xrf2);
	v16 =	vadd.f32 v16, v34;
	v60 =	vunpack.i.u.bf16.f32 v55;
	v32 =	vunpack.i.l.bf16.f32 v55  }
0x1ff: {  	v36 =	vld [tilespmem:s26+$0xB580];
	v46 =	vunpack.i.u.bf16.f32 v38;
	v22 =	vunpack.i.l.bf16.f32 v38;
	v25 =	vbroadcast v25, $0xF  }
0x200: {  	v56 =	vld [tilespmem:s26+$0x7550];
	v61 =	vmul.bf16 v63, v61;
	v19 =	vadd.f32 v32, v60;
	v22 =	vadd.f32 v22, v46  }
0x201: {  	(xrf2) =	vadd.scan.msk.f32 $0xffff, v24;
	v59 =	vld [tilespmem:s26+$0xB550];
	v51 =	vmul.bf16 v52, v43;
	v52 =	vunpack.i.u.bf16.f32 v47;
	v26 =	vunpack.i.l.bf16.f32 v47  }
0x202: {  	(xrf2) =	vadd.scan.msk.f32 $0xffff, v28;
	v62 =	vld [tilespmem:s26+$0x7560];
	v55 =	vunpack.i.u.bf16.f32 v49;
	v33 =	vmul.f32 v0, v33;
	v26 =	vadd.f32 v26, v52  }
0x203: {  	v54, _, _ =	vpop (xrf2);
	(xrf2) =	vadd.scan.msk.f32 $0xffff, v27;
	v27 =	vld [tilespmem:s26+$0x7580];
	v25 =	vmul.f32 v1, v25;
	v39 =	vunpack.i.u.bf16.f32 v61;
	v40 =	vunpack.i.l.bf16.f32 v61  }
0x204: {  	v63 =	vld [tilespmem:s26+$0x7520];
	v18 =	vadd.f32 v19, v18;
	v19 =	vunpack.i.l.bf16.f32 v49;
	v58 =	vunpack.i.u.bf16.f32 v51  }
0x205: {  	v47 =	vld [tilespmem:s26+$0xB570];
	v28 =	vunpack.i.l.bf16.f32 v51;
	v24 =	vmul.bf16 v53, v50;
	v33 =	vadd.f32 $0.0e+00, v33  }
0x206: {  	v57, _, _ =	vpop (xrf2);
	v32 =	vld [tilespmem:s26+$0x7590];
	v53 =	vbroadcast v54, $0xF;
	v44 =	vadd.f32 v40, v39;
	v19 =	vadd.f32 v19, v55  }
0x207: {  	(xrf2) =	vadd.scan.msk.f32 $0xffff, v30;
	v30 =	vld [tilespmem:s26+$0x75A0];
	v60, _, _ =	vpop (xrf2);
	v43 =	vadd.f32 v28, v58;
	v48 =	vmul.bf16 v59, v56;
	v56 =	vbroadcast v57, $0xF  }
0x208: {  	v40 =	vld [tilespmem:s26+$0xB590];
	v34 =	vbroadcast v60, $0xF;
	v50 =	vunpack.i.u.bf16.f32 v24;
	v24 =	vunpack.i.l.bf16.f32 v24  }
0x209: {  	v39 =	vld [tilespmem:s26+$0xB5F0];
	v25 =	vadd.f32 v25, v33;
	v55 =	vmul.f32 v2, v53;
	v27 =	vmul.bf16 v36, v27  }
0x20a: {  	v33 =	vld [tilespmem:s26+$0x7610];
	v18 =	vadd.f32 v44, v18;
	v20 =	vmul.bf16 v41, v63;
	v19 =	vadd.f32 v19, v26  }
0x20b: {  	v36 =	vld [tilespmem:s26+$0xB620];
	v44 =	vunpack.i.u.bf16.f32 v23;
	v23 =	vunpack.i.l.bf16.f32 v23;
	v26 =	vmul.bf16 v42, v62  }
0x20c: {  	v24 =	vadd.f32 v24, v50;
	v28 =	vmul.bf16 v47, v45;
	v41 =	vld [tilespmem:s26+$0xB5A0];
	v58 =	vmul.f32 v3, v56  }
0x20d: {  	(xrf2) =	vadd.scan.msk.f32 $0xffff, v29;
	v63, _, _ =	vpop (xrf2);
	v42 =	vld [tilespmem:s26+$0x75B0];
	v60 =	vmul.f32 v4, v34;
	v46 =	vadd.f32 v23, v44;
	v25 =	vadd.f32 v55, v25  }
0x20e: {  	(xrf2) =	vadd.scan.msk.f32 $0xffff, v31;
	v45 =	vld [tilespmem:s26+$0x75E0];
	v29, _, _ =	vpop (xrf2);
	v56 =	vunpack.i.u.bf16.f32 v27;
	v61 =	vunpack.i.u.bf16.f32 v20;
	v20 =	vunpack.i.l.bf16.f32 v20  }
0x20f: {  	v47 =	vld [tilespmem:s26+$0x75F0];
	(xrf2) =	vadd.scan.msk.f32 $0xffff, v21;
	v31, _, _ =	vpop (xrf2);
	v51 =	vunpack.i.u.bf16.f32 v28;
	v28 =	vunpack.i.l.bf16.f32 v28;
	v20 =	vadd.f32 v20, v61  }
0x210: {  	v27 =	vunpack.i.l.bf16.f32 v27;
	v23, _, _ =	vpop (xrf2);
	(xrf2) =	vadd.scan.msk.f32 $0xffff, v16;
	v16 =	vadd.f32 v22, v17;
	v52 =	vadd.f32 v28, v51;
	v28 =	vld [tilespmem:s26+$0xB5B0]  }
0x211: {  	v44 =	vld [tilespmem:s26+$0x75D0];
	v29 =	vbroadcast v29, $0xF;
	v17 =	vadd.f32 v43, v18;
	v19 =	vadd.f32 v20, v19  }
0x212: {  	v18 =	vunpack.i.l.bf16.f32 v48;
	v43 =	vld [tilespmem:s26+$0x75C0];
	v25 =	vadd.f32 v58, v25;
	v22, _, _ =	vpop (xrf2);
	(xrf2) =	vadd.scan.msk.f32 $0xffff, v16;
	v16 =	vunpack.i.u.bf16.f32 v48  }
0x213: {  	v61 =	vbroadcast v63, $0xF;
	v32 =	vmul.bf16 v40, v32;
	v40 =	vld [tilespmem:s26+$0x7640];
	v21, _, _ =	vpop (xrf2);
	v16 =	vadd.f32 v18, v16  }
0x214: {  	v51 =	vld [tilespmem:s26+$0xB660];
	(xrf2) =	vadd.scan.msk.f32 $0xffff, v17;
	v17 =	vunpack.i.u.bf16.f32 v26;
	v26 =	vunpack.i.l.bf16.f32 v26;
	v49 =	vadd.f32 v46, v19;
	v20, _, _ =	vpop (xrf2)  }
0x215: {  	v26 =	vadd.f32 v26, v17;
	v24 =	vadd.f32 v16, v24;
	v28 =	vmul.bf16 v28, v42;
	v42 =	vld [tilespmem:s26+$0xB640];
	v19, _, _ =	vpop (xrf2)  }
0x216: {  	v27 =	vadd.f32 v27, v56;
	v31 =	vbroadcast v31, $0xF;
	v48 =	vld [tilespmem:s26+$0x7600];
	v30 =	vmul.bf16 v41, v30;
	v18, _, _ =	vpop (xrf2)  }
0x217: {  	v29 =	vmul.f32 v6, v29;
	v25 =	vadd.f32 v60, v25;
	v24 =	vadd.f32 v26, v24;
	v26 =	vld [tilespmem:s26+$0xB5C0];
	v17, _, _ =	vpop (xrf2)  }
0x218: {  	v31 =	vmul.f32 v7, v31;
	v41 =	vld [tilespmem:s26+$0xB630];
	v39 =	vmul.bf16 v39, v47;
	v58 =	vunpack.i.u.bf16.f32 v30;
	v16, _, _ =	vpop (xrf2)  }
0x219: {  	v47 =	vld [tilespmem:s26+$0x7730];
	v30 =	vunpack.i.l.bf16.f32 v30;
	(xrf2) =	vadd.scan.msk.f32 $0xffff, v49;
	v24 =	vadd.f32 v52, v24;
	v52 =	vmul.f32 v5, v61;
	v54, _, _ =	vpop (xrf2)  }
0x21a: {  	v46 =	vld [tilespmem:s26+$0xB5E0];
	v30 =	vadd.f32 v30, v58;
	v58 =	vunpack.i.l.bf16.f32 v39;
	v40 =	vmul.bf16 v42, v40;
	v57, _, _ =	vpop (xrf2)  }
0x21b: {  	v49 =	vld [tilespmem:s26+$0x7630];
	v37 =	vbroadcast v54, $0xF;
	v25 =	vadd.f32 v52, v25;
	v38 =	vbroadcast v57, $0xF  }
0x21c: {  	v42 =	vld [tilespmem:s26+$0x7700];
	v59, _, _ =	vpop (xrf2);
	v57 =	vunpack.i.u.bf16.f32 v32;
	v32 =	vunpack.i.l.bf16.f32 v32;
	v26 =	vmul.bf16 v26, v43  }
0x21d: {  	(xrf2) =	vadd.scan.msk.f32 $0xffff, v24;
	v24 =	vld [tilespmem:s26+$0xB5D0];
	v37 =	vmul.f32 v0, v37;
	v35 =	vbroadcast v59, $0xF;
	v25 =	vadd.f32 v29, v25  }
0x21e: {  	v52 =	vld [tilespmem:s26+$0x7670];
	v62, _, _ =	vpop (xrf2);
	v32 =	vadd.f32 v32, v57;
	v59 =	vunpack.i.u.bf16.f32 v28;
	v28 =	vunpack.i.l.bf16.f32 v28  }
0x21f: {  	v43 =	vld [tilespmem:s26+$0x7660];
	v57 =	vunpack.i.u.bf16.f32 v39;
	v38 =	vmul.f32 v1, v38;
	v63 =	vbroadcast v62, $0xF  }
0x220: {  	v29 =	vld [tilespmem:s26+$0x7620];
	v28 =	vadd.f32 v28, v59;
	v60 =	vunpack.i.u.bf16.f32 v26;
	v26 =	vunpack.i.l.bf16.f32 v26  }
0x221: {  	v62 =	vmul.bf16 v46, v45;
	v45 =	vld [tilespmem:s26+$0xB6A0];
	v59 =	vmul.bf16 v41, v49;
	v37 =	vadd.f32 $0.0e+00, v37  }
0x222: {  	v41 =	vld [tilespmem:s26+$0xB6B0];
	v35 =	vmul.f32 v2, v35;
	v27 =	vadd.f32 v32, v27;
	v54 =	vmul.f32 v3, v63  }
0x223: {  	v46 =	vld [tilespmem:s26+$0xB6C0];
	v53, _, _ =	vpop (xrf2);
	v24 =	vmul.bf16 v24, v44;
	v39 =	vunpack.i.l.bf16.f32 v59;
	v37 =	vadd.f32 v38, v37  }
0x224: {  	v32 =	vld [tilespmem:s26+$0x7650];
	v34 =	vbroadcast v53, $0xF;
	v27 =	vadd.f32 v30, v27;
	v30 =	vadd.f32 v26, v60  }
0x225: {  	v44 =	vld [tilespmem:s26+$0xB650];
	v53 =	vunpack.i.u.bf16.f32 v62;
	v43 =	vmul.bf16 v51, v43;
	v61 =	vunpack.i.u.bf16.f32 v24  }
0x226: {  	v38 =	vld [tilespmem:s26+$0xB600];
	v24 =	vunpack.i.l.bf16.f32 v24;
	v29 =	vmul.bf16 v36, v29;
	v35 =	vadd.f32 v35, v37  }
0x227: {  	v36 =	vld [tilespmem:s26+$0xB690];
	v34 =	vmul.f32 v4, v34;
	v50 =	vadd.f32 v24, v61;
	v24 =	vadd.f32 v31, v25  }
0x228: {  	v37 =	vld [tilespmem:s26+$0xB610];
	v26 =	vadd.f32 v28, v27;
	v31 =	vunpack.i.l.bf16.f32 v62;
	v61 =	vunpack.i.u.bf16.f32 v59  }
0x229: {  	v62 =	vunpack.i.u.bf16.f32 v40;
	v40 =	vunpack.i.l.bf16.f32 v40;
	v31 =	vadd.f32 v31, v53;
	v53 =	vld [tilespmem:s26+$0xB6D0]  }
0x22a: {  	v56 =	vunpack.i.u.bf16.f32 v29;
	v40 =	vadd.f32 v40, v62;
	v39 =	vadd.f32 v39, v61;
	v62 =	vld [tilespmem:s26+$0x7710]  }
0x22b: {  	v29 =	vunpack.i.l.bf16.f32 v29;
	v35 =	vadd.f32 v54, v35;
	v63 =	vadd.f32 v50, v30;
	v30 =	vld [tilespmem:s26+$0x7680]  }
0x22c: {  	v55, _, _ =	vpop (xrf2);
	v29 =	vadd.f32 v29, v56;
	v60 =	vmul.bf16 v44, v32;
	v32 =	vld [tilespmem:s26+$0x76C0];
	v50 =	vmul.bf16 v38, v48  }
0x22d: {  	v48 =	vld [tilespmem:s26+$0x76D0];
	v34 =	vadd.f32 v34, v35;
	v35 =	vbroadcast v55, $0xF;
	v27 =	vadd.f32 v31, v63  }
0x22e: {  	v31 =	vld [tilespmem:s26+$0x76B0];
	v33 =	vmul.bf16 v37, v33;
	v54 =	vunpack.i.u.bf16.f32 v50;
	v28 =	vunpack.i.l.bf16.f32 v50  }
0x22f: {  	v63 =	vunpack.i.u.bf16.f32 v60;
	v37 =	vld [tilespmem:s26+$0xB680];
	v35 =	vmul.f32 v5, v35;
	v28 =	vadd.f32 v28, v54  }
0x230: {  	v38 =	vld [tilespmem:s26+$0x7690];
	v54 =	vunpack.i.u.bf16.f32 v43;
	v43 =	vunpack.i.l.bf16.f32 v43;
	v55 =	vunpack.i.u.bf16.f32 v33  }
0x231: {  	v50 =	vld [tilespmem:s26+$0xB7A0];
	v33 =	vunpack.i.l.bf16.f32 v33;
	v56 =	vadd.f32 v43, v54;
	v32 =	vmul.bf16 v46, v32  }
0x232: {  	v54 =	vld [tilespmem:s26+$0xB720];
	v25 =	vadd.f32 v35, v34;
	v33 =	vadd.f32 v33, v55;
	v44 =	vmul.bf16 v53, v48  }
0x233: {  	v43 =	vld [tilespmem:s26+$0x7760];
	v53 =	vunpack.i.u.bf16.f32 v32;
	v32 =	vunpack.i.l.bf16.f32 v32;
	v31 =	vmul.bf16 v41, v31  }
0x234: {  	v34 =	vld [tilespmem:s26+$0xB670];
	v28 =	vadd.f32 v33, v28;
	v33 =	vadd.f32 v58, v57;
	v30 =	vmul.bf16 v37, v30  }
0x235: {  	v35 =	vld [tilespmem:s26+$0x76A0];
	v58 =	vmul.bf16 v36, v38;
	v48 =	vunpack.i.u.bf16.f32 v44;
	v44 =	vunpack.i.l.bf16.f32 v44  }
0x236: {  	v55 =	vld [tilespmem:s26+$0x76E0];
	v32 =	vadd.f32 v32, v53;
	v28 =	vadd.f32 v29, v28;
	v29 =	vunpack.i.l.bf16.f32 v60  }
0x237: {  	v57 =	vld [tilespmem:s26+$0xB6E0];
	v27 =	vadd.f32 v33, v27;
	v59 =	vunpack.i.u.bf16.f32 v30;
	v30 =	vunpack.i.l.bf16.f32 v30  }
0x238: {  	v36 =	vld [tilespmem:s26+$0x76F0];
	v60 =	vunpack.i.u.bf16.f32 v58;
	v33 =	vunpack.i.l.bf16.f32 v58;
	v29 =	vadd.f32 v29, v63  }
0x239: {  	v38 =	vld [tilespmem:s26+$0xB700];
	v34 =	vmul.bf16 v34, v52;
	v30 =	vadd.f32 v30, v59;
	v33 =	vadd.f32 v33, v60  }
0x23a: {  	v58 =	vld [tilespmem:s26+$0x7740];
	v59 =	vunpack.i.u.bf16.f32 v31;
	v31 =	vunpack.i.l.bf16.f32 v31;
	v28 =	vadd.f32 v39, v28  }
0x23b: {  	v35 =	vmul.bf16 v45, v35;
	v63 =	vld [tilespmem:s26+$0xB710];
	v31 =	vadd.f32 v31, v59;
	v29 =	vadd.f32 v29, v40  }
0x23c: {  	v52 =	vld [tilespmem:s26+$0x7720];
	v61 =	vunpack.i.u.bf16.f32 v34;
	v34 =	vunpack.i.l.bf16.f32 v34;
	v30 =	vadd.f32 v33, v30  }
0x23d: {  	v60 =	vld [tilespmem:s26+$0xB740];
	v51 =	vunpack.i.u.bf16.f32 v35;
	v35 =	vunpack.i.l.bf16.f32 v35;
	v37 =	vmul.bf16 v57, v55  }
0x23e: {  	v39 =	vld [tilespmem:s26+$0xB6F0];
	v55 =	vadd.f32 v44, v48;
	v38 =	vmul.bf16 v38, v42;
	v34 =	vadd.f32 v34, v61  }
0x23f: {  	v59 =	vld [tilespmem:s26+$0x7790];
	v35 =	vadd.f32 v35, v51;
	v29 =	vadd.f32 v56, v29;
	v57 =	vunpack.i.u.bf16.f32 v37  }
0x240: {  	v48 =	vld [tilespmem:s26+$0xB770];
	v37 =	vunpack.i.l.bf16.f32 v37;
	v32 =	vadd.f32 v55, v32;
	v42 =	vunpack.i.u.bf16.f32 v38  }
0x241: {  	v56 =	vld [tilespmem:s26+$0xB730];
	v38 =	vunpack.i.l.bf16.f32 v38;
	v30 =	vadd.f32 v35, v30;
	v35 =	vadd.f32 v37, v57  }
0x242: {  	v55 =	vld [tilespmem:s26+$0x7780];
	v33 =	vmul.bf16 v63, v62;
	v45 =	vmul.bf16 v54, v52;
	v38 =	vadd.f32 v38, v42  }
0x243: {  	v52 =	vld [tilespmem:s26+$0xB760];
	v58 =	vmul.bf16 v60, v58;
	v36 =	vmul.bf16 v39, v36;
	v29 =	vadd.f32 v34, v29  }
0x244: {  	v57 =	vld [tilespmem:s26+$0xB780];
	v32 =	vadd.f32 v35, v32;
	v63 =	vunpack.i.u.bf16.f32 v33;
	v33 =	vunpack.i.l.bf16.f32 v33  }
0x245: {  	v61 =	vld [tilespmem:s26+$0xB750];
	v53 =	vunpack.i.u.bf16.f32 v45;
	v45 =	vunpack.i.l.bf16.f32 v45;
	v30 =	vadd.f32 v31, v30  }
0x246: {  	v39 =	vld [tilespmem:s26+$0x7750];
	v62 =	vunpack.i.u.bf16.f32 v36;
	v36 =	vunpack.i.l.bf16.f32 v36;
	v33 =	vadd.f32 v33, v63  }
0x247: {  	v42 =	vld [tilespmem:s26+$0x7770];
	v54 =	vadd.f32 v45, v53;
	v36 =	vadd.f32 v36, v62;
	v56 =	vmul.bf16 v56, v47  }
0x248: {  	(xrf2) =	vadd.scan.msk.f32 $0xffff, v26;
	v63 =	vld [tilespmem:s26+$0x77A0];
	v62 =	vunpack.i.u.bf16.f32 v58;
	v33 =	vadd.f32 v33, v38;
	v43 =	vmul.bf16 v52, v43  }
0x249: {  	v38 =	vld [tilespmem:s26+$0x77B0];
	v34 =	vmul.bf16 v57, v55;
	v32 =	vadd.f32 v36, v32;
	v60 =	vunpack.i.u.bf16.f32 v56  }
0x24a: {  	v52 =	vld [tilespmem:s26+$0x77C0];
	v31 =	vunpack.i.l.bf16.f32 v56;
	v36 =	vunpack.i.l.bf16.f32 v58;
	v33 =	vadd.f32 v54, v33  }
0x24b: {  	v35 =	vmul.bf16 v61, v39;
	v61 =	vld [tilespmem:s26+$0xB790];
	v31 =	vadd.f32 v31, v60;
	v36 =	vadd.f32 v36, v62  }
0x24c: {  	v56 =	vld [tilespmem:s26+$0x77D0];
	v51 =	vunpack.i.u.bf16.f32 v43;
	v43 =	vunpack.i.l.bf16.f32 v43;
	v55 =	vunpack.i.u.bf16.f32 v34  }
0x24d: {  	v58 =	vld [tilespmem:s26+$0xB7D0];
	v34 =	vunpack.i.l.bf16.f32 v34;
	v49 =	vunpack.i.u.bf16.f32 v35;
	v35 =	vunpack.i.l.bf16.f32 v35  }
0x24e: {  	v54 =	vld [tilespmem:s26+$0xB7C0];
	v53 =	vadd.f32 v43, v51;
	v41 =	vmul.bf16 v50, v63;
	v35 =	vadd.f32 v35, v49  }
0x24f: {  	v57 =	vmul.bf16 v48, v42;
	v60 =	vld [tilespmem:s26+$0xB7B0];
	v26 =	vadd.f32 v34, v55;
	v31 =	vadd.f32 v31, v33  }
0x250: {  	(xrf2) =	vadd.scan.msk.f32 $0xffff, v27;
	v62 =	vunpack.i.u.bf16.f32 v41;
	v41 =	vunpack.i.l.bf16.f32 v41;
	v35 =	vadd.f32 v35, v36  }
0x251: {  	(xrf2) =	vadd.scan.msk.f32 $0xffff, v28;
	v63 =	vld [tilespmem:s26+$0x77E0];
	v37 =	vmul.bf16 v61, v59;
	v61 =	vunpack.i.u.bf16.f32 v57;
	v36 =	vunpack.i.l.bf16.f32 v57  }
0x252: {  	(xrf2) =	vadd.scan.msk.f32 $0xffff, v29;
	v50 =	vld [tilespmem:s26+$0xB7E0];
	v48 =	vadd.f32 v41, v62;
	v34 =	vmul.bf16 v58, v56;
	v58, _, _ =	vpop (xrf2);
	v36 =	vadd.f32 v36, v61  }
0x253: {  	(xrf2) =	vadd.scan.msk.f32 $0xffff, v30;
	v49 =	vmul.bf16 v54, v52;
	v30 =	vbroadcast v58, $0xF;
	v35 =	vadd.f32 v53, v35  }
0x254: {  	v55 =	vld [tilespmem:s26+$0xB7F0];
	v59 =	vunpack.i.u.bf16.f32 v37;
	v37 =	vunpack.i.l.bf16.f32 v37;
	v53 =	vmul.bf16 v60, v38  }
0x255: {  	v52 =	vld [tilespmem:s26+$0x77F0];
	v56 =	vunpack.i.u.bf16.f32 v34;
	v34 =	vunpack.i.l.bf16.f32 v34;
	v27 =	vadd.f32 v37, v59  }
0x256: {  	v54 =	vunpack.i.u.bf16.f32 v49;
	v28 =	vunpack.i.l.bf16.f32 v49;
	v57 =	vadd.f32 v34, v56  }
0x257: {  	v59 =	vmul.bf16 v50, v63;
	v30 =	vmul.f32 v6, v30;
	v51 =	vadd.f32 v36, v35  }
0x258: {  	v28 =	vadd.f32 v28, v54;
	v60 =	vunpack.i.u.bf16.f32 v53;
	v26 =	vadd.f32 v27, v26  }
0x259: {  	(xrf2) =	vadd.scan.msk.f32 $0xffff, v32;
	v27 =	vunpack.i.l.bf16.f32 v53;
	v63 =	vunpack.i.u.bf16.f32 v59;
	v34 =	vunpack.i.l.bf16.f32 v59  }
0x25a: {  	v61, _, _ =	vpop (xrf2);
	v28 =	vadd.f32 v57, v28;
	v62 =	vmul.bf16 v55, v52;
	v36 =	vadd.f32 v34, v63  }
0x25b: {  	(xrf2) =	vadd.scan.msk.f32 $0xffff, v31;
	v29 =	vbroadcast v61, $0xF;
	v27 =	vadd.f32 v27, v60;
	v26 =	vadd.f32 v48, v26  }
0x25c: {  	v37 =	vunpack.i.u.bf16.f32 v62;
	v32 =	vunpack.i.l.bf16.f32 v62;
	v28 =	vadd.f32 v36, v28  }
0x25d: {  	v23 =	vbroadcast v23, $0xF;
	v38, _, _ =	vpop (xrf2);
	(xrf2) =	vadd.scan.msk.f32 $0xffff, v51;
	v26 =	vadd.f32 v27, v26;
	v27 =	vadd.f32 v32, v37  }
0x25e: {  	v25 =	vadd.f32 v30, v25;
	v39 =	vbroadcast v38, $0xF;
	v29 =	vmul.f32 v7, v29  }
0x25f: {  	v22 =	vbroadcast v22, $0xF;
	v23 =	vmul.f32 v8, v23;
	v40, _, _ =	vpop (xrf2);
	(xrf2) =	vadd.scan.msk.f32 $0xffff, v26;
	v41 =	vadd.f32 v27, v28  }
0x260: {  	v43 =	vbroadcast v40, $0xF;
	v42 =	vmul.f32 v8, v39;
	v25 =	vadd.f32 v29, v25  }
0x261: {  	v21 =	vbroadcast v21, $0xF;
	v22 =	vmul.f32 v9, v22;
	v23 =	vadd.f32 v23, v24;
	v44, _, _ =	vpop (xrf2);
	(xrf2) =	vadd.scan.msk.f32 $0xffff, v41  }
0x262: {  	v24 =	vbroadcast v44, $0xF;
	v45 =	vmul.f32 v9, v43;
	v25 =	vadd.f32 v42, v25  }
0x263: {  	v21 =	vmul.f32 v10, v21;
	v20 =	vbroadcast v20, $0xF;
	v22 =	vadd.f32 v22, v23;
	v46, _, _ =	vpop (xrf2)  }
0x264: {  	v24 =	vmul.f32 v10, v24;
	v48 =	vbroadcast v46, $0xF;
	v47 =	vadd.f32 v45, v25  }
0x265: {  	v20 =	vmul.f32 v11, v20;
	v19 =	vbroadcast v19, $0xF;
	v21 =	vadd.f32 v21, v22;
	v49, _, _ =	vpop (xrf2)  }
0x266: {  	v51 =	vmul.f32 v11, v48;
	v50 =	vadd.f32 v24, v47;
	v52 =	vbroadcast v49, $0xF  }
0x267: {  	v18 =	vbroadcast v18, $0xF;
	v19 =	vmul.f32 v12, v19;
	v20 =	vadd.f32 v20, v21;
	v53, _, _ =	vpop (xrf2)  }
0x268: {  	v54 =	vadd.f32 v51, v50;
	v55 =	vmul.f32 v12, v52;
	v56 =	vbroadcast v53, $0xF  }
0x269: {  	v17 =	vbroadcast v17, $0xF;
	v18 =	vmul.f32 v13, v18;
	v19 =	vadd.f32 v19, v20;
	v57, _, _ =	vpop (xrf2)  }
0x26a: {  	v58 =	vadd.f32 v55, v54;
	v59 =	vmul.f32 v13, v56;
	v60 =	vbroadcast v57, $0xF  }
0x26b: {  	v16 =	vbroadcast v16, $0xF;
	v17 =	vmul.f32 v14, v17;
	v18 =	vadd.f32 v18, v19;
	v61, _, _ =	vpop (xrf2)  }
0x26c: {  	v20 =	vadd.f32 v59, v58;
	v62 =	vmul.f32 v14, v60;
	v19 =	vbroadcast v61, $0xF  }
0x26d: {  	p0 =	slt.u32 s25, $0x6;
	v16 =	vmul.f32 v15, v16;
	v17 =	vadd.f32 v17, v18  }
.Ltmp1:
0x26e: {  	v63 =	vadd.f32 v62, v20;
	v19 =	vmul.f32 v15, v19;
	(pc) =	sbr.rel @p0 .LBB2_5-.Ltmp1, $4  }
0x26f: {  	s30 =	sshll.u32 s25, $0x4;
	v16 =	vadd.f32 v16, v17  }
0x270: {  	s28 =	sand.u32 $0x3FFFFFF0, s30;
	v17 =	vadd.f32 v19, v63  }
0x271: {  	s31 =	sadd.s32 $0x2, s25;
	[tilespmem:s28+$0xD000] =	vst v16  }
0x272: {  	s25 =	smov.u32 s31;
	[tilespmem:s30+$0xD010] =	vst v17  }
0x273: {  	s24 =	sadd.s32 s24, s8  }
0x274: {  	s24 =	sshrl.u32 s24, $0x3  }
0x275: {  	s22 =	sadd.s32 $0x1, s22;
	s24 =	sadd.s32 s5, s24  }
0x276: {  	[hbm4b:s24+s2] =	stream.linear.scatter [tilespmem:s19], [sflag:$0x3], $0x80, $0x38;
	[tilespmem:$0xD080] =	vst v63  }
0x277: {  	s23 =	smin.u32 s23, $0x4C;
	p0 =	sne.s32 s22, $0x28;
	_ =	swait.ge [sflag:s10], $0x80  }
.Ltmp2:
0x278: {  	s23 =	sshll.u32 s23, $0x7;
	[sflag:s10] =	ssyncset.done $0x0;
	(pc) =	sbr.rel @p0 .LBB2_2-.Ltmp2, $4  }
0x279: {  	s31 =	sadd.s32 $0x180, s23;
	[sflag:s10] =	ssyncadd.s32 $0xFFFFFF80  }
0x27a: {  	[tilespmem:s15], [sflag:$0x2] =	stream.indirect.gather [hbm4b:s4+s12], $0x40, s31, s12, $0xb8;
	[tilespmem:$0xD080] =	vst v63  }
0x27b: {  	s23 =	sadd.s32 $0x2980, s23  }
0x27c: {  	[tilespmem:s17], [sflag:$0x2] =	stream.indirect.gather [hbm4b:s4+s12], $0x40, s23, s12, $0xb8;
	[tilespmem:$0xD080] =	vst v63  }
0x27d: {  	_ =	swait.ge [sflag:s18], $0x2000  }
0x27e: {  	[sflag:s18] =	ssyncset.done $0x0  }
0x27f: {  	[sflag:s18] =	ssyncadd.s32 $0xFFFFE000  }
0x280: {  	_ =	swait.ge [sflag:s18], $0x2000  }
0x281: {  	[sflag:s18] =	ssyncset.done $0x0  }
0x282: {  	s21 =	sadd.s32 $0x1, s21;
	[sflag:s18] =	ssyncadd.s32 $0xFFFFE000  }
0x283: {  	p0 =	sne.s32 s21, s9;
	_ =	swait.ge [sflag:s20], $0x2000  }
.Ltmp3:
0x284: {  	[sflag:s20] =	ssyncset.done $0x0;
	(pc) =	sbr.rel @p0 .LBB2_1-.Ltmp3, $4  }
0x285: {  	[sflag:s20] =	ssyncadd.s32 $0xFFFFE000  }
0x286: {  	_ =	swait.ge [sflag:s20], $0x2000  }
0x287: {  	[sflag:s20] =	ssyncset.done $0x0  }
0x288: {  	[sflag:s20] =	ssyncadd.s32 $0xFFFFE000  }
0x289: {  	_ =	sfence.sel $0x180000  }
0x28a: {  	[bflag:$0x0] =	sbarrier.arrive $0xFFFF  }
0x28b: {  	p0 =	sne.s32 s0, $0x0;
	_ =	strace $0x9000004A  }
0x28c: {  	s0 =	sadd.s32 @!p0 $0x100000, s1;
	[bflag:$0x2] =	sbarrier.arrive $0xFFFF  }
0x28d: {  	[sflag:s0] =	ssyncadd.tile.s32 @!p0 $0x1;
	_ =	shalt  }
.Lfunc_end2:
_tile_overlayer_lowered:
.L_overlay_start_2:
0x28e: {  	(tag) =	ssettag $0x2  }
0x28f: {  	s0 =	rddreg [dreg:$0x0];
	s2 =	stileid.u32  }
0x290: {  	s1 =	rddreg [dreg:$0x1];
	p0 =	sne.s32 s2, $0x0  }
0x291: {  	s3 =	rddreg [dreg:$0x2];
	[bflag:$0x3] =	sbarrier.arrive $0xFFFF;
	s2 =	simm.s32 @!p0 $0x1C03  }
0x292: {  	[timem:s3], [sflag:s2] =	dma.local @!p0 [hbm:s0], s1  }
0x293: {  	s0 =	simm.s32 @!p0 $0x3  }
0x294: {  	_ =	swait.ge @!p0 [sflag:s0], s1  }
0x295: {  	s1 =	ssub.s32 @!p0 $0x0, s1;
	[sflag:s0] =	ssyncset.done @!p0 $0x0  }
0x296: {  	[sflag:s0] =	ssyncadd.s32 @!p0 s1  }
0x297: {  	[bflag:$0x3] =	sbarrier.arrive $0xFFFF  }
0x298: {  	_ =	shalt  }

</sc_bundles>
